<compile_context>
chip_gen: v7x
topology: tpu7x:2x2x1
jax: 0.10.2.dev20260603
libtpu: 0.0.44.dev20260713+nightly
codegen_flags: <defaults>
</compile_context>

<pallas_src>
import functools

import jax
import jax.numpy as jnp
from jax import lax
from jax.experimental import pallas as pl
from jax.experimental.pallas import tpu as pltpu
from jax.experimental.pallas import tpu_sc as plsc

N = 10000
E = 160000
D = 256
OUT = 256
T2 = 23.0 * 23.0

NC, NS, L = 2, 16, 16
NW = NC * NS
NP = 10240
DUM = 128
NR = NP + DUM
EP = 163840
EPW = EP // NW
CH = 128
HALF = OUT // 2


def _mesh():
    return plsc.VectorSubcoreMesh(
        core_axis_name="c", subcore_axis_name="s",
        num_cores=NC, num_subcores=NS)



CHA = 64
NCA = EPW // CHA
GPC = CHA // L


def _pass_a_body(x_hbm, src_hbm, dst_hbm, dstp_hbm, degp_hbm,
                 srcall, dstall, da, rs0, rd0, rs1, rd1, deg, dsc,
                 ss0, sd0, ss1, sd1):
    c = lax.axis_index("c")
    s = lax.axis_index("s")
    wid = s * NC + c
    base = wid * EPW

    zer = jnp.zeros((L,), jnp.float32)
    ones = jnp.ones((L,), jnp.float32)
    iota = lax.iota(jnp.int32, L)

    def zero_body(i, carry):
        deg[pl.ds(i * L, L)] = zer
        return carry
    lax.fori_loop(0, NR // L, zero_body, 0)

    pltpu.sync_copy(src_hbm.at[pl.ds(base, EPW)], srcall)
    pltpu.sync_copy(dst_hbm.at[pl.ds(base, EPW)], dstall)

    def start(k, rs, rd, sems, semd):
        pltpu.async_copy(x_hbm.at[srcall.at[pl.ds(k * CHA, CHA)]],
                         rs, sems)
        pltpu.async_copy(x_hbm.at[dstall.at[pl.ds(k * CHA, CHA)]],
                         rd, semd)

    def wait(rs, rd, sems, semd):
        pltpu.make_async_copy(x_hbm.at[pl.ds(0, CHA)], rs, sems).wait()
        pltpu.make_async_copy(x_hbm.at[pl.ds(0, CHA)], rd, semd).wait()

    def compute(rs, rd, k):
        def group_body(g, carry):
            eb = g * L
            et = k * CHA + eb

            def edge_body(i, carry2):
                acc = zer
                for j in range(D // L):
                    vs = rs[eb + i, pl.ds(j * L, L)]
                    vd = rd[eb + i, pl.ds(j * L, L)]
                    df = vs - vd
                    acc = acc + df * df
                dsc[pl.ds(i * L, L)] = acc
                return carry2
            lax.fori_loop(0, L, edge_body, 0)
            dvec = zer
            for j in range(L):
                dvec = dvec + plsc.load_gather(dsc, [iota * L + j])
            dstv = dstall[pl.ds(et, L)]
            eid = base + et + iota
            keep = (dvec < T2) & (eid < E)
            dstp = jnp.where(keep, dstv,
                             NP + jnp.bitwise_and(eid, DUM - 1))
            plsc.addupdate_scatter(deg, [dstp], ones)
            row = jnp.right_shift(et, 7)
            col = jnp.bitwise_and(et, CH - 1)
            da[row, 0, pl.ds(col, L)] = dstp
            return carry
        lax.fori_loop(0, GPC, group_body, 0)

    start(0, rs0, rd0, ss0, sd0)

    def pair_body(i, carry):
        k = 2 * i
        wait(rs0, rd0, ss0, sd0)
        start(k + 1, rs1, rd1, ss1, sd1)
        compute(rs0, rd0, k)
        wait(rs1, rd1, ss1, sd1)
        start(k + 2, rs0, rd0, ss0, sd0)
        compute(rs1, rd1, k + 1)
        return carry
    lax.fori_loop(0, NCA // 2 - 1, pair_body, 0)
    wait(rs0, rd0, ss0, sd0)
    start(NCA - 1, rs1, rd1, ss1, sd1)
    compute(rs0, rd0, NCA - 2)
    wait(rs1, rd1, ss1, sd1)
    compute(rs1, rd1, NCA - 1)

    pltpu.sync_copy(da, dstp_hbm.at[pl.ds(wid * (EPW // CH), EPW // CH)])
    pltpu.sync_copy(deg, degp_hbm.at[wid])


def _pass_a(xp, srcp, dstf):
    kfn = pl.kernel(
        _pass_a_body,
        compiler_params=pltpu.CompilerParams(needs_layout_passes=False),
        out_type=(jax.ShapeDtypeStruct((EP // CH, 1, CH), jnp.int32),
                  jax.ShapeDtypeStruct((NW, NR), jnp.float32)),
        mesh=_mesh(),
        scratch_types=[
            pltpu.VMEM((EPW,), jnp.int32),
            pltpu.VMEM((EPW,), jnp.int32),
            pltpu.VMEM((EPW // CH, 1, CH), jnp.int32),
            pltpu.VMEM((CHA, D), jnp.float32),
            pltpu.VMEM((CHA, D), jnp.float32),
            pltpu.VMEM((CHA, D), jnp.float32),
            pltpu.VMEM((CHA, D), jnp.float32),
            pltpu.VMEM((NR,), jnp.float32),
            pltpu.VMEM((L * L,), jnp.float32),
            pltpu.SemaphoreType.DMA,
            pltpu.SemaphoreType.DMA,
            pltpu.SemaphoreType.DMA,
            pltpu.SemaphoreType.DMA,
        ],
    )
    return kfn(xp, srcp, dstf)



ZRB = 24
ZR = NR // NS
EPT = EP // NS
CHB = 128
NCHUNK_B = EPT // CHB
HB = NCHUNK_B // 2


def _pass_b_body(y_hbm, src2_hbm, dstp_hbm, s_hbm,
                 sball, dball, rb0, rb1, zbuf, s_sp, g0, g1, c0, c1):
    c = lax.axis_index("c")
    s = lax.axis_index("s")

    zer = jnp.zeros((L,), jnp.float32)

    def zrow_body(i, carry):
        for j in range(HALF // L):
            zbuf[i, pl.ds(j * L, L)] = zer
        return carry
    lax.fori_loop(0, ZRB, zrow_body, 0)

    def zcp_body(i, carry):
        pltpu.sync_copy(zbuf, s_sp.at[pl.ds(s * ZR + i * ZRB, ZRB)])
        return carry
    lax.fori_loop(0, ZR // ZRB, zcp_body, 0)
    plsc.subcore_barrier()

    def gather(k, rb, sem):
        pltpu.async_copy(y_hbm.at[sball.at[k, 0]], rb, sem)

    def wait(rb, sem):
        pltpu.make_async_copy(y_hbm.at[pl.ds(0, CHB)], rb, sem).wait()

    def scat(k, rb, sem):
        pltpu.async_copy(rb, s_sp.at[dball.at[k, 0]], sem, add=True)

    def sdrain(rb, sem):
        pltpu.make_async_copy(rb, s_sp.at[dball.at[0, 0]], sem).wait()

    srow = (c * EP + s * EPT) // CHB
    drow = s * NCHUNK_B
    for h in range(2):
        pltpu.sync_copy(src2_hbm.at[pl.ds(srow + h * HB, HB)], sball)
        pltpu.sync_copy(dstp_hbm.at[pl.ds(drow + h * HB, HB)], dball)
        gather(0, rb0, g0)
        wait(rb0, g0)
        gather(1, rb1, g1)
        scat(0, rb0, c0)

        def pair_body(i, carry):
            k = 2 * i
            wait(rb1, g1)
            sdrain(rb0, c0)
            gather(k + 2, rb0, g0)
            scat(k + 1, rb1, c1)
            wait(rb0, g0)
            sdrain(rb1, c1)
            gather(k + 3, rb1, g1)
            scat(k + 2, rb0, c0)
            return carry
        lax.fori_loop(0, HB // 2 - 2, pair_body, 0)
        wait(rb1, g1)
        sdrain(rb0, c0)
        gather(HB - 2, rb0, g0)
        scat(HB - 3, rb1, c1)
        wait(rb0, g0)
        sdrain(rb1, c1)
        gather(HB - 1, rb1, g1)
        scat(HB - 2, rb0, c0)
        wait(rb1, g1)
        sdrain(rb0, c0)
        scat(HB - 1, rb1, c1)
        sdrain(rb1, c1)

    plsc.subcore_barrier()
    st = s * (NP // NS)
    pltpu.sync_copy(s_sp.at[pl.ds(st, NP // NS)],
                    s_hbm.at[c].at[pl.ds(st, NP // NS)])


def _pass_b(yflat, srcp2, dstp):
    kfn = pl.kernel(
        _pass_b_body,
        compiler_params=pltpu.CompilerParams(needs_layout_passes=False),
        out_type=jax.ShapeDtypeStruct((NC, NP, HALF), jnp.float32),
        mesh=_mesh(),
        scratch_types=[
            pltpu.VMEM((HB, 1, CHB), jnp.int32),
            pltpu.VMEM((HB, 1, CHB), jnp.int32),
            pltpu.VMEM((CHB, HALF), jnp.float32),
            pltpu.VMEM((CHB, HALF), jnp.float32),
            pltpu.VMEM((ZRB, HALF), jnp.float32),
            pltpu.VMEM_SHARED((NR, HALF), jnp.float32),
            pltpu.SemaphoreType.DMA,
            pltpu.SemaphoreType.DMA,
            pltpu.SemaphoreType.DMA,
            pltpu.SemaphoreType.DMA,
        ],
    )
    return kfn(yflat, srcp2, dstp)



BM = 1024


def _scale_body(x_ref, w_ref, degp_ref, y2_ref):
    h = jnp.dot(x_ref[...], w_ref[...],
                preferred_element_type=jnp.float32)
    deg = 1.0 + jnp.sum(degp_ref[...], axis=0)
    dinv = lax.rsqrt(deg)
    y = h * dinv[:, None]
    y2_ref[0] = y[:, :HALF]
    y2_ref[1] = y[:, HALF:]


def _scale(xp, W, degp):
    return pl.pallas_call(
        _scale_body,
        grid=(NP // BM,),
        in_specs=[pl.BlockSpec((BM, D), lambda i: (i, 0)),
                  pl.BlockSpec((D, OUT), lambda i: (0, 0)),
                  pl.BlockSpec((NW, BM), lambda i: (0, i))],
        out_specs=pl.BlockSpec((NC, BM, HALF), lambda i: (0, i, 0)),
        out_shape=jax.ShapeDtypeStruct((NC, NP, HALF), jnp.float32),
    )(xp, W, degp)


BM3 = 1024


def _final_body(s_ref, y2_ref, degp_ref, b_ref, o_ref):
    deg = 1.0 + jnp.sum(degp_ref[...], axis=0)
    dinv = lax.rsqrt(deg)
    t = jnp.concatenate([s_ref[0] + y2_ref[0], s_ref[1] + y2_ref[1]],
                        axis=1)
    t = t * dinv[:, None] + b_ref[...]
    m = jnp.max(t, axis=1, keepdims=True)
    ex = jnp.exp(t - m)
    lse = jnp.log(jnp.sum(ex, axis=1, keepdims=True)) + m
    o_ref[...] = t - lse


def _final(S2, y2, degp, b2):
    return pl.pallas_call(
        _final_body,
        grid=(pl.cdiv(N, BM3),),
        in_specs=[pl.BlockSpec((NC, BM3, HALF), lambda i: (0, i, 0)),
                  pl.BlockSpec((NC, BM3, HALF), lambda i: (0, i, 0)),
                  pl.BlockSpec((NW, BM3), lambda i: (0, i)),
                  pl.BlockSpec((1, OUT), lambda i: (0, 0))],
        out_specs=pl.BlockSpec((BM3, OUT), lambda i: (i, 0)),
        out_shape=jax.ShapeDtypeStruct((N, OUT), jnp.float32),
    )(S2, y2, degp, b2)



def kernel(x, edge_index, W, b):
    xp = jnp.zeros((NP, D), jnp.float32).at[:N].set(x)
    src = edge_index[0]
    dst = edge_index[1]
    pad = (jnp.arange(E, EP, dtype=jnp.int32) % N)
    srcp = jnp.concatenate([src, pad])
    dstf = jnp.concatenate([dst, pad])
    srcp2 = jnp.concatenate([srcp, srcp + NP]).reshape(
        2 * EP // CHB, 1, CHB)
    b2 = b.reshape(1, OUT)

    dstp, degp = _pass_a(xp, srcp, dstf)
    y2 = _scale(xp, W, degp)
    yflat = y2.reshape(NC * NP, HALF)
    S2 = _pass_b(yflat, srcp2, dstp)
    return _final(S2, y2, degp, b2)

# --- scband reference (transcript-rebuilt; emitter-appended) ---
"""Pipeline reference for scband-sampled-gcn-5755256177392 (READ-ONLY COPY).

The authoritative reference and input builder live on the scoring server;
editing this copy changes nothing except your own understanding.
"""

import jax, jax.numpy as jnp
import numpy as np

N = 10000
E = 160000
D = 256
OUT = 256
THRESHOLD = 23.0

def setup_inputs(seed: int = 0):
    key = jax.random.key(seed)
    k1, k2, k3 = jax.random.split(key, 3)
    x = jax.random.normal(k1, (N, D), dtype=jnp.float32)
    edge_index = jax.random.randint(k2, (2, E), 0, N, dtype=jnp.int32)
    W = jax.random.normal(k3, (D, OUT), dtype=jnp.float32) * (1.0 / np.sqrt(D))
    b = jnp.zeros((OUT,), dtype=jnp.float32)
    return {"x": x, "edge_index": edge_index, "W": W, "b": b}

def reference(x, edge_index, W, b):
    # filter_edges_by_similarity: euclidean distance between endpoint features.
    # Implemented as 0/1 edge weights (mathematically identical to dropping edges:
    # zero-weight edges contribute nothing to degree or aggregation).
    src = edge_index[0]
    dst = edge_index[1]
    diff = x[src] - x[dst]
    dist = jnp.sqrt(jnp.sum(diff * diff, axis=1))
    ew = (dist < THRESHOLD).astype(x.dtype)
    n = x.shape[0]
    loops = jnp.arange(n, dtype=src.dtype)
    # add_self_loops (explicit in forward). GCNConv's gcn_norm uses
    # add_remaining_self_loops, which adds nothing since every node already has one.
    row = jnp.concatenate([src, loops])
    col = jnp.concatenate([dst, loops])
    w_all = jnp.concatenate([ew, jnp.ones((n,), x.dtype)])
    # GCN symmetric normalization: deg computed at col (dst)
    deg = jnp.zeros((n,), x.dtype).at[col].add(w_all)
    dinv = jnp.where(deg > 0, jax.lax.rsqrt(deg), jnp.zeros_like(deg))
    norm = dinv[row] * w_all * dinv[col]
    h = x @ W
    out = jnp.zeros((n, W.shape[1]), x.dtype).at[col].add(h[row] * norm[:, None])
    out = out + b
    return jax.nn.log_softmax(out, axis=1)

if False:  # reference __main__ guard neutralized (emitter)
    inp = setup_inputs()
    o = reference(**inp)
    print(o.shape, o.dtype)

if __name__ == "__main__":
    import jax
    _d = setup_inputs()
    print(jax.jit(kernel)(*tuple(_d.values())))

</pallas_src>

<mosaic_0001>
#map = affine_map<(d0, d1) -> (0, 0)>
#map1 = affine_map<(d0, d1) -> (0, 0, 0)>
module attributes {stable_mosaic.version = 14 : i64} {
  func.func @_pass_b_body(%arg0: i32, %arg1: i32, %arg2: memref<20480x128xf32, #tpu.memory_space<hbm>>, %arg3: memref<2560x1x128xi32, #tpu.memory_space<hbm>>, %arg4: memref<1280x1x128xi32, #tpu.memory_space<hbm>>, %arg5: memref<2x10240x128xf32, #tpu.memory_space<hbm>>, %arg6: memref<40x1x128xi32, #tpu.memory_space<vmem>>, %arg7: memref<40x1x128xi32, #tpu.memory_space<vmem>>, %arg8: memref<128x128xf32, #tpu.memory_space<vmem>>, %arg9: memref<128x128xf32, #tpu.memory_space<vmem>>, %arg10: memref<24x128xf32, #tpu.memory_space<vmem>>, %arg11: memref<10368x128xf32, #tpu.memory_space<vmem_shared>>, %arg12: memref<!tpu.dma_semaphore, #tpu.memory_space<semaphore_mem>>, %arg13: memref<!tpu.dma_semaphore, #tpu.memory_space<semaphore_mem>>, %arg14: memref<!tpu.dma_semaphore, #tpu.memory_space<semaphore_mem>>, %arg15: memref<!tpu.dma_semaphore, #tpu.memory_space<semaphore_mem>>) attributes {dimension_semantics = [#tpu.dimension_semantics<core_parallel>, #tpu.dimension_semantics<subcore_parallel>], iteration_bounds = array<i64: 2, 16>, scalar_prefetch = 0 : i64, scratch_operands = 10 : i64, tpu.core_type = #tpu.core_type<sc_vector_subcore>, window_params = [{transform_indices = #map}, {transform_indices = #map1}, {transform_indices = #map1}, {transform_indices = #map1}]} {
    %broadcast_in_dim3A = arith.constant 0.000000e+00 : f32
    %broadcast_in_dim3A_0 = vector.broadcast %broadcast_in_dim3A : f32 to vector<16xf32>
    %scan3A = arith.constant 0 : i32
    %scan3A_1 = arith.constant 0 : i32
    %scan3A_2 = arith.constant 24 : i32
    %scan3A_3 = arith.addi %scan3A_1, %scan3A_2 : i32
    %scan3A_4 = arith.constant 1 : i32
    scf.for %scan3A_294 = %scan3A_1 to %scan3A_3 step %scan3A_4  : i32 {
      %swap3A = arith.index_cast %scan3A_294 : i32 to index
      %swap3A_295 = arith.constant 0 : index
      %swap3A_296 = tpu.vector_load %arg10[%swap3A, %swap3A_295] {strides = array<i32>} : memref<24x128xf32, #tpu.memory_space<vmem>>, vector<16xf32>,
      tpu.vector_store %arg10[%swap3A, %swap3A_295], %broadcast_in_dim3A_0 {strides = array<i32>} : memref<24x128xf32, #tpu.memory_space<vmem>>, vector<16xf32>,
      %swap3A_297 = arith.index_cast %scan3A_294 : i32 to index
      %swap3A_298 = arith.constant 16 : index
      %swap3A_299 = tpu.vector_load %arg10[%swap3A_297, %swap3A_298] {strides = array<i32>} : memref<24x128xf32, #tpu.memory_space<vmem>>, vector<16xf32>,
      tpu.vector_store %arg10[%swap3A_297, %swap3A_298], %broadcast_in_dim3A_0 {strides = array<i32>} : memref<24x128xf32, #tpu.memory_space<vmem>>, vector<16xf32>,
      %swap3A_300 = arith.index_cast %scan3A_294 : i32 to index
      %swap3A_301 = arith.constant 32 : index
      %swap3A_302 = tpu.vector_load %arg10[%swap3A_300, %swap3A_301] {strides = array<i32>} : memref<24x128xf32, #tpu.memory_space<vmem>>, vector<16xf32>,
      tpu.vector_store %arg10[%swap3A_300, %swap3A_301], %broadcast_in_dim3A_0 {strides = array<i32>} : memref<24x128xf32, #tpu.memory_space<vmem>>, vector<16xf32>,
      %swap3A_303 = arith.index_cast %scan3A_294 : i32 to index
      %swap3A_304 = arith.constant 48 : index
      %swap3A_305 = tpu.vector_load %arg10[%swap3A_303, %swap3A_304] {strides = array<i32>} : memref<24x128xf32, #tpu.memory_space<vmem>>, vector<16xf32>,
      tpu.vector_store %arg10[%swap3A_303, %swap3A_304], %broadcast_in_dim3A_0 {strides = array<i32>} : memref<24x128xf32, #tpu.memory_space<vmem>>, vector<16xf32>,
      %swap3A_306 = arith.index_cast %scan3A_294 : i32 to index
      %swap3A_307 = arith.constant 64 : index
      %swap3A_308 = tpu.vector_load %arg10[%swap3A_306, %swap3A_307] {strides = array<i32>} : memref<24x128xf32, #tpu.memory_space<vmem>>, vector<16xf32>,
      tpu.vector_store %arg10[%swap3A_306, %swap3A_307], %broadcast_in_dim3A_0 {strides = array<i32>} : memref<24x128xf32, #tpu.memory_space<vmem>>, vector<16xf32>,
      %swap3A_309 = arith.index_cast %scan3A_294 : i32 to index
      %swap3A_310 = arith.constant 80 : index
      %swap3A_311 = tpu.vector_load %arg10[%swap3A_309, %swap3A_310] {strides = array<i32>} : memref<24x128xf32, #tpu.memory_space<vmem>>, vector<16xf32>,
      tpu.vector_store %arg10[%swap3A_309, %swap3A_310], %broadcast_in_dim3A_0 {strides = array<i32>} : memref<24x128xf32, #tpu.memory_space<vmem>>, vector<16xf32>,
      %swap3A_312 = arith.index_cast %scan3A_294 : i32 to index
      %swap3A_313 = arith.constant 96 : index
      %swap3A_314 = tpu.vector_load %arg10[%swap3A_312, %swap3A_313] {strides = array<i32>} : memref<24x128xf32, #tpu.memory_space<vmem>>, vector<16xf32>,
      tpu.vector_store %arg10[%swap3A_312, %swap3A_313], %broadcast_in_dim3A_0 {strides = array<i32>} : memref<24x128xf32, #tpu.memory_space<vmem>>, vector<16xf32>,
      %swap3A_315 = arith.index_cast %scan3A_294 : i32 to index
      %swap3A_316 = arith.constant 112 : index
      %swap3A_317 = tpu.vector_load %arg10[%swap3A_315, %swap3A_316] {strides = array<i32>} : memref<24x128xf32, #tpu.memory_space<vmem>>, vector<16xf32>,
      tpu.vector_store %arg10[%swap3A_315, %swap3A_316], %broadcast_in_dim3A_0 {strides = array<i32>} : memref<24x128xf32, #tpu.memory_space<vmem>>, vector<16xf32>,
    }
    %scan3A_5 = arith.constant 24 : i32
    %scan3A_6 = arith.constant 0 : i32
    %scan3A_7 = arith.constant 0 : i32
    %scan3A_8 = arith.constant 27 : i32
    %scan3A_9 = arith.addi %scan3A_7, %scan3A_8 : i32
    %scan3A_10 = arith.constant 1 : i32
    scf.for %scan3A_294 = %scan3A_7 to %scan3A_9 step %scan3A_10  : i32 {
      %mul3A_295 = arith.constant 648 : i32
      %mul3A_296 = arith.muli %arg1, %mul3A_295 : i32
      %mul3A_297 = arith.constant 24 : i32
      %mul3A_298 = arith.muli %scan3A_294, %mul3A_297 : i32
      %add3A_299 = arith.addi %mul3A_296, %mul3A_298 : i32
      "tpu.region"() ({
        %run_scoped3A = tpu.sem_alloc : memref<!tpu.dma_semaphore, #tpu.memory_space<semaphore_mem>>
        %dma_start3A_300 = arith.constant 0 : i32
        %dma_start3A_301 = tpu.memref_slice %arg11[%add3A_299, %dma_start3A_300] : memref<10368x128xf32, #tpu.memory_space<vmem_shared>> -> memref<24x128xf32, #tpu.memory_space<vmem_shared>>
        %dma_start3A_302 = arith.constant 0 : i32
        %dma_start3A_303 = tpu.memref_slice %arg11[%add3A_299, %dma_start3A_302] : memref<10368x128xf32, #tpu.memory_space<vmem_shared>> -> memref<24x128xf32, #tpu.memory_space<vmem_shared>>
        tpu.enqueue_dma source(%arg10 : memref<24x128xf32, #tpu.memory_space<vmem>>) target(%dma_start3A_303 : memref<24x128xf32, #tpu.memory_space<vmem_shared>>) target_semaphore(%run_scoped3A : memref<!tpu.dma_semaphore, #tpu.memory_space<semaphore_mem>>)
        %dma_wait3A_304 = arith.constant 0 : i32
        %dma_wait3A_305 = tpu.memref_slice %arg11[%add3A_299, %dma_wait3A_304] : memref<10368x128xf32, #tpu.memory_space<vmem_shared>> -> memref<24x128xf32, #tpu.memory_space<vmem_shared>>
        %dma_wait3A_306 = arith.constant 0 : i32
        %dma_wait3A_307 = tpu.memref_slice %arg11[%add3A_299, %dma_wait3A_306] : memref<10368x128xf32, #tpu.memory_space<vmem_shared>> -> memref<24x128xf32, #tpu.memory_space<vmem_shared>>
        tpu.wait_dma2 semaphore(%run_scoped3A : memref<!tpu.dma_semaphore, #tpu.memory_space<semaphore_mem>>) src(%arg10 : memref<24x128xf32, #tpu.memory_space<vmem>>) dst(%dma_wait3A_307 : memref<24x128xf32, #tpu.memory_space<vmem_shared>>)
        tpu.yield
      }) : () -> ()
    }
    %scan3A_11 = arith.constant 27 : i32
    %barrier3A = arith.constant 0 : index
    tpu.barrier barrier_id(%barrier3A)
    %mul3A = arith.constant 163840 : i32
    %mul3A_12 = arith.muli %arg0, %mul3A : i32
    %mul3A_13 = arith.constant 10240 : i32
    %mul3A_14 = arith.muli %arg1, %mul3A_13 : i32
    %add3A = arith.addi %mul3A_12, %mul3A_14 : i32
    %jit3A = arith.constant 128 : i32
    %div3A = arith.divsi %add3A, %jit3A : i32
    %sign3A = arith.constant 0 : i32
    %sign3A_15 = arith.cmpi sgt, %add3A, %sign3A : i32
    %sign3A_16 = arith.extui %sign3A_15 : i1 to i32
    %sign3A_17 = arith.constant 0 : i32
    %sign3A_18 = arith.cmpi slt, %add3A, %sign3A_17 : i32
    %sign3A_19 = arith.extui %sign3A_18 : i1 to i32
    %sign3A_20 = arith.subi %sign3A_16, %sign3A_19 : i32
    %sign3A_21 = arith.constant 0 : i32
    %sign3A_22 = arith.cmpi sgt, %jit3A, %sign3A_21 : i32
    %sign3A_23 = arith.extui %sign3A_22 : i1 to i32
    %sign3A_24 = arith.constant 0 : i32
    %sign3A_25 = arith.cmpi slt, %jit3A, %sign3A_24 : i32
    %sign3A_26 = arith.extui %sign3A_25 : i1 to i32
    %sign3A_27 = arith.subi %sign3A_23, %sign3A_26 : i32
    %ne3A = arith.cmpi ne, %sign3A_20, %sign3A_27 : i32
    %rem3A = arith.remsi %add3A, %jit3A : i32
    %ne3A_28 = arith.constant 0 : i32
    %ne3A_29 = arith.cmpi ne, %rem3A, %ne3A_28 : i32
    %and3A = arith.andi %ne3A, %ne3A_29 : i1
    %sub3A = arith.constant 1 : i32
    %sub3A_30 = arith.subi %div3A, %sub3A : i32
    %select_n3A = arith.select %and3A, %sub3A_30, %div3A : i32
    %mul3A_31 = arith.constant 80 : i32
    %mul3A_32 = arith.muli %arg1, %mul3A_31 : i32
    %add3A_33 = arith.constant 0 : i32
    %add3A_34 = arith.addi %select_n3A, %add3A_33 : i32
    "tpu.region"() ({
      %run_scoped3A = tpu.sem_alloc : memref<!tpu.dma_semaphore, #tpu.memory_space<semaphore_mem>>
      %dma_start3A_294 = arith.constant 0 : i32
      %dma_start3A_295 = arith.constant 0 : i32
      %dma_start3A_296 = tpu.memref_slice %arg3[%add3A_34, %dma_start3A_294, %dma_start3A_295] : memref<2560x1x128xi32, #tpu.memory_space<hbm>> -> memref<40x1x128xi32, #tpu.memory_space<hbm>>
      %dma_start3A_297 = arith.constant 0 : i32
      %dma_start3A_298 = arith.constant 0 : i32
      %dma_start3A_299 = tpu.memref_slice %arg3[%add3A_34, %dma_start3A_297, %dma_start3A_298] : memref<2560x1x128xi32, #tpu.memory_space<hbm>> -> memref<40x1x128xi32, #tpu.memory_space<hbm>>
      tpu.enqueue_dma source(%dma_start3A_299 : memref<40x1x128xi32, #tpu.memory_space<hbm>>) target(%arg6 : memref<40x1x128xi32, #tpu.memory_space<vmem>>) target_semaphore(%run_scoped3A : memref<!tpu.dma_semaphore, #tpu.memory_space<semaphore_mem>>)
      %dma_wait3A_300 = arith.constant 0 : i32
      %dma_wait3A_301 = arith.constant 0 : i32
      %dma_wait3A_302 = tpu.memref_slice %arg3[%add3A_34, %dma_wait3A_300, %dma_wait3A_301] : memref<2560x1x128xi32, #tpu.memory_space<hbm>> -> memref<40x1x128xi32, #tpu.memory_space<hbm>>
      %dma_wait3A_303 = arith.constant 0 : i32
      %dma_wait3A_304 = arith.constant 0 : i32
      %dma_wait3A_305 = tpu.memref_slice %arg3[%add3A_34, %dma_wait3A_303, %dma_wait3A_304] : memref<2560x1x128xi32, #tpu.memory_space<hbm>> -> memref<40x1x128xi32, #tpu.memory_space<hbm>>
      tpu.wait_dma2 semaphore(%run_scoped3A : memref<!tpu.dma_semaphore, #tpu.memory_space<semaphore_mem>>) src(%dma_wait3A_305 : memref<40x1x128xi32, #tpu.memory_space<hbm>>) dst(%arg6 : memref<40x1x128xi32, #tpu.memory_space<vmem>>)
      tpu.yield
    }) : () -> ()
    %add3A_35 = arith.constant 0 : i32
    %add3A_36 = arith.addi %mul3A_32, %add3A_35 : i32
    "tpu.region"() ({
      %run_scoped3A = tpu.sem_alloc : memref<!tpu.dma_semaphore, #tpu.memory_space<semaphore_mem>>
      %dma_start3A_294 = arith.constant 0 : i32
      %dma_start3A_295 = arith.constant 0 : i32
      %dma_start3A_296 = tpu.memref_slice %arg4[%add3A_36, %dma_start3A_294, %dma_start3A_295] : memref<1280x1x128xi32, #tpu.memory_space<hbm>> -> memref<40x1x128xi32, #tpu.memory_space<hbm>>
      %dma_start3A_297 = arith.constant 0 : i32
      %dma_start3A_298 = arith.constant 0 : i32
      %dma_start3A_299 = tpu.memref_slice %arg4[%add3A_36, %dma_start3A_297, %dma_start3A_298] : memref<1280x1x128xi32, #tpu.memory_space<hbm>> -> memref<40x1x128xi32, #tpu.memory_space<hbm>>
      tpu.enqueue_dma source(%dma_start3A_299 : memref<40x1x128xi32, #tpu.memory_space<hbm>>) target(%arg7 : memref<40x1x128xi32, #tpu.memory_space<vmem>>) target_semaphore(%run_scoped3A : memref<!tpu.dma_semaphore, #tpu.memory_space<semaphore_mem>>)
      %dma_wait3A_300 = arith.constant 0 : i32
      %dma_wait3A_301 = arith.constant 0 : i32
      %dma_wait3A_302 = tpu.memref_slice %arg4[%add3A_36, %dma_wait3A_300, %dma_wait3A_301] : memref<1280x1x128xi32, #tpu.memory_space<hbm>> -> memref<40x1x128xi32, #tpu.memory_space<hbm>>
      %dma_wait3A_303 = arith.constant 0 : i32
      %dma_wait3A_304 = arith.constant 0 : i32
      %dma_wait3A_305 = tpu.memref_slice %arg4[%add3A_36, %dma_wait3A_303, %dma_wait3A_304] : memref<1280x1x128xi32, #tpu.memory_space<hbm>> -> memref<40x1x128xi32, #tpu.memory_space<hbm>>
      tpu.wait_dma2 semaphore(%run_scoped3A : memref<!tpu.dma_semaphore, #tpu.memory_space<semaphore_mem>>) src(%dma_wait3A_305 : memref<40x1x128xi32, #tpu.memory_space<hbm>>) dst(%arg7 : memref<40x1x128xi32, #tpu.memory_space<vmem>>)
      tpu.yield
    }) : () -> ()
    %dma_start3A = arith.constant 0 : i32
    %dma_start3A_37 = arith.constant 0 : i32
    %dma_start3A_38 = arith.constant 0 : i32
    %dma_start3A_39 = tpu.memref_slice %arg6[%dma_start3A, %dma_start3A_37, %dma_start3A_38] : memref<40x1x128xi32, #tpu.memory_space<vmem>> -> memref<1x1x128xi32, #tpu.memory_space<vmem>>
    %dma_start3A_40 = tpu.memref_squeeze %dma_start3A_39 : memref<1x1x128xi32, #tpu.memory_space<vmem>> -> memref<128xi32, #tpu.memory_space<vmem>>
    %dma_start3A_41 = arith.constant 0 : i32
    %dma_start3A_42 = arith.constant 0 : i32
    %dma_start3A_43 = tpu.memref_slice %arg2[%dma_start3A_41, %dma_start3A_42] : memref<20480x128xf32, #tpu.memory_space<hbm>> -> memref<20480x128xf32, #tpu.memory_space<hbm>>
    tpu.enqueue_indirect_dma source(%dma_start3A_43 : memref<20480x128xf32, #tpu.memory_space<hbm>>) target(%arg8 : memref<128x128xf32, #tpu.memory_space<vmem>>) offsets(%dma_start3A_40 : memref<128xi32, #tpu.memory_space<vmem>>) semaphore(%arg12 : memref<!tpu.dma_semaphore, #tpu.memory_space<semaphore_mem>>)
    %dma_wait3A = arith.constant 0 : i32
    %dma_wait3A_44 = arith.constant 0 : i32
    %dma_wait3A_45 = tpu.memref_slice %arg2[%dma_wait3A, %dma_wait3A_44] : memref<20480x128xf32, #tpu.memory_space<hbm>> -> memref<128x128xf32, #tpu.memory_space<hbm>>
    %dma_wait3A_46 = arith.constant 0 : i32
    %dma_wait3A_47 = arith.constant 0 : i32
    %dma_wait3A_48 = tpu.memref_slice %arg2[%dma_wait3A_46, %dma_wait3A_47] : memref<20480x128xf32, #tpu.memory_space<hbm>> -> memref<128x128xf32, #tpu.memory_space<hbm>>
    tpu.wait_dma2 semaphore(%arg12 : memref<!tpu.dma_semaphore, #tpu.memory_space<semaphore_mem>>) src(%dma_wait3A_48 : memref<128x128xf32, #tpu.memory_space<hbm>>) dst(%arg8 : memref<128x128xf32, #tpu.memory_space<vmem>>)
    %dma_start3A_49 = arith.constant 1 : i32
    %dma_start3A_50 = arith.constant 0 : i32
    %dma_start3A_51 = arith.constant 0 : i32
    %dma_start3A_52 = tpu.memref_slice %arg6[%dma_start3A_49, %dma_start3A_50, %dma_start3A_51] : memref<40x1x128xi32, #tpu.memory_space<vmem>> -> memref<1x1x128xi32, #tpu.memory_space<vmem>>
    %dma_start3A_53 = tpu.memref_squeeze %dma_start3A_52 : memref<1x1x128xi32, #tpu.memory_space<vmem>> -> memref<128xi32, #tpu.memory_space<vmem>>
    %dma_start3A_54 = arith.constant 0 : i32
    %dma_start3A_55 = arith.constant 0 : i32
    %dma_start3A_56 = tpu.memref_slice %arg2[%dma_start3A_54, %dma_start3A_55] : memref<20480x128xf32, #tpu.memory_space<hbm>> -> memref<20480x128xf32, #tpu.memory_space<hbm>>
    tpu.enqueue_indirect_dma source(%dma_start3A_56 : memref<20480x128xf32, #tpu.memory_space<hbm>>) target(%arg9 : memref<128x128xf32, #tpu.memory_space<vmem>>) offsets(%dma_start3A_53 : memref<128xi32, #tpu.memory_space<vmem>>) semaphore(%arg13 : memref<!tpu.dma_semaphore, #tpu.memory_space<semaphore_mem>>)
    %dma_start3A_57 = arith.constant 0 : i32
    %dma_start3A_58 = arith.constant 0 : i32
    %dma_start3A_59 = arith.constant 0 : i32
    %dma_start3A_60 = tpu.memref_slice %arg7[%dma_start3A_57, %dma_start3A_58, %dma_start3A_59] : memref<40x1x128xi32, #tpu.memory_space<vmem>> -> memref<1x1x128xi32, #tpu.memory_space<vmem>>
    %dma_start3A_61 = tpu.memref_squeeze %dma_start3A_60 : memref<1x1x128xi32, #tpu.memory_space<vmem>> -> memref<128xi32, #tpu.memory_space<vmem>>
    %dma_start3A_62 = arith.constant 0 : i32
    %dma_start3A_63 = arith.constant 0 : i32
    %dma_start3A_64 = tpu.memref_slice %arg11[%dma_start3A_62, %dma_start3A_63] : memref<10368x128xf32, #tpu.memory_space<vmem_shared>> -> memref<10368x128xf32, #tpu.memory_space<vmem_shared>>
    tpu.enqueue_indirect_dma source(%arg8 : memref<128x128xf32, #tpu.memory_space<vmem>>) target(%dma_start3A_64 : memref<10368x128xf32, #tpu.memory_space<vmem_shared>>) offsets(%dma_start3A_61 : memref<128xi32, #tpu.memory_space<vmem>>) semaphore(%arg14 : memref<!tpu.dma_semaphore, #tpu.memory_space<semaphore_mem>>) {add = true}
    %scan3A_65 = arith.constant 0 : i32
    %scan3A_66 = arith.constant 0 : i32
    %scan3A_67 = arith.constant 18 : i32
    %scan3A_68 = arith.addi %scan3A_66, %scan3A_67 : i32
    %scan3A_69 = arith.constant 1 : i32
    scf.for %scan3A_294 = %scan3A_66 to %scan3A_68 step %scan3A_69  : i32 {
      %mul3A_295 = arith.constant 2 : i32
      %mul3A_296 = arith.muli %mul3A_295, %scan3A_294 : i32
      %dma_wait3A_297 = arith.constant 0 : i32
      %dma_wait3A_298 = arith.constant 0 : i32
      %dma_wait3A_299 = tpu.memref_slice %arg2[%dma_wait3A_297, %dma_wait3A_298] : memref<20480x128xf32, #tpu.memory_space<hbm>> -> memref<128x128xf32, #tpu.memory_space<hbm>>
      %dma_wait3A_300 = arith.constant 0 : i32
      %dma_wait3A_301 = arith.constant 0 : i32
      %dma_wait3A_302 = tpu.memref_slice %arg2[%dma_wait3A_300, %dma_wait3A_301] : memref<20480x128xf32, #tpu.memory_space<hbm>> -> memref<128x128xf32, #tpu.memory_space<hbm>>
      tpu.wait_dma2 semaphore(%arg13 : memref<!tpu.dma_semaphore, #tpu.memory_space<semaphore_mem>>) src(%dma_wait3A_302 : memref<128x128xf32, #tpu.memory_space<hbm>>) dst(%arg9 : memref<128x128xf32, #tpu.memory_space<vmem>>)
      %dma_wait3A_303 = arith.constant 0 : i32
      %dma_wait3A_304 = arith.constant 0 : i32
      %dma_wait3A_305 = arith.constant 0 : i32
      %dma_wait3A_306 = tpu.memref_slice %arg7[%dma_wait3A_303, %dma_wait3A_304, %dma_wait3A_305] : memref<40x1x128xi32, #tpu.memory_space<vmem>> -> memref<1x1x128xi32, #tpu.memory_space<vmem>>
      %dma_wait3A_307 = tpu.memref_squeeze %dma_wait3A_306 : memref<1x1x128xi32, #tpu.memory_space<vmem>> -> memref<128xi32, #tpu.memory_space<vmem>>
      %dma_wait3A_308 = arith.constant 0 : i32
      %dma_wait3A_309 = arith.constant 0 : i32
      %dma_wait3A_310 = tpu.memref_slice %arg11[%dma_wait3A_308, %dma_wait3A_309] : memref<10368x128xf32, #tpu.memory_space<vmem_shared>> -> memref<10368x128xf32, #tpu.memory_space<vmem_shared>>
      tpu.wait_indirect_dma semaphore(%arg14 : memref<!tpu.dma_semaphore, #tpu.memory_space<semaphore_mem>>) src(%arg8 : memref<128x128xf32, #tpu.memory_space<vmem>>) dst(%dma_wait3A_310 : memref<10368x128xf32, #tpu.memory_space<vmem_shared>>)
      %add3A_311 = arith.constant 2 : i32
      %add3A_312 = arith.addi %mul3A_296, %add3A_311 : i32
      %dma_start3A_313 = arith.constant 0 : i32
      %dma_start3A_314 = arith.constant 0 : i32
      %dma_start3A_315 = tpu.memref_slice %arg6[%add3A_312, %dma_start3A_313, %dma_start3A_314] : memref<40x1x128xi32, #tpu.memory_space<vmem>> -> memref<1x1x128xi32, #tpu.memory_space<vmem>>
      %dma_start3A_316 = tpu.memref_squeeze %dma_start3A_315 : memref<1x1x128xi32, #tpu.memory_space<vmem>> -> memref<128xi32, #tpu.memory_space<vmem>>
      %dma_start3A_317 = arith.constant 0 : i32
      %dma_start3A_318 = arith.constant 0 : i32
      %dma_start3A_319 = tpu.memref_slice %arg2[%dma_start3A_317, %dma_start3A_318] : memref<20480x128xf32, #tpu.memory_space<hbm>> -> memref<20480x128xf32, #tpu.memory_space<hbm>>
      tpu.enqueue_indirect_dma source(%dma_start3A_319 : memref<20480x128xf32, #tpu.memory_space<hbm>>) target(%arg8 : memref<128x128xf32, #tpu.memory_space<vmem>>) offsets(%dma_start3A_316 : memref<128xi32, #tpu.memory_space<vmem>>) semaphore(%arg12 : memref<!tpu.dma_semaphore, #tpu.memory_space<semaphore_mem>>)
      %add3A_320 = arith.constant 1 : i32
      %add3A_321 = arith.addi %mul3A_296, %add3A_320 : i32
      %dma_start3A_322 = arith.constant 0 : i32
      %dma_start3A_323 = arith.constant 0 : i32
      %dma_start3A_324 = tpu.memref_slice %arg7[%add3A_321, %dma_start3A_322, %dma_start3A_323] : memref<40x1x128xi32, #tpu.memory_space<vmem>> -> memref<1x1x128xi32, #tpu.memory_space<vmem>>
      %dma_start3A_325 = tpu.memref_squeeze %dma_start3A_324 : memref<1x1x128xi32, #tpu.memory_space<vmem>> -> memref<128xi32, #tpu.memory_space<vmem>>
      %dma_start3A_326 = arith.constant 0 : i32
      %dma_start3A_327 = arith.constant 0 : i32
      %dma_start3A_328 = tpu.memref_slice %arg11[%dma_start3A_326, %dma_start3A_327] : memref<10368x128xf32, #tpu.memory_space<vmem_shared>> -> memref<10368x128xf32, #tpu.memory_space<vmem_shared>>
      tpu.enqueue_indirect_dma source(%arg9 : memref<128x128xf32, #tpu.memory_space<vmem>>) target(%dma_start3A_328 : memref<10368x128xf32, #tpu.memory_space<vmem_shared>>) offsets(%dma_start3A_325 : memref<128xi32, #tpu.memory_space<vmem>>) semaphore(%arg15 : memref<!tpu.dma_semaphore, #tpu.memory_space<semaphore_mem>>) {add = true}
      %dma_wait3A_329 = arith.constant 0 : i32
      %dma_wait3A_330 = arith.constant 0 : i32
      %dma_wait3A_331 = tpu.memref_slice %arg2[%dma_wait3A_329, %dma_wait3A_330] : memref<20480x128xf32, #tpu.memory_space<hbm>> -> memref<128x128xf32, #tpu.memory_space<hbm>>
      %dma_wait3A_332 = arith.constant 0 : i32
      %dma_wait3A_333 = arith.constant 0 : i32
      %dma_wait3A_334 = tpu.memref_slice %arg2[%dma_wait3A_332, %dma_wait3A_333] : memref<20480x128xf32, #tpu.memory_space<hbm>> -> memref<128x128xf32, #tpu.memory_space<hbm>>
      tpu.wait_dma2 semaphore(%arg12 : memref<!tpu.dma_semaphore, #tpu.memory_space<semaphore_mem>>) src(%dma_wait3A_334 : memref<128x128xf32, #tpu.memory_space<hbm>>) dst(%arg8 : memref<128x128xf32, #tpu.memory_space<vmem>>)
      %dma_wait3A_335 = arith.constant 0 : i32
      %dma_wait3A_336 = arith.constant 0 : i32
      %dma_wait3A_337 = arith.constant 0 : i32
      %dma_wait3A_338 = tpu.memref_slice %arg7[%dma_wait3A_335, %dma_wait3A_336, %dma_wait3A_337] : memref<40x1x128xi32, #tpu.memory_space<vmem>> -> memref<1x1x128xi32, #tpu.memory_space<vmem>>
      %dma_wait3A_339 = tpu.memref_squeeze %dma_wait3A_338 : memref<1x1x128xi32, #tpu.memory_space<vmem>> -> memref<128xi32, #tpu.memory_space<vmem>>
      %dma_wait3A_340 = arith.constant 0 : i32
      %dma_wait3A_341 = arith.constant 0 : i32
      %dma_wait3A_342 = tpu.memref_slice %arg11[%dma_wait3A_340, %dma_wait3A_341] : memref<10368x128xf32, #tpu.memory_space<vmem_shared>> -> memref<10368x128xf32, #tpu.memory_space<vmem_shared>>
      tpu.wait_indirect_dma semaphore(%arg15 : memref<!tpu.dma_semaphore, #tpu.memory_space<semaphore_mem>>) src(%arg9 : memref<128x128xf32, #tpu.memory_space<vmem>>) dst(%dma_wait3A_342 : memref<10368x128xf32, #tpu.memory_space<vmem_shared>>)
      %add3A_343 = arith.constant 3 : i32
      %add3A_344 = arith.addi %mul3A_296, %add3A_343 : i32
      %dma_start3A_345 = arith.constant 0 : i32
      %dma_start3A_346 = arith.constant 0 : i32
      %dma_start3A_347 = tpu.memref_slice %arg6[%add3A_344, %dma_start3A_345, %dma_start3A_346] : memref<40x1x128xi32, #tpu.memory_space<vmem>> -> memref<1x1x128xi32, #tpu.memory_space<vmem>>
      %dma_start3A_348 = tpu.memref_squeeze %dma_start3A_347 : memref<1x1x128xi32, #tpu.memory_space<vmem>> -> memref<128xi32, #tpu.memory_space<vmem>>
      %dma_start3A_349 = arith.constant 0 : i32
      %dma_start3A_350 = arith.constant 0 : i32
      %dma_start3A_351 = tpu.memref_slice %arg2[%dma_start3A_349, %dma_start3A_350] : memref<20480x128xf32, #tpu.memory_space<hbm>> -> memref<20480x128xf32, #tpu.memory_space<hbm>>
      tpu.enqueue_indirect_dma source(%dma_start3A_351 : memref<20480x128xf32, #tpu.memory_space<hbm>>) target(%arg9 : memref<128x128xf32, #tpu.memory_space<vmem>>) offsets(%dma_start3A_348 : memref<128xi32, #tpu.memory_space<vmem>>) semaphore(%arg13 : memref<!tpu.dma_semaphore, #tpu.memory_space<semaphore_mem>>)
      %add3A_352 = arith.constant 2 : i32
      %add3A_353 = arith.addi %mul3A_296, %add3A_352 : i32
      %dma_start3A_354 = arith.constant 0 : i32
      %dma_start3A_355 = arith.constant 0 : i32
      %dma_start3A_356 = tpu.memref_slice %arg7[%add3A_353, %dma_start3A_354, %dma_start3A_355] : memref<40x1x128xi32, #tpu.memory_space<vmem>> -> memref<1x1x128xi32, #tpu.memory_space<vmem>>
      %dma_start3A_357 = tpu.memref_squeeze %dma_start3A_356 : memref<1x1x128xi32, #tpu.memory_space<vmem>> -> memref<128xi32, #tpu.memory_space<vmem>>
      %dma_start3A_358 = arith.constant 0 : i32
      %dma_start3A_359 = arith.constant 0 : i32
      %dma_start3A_360 = tpu.memref_slice %arg11[%dma_start3A_358, %dma_start3A_359] : memref<10368x128xf32, #tpu.memory_space<vmem_shared>> -> memref<10368x128xf32, #tpu.memory_space<vmem_shared>>
      tpu.enqueue_indirect_dma source(%arg8 : memref<128x128xf32, #tpu.memory_space<vmem>>) target(%dma_start3A_360 : memref<10368x128xf32, #tpu.memory_space<vmem_shared>>) offsets(%dma_start3A_357 : memref<128xi32, #tpu.memory_space<vmem>>) semaphore(%arg14 : memref<!tpu.dma_semaphore, #tpu.memory_space<semaphore_mem>>) {add = true}
    }
    %scan3A_70 = arith.constant 18 : i32
    %dma_wait3A_71 = arith.constant 0 : i32
    %dma_wait3A_72 = arith.constant 0 : i32
    %dma_wait3A_73 = tpu.memref_slice %arg2[%dma_wait3A_71, %dma_wait3A_72] : memref<20480x128xf32, #tpu.memory_space<hbm>> -> memref<128x128xf32, #tpu.memory_space<hbm>>
    %dma_wait3A_74 = arith.constant 0 : i32
    %dma_wait3A_75 = arith.constant 0 : i32
    %dma_wait3A_76 = tpu.memref_slice %arg2[%dma_wait3A_74, %dma_wait3A_75] : memref<20480x128xf32, #tpu.memory_space<hbm>> -> memref<128x128xf32, #tpu.memory_space<hbm>>
    tpu.wait_dma2 semaphore(%arg13 : memref<!tpu.dma_semaphore, #tpu.memory_space<semaphore_mem>>) src(%dma_wait3A_76 : memref<128x128xf32, #tpu.memory_space<hbm>>) dst(%arg9 : memref<128x128xf32, #tpu.memory_space<vmem>>)
    %dma_wait3A_77 = arith.constant 0 : i32
    %dma_wait3A_78 = arith.constant 0 : i32
    %dma_wait3A_79 = arith.constant 0 : i32
    %dma_wait3A_80 = tpu.memref_slice %arg7[%dma_wait3A_77, %dma_wait3A_78, %dma_wait3A_79] : memref<40x1x128xi32, #tpu.memory_space<vmem>> -> memref<1x1x128xi32, #tpu.memory_space<vmem>>
    %dma_wait3A_81 = tpu.memref_squeeze %dma_wait3A_80 : memref<1x1x128xi32, #tpu.memory_space<vmem>> -> memref<128xi32, #tpu.memory_space<vmem>>
    %dma_wait3A_82 = arith.constant 0 : i32
    %dma_wait3A_83 = arith.constant 0 : i32
    %dma_wait3A_84 = tpu.memref_slice %arg11[%dma_wait3A_82, %dma_wait3A_83] : memref<10368x128xf32, #tpu.memory_space<vmem_shared>> -> memref<10368x128xf32, #tpu.memory_space<vmem_shared>>
    tpu.wait_indirect_dma semaphore(%arg14 : memref<!tpu.dma_semaphore, #tpu.memory_space<semaphore_mem>>) src(%arg8 : memref<128x128xf32, #tpu.memory_space<vmem>>) dst(%dma_wait3A_84 : memref<10368x128xf32, #tpu.memory_space<vmem_shared>>)
    %dma_start3A_85 = arith.constant 38 : i32
    %dma_start3A_86 = arith.constant 0 : i32
    %dma_start3A_87 = arith.constant 0 : i32
    %dma_start3A_88 = tpu.memref_slice %arg6[%dma_start3A_85, %dma_start3A_86, %dma_start3A_87] : memref<40x1x128xi32, #tpu.memory_space<vmem>> -> memref<1x1x128xi32, #tpu.memory_space<vmem>>
    %dma_start3A_89 = tpu.memref_squeeze %dma_start3A_88 : memref<1x1x128xi32, #tpu.memory_space<vmem>> -> memref<128xi32, #tpu.memory_space<vmem>>
    %dma_start3A_90 = arith.constant 0 : i32
    %dma_start3A_91 = arith.constant 0 : i32
    %dma_start3A_92 = tpu.memref_slice %arg2[%dma_start3A_90, %dma_start3A_91] : memref<20480x128xf32, #tpu.memory_space<hbm>> -> memref<20480x128xf32, #tpu.memory_space<hbm>>
    tpu.enqueue_indirect_dma source(%dma_start3A_92 : memref<20480x128xf32, #tpu.memory_space<hbm>>) target(%arg8 : memref<128x128xf32, #tpu.memory_space<vmem>>) offsets(%dma_start3A_89 : memref<128xi32, #tpu.memory_space<vmem>>) semaphore(%arg12 : memref<!tpu.dma_semaphore, #tpu.memory_space<semaphore_mem>>)
    %dma_start3A_93 = arith.constant 37 : i32
    %dma_start3A_94 = arith.constant 0 : i32
    %dma_start3A_95 = arith.constant 0 : i32
    %dma_start3A_96 = tpu.memref_slice %arg7[%dma_start3A_93, %dma_start3A_94, %dma_start3A_95] : memref<40x1x128xi32, #tpu.memory_space<vmem>> -> memref<1x1x128xi32, #tpu.memory_space<vmem>>
    %dma_start3A_97 = tpu.memref_squeeze %dma_start3A_96 : memref<1x1x128xi32, #tpu.memory_space<vmem>> -> memref<128xi32, #tpu.memory_space<vmem>>
    %dma_start3A_98 = arith.constant 0 : i32
    %dma_start3A_99 = arith.constant 0 : i32
    %dma_start3A_100 = tpu.memref_slice %arg11[%dma_start3A_98, %dma_start3A_99] : memref<10368x128xf32, #tpu.memory_space<vmem_shared>> -> memref<10368x128xf32, #tpu.memory_space<vmem_shared>>
    tpu.enqueue_indirect_dma source(%arg9 : memref<128x128xf32, #tpu.memory_space<vmem>>) target(%dma_start3A_100 : memref<10368x128xf32, #tpu.memory_space<vmem_shared>>) offsets(%dma_start3A_97 : memref<128xi32, #tpu.memory_space<vmem>>) semaphore(%arg15 : memref<!tpu.dma_semaphore, #tpu.memory_space<semaphore_mem>>) {add = true}
    %dma_wait3A_101 = arith.constant 0 : i32
    %dma_wait3A_102 = arith.constant 0 : i32
    %dma_wait3A_103 = tpu.memref_slice %arg2[%dma_wait3A_101, %dma_wait3A_102] : memref<20480x128xf32, #tpu.memory_space<hbm>> -> memref<128x128xf32, #tpu.memory_space<hbm>>
    %dma_wait3A_104 = arith.constant 0 : i32
    %dma_wait3A_105 = arith.constant 0 : i32
    %dma_wait3A_106 = tpu.memref_slice %arg2[%dma_wait3A_104, %dma_wait3A_105] : memref<20480x128xf32, #tpu.memory_space<hbm>> -> memref<128x128xf32, #tpu.memory_space<hbm>>
    tpu.wait_dma2 semaphore(%arg12 : memref<!tpu.dma_semaphore, #tpu.memory_space<semaphore_mem>>) src(%dma_wait3A_106 : memref<128x128xf32, #tpu.memory_space<hbm>>) dst(%arg8 : memref<128x128xf32, #tpu.memory_space<vmem>>)
    %dma_wait3A_107 = arith.constant 0 : i32
    %dma_wait3A_108 = arith.constant 0 : i32
    %dma_wait3A_109 = arith.constant 0 : i32
    %dma_wait3A_110 = tpu.memref_slice %arg7[%dma_wait3A_107, %dma_wait3A_108, %dma_wait3A_109] : memref<40x1x128xi32, #tpu.memory_space<vmem>> -> memref<1x1x128xi32, #tpu.memory_space<vmem>>
    %dma_wait3A_111 = tpu.memref_squeeze %dma_wait3A_110 : memref<1x1x128xi32, #tpu.memory_space<vmem>> -> memref<128xi32, #tpu.memory_space<vmem>>
    %dma_wait3A_112 = arith.constant 0 : i32
    %dma_wait3A_113 = arith.constant 0 : i32
    %dma_wait3A_114 = tpu.memref_slice %arg11[%dma_wait3A_112, %dma_wait3A_113] : memref<10368x128xf32, #tpu.memory_space<vmem_shared>> -> memref<10368x128xf32, #tpu.memory_space<vmem_shared>>
    tpu.wait_indirect_dma semaphore(%arg15 : memref<!tpu.dma_semaphore, #tpu.memory_space<semaphore_mem>>) src(%arg9 : memref<128x128xf32, #tpu.memory_space<vmem>>) dst(%dma_wait3A_114 : memref<10368x128xf32, #tpu.memory_space<vmem_shared>>)
    %dma_start3A_115 = arith.constant 39 : i32
    %dma_start3A_116 = arith.constant 0 : i32
    %dma_start3A_117 = arith.constant 0 : i32
    %dma_start3A_118 = tpu.memref_slice %arg6[%dma_start3A_115, %dma_start3A_116, %dma_start3A_117] : memref<40x1x128xi32, #tpu.memory_space<vmem>> -> memref<1x1x128xi32, #tpu.memory_space<vmem>>
    %dma_start3A_119 = tpu.memref_squeeze %dma_start3A_118 : memref<1x1x128xi32, #tpu.memory_space<vmem>> -> memref<128xi32, #tpu.memory_space<vmem>>
    %dma_start3A_120 = arith.constant 0 : i32
    %dma_start3A_121 = arith.constant 0 : i32
    %dma_start3A_122 = tpu.memref_slice %arg2[%dma_start3A_120, %dma_start3A_121] : memref<20480x128xf32, #tpu.memory_space<hbm>> -> memref<20480x128xf32, #tpu.memory_space<hbm>>
    tpu.enqueue_indirect_dma source(%dma_start3A_122 : memref<20480x128xf32, #tpu.memory_space<hbm>>) target(%arg9 : memref<128x128xf32, #tpu.memory_space<vmem>>) offsets(%dma_start3A_119 : memref<128xi32, #tpu.memory_space<vmem>>) semaphore(%arg13 : memref<!tpu.dma_semaphore, #tpu.memory_space<semaphore_mem>>)
    %dma_start3A_123 = arith.constant 38 : i32
    %dma_start3A_124 = arith.constant 0 : i32
    %dma_start3A_125 = arith.constant 0 : i32
    %dma_start3A_126 = tpu.memref_slice %arg7[%dma_start3A_123, %dma_start3A_124, %dma_start3A_125] : memref<40x1x128xi32, #tpu.memory_space<vmem>> -> memref<1x1x128xi32, #tpu.memory_space<vmem>>
    %dma_start3A_127 = tpu.memref_squeeze %dma_start3A_126 : memref<1x1x128xi32, #tpu.memory_space<vmem>> -> memref<128xi32, #tpu.memory_space<vmem>>
    %dma_start3A_128 = arith.constant 0 : i32
    %dma_start3A_129 = arith.constant 0 : i32
    %dma_start3A_130 = tpu.memref_slice %arg11[%dma_start3A_128, %dma_start3A_129] : memref<10368x128xf32, #tpu.memory_space<vmem_shared>> -> memref<10368x128xf32, #tpu.memory_space<vmem_shared>>
    tpu.enqueue_indirect_dma source(%arg8 : memref<128x128xf32, #tpu.memory_space<vmem>>) target(%dma_start3A_130 : memref<10368x128xf32, #tpu.memory_space<vmem_shared>>) offsets(%dma_start3A_127 : memref<128xi32, #tpu.memory_space<vmem>>) semaphore(%arg14 : memref<!tpu.dma_semaphore, #tpu.memory_space<semaphore_mem>>) {add = true}
    %dma_wait3A_131 = arith.constant 0 : i32
    %dma_wait3A_132 = arith.constant 0 : i32
    %dma_wait3A_133 = tpu.memref_slice %arg2[%dma_wait3A_131, %dma_wait3A_132] : memref<20480x128xf32, #tpu.memory_space<hbm>> -> memref<128x128xf32, #tpu.memory_space<hbm>>
    %dma_wait3A_134 = arith.constant 0 : i32
    %dma_wait3A_135 = arith.constant 0 : i32
    %dma_wait3A_136 = tpu.memref_slice %arg2[%dma_wait3A_134, %dma_wait3A_135] : memref<20480x128xf32, #tpu.memory_space<hbm>> -> memref<128x128xf32, #tpu.memory_space<hbm>>
    tpu.wait_dma2 semaphore(%arg13 : memref<!tpu.dma_semaphore, #tpu.memory_space<semaphore_mem>>) src(%dma_wait3A_136 : memref<128x128xf32, #tpu.memory_space<hbm>>) dst(%arg9 : memref<128x128xf32, #tpu.memory_space<vmem>>)
    %dma_wait3A_137 = arith.constant 0 : i32
    %dma_wait3A_138 = arith.constant 0 : i32
    %dma_wait3A_139 = arith.constant 0 : i32
    %dma_wait3A_140 = tpu.memref_slice %arg7[%dma_wait3A_137, %dma_wait3A_138, %dma_wait3A_139] : memref<40x1x128xi32, #tpu.memory_space<vmem>> -> memref<1x1x128xi32, #tpu.memory_space<vmem>>
    %dma_wait3A_141 = tpu.memref_squeeze %dma_wait3A_140 : memref<1x1x128xi32, #tpu.memory_space<vmem>> -> memref<128xi32, #tpu.memory_space<vmem>>
    %dma_wait3A_142 = arith.constant 0 : i32
    %dma_wait3A_143 = arith.constant 0 : i32
    %dma_wait3A_144 = tpu.memref_slice %arg11[%dma_wait3A_142, %dma_wait3A_143] : memref<10368x128xf32, #tpu.memory_space<vmem_shared>> -> memref<10368x128xf32, #tpu.memory_space<vmem_shared>>
    tpu.wait_indirect_dma semaphore(%arg14 : memref<!tpu.dma_semaphore, #tpu.memory_space<semaphore_mem>>) src(%arg8 : memref<128x128xf32, #tpu.memory_space<vmem>>) dst(%dma_wait3A_144 : memref<10368x128xf32, #tpu.memory_space<vmem_shared>>)
    %dma_start3A_145 = arith.constant 39 : i32
    %dma_start3A_146 = arith.constant 0 : i32
    %dma_start3A_147 = arith.constant 0 : i32
    %dma_start3A_148 = tpu.memref_slice %arg7[%dma_start3A_145, %dma_start3A_146, %dma_start3A_147] : memref<40x1x128xi32, #tpu.memory_space<vmem>> -> memref<1x1x128xi32, #tpu.memory_space<vmem>>
    %dma_start3A_149 = tpu.memref_squeeze %dma_start3A_148 : memref<1x1x128xi32, #tpu.memory_space<vmem>> -> memref<128xi32, #tpu.memory_space<vmem>>
    %dma_start3A_150 = arith.constant 0 : i32
    %dma_start3A_151 = arith.constant 0 : i32
    %dma_start3A_152 = tpu.memref_slice %arg11[%dma_start3A_150, %dma_start3A_151] : memref<10368x128xf32, #tpu.memory_space<vmem_shared>> -> memref<10368x128xf32, #tpu.memory_space<vmem_shared>>
    tpu.enqueue_indirect_dma source(%arg9 : memref<128x128xf32, #tpu.memory_space<vmem>>) target(%dma_start3A_152 : memref<10368x128xf32, #tpu.memory_space<vmem_shared>>) offsets(%dma_start3A_149 : memref<128xi32, #tpu.memory_space<vmem>>) semaphore(%arg15 : memref<!tpu.dma_semaphore, #tpu.memory_space<semaphore_mem>>) {add = true}
    %dma_wait3A_153 = arith.constant 0 : i32
    %dma_wait3A_154 = arith.constant 0 : i32
    %dma_wait3A_155 = arith.constant 0 : i32
    %dma_wait3A_156 = tpu.memref_slice %arg7[%dma_wait3A_153, %dma_wait3A_154, %dma_wait3A_155] : memref<40x1x128xi32, #tpu.memory_space<vmem>> -> memref<1x1x128xi32, #tpu.memory_space<vmem>>
    %dma_wait3A_157 = tpu.memref_squeeze %dma_wait3A_156 : memref<1x1x128xi32, #tpu.memory_space<vmem>> -> memref<128xi32, #tpu.memory_space<vmem>>
    %dma_wait3A_158 = arith.constant 0 : i32
    %dma_wait3A_159 = arith.constant 0 : i32
    %dma_wait3A_160 = tpu.memref_slice %arg11[%dma_wait3A_158, %dma_wait3A_159] : memref<10368x128xf32, #tpu.memory_space<vmem_shared>> -> memref<10368x128xf32, #tpu.memory_space<vmem_shared>>
    tpu.wait_indirect_dma semaphore(%arg15 : memref<!tpu.dma_semaphore, #tpu.memory_space<semaphore_mem>>) src(%arg9 : memref<128x128xf32, #tpu.memory_space<vmem>>) dst(%dma_wait3A_160 : memref<10368x128xf32, #tpu.memory_space<vmem_shared>>)
    %add3A_161 = arith.constant 40 : i32
    %add3A_162 = arith.addi %select_n3A, %add3A_161 : i32
    "tpu.region"() ({
      %run_scoped3A = tpu.sem_alloc : memref<!tpu.dma_semaphore, #tpu.memory_space<semaphore_mem>>
      %dma_start3A_294 = arith.constant 0 : i32
      %dma_start3A_295 = arith.constant 0 : i32
      %dma_start3A_296 = tpu.memref_slice %arg3[%add3A_162, %dma_start3A_294, %dma_start3A_295] : memref<2560x1x128xi32, #tpu.memory_space<hbm>> -> memref<40x1x128xi32, #tpu.memory_space<hbm>>
      %dma_start3A_297 = arith.constant 0 : i32
      %dma_start3A_298 = arith.constant 0 : i32
      %dma_start3A_299 = tpu.memref_slice %arg3[%add3A_162, %dma_start3A_297, %dma_start3A_298] : memref<2560x1x128xi32, #tpu.memory_space<hbm>> -> memref<40x1x128xi32, #tpu.memory_space<hbm>>
      tpu.enqueue_dma source(%dma_start3A_299 : memref<40x1x128xi32, #tpu.memory_space<hbm>>) target(%arg6 : memref<40x1x128xi32, #tpu.memory_space<vmem>>) target_semaphore(%run_scoped3A : memref<!tpu.dma_semaphore, #tpu.memory_space<semaphore_mem>>)
      %dma_wait3A_300 = arith.constant 0 : i32
      %dma_wait3A_301 = arith.constant 0 : i32
      %dma_wait3A_302 = tpu.memref_slice %arg3[%add3A_162, %dma_wait3A_300, %dma_wait3A_301] : memref<2560x1x128xi32, #tpu.memory_space<hbm>> -> memref<40x1x128xi32, #tpu.memory_space<hbm>>
      %dma_wait3A_303 = arith.constant 0 : i32
      %dma_wait3A_304 = arith.constant 0 : i32
      %dma_wait3A_305 = tpu.memref_slice %arg3[%add3A_162, %dma_wait3A_303, %dma_wait3A_304] : memref<2560x1x128xi32, #tpu.memory_space<hbm>> -> memref<40x1x128xi32, #tpu.memory_space<hbm>>
      tpu.wait_dma2 semaphore(%run_scoped3A : memref<!tpu.dma_semaphore, #tpu.memory_space<semaphore_mem>>) src(%dma_wait3A_305 : memref<40x1x128xi32, #tpu.memory_space<hbm>>) dst(%arg6 : memref<40x1x128xi32, #tpu.memory_space<vmem>>)
      tpu.yield
    }) : () -> ()
    %add3A_163 = arith.constant 40 : i32
    %add3A_164 = arith.addi %mul3A_32, %add3A_163 : i32
    "tpu.region"() ({
      %run_scoped3A = tpu.sem_alloc : memref<!tpu.dma_semaphore, #tpu.memory_space<semaphore_mem>>
      %dma_start3A_294 = arith.constant 0 : i32
      %dma_start3A_295 = arith.constant 0 : i32
      %dma_start3A_296 = tpu.memref_slice %arg4[%add3A_164, %dma_start3A_294, %dma_start3A_295] : memref<1280x1x128xi32, #tpu.memory_space<hbm>> -> memref<40x1x128xi32, #tpu.memory_space<hbm>>
      %dma_start3A_297 = arith.constant 0 : i32
      %dma_start3A_298 = arith.constant 0 : i32
      %dma_start3A_299 = tpu.memref_slice %arg4[%add3A_164, %dma_start3A_297, %dma_start3A_298] : memref<1280x1x128xi32, #tpu.memory_space<hbm>> -> memref<40x1x128xi32, #tpu.memory_space<hbm>>
      tpu.enqueue_dma source(%dma_start3A_299 : memref<40x1x128xi32, #tpu.memory_space<hbm>>) target(%arg7 : memref<40x1x128xi32, #tpu.memory_space<vmem>>) target_semaphore(%run_scoped3A : memref<!tpu.dma_semaphore, #tpu.memory_space<semaphore_mem>>)
      %dma_wait3A_300 = arith.constant 0 : i32
      %dma_wait3A_301 = arith.constant 0 : i32
      %dma_wait3A_302 = tpu.memref_slice %arg4[%add3A_164, %dma_wait3A_300, %dma_wait3A_301] : memref<1280x1x128xi32, #tpu.memory_space<hbm>> -> memref<40x1x128xi32, #tpu.memory_space<hbm>>
      %dma_wait3A_303 = arith.constant 0 : i32
      %dma_wait3A_304 = arith.constant 0 : i32
      %dma_wait3A_305 = tpu.memref_slice %arg4[%add3A_164, %dma_wait3A_303, %dma_wait3A_304] : memref<1280x1x128xi32, #tpu.memory_space<hbm>> -> memref<40x1x128xi32, #tpu.memory_space<hbm>>
      tpu.wait_dma2 semaphore(%run_scoped3A : memref<!tpu.dma_semaphore, #tpu.memory_space<semaphore_mem>>) src(%dma_wait3A_305 : memref<40x1x128xi32, #tpu.memory_space<hbm>>) dst(%arg7 : memref<40x1x128xi32, #tpu.memory_space<vmem>>)
      tpu.yield
    }) : () -> ()
    %dma_start3A_165 = arith.constant 0 : i32
    %dma_start3A_166 = arith.constant 0 : i32
    %dma_start3A_167 = arith.constant 0 : i32
    %dma_start3A_168 = tpu.memref_slice %arg6[%dma_start3A_165, %dma_start3A_166, %dma_start3A_167] : memref<40x1x128xi32, #tpu.memory_space<vmem>> -> memref<1x1x128xi32, #tpu.memory_space<vmem>>
    %dma_start3A_169 = tpu.memref_squeeze %dma_start3A_168 : memref<1x1x128xi32, #tpu.memory_space<vmem>> -> memref<128xi32, #tpu.memory_space<vmem>>
    %dma_start3A_170 = arith.constant 0 : i32
    %dma_start3A_171 = arith.constant 0 : i32
    %dma_start3A_172 = tpu.memref_slice %arg2[%dma_start3A_170, %dma_start3A_171] : memref<20480x128xf32, #tpu.memory_space<hbm>> -> memref<20480x128xf32, #tpu.memory_space<hbm>>
    tpu.enqueue_indirect_dma source(%dma_start3A_172 : memref<20480x128xf32, #tpu.memory_space<hbm>>) target(%arg8 : memref<128x128xf32, #tpu.memory_space<vmem>>) offsets(%dma_start3A_169 : memref<128xi32, #tpu.memory_space<vmem>>) semaphore(%arg12 : memref<!tpu.dma_semaphore, #tpu.memory_space<semaphore_mem>>)
    %dma_wait3A_173 = arith.constant 0 : i32
    %dma_wait3A_174 = arith.constant 0 : i32
    %dma_wait3A_175 = tpu.memref_slice %arg2[%dma_wait3A_173, %dma_wait3A_174] : memref<20480x128xf32, #tpu.memory_space<hbm>> -> memref<128x128xf32, #tpu.memory_space<hbm>>
    %dma_wait3A_176 = arith.constant 0 : i32
    %dma_wait3A_177 = arith.constant 0 : i32
    %dma_wait3A_178 = tpu.memref_slice %arg2[%dma_wait3A_176, %dma_wait3A_177] : memref<20480x128xf32, #tpu.memory_space<hbm>> -> memref<128x128xf32, #tpu.memory_space<hbm>>
    tpu.wait_dma2 semaphore(%arg12 : memref<!tpu.dma_semaphore, #tpu.memory_space<semaphore_mem>>) src(%dma_wait3A_178 : memref<128x128xf32, #tpu.memory_space<hbm>>) dst(%arg8 : memref<128x128xf32, #tpu.memory_space<vmem>>)
    %dma_start3A_179 = arith.constant 1 : i32
    %dma_start3A_180 = arith.constant 0 : i32
    %dma_start3A_181 = arith.constant 0 : i32
    %dma_start3A_182 = tpu.memref_slice %arg6[%dma_start3A_179, %dma_start3A_180, %dma_start3A_181] : memref<40x1x128xi32, #tpu.memory_space<vmem>> -> memref<1x1x128xi32, #tpu.memory_space<vmem>>
    %dma_start3A_183 = tpu.memref_squeeze %dma_start3A_182 : memref<1x1x128xi32, #tpu.memory_space<vmem>> -> memref<128xi32, #tpu.memory_space<vmem>>
    %dma_start3A_184 = arith.constant 0 : i32
    %dma_start3A_185 = arith.constant 0 : i32
    %dma_start3A_186 = tpu.memref_slice %arg2[%dma_start3A_184, %dma_start3A_185] : memref<20480x128xf32, #tpu.memory_space<hbm>> -> memref<20480x128xf32, #tpu.memory_space<hbm>>
    tpu.enqueue_indirect_dma source(%dma_start3A_186 : memref<20480x128xf32, #tpu.memory_space<hbm>>) target(%arg9 : memref<128x128xf32, #tpu.memory_space<vmem>>) offsets(%dma_start3A_183 : memref<128xi32, #tpu.memory_space<vmem>>) semaphore(%arg13 : memref<!tpu.dma_semaphore, #tpu.memory_space<semaphore_mem>>)
    %dma_start3A_187 = arith.constant 0 : i32
    %dma_start3A_188 = arith.constant 0 : i32
    %dma_start3A_189 = arith.constant 0 : i32
    %dma_start3A_190 = tpu.memref_slice %arg7[%dma_start3A_187, %dma_start3A_188, %dma_start3A_189] : memref<40x1x128xi32, #tpu.memory_space<vmem>> -> memref<1x1x128xi32, #tpu.memory_space<vmem>>
    %dma_start3A_191 = tpu.memref_squeeze %dma_start3A_190 : memref<1x1x128xi32, #tpu.memory_space<vmem>> -> memref<128xi32, #tpu.memory_space<vmem>>
    %dma_start3A_192 = arith.constant 0 : i32
    %dma_start3A_193 = arith.constant 0 : i32
    %dma_start3A_194 = tpu.memref_slice %arg11[%dma_start3A_192, %dma_start3A_193] : memref<10368x128xf32, #tpu.memory_space<vmem_shared>> -> memref<10368x128xf32, #tpu.memory_space<vmem_shared>>
    tpu.enqueue_indirect_dma source(%arg8 : memref<128x128xf32, #tpu.memory_space<vmem>>) target(%dma_start3A_194 : memref<10368x128xf32, #tpu.memory_space<vmem_shared>>) offsets(%dma_start3A_191 : memref<128xi32, #tpu.memory_space<vmem>>) semaphore(%arg14 : memref<!tpu.dma_semaphore, #tpu.memory_space<semaphore_mem>>) {add = true}
    %scan3A_195 = arith.constant 0 : i32
    %scan3A_196 = arith.constant 0 : i32
    %scan3A_197 = arith.constant 18 : i32
    %scan3A_198 = arith.addi %scan3A_196, %scan3A_197 : i32
    %scan3A_199 = arith.constant 1 : i32
    scf.for %scan3A_294 = %scan3A_196 to %scan3A_198 step %scan3A_199  : i32 {
      %mul3A_295 = arith.constant 2 : i32
      %mul3A_296 = arith.muli %mul3A_295, %scan3A_294 : i32
      %dma_wait3A_297 = arith.constant 0 : i32
      %dma_wait3A_298 = arith.constant 0 : i32
      %dma_wait3A_299 = tpu.memref_slice %arg2[%dma_wait3A_297, %dma_wait3A_298] : memref<20480x128xf32, #tpu.memory_space<hbm>> -> memref<128x128xf32, #tpu.memory_space<hbm>>
      %dma_wait3A_300 = arith.constant 0 : i32
      %dma_wait3A_301 = arith.constant 0 : i32
      %dma_wait3A_302 = tpu.memref_slice %arg2[%dma_wait3A_300, %dma_wait3A_301] : memref<20480x128xf32, #tpu.memory_space<hbm>> -> memref<128x128xf32, #tpu.memory_space<hbm>>
      tpu.wait_dma2 semaphore(%arg13 : memref<!tpu.dma_semaphore, #tpu.memory_space<semaphore_mem>>) src(%dma_wait3A_302 : memref<128x128xf32, #tpu.memory_space<hbm>>) dst(%arg9 : memref<128x128xf32, #tpu.memory_space<vmem>>)
      %dma_wait3A_303 = arith.constant 0 : i32
      %dma_wait3A_304 = arith.constant 0 : i32
      %dma_wait3A_305 = arith.constant 0 : i32
      %dma_wait3A_306 = tpu.memref_slice %arg7[%dma_wait3A_303, %dma_wait3A_304, %dma_wait3A_305] : memref<40x1x128xi32, #tpu.memory_space<vmem>> -> memref<1x1x128xi32, #tpu.memory_space<vmem>>
      %dma_wait3A_307 = tpu.memref_squeeze %dma_wait3A_306 : memref<1x1x128xi32, #tpu.memory_space<vmem>> -> memref<128xi32, #tpu.memory_space<vmem>>
      %dma_wait3A_308 = arith.constant 0 : i32
      %dma_wait3A_309 = arith.constant 0 : i32
      %dma_wait3A_310 = tpu.memref_slice %arg11[%dma_wait3A_308, %dma_wait3A_309] : memref<10368x128xf32, #tpu.memory_space<vmem_shared>> -> memref<10368x128xf32, #tpu.memory_space<vmem_shared>>
      tpu.wait_indirect_dma semaphore(%arg14 : memref<!tpu.dma_semaphore, #tpu.memory_space<semaphore_mem>>) src(%arg8 : memref<128x128xf32, #tpu.memory_space<vmem>>) dst(%dma_wait3A_310 : memref<10368x128xf32, #tpu.memory_space<vmem_shared>>)
      %add3A_311 = arith.constant 2 : i32
      %add3A_312 = arith.addi %mul3A_296, %add3A_311 : i32
      %dma_start3A_313 = arith.constant 0 : i32
      %dma_start3A_314 = arith.constant 0 : i32
      %dma_start3A_315 = tpu.memref_slice %arg6[%add3A_312, %dma_start3A_313, %dma_start3A_314] : memref<40x1x128xi32, #tpu.memory_space<vmem>> -> memref<1x1x128xi32, #tpu.memory_space<vmem>>
      %dma_start3A_316 = tpu.memref_squeeze %dma_start3A_315 : memref<1x1x128xi32, #tpu.memory_space<vmem>> -> memref<128xi32, #tpu.memory_space<vmem>>
      %dma_start3A_317 = arith.constant 0 : i32
      %dma_start3A_318 = arith.constant 0 : i32
      %dma_start3A_319 = tpu.memref_slice %arg2[%dma_start3A_317, %dma_start3A_318] : memref<20480x128xf32, #tpu.memory_space<hbm>> -> memref<20480x128xf32, #tpu.memory_space<hbm>>
      tpu.enqueue_indirect_dma source(%dma_start3A_319 : memref<20480x128xf32, #tpu.memory_space<hbm>>) target(%arg8 : memref<128x128xf32, #tpu.memory_space<vmem>>) offsets(%dma_start3A_316 : memref<128xi32, #tpu.memory_space<vmem>>) semaphore(%arg12 : memref<!tpu.dma_semaphore, #tpu.memory_space<semaphore_mem>>)
      %add3A_320 = arith.constant 1 : i32
      %add3A_321 = arith.addi %mul3A_296, %add3A_320 : i32
      %dma_start3A_322 = arith.constant 0 : i32
      %dma_start3A_323 = arith.constant 0 : i32
      %dma_start3A_324 = tpu.memref_slice %arg7[%add3A_321, %dma_start3A_322, %dma_start3A_323] : memref<40x1x128xi32, #tpu.memory_space<vmem>> -> memref<1x1x128xi32, #tpu.memory_space<vmem>>
      %dma_start3A_325 = tpu.memref_squeeze %dma_start3A_324 : memref<1x1x128xi32, #tpu.memory_space<vmem>> -> memref<128xi32, #tpu.memory_space<vmem>>
      %dma_start3A_326 = arith.constant 0 : i32
      %dma_start3A_327 = arith.constant 0 : i32
      %dma_start3A_328 = tpu.memref_slice %arg11[%dma_start3A_326, %dma_start3A_327] : memref<10368x128xf32, #tpu.memory_space<vmem_shared>> -> memref<10368x128xf32, #tpu.memory_space<vmem_shared>>
      tpu.enqueue_indirect_dma source(%arg9 : memref<128x128xf32, #tpu.memory_space<vmem>>) target(%dma_start3A_328 : memref<10368x128xf32, #tpu.memory_space<vmem_shared>>) offsets(%dma_start3A_325 : memref<128xi32, #tpu.memory_space<vmem>>) semaphore(%arg15 : memref<!tpu.dma_semaphore, #tpu.memory_space<semaphore_mem>>) {add = true}
      %dma_wait3A_329 = arith.constant 0 : i32
      %dma_wait3A_330 = arith.constant 0 : i32
      %dma_wait3A_331 = tpu.memref_slice %arg2[%dma_wait3A_329, %dma_wait3A_330] : memref<20480x128xf32, #tpu.memory_space<hbm>> -> memref<128x128xf32, #tpu.memory_space<hbm>>
      %dma_wait3A_332 = arith.constant 0 : i32
      %dma_wait3A_333 = arith.constant 0 : i32
      %dma_wait3A_334 = tpu.memref_slice %arg2[%dma_wait3A_332, %dma_wait3A_333] : memref<20480x128xf32, #tpu.memory_space<hbm>> -> memref<128x128xf32, #tpu.memory_space<hbm>>
      tpu.wait_dma2 semaphore(%arg12 : memref<!tpu.dma_semaphore, #tpu.memory_space<semaphore_mem>>) src(%dma_wait3A_334 : memref<128x128xf32, #tpu.memory_space<hbm>>) dst(%arg8 : memref<128x128xf32, #tpu.memory_space<vmem>>)
      %dma_wait3A_335 = arith.constant 0 : i32
      %dma_wait3A_336 = arith.constant 0 : i32
      %dma_wait3A_337 = arith.constant 0 : i32
      %dma_wait3A_338 = tpu.memref_slice %arg7[%dma_wait3A_335, %dma_wait3A_336, %dma_wait3A_337] : memref<40x1x128xi32, #tpu.memory_space<vmem>> -> memref<1x1x128xi32, #tpu.memory_space<vmem>>
      %dma_wait3A_339 = tpu.memref_squeeze %dma_wait3A_338 : memref<1x1x128xi32, #tpu.memory_space<vmem>> -> memref<128xi32, #tpu.memory_space<vmem>>
      %dma_wait3A_340 = arith.constant 0 : i32
      %dma_wait3A_341 = arith.constant 0 : i32
      %dma_wait3A_342 = tpu.memref_slice %arg11[%dma_wait3A_340, %dma_wait3A_341] : memref<10368x128xf32, #tpu.memory_space<vmem_shared>> -> memref<10368x128xf32, #tpu.memory_space<vmem_shared>>
      tpu.wait_indirect_dma semaphore(%arg15 : memref<!tpu.dma_semaphore, #tpu.memory_space<semaphore_mem>>) src(%arg9 : memref<128x128xf32, #tpu.memory_space<vmem>>) dst(%dma_wait3A_342 : memref<10368x128xf32, #tpu.memory_space<vmem_shared>>)
      %add3A_343 = arith.constant 3 : i32
      %add3A_344 = arith.addi %mul3A_296, %add3A_343 : i32
      %dma_start3A_345 = arith.constant 0 : i32
      %dma_start3A_346 = arith.constant 0 : i32
      %dma_start3A_347 = tpu.memref_slice %arg6[%add3A_344, %dma_start3A_345, %dma_start3A_346] : memref<40x1x128xi32, #tpu.memory_space<vmem>> -> memref<1x1x128xi32, #tpu.memory_space<vmem>>
      %dma_start3A_348 = tpu.memref_squeeze %dma_start3A_347 : memref<1x1x128xi32, #tpu.memory_space<vmem>> -> memref<128xi32, #tpu.memory_space<vmem>>
      %dma_start3A_349 = arith.constant 0 : i32
      %dma_start3A_350 = arith.constant 0 : i32
      %dma_start3A_351 = tpu.memref_slice %arg2[%dma_start3A_349, %dma_start3A_350] : memref<20480x128xf32, #tpu.memory_space<hbm>> -> memref<20480x128xf32, #tpu.memory_space<hbm>>
      tpu.enqueue_indirect_dma source(%dma_start3A_351 : memref<20480x128xf32, #tpu.memory_space<hbm>>) target(%arg9 : memref<128x128xf32, #tpu.memory_space<vmem>>) offsets(%dma_start3A_348 : memref<128xi32, #tpu.memory_space<vmem>>) semaphore(%arg13 : memref<!tpu.dma_semaphore, #tpu.memory_space<semaphore_mem>>)
      %add3A_352 = arith.constant 2 : i32
      %add3A_353 = arith.addi %mul3A_296, %add3A_352 : i32
      %dma_start3A_354 = arith.constant 0 : i32
      %dma_start3A_355 = arith.constant 0 : i32
      %dma_start3A_356 = tpu.memref_slice %arg7[%add3A_353, %dma_start3A_354, %dma_start3A_355] : memref<40x1x128xi32, #tpu.memory_space<vmem>> -> memref<1x1x128xi32, #tpu.memory_space<vmem>>
      %dma_start3A_357 = tpu.memref_squeeze %dma_start3A_356 : memref<1x1x128xi32, #tpu.memory_space<vmem>> -> memref<128xi32, #tpu.memory_space<vmem>>
      %dma_start3A_358 = arith.constant 0 : i32
      %dma_start3A_359 = arith.constant 0 : i32
      %dma_start3A_360 = tpu.memref_slice %arg11[%dma_start3A_358, %dma_start3A_359] : memref<10368x128xf32, #tpu.memory_space<vmem_shared>> -> memref<10368x128xf32, #tpu.memory_space<vmem_shared>>
      tpu.enqueue_indirect_dma source(%arg8 : memref<128x128xf32, #tpu.memory_space<vmem>>) target(%dma_start3A_360 : memref<10368x128xf32, #tpu.memory_space<vmem_shared>>) offsets(%dma_start3A_357 : memref<128xi32, #tpu.memory_space<vmem>>) semaphore(%arg14 : memref<!tpu.dma_semaphore, #tpu.memory_space<semaphore_mem>>) {add = true}
    }
    %scan3A_200 = arith.constant 18 : i32
    %dma_wait3A_201 = arith.constant 0 : i32
    %dma_wait3A_202 = arith.constant 0 : i32
    %dma_wait3A_203 = tpu.memref_slice %arg2[%dma_wait3A_201, %dma_wait3A_202] : memref<20480x128xf32, #tpu.memory_space<hbm>> -> memref<128x128xf32, #tpu.memory_space<hbm>>
    %dma_wait3A_204 = arith.constant 0 : i32
    %dma_wait3A_205 = arith.constant 0 : i32
    %dma_wait3A_206 = tpu.memref_slice %arg2[%dma_wait3A_204, %dma_wait3A_205] : memref<20480x128xf32, #tpu.memory_space<hbm>> -> memref<128x128xf32, #tpu.memory_space<hbm>>
    tpu.wait_dma2 semaphore(%arg13 : memref<!tpu.dma_semaphore, #tpu.memory_space<semaphore_mem>>) src(%dma_wait3A_206 : memref<128x128xf32, #tpu.memory_space<hbm>>) dst(%arg9 : memref<128x128xf32, #tpu.memory_space<vmem>>)
    %dma_wait3A_207 = arith.constant 0 : i32
    %dma_wait3A_208 = arith.constant 0 : i32
    %dma_wait3A_209 = arith.constant 0 : i32
    %dma_wait3A_210 = tpu.memref_slice %arg7[%dma_wait3A_207, %dma_wait3A_208, %dma_wait3A_209] : memref<40x1x128xi32, #tpu.memory_space<vmem>> -> memref<1x1x128xi32, #tpu.memory_space<vmem>>
    %dma_wait3A_211 = tpu.memref_squeeze %dma_wait3A_210 : memref<1x1x128xi32, #tpu.memory_space<vmem>> -> memref<128xi32, #tpu.memory_space<vmem>>
    %dma_wait3A_212 = arith.constant 0 : i32
    %dma_wait3A_213 = arith.constant 0 : i32
    %dma_wait3A_214 = tpu.memref_slice %arg11[%dma_wait3A_212, %dma_wait3A_213] : memref<10368x128xf32, #tpu.memory_space<vmem_shared>> -> memref<10368x128xf32, #tpu.memory_space<vmem_shared>>
    tpu.wait_indirect_dma semaphore(%arg14 : memref<!tpu.dma_semaphore, #tpu.memory_space<semaphore_mem>>) src(%arg8 : memref<128x128xf32, #tpu.memory_space<vmem>>) dst(%dma_wait3A_214 : memref<10368x128xf32, #tpu.memory_space<vmem_shared>>)
    %dma_start3A_215 = arith.constant 38 : i32
    %dma_start3A_216 = arith.constant 0 : i32
    %dma_start3A_217 = arith.constant 0 : i32
    %dma_start3A_218 = tpu.memref_slice %arg6[%dma_start3A_215, %dma_start3A_216, %dma_start3A_217] : memref<40x1x128xi32, #tpu.memory_space<vmem>> -> memref<1x1x128xi32, #tpu.memory_space<vmem>>
    %dma_start3A_219 = tpu.memref_squeeze %dma_start3A_218 : memref<1x1x128xi32, #tpu.memory_space<vmem>> -> memref<128xi32, #tpu.memory_space<vmem>>
    %dma_start3A_220 = arith.constant 0 : i32
    %dma_start3A_221 = arith.constant 0 : i32
    %dma_start3A_222 = tpu.memref_slice %arg2[%dma_start3A_220, %dma_start3A_221] : memref<20480x128xf32, #tpu.memory_space<hbm>> -> memref<20480x128xf32, #tpu.memory_space<hbm>>
    tpu.enqueue_indirect_dma source(%dma_start3A_222 : memref<20480x128xf32, #tpu.memory_space<hbm>>) target(%arg8 : memref<128x128xf32, #tpu.memory_space<vmem>>) offsets(%dma_start3A_219 : memref<128xi32, #tpu.memory_space<vmem>>) semaphore(%arg12 : memref<!tpu.dma_semaphore, #tpu.memory_space<semaphore_mem>>)
    %dma_start3A_223 = arith.constant 37 : i32
    %dma_start3A_224 = arith.constant 0 : i32
    %dma_start3A_225 = arith.constant 0 : i32
    %dma_start3A_226 = tpu.memref_slice %arg7[%dma_start3A_223, %dma_start3A_224, %dma_start3A_225] : memref<40x1x128xi32, #tpu.memory_space<vmem>> -> memref<1x1x128xi32, #tpu.memory_space<vmem>>
    %dma_start3A_227 = tpu.memref_squeeze %dma_start3A_226 : memref<1x1x128xi32, #tpu.memory_space<vmem>> -> memref<128xi32, #tpu.memory_space<vmem>>
    %dma_start3A_228 = arith.constant 0 : i32
    %dma_start3A_229 = arith.constant 0 : i32
    %dma_start3A_230 = tpu.memref_slice %arg11[%dma_start3A_228, %dma_start3A_229] : memref<10368x128xf32, #tpu.memory_space<vmem_shared>> -> memref<10368x128xf32, #tpu.memory_space<vmem_shared>>
    tpu.enqueue_indirect_dma source(%arg9 : memref<128x128xf32, #tpu.memory_space<vmem>>) target(%dma_start3A_230 : memref<10368x128xf32, #tpu.memory_space<vmem_shared>>) offsets(%dma_start3A_227 : memref<128xi32, #tpu.memory_space<vmem>>) semaphore(%arg15 : memref<!tpu.dma_semaphore, #tpu.memory_space<semaphore_mem>>) {add = true}
    %dma_wait3A_231 = arith.constant 0 : i32
    %dma_wait3A_232 = arith.constant 0 : i32
    %dma_wait3A_233 = tpu.memref_slice %arg2[%dma_wait3A_231, %dma_wait3A_232] : memref<20480x128xf32, #tpu.memory_space<hbm>> -> memref<128x128xf32, #tpu.memory_space<hbm>>
    %dma_wait3A_234 = arith.constant 0 : i32
    %dma_wait3A_235 = arith.constant 0 : i32
    %dma_wait3A_236 = tpu.memref_slice %arg2[%dma_wait3A_234, %dma_wait3A_235] : memref<20480x128xf32, #tpu.memory_space<hbm>> -> memref<128x128xf32, #tpu.memory_space<hbm>>
    tpu.wait_dma2 semaphore(%arg12 : memref<!tpu.dma_semaphore, #tpu.memory_space<semaphore_mem>>) src(%dma_wait3A_236 : memref<128x128xf32, #tpu.memory_space<hbm>>) dst(%arg8 : memref<128x128xf32, #tpu.memory_space<vmem>>)
    %dma_wait3A_237 = arith.constant 0 : i32
    %dma_wait3A_238 = arith.constant 0 : i32
    %dma_wait3A_239 = arith.constant 0 : i32
    %dma_wait3A_240 = tpu.memref_slice %arg7[%dma_wait3A_237, %dma_wait3A_238, %dma_wait3A_239] : memref<40x1x128xi32, #tpu.memory_space<vmem>> -> memref<1x1x128xi32, #tpu.memory_space<vmem>>
    %dma_wait3A_241 = tpu.memref_squeeze %dma_wait3A_240 : memref<1x1x128xi32, #tpu.memory_space<vmem>> -> memref<128xi32, #tpu.memory_space<vmem>>
    %dma_wait3A_242 = arith.constant 0 : i32
    %dma_wait3A_243 = arith.constant 0 : i32
    %dma_wait3A_244 = tpu.memref_slice %arg11[%dma_wait3A_242, %dma_wait3A_243] : memref<10368x128xf32, #tpu.memory_space<vmem_shared>> -> memref<10368x128xf32, #tpu.memory_space<vmem_shared>>
    tpu.wait_indirect_dma semaphore(%arg15 : memref<!tpu.dma_semaphore, #tpu.memory_space<semaphore_mem>>) src(%arg9 : memref<128x128xf32, #tpu.memory_space<vmem>>) dst(%dma_wait3A_244 : memref<10368x128xf32, #tpu.memory_space<vmem_shared>>)
    %dma_start3A_245 = arith.constant 39 : i32
    %dma_start3A_246 = arith.constant 0 : i32
    %dma_start3A_247 = arith.constant 0 : i32
    %dma_start3A_248 = tpu.memref_slice %arg6[%dma_start3A_245, %dma_start3A_246, %dma_start3A_247] : memref<40x1x128xi32, #tpu.memory_space<vmem>> -> memref<1x1x128xi32, #tpu.memory_space<vmem>>
    %dma_start3A_249 = tpu.memref_squeeze %dma_start3A_248 : memref<1x1x128xi32, #tpu.memory_space<vmem>> -> memref<128xi32, #tpu.memory_space<vmem>>
    %dma_start3A_250 = arith.constant 0 : i32
    %dma_start3A_251 = arith.constant 0 : i32
    %dma_start3A_252 = tpu.memref_slice %arg2[%dma_start3A_250, %dma_start3A_251] : memref<20480x128xf32, #tpu.memory_space<hbm>> -> memref<20480x128xf32, #tpu.memory_space<hbm>>
    tpu.enqueue_indirect_dma source(%dma_start3A_252 : memref<20480x128xf32, #tpu.memory_space<hbm>>) target(%arg9 : memref<128x128xf32, #tpu.memory_space<vmem>>) offsets(%dma_start3A_249 : memref<128xi32, #tpu.memory_space<vmem>>) semaphore(%arg13 : memref<!tpu.dma_semaphore, #tpu.memory_space<semaphore_mem>>)
    %dma_start3A_253 = arith.constant 38 : i32
    %dma_start3A_254 = arith.constant 0 : i32
    %dma_start3A_255 = arith.constant 0 : i32
    %dma_start3A_256 = tpu.memref_slice %arg7[%dma_start3A_253, %dma_start3A_254, %dma_start3A_255] : memref<40x1x128xi32, #tpu.memory_space<vmem>> -> memref<1x1x128xi32, #tpu.memory_space<vmem>>
    %dma_start3A_257 = tpu.memref_squeeze %dma_start3A_256 : memref<1x1x128xi32, #tpu.memory_space<vmem>> -> memref<128xi32, #tpu.memory_space<vmem>>
    %dma_start3A_258 = arith.constant 0 : i32
    %dma_start3A_259 = arith.constant 0 : i32
    %dma_start3A_260 = tpu.memref_slice %arg11[%dma_start3A_258, %dma_start3A_259] : memref<10368x128xf32, #tpu.memory_space<vmem_shared>> -> memref<10368x128xf32, #tpu.memory_space<vmem_shared>>
    tpu.enqueue_indirect_dma source(%arg8 : memref<128x128xf32, #tpu.memory_space<vmem>>) target(%dma_start3A_260 : memref<10368x128xf32, #tpu.memory_space<vmem_shared>>) offsets(%dma_start3A_257 : memref<128xi32, #tpu.memory_space<vmem>>) semaphore(%arg14 : memref<!tpu.dma_semaphore, #tpu.memory_space<semaphore_mem>>) {add = true}
    %dma_wait3A_261 = arith.constant 0 : i32
    %dma_wait3A_262 = arith.constant 0 : i32
    %dma_wait3A_263 = tpu.memref_slice %arg2[%dma_wait3A_261, %dma_wait3A_262] : memref<20480x128xf32, #tpu.memory_space<hbm>> -> memref<128x128xf32, #tpu.memory_space<hbm>>
    %dma_wait3A_264 = arith.constant 0 : i32
    %dma_wait3A_265 = arith.constant 0 : i32
    %dma_wait3A_266 = tpu.memref_slice %arg2[%dma_wait3A_264, %dma_wait3A_265] : memref<20480x128xf32, #tpu.memory_space<hbm>> -> memref<128x128xf32, #tpu.memory_space<hbm>>
    tpu.wait_dma2 semaphore(%arg13 : memref<!tpu.dma_semaphore, #tpu.memory_space<semaphore_mem>>) src(%dma_wait3A_266 : memref<128x128xf32, #tpu.memory_space<hbm>>) dst(%arg9 : memref<128x128xf32, #tpu.memory_space<vmem>>)
    %dma_wait3A_267 = arith.constant 0 : i32
    %dma_wait3A_268 = arith.constant 0 : i32
    %dma_wait3A_269 = arith.constant 0 : i32
    %dma_wait3A_270 = tpu.memref_slice %arg7[%dma_wait3A_267, %dma_wait3A_268, %dma_wait3A_269] : memref<40x1x128xi32, #tpu.memory_space<vmem>> -> memref<1x1x128xi32, #tpu.memory_space<vmem>>
    %dma_wait3A_271 = tpu.memref_squeeze %dma_wait3A_270 : memref<1x1x128xi32, #tpu.memory_space<vmem>> -> memref<128xi32, #tpu.memory_space<vmem>>
    %dma_wait3A_272 = arith.constant 0 : i32
    %dma_wait3A_273 = arith.constant 0 : i32
    %dma_wait3A_274 = tpu.memref_slice %arg11[%dma_wait3A_272, %dma_wait3A_273] : memref<10368x128xf32, #tpu.memory_space<vmem_shared>> -> memref<10368x128xf32, #tpu.memory_space<vmem_shared>>
    tpu.wait_indirect_dma semaphore(%arg14 : memref<!tpu.dma_semaphore, #tpu.memory_space<semaphore_mem>>) src(%arg8 : memref<128x128xf32, #tpu.memory_space<vmem>>) dst(%dma_wait3A_274 : memref<10368x128xf32, #tpu.memory_space<vmem_shared>>)
    %dma_start3A_275 = arith.constant 39 : i32
    %dma_start3A_276 = arith.constant 0 : i32
    %dma_start3A_277 = arith.constant 0 : i32
    %dma_start3A_278 = tpu.memref_slice %arg7[%dma_start3A_275, %dma_start3A_276, %dma_start3A_277] : memref<40x1x128xi32, #tpu.memory_space<vmem>> -> memref<1x1x128xi32, #tpu.memory_space<vmem>>
    %dma_start3A_279 = tpu.memref_squeeze %dma_start3A_278 : memref<1x1x128xi32, #tpu.memory_space<vmem>> -> memref<128xi32, #tpu.memory_space<vmem>>
    %dma_start3A_280 = arith.constant 0 : i32
    %dma_start3A_281 = arith.constant 0 : i32
    %dma_start3A_282 = tpu.memref_slice %arg11[%dma_start3A_280, %dma_start3A_281] : memref<10368x128xf32, #tpu.memory_space<vmem_shared>> -> memref<10368x128xf32, #tpu.memory_space<vmem_shared>>
    tpu.enqueue_indirect_dma source(%arg9 : memref<128x128xf32, #tpu.memory_space<vmem>>) target(%dma_start3A_282 : memref<10368x128xf32, #tpu.memory_space<vmem_shared>>) offsets(%dma_start3A_279 : memref<128xi32, #tpu.memory_space<vmem>>) semaphore(%arg15 : memref<!tpu.dma_semaphore, #tpu.memory_space<semaphore_mem>>) {add = true}
    %dma_wait3A_283 = arith.constant 0 : i32
    %dma_wait3A_284 = arith.constant 0 : i32
    %dma_wait3A_285 = arith.constant 0 : i32
    %dma_wait3A_286 = tpu.memref_slice %arg7[%dma_wait3A_283, %dma_wait3A_284, %dma_wait3A_285] : memref<40x1x128xi32, #tpu.memory_space<vmem>> -> memref<1x1x128xi32, #tpu.memory_space<vmem>>
    %dma_wait3A_287 = tpu.memref_squeeze %dma_wait3A_286 : memref<1x1x128xi32, #tpu.memory_space<vmem>> -> memref<128xi32, #tpu.memory_space<vmem>>
    %dma_wait3A_288 = arith.constant 0 : i32
    %dma_wait3A_289 = arith.constant 0 : i32
    %dma_wait3A_290 = tpu.memref_slice %arg11[%dma_wait3A_288, %dma_wait3A_289] : memref<10368x128xf32, #tpu.memory_space<vmem_shared>> -> memref<10368x128xf32, #tpu.memory_space<vmem_shared>>
    tpu.wait_indirect_dma semaphore(%arg15 : memref<!tpu.dma_semaphore, #tpu.memory_space<semaphore_mem>>) src(%arg9 : memref<128x128xf32, #tpu.memory_space<vmem>>) dst(%dma_wait3A_290 : memref<10368x128xf32, #tpu.memory_space<vmem_shared>>)
    %barrier3A_291 = arith.constant 0 : index
    tpu.barrier barrier_id(%barrier3A_291)
    %mul3A_292 = arith.constant 640 : i32
    %mul3A_293 = arith.muli %arg1, %mul3A_292 : i32
    "tpu.region"() ({
      %run_scoped3A = tpu.sem_alloc : memref<!tpu.dma_semaphore, #tpu.memory_space<semaphore_mem>>
      %dma_start3A_294 = arith.constant 0 : i32
      %dma_start3A_295 = arith.constant 0 : i32
      %dma_start3A_296 = tpu.memref_slice %arg5[%arg0, %dma_start3A_294, %dma_start3A_295] : memref<2x10240x128xf32, #tpu.memory_space<hbm>> -> memref<1x10240x128xf32, #tpu.memory_space<hbm>>
      %dma_start3A_297 = tpu.memref_squeeze %dma_start3A_296 : memref<1x10240x128xf32, #tpu.memory_space<hbm>> -> memref<10240x128xf32, #tpu.memory_space<hbm>>
      %dma_start3A_298 = arith.constant 0 : i32
      %dma_start3A_299 = tpu.memref_slice %dma_start3A_297[%mul3A_293, %dma_start3A_298] : memref<10240x128xf32, #tpu.memory_space<hbm>> -> memref<640x128xf32, #tpu.memory_space<hbm>>
      %dma_start3A_300 = arith.constant 0 : i32
      %dma_start3A_301 = tpu.memref_slice %arg11[%mul3A_293, %dma_start3A_300] : memref<10368x128xf32, #tpu.memory_space<vmem_shared>> -> memref<640x128xf32, #tpu.memory_space<vmem_shared>>
      tpu.enqueue_dma source(%dma_start3A_301 : memref<640x128xf32, #tpu.memory_space<vmem_shared>>) target(%dma_start3A_299 : memref<640x128xf32, #tpu.memory_space<hbm>>) target_semaphore(%run_scoped3A : memref<!tpu.dma_semaphore, #tpu.memory_space<semaphore_mem>>)
      %dma_wait3A_302 = arith.constant 0 : i32
      %dma_wait3A_303 = arith.constant 0 : i32
      %dma_wait3A_304 = tpu.memref_slice %arg5[%arg0, %dma_wait3A_302, %dma_wait3A_303] : memref<2x10240x128xf32, #tpu.memory_space<hbm>> -> memref<1x10240x128xf32, #tpu.memory_space<hbm>>
      %dma_wait3A_305 = tpu.memref_squeeze %dma_wait3A_304 : memref<1x10240x128xf32, #tpu.memory_space<hbm>> -> memref<10240x128xf32, #tpu.memory_space<hbm>>
      %dma_wait3A_306 = arith.constant 0 : i32
      %dma_wait3A_307 = tpu.memref_slice %dma_wait3A_305[%mul3A_293, %dma_wait3A_306] : memref<10240x128xf32, #tpu.memory_space<hbm>> -> memref<640x128xf32, #tpu.memory_space<hbm>>
      %dma_wait3A_308 = arith.constant 0 : i32
      %dma_wait3A_309 = tpu.memref_slice %arg11[%mul3A_293, %dma_wait3A_308] : memref<10368x128xf32, #tpu.memory_space<vmem_shared>> -> memref<640x128xf32, #tpu.memory_space<vmem_shared>>
      tpu.wait_dma2 semaphore(%run_scoped3A : memref<!tpu.dma_semaphore, #tpu.memory_space<semaphore_mem>>) src(%dma_wait3A_309 : memref<640x128xf32, #tpu.memory_space<vmem_shared>>) dst(%dma_wait3A_307 : memref<640x128xf32, #tpu.memory_space<hbm>>)
      tpu.yield
    }) : () -> ()
    return
  }
}

#map = affine_map<(d0, d1) -> (0, 0)>
#map1 = affine_map<(d0, d1) -> (0)>
#map2 = affine_map<(d0, d1) -> (0, 0, 0)>
module attributes {stable_mosaic.version = 14 : i64} {
  func.func @_pass_a_body(%arg0: i32, %arg1: i32, %arg2: memref<10240x256xf32, #tpu.memory_space<hbm>>, %arg3: memref<163840xi32, #tpu.memory_space<hbm>>, %arg4: memref<163840xi32, #tpu.memory_space<hbm>>, %arg5: memref<1280x1x128xi32, #tpu.memory_space<hbm>>, %arg6: memref<32x10368xf32, #tpu.memory_space<hbm>>, %arg7: memref<5120xi32, #tpu.memory_space<vmem>>, %arg8: memref<5120xi32, #tpu.memory_space<vmem>>, %arg9: memref<40x1x128xi32, #tpu.memory_space<vmem>>, %arg10: memref<64x256xf32, #tpu.memory_space<vmem>>, %arg11: memref<64x256xf32, #tpu.memory_space<vmem>>, %arg12: memref<64x256xf32, #tpu.memory_space<vmem>>, %arg13: memref<64x256xf32, #tpu.memory_space<vmem>>, %arg14: memref<10368xf32, #tpu.memory_space<vmem>>, %arg15: memref<256xf32, #tpu.memory_space<vmem>>, %arg16: memref<!tpu.dma_semaphore, #tpu.memory_space<semaphore_mem>>, %arg17: memref<!tpu.dma_semaphore, #tpu.memory_space<semaphore_mem>>, %arg18: memref<!tpu.dma_semaphore, #tpu.memory_space<semaphore_mem>>, %arg19: memref<!tpu.dma_semaphore, #tpu.memory_space<semaphore_mem>>) attributes {dimension_semantics = [#tpu.dimension_semantics<core_parallel>, #tpu.dimension_semantics<subcore_parallel>], iteration_bounds = array<i64: 2, 16>, scalar_prefetch = 0 : i64, scratch_operands = 13 : i64, tpu.core_type = #tpu.core_type<sc_vector_subcore>, window_params = [{transform_indices = #map}, {transform_indices = #map1}, {transform_indices = #map1}, {transform_indices = #map2}, {transform_indices = #map}]} {
    %mul3A = arith.constant 2 : i32
    %mul3A_0 = arith.muli %arg1, %mul3A : i32
    %add3A = arith.addi %mul3A_0, %arg0 : i32
    %mul3A_1 = arith.constant 5120 : i32
    %mul3A_2 = arith.muli %add3A, %mul3A_1 : i32
    %broadcast_in_dim3A = arith.constant 0.000000e+00 : f32
    %broadcast_in_dim3A_3 = vector.broadcast %broadcast_in_dim3A : f32 to vector<16xf32>
    %broadcast_in_dim3A_4 = arith.constant 1.000000e+00 : f32
    %broadcast_in_dim3A_5 = vector.broadcast %broadcast_in_dim3A_4 : f32 to vector<16xf32>
    %iota3A = tpu.iota {dimensions = array<i32: 0>} : vector<16xi32>
    %scan3A = arith.constant 0 : i32
    %scan3A_6 = arith.constant 0 : i32
    %scan3A_7 = arith.constant 648 : i32
    %scan3A_8 = arith.addi %scan3A_6, %scan3A_7 : i32
    %scan3A_9 = arith.constant 1 : i32
    scf.for %scan3A_73 = %scan3A_6 to %scan3A_8 step %scan3A_9  : i32 {
      %mul3A_74 = arith.constant 16 : i32
      %mul3A_75 = arith.muli %scan3A_73, %mul3A_74 : i32
      %swap3A = arith.index_cast %mul3A_75 : i32 to index
      %swap3A_76 = tpu.vector_load %arg14[%swap3A] {strides = array<i32>} : memref<10368xf32, #tpu.memory_space<vmem>>, vector<16xf32>,
      tpu.vector_store %arg14[%swap3A], %broadcast_in_dim3A_3 {strides = array<i32>} : memref<10368xf32, #tpu.memory_space<vmem>>, vector<16xf32>,
    }
    %scan3A_10 = arith.constant 648 : i32
    "tpu.region"() ({
      %run_scoped3A = tpu.sem_alloc : memref<!tpu.dma_semaphore, #tpu.memory_space<semaphore_mem>>
      %dma_start3A_73 = tpu.memref_slice %arg3[%mul3A_2] : memref<163840xi32, #tpu.memory_space<hbm>> -> memref<5120xi32, #tpu.memory_space<hbm>>
      %dma_start3A_74 = tpu.memref_slice %arg3[%mul3A_2] : memref<163840xi32, #tpu.memory_space<hbm>> -> memref<5120xi32, #tpu.memory_space<hbm>>
      tpu.enqueue_dma source(%dma_start3A_74 : memref<5120xi32, #tpu.memory_space<hbm>>) target(%arg7 : memref<5120xi32, #tpu.memory_space<vmem>>) target_semaphore(%run_scoped3A : memref<!tpu.dma_semaphore, #tpu.memory_space<semaphore_mem>>)
      %dma_wait3A_75 = tpu.memref_slice %arg3[%mul3A_2] : memref<163840xi32, #tpu.memory_space<hbm>> -> memref<5120xi32, #tpu.memory_space<hbm>>
      %dma_wait3A_76 = tpu.memref_slice %arg3[%mul3A_2] : memref<163840xi32, #tpu.memory_space<hbm>> -> memref<5120xi32, #tpu.memory_space<hbm>>
      tpu.wait_dma2 semaphore(%run_scoped3A : memref<!tpu.dma_semaphore, #tpu.memory_space<semaphore_mem>>) src(%dma_wait3A_76 : memref<5120xi32, #tpu.memory_space<hbm>>) dst(%arg7 : memref<5120xi32, #tpu.memory_space<vmem>>)
      tpu.yield
    }) : () -> ()
    "tpu.region"() ({
      %run_scoped3A = tpu.sem_alloc : memref<!tpu.dma_semaphore, #tpu.memory_space<semaphore_mem>>
      %dma_start3A_73 = tpu.memref_slice %arg4[%mul3A_2] : memref<163840xi32, #tpu.memory_space<hbm>> -> memref<5120xi32, #tpu.memory_space<hbm>>
      %dma_start3A_74 = tpu.memref_slice %arg4[%mul3A_2] : memref<163840xi32, #tpu.memory_space<hbm>> -> memref<5120xi32, #tpu.memory_space<hbm>>
      tpu.enqueue_dma source(%dma_start3A_74 : memref<5120xi32, #tpu.memory_space<hbm>>) target(%arg8 : memref<5120xi32, #tpu.memory_space<vmem>>) target_semaphore(%run_scoped3A : memref<!tpu.dma_semaphore, #tpu.memory_space<semaphore_mem>>)
      %dma_wait3A_75 = tpu.memref_slice %arg4[%mul3A_2] : memref<163840xi32, #tpu.memory_space<hbm>> -> memref<5120xi32, #tpu.memory_space<hbm>>
      %dma_wait3A_76 = tpu.memref_slice %arg4[%mul3A_2] : memref<163840xi32, #tpu.memory_space<hbm>> -> memref<5120xi32, #tpu.memory_space<hbm>>
      tpu.wait_dma2 semaphore(%run_scoped3A : memref<!tpu.dma_semaphore, #tpu.memory_space<semaphore_mem>>) src(%dma_wait3A_76 : memref<5120xi32, #tpu.memory_space<hbm>>) dst(%arg8 : memref<5120xi32, #tpu.memory_space<vmem>>)
      tpu.yield
    }) : () -> ()
    %dma_start3A = arith.constant 0 : i32
    %dma_start3A_11 = tpu.memref_slice %arg7[%dma_start3A] : memref<5120xi32, #tpu.memory_space<vmem>> -> memref<64xi32, #tpu.memory_space<vmem>>
    %dma_start3A_12 = arith.constant 0 : i32
    %dma_start3A_13 = arith.constant 0 : i32
    %dma_start3A_14 = tpu.memref_slice %arg2[%dma_start3A_12, %dma_start3A_13] : memref<10240x256xf32, #tpu.memory_space<hbm>> -> memref<10240x256xf32, #tpu.memory_space<hbm>>
    tpu.enqueue_indirect_dma source(%dma_start3A_14 : memref<10240x256xf32, #tpu.memory_space<hbm>>) target(%arg10 : memref<64x256xf32, #tpu.memory_space<vmem>>) offsets(%dma_start3A_11 : memref<64xi32, #tpu.memory_space<vmem>>) semaphore(%arg16 : memref<!tpu.dma_semaphore, #tpu.memory_space<semaphore_mem>>)
    %dma_start3A_15 = arith.constant 0 : i32
    %dma_start3A_16 = tpu.memref_slice %arg8[%dma_start3A_15] : memref<5120xi32, #tpu.memory_space<vmem>> -> memref<64xi32, #tpu.memory_space<vmem>>
    %dma_start3A_17 = arith.constant 0 : i32
    %dma_start3A_18 = arith.constant 0 : i32
    %dma_start3A_19 = tpu.memref_slice %arg2[%dma_start3A_17, %dma_start3A_18] : memref<10240x256xf32, #tpu.memory_space<hbm>> -> memref<10240x256xf32, #tpu.memory_space<hbm>>
    tpu.enqueue_indirect_dma source(%dma_start3A_19 : memref<10240x256xf32, #tpu.memory_space<hbm>>) target(%arg11 : memref<64x256xf32, #tpu.memory_space<vmem>>) offsets(%dma_start3A_16 : memref<64xi32, #tpu.memory_space<vmem>>) semaphore(%arg17 : memref<!tpu.dma_semaphore, #tpu.memory_space<semaphore_mem>>)
    %scan3A_20 = arith.constant 0 : i32
    %scan3A_21 = arith.constant 0 : i32
    %scan3A_22 = arith.constant 39 : i32
    %scan3A_23 = arith.addi %scan3A_21, %scan3A_22 : i32
    %scan3A_24 = arith.constant 1 : i32
    scf.for %scan3A_73 = %scan3A_21 to %scan3A_23 step %scan3A_24  : i32 {
      %mul3A_74 = arith.constant 2 : i32
      %mul3A_75 = arith.muli %mul3A_74, %scan3A_73 : i32
      %dma_wait3A_76 = arith.constant 0 : i32
      %dma_wait3A_77 = arith.constant 0 : i32
      %dma_wait3A_78 = tpu.memref_slice %arg2[%dma_wait3A_76, %dma_wait3A_77] : memref<10240x256xf32, #tpu.memory_space<hbm>> -> memref<64x256xf32, #tpu.memory_space<hbm>>
      %dma_wait3A_79 = arith.constant 0 : i32
      %dma_wait3A_80 = arith.constant 0 : i32
      %dma_wait3A_81 = tpu.memref_slice %arg2[%dma_wait3A_79, %dma_wait3A_80] : memref<10240x256xf32, #tpu.memory_space<hbm>> -> memref<64x256xf32, #tpu.memory_space<hbm>>
      tpu.wait_dma2 semaphore(%arg16 : memref<!tpu.dma_semaphore, #tpu.memory_space<semaphore_mem>>) src(%dma_wait3A_81 : memref<64x256xf32, #tpu.memory_space<hbm>>) dst(%arg10 : memref<64x256xf32, #tpu.memory_space<vmem>>)
      %dma_wait3A_82 = arith.constant 0 : i32
      %dma_wait3A_83 = arith.constant 0 : i32
      %dma_wait3A_84 = tpu.memref_slice %arg2[%dma_wait3A_82, %dma_wait3A_83] : memref<10240x256xf32, #tpu.memory_space<hbm>> -> memref<64x256xf32, #tpu.memory_space<hbm>>
      %dma_wait3A_85 = arith.constant 0 : i32
      %dma_wait3A_86 = arith.constant 0 : i32
      %dma_wait3A_87 = tpu.memref_slice %arg2[%dma_wait3A_85, %dma_wait3A_86] : memref<10240x256xf32, #tpu.memory_space<hbm>> -> memref<64x256xf32, #tpu.memory_space<hbm>>
      tpu.wait_dma2 semaphore(%arg17 : memref<!tpu.dma_semaphore, #tpu.memory_space<semaphore_mem>>) src(%dma_wait3A_87 : memref<64x256xf32, #tpu.memory_space<hbm>>) dst(%arg11 : memref<64x256xf32, #tpu.memory_space<vmem>>)
      %add3A_88 = arith.constant 1 : i32
      %add3A_89 = arith.addi %mul3A_75, %add3A_88 : i32
      %mul3A_90 = arith.constant 64 : i32
      %mul3A_91 = arith.muli %add3A_89, %mul3A_90 : i32
      %dma_start3A_92 = tpu.memref_slice %arg7[%mul3A_91] : memref<5120xi32, #tpu.memory_space<vmem>> -> memref<64xi32, #tpu.memory_space<vmem>>
      %dma_start3A_93 = arith.constant 0 : i32
      %dma_start3A_94 = arith.constant 0 : i32
      %dma_start3A_95 = tpu.memref_slice %arg2[%dma_start3A_93, %dma_start3A_94] : memref<10240x256xf32, #tpu.memory_space<hbm>> -> memref<10240x256xf32, #tpu.memory_space<hbm>>
      tpu.enqueue_indirect_dma source(%dma_start3A_95 : memref<10240x256xf32, #tpu.memory_space<hbm>>) target(%arg12 : memref<64x256xf32, #tpu.memory_space<vmem>>) offsets(%dma_start3A_92 : memref<64xi32, #tpu.memory_space<vmem>>) semaphore(%arg18 : memref<!tpu.dma_semaphore, #tpu.memory_space<semaphore_mem>>)
      %mul3A_96 = arith.constant 64 : i32
      %mul3A_97 = arith.muli %add3A_89, %mul3A_96 : i32
      %dma_start3A_98 = tpu.memref_slice %arg8[%mul3A_97] : memref<5120xi32, #tpu.memory_space<vmem>> -> memref<64xi32, #tpu.memory_space<vmem>>
      %dma_start3A_99 = arith.constant 0 : i32
      %dma_start3A_100 = arith.constant 0 : i32
      %dma_start3A_101 = tpu.memref_slice %arg2[%dma_start3A_99, %dma_start3A_100] : memref<10240x256xf32, #tpu.memory_space<hbm>> -> memref<10240x256xf32, #tpu.memory_space<hbm>>
      tpu.enqueue_indirect_dma source(%dma_start3A_101 : memref<10240x256xf32, #tpu.memory_space<hbm>>) target(%arg13 : memref<64x256xf32, #tpu.memory_space<vmem>>) offsets(%dma_start3A_98 : memref<64xi32, #tpu.memory_space<vmem>>) semaphore(%arg19 : memref<!tpu.dma_semaphore, #tpu.memory_space<semaphore_mem>>)
      %scan3A_102 = arith.constant 0 : i32
      %scan3A_103 = arith.constant 0 : i32
      %scan3A_104 = arith.constant 4 : i32
      %scan3A_105 = arith.addi %scan3A_103, %scan3A_104 : i32
      %scan3A_106 = arith.constant 1 : i32
      scf.for %scan3A_142 = %scan3A_103 to %scan3A_105 step %scan3A_106  : i32 {
        %mul3A_143 = arith.constant 16 : i32
        %mul3A_144 = arith.muli %scan3A_142, %mul3A_143 : i32
        %mul3A_145 = arith.constant 64 : i32
        %mul3A_146 = arith.muli %mul3A_75, %mul3A_145 : i32
        %add3A_147 = arith.addi %mul3A_146, %mul3A_144 : i32
        %scan3A_148 = arith.constant 0 : i32
        %scan3A_149 = arith.constant 0 : i32
        %scan3A_150 = arith.constant 16 : i32
        %scan3A_151 = arith.addi %scan3A_149, %scan3A_150 : i32
        %scan3A_152 = arith.constant 1 : i32
        scf.for %scan3A_303 = %scan3A_149 to %scan3A_151 step %scan3A_152  : i32 {
          %add3A_304 = arith.addi %mul3A_144, %scan3A_303 : i32
          %get3A_305 = arith.index_cast %add3A_304 : i32 to index
          %get3A_306 = arith.constant 0 : index
          %get3A_307 = tpu.vector_load %arg10[%get3A_305, %get3A_306] {strides = array<i32>} : memref<64x256xf32, #tpu.memory_space<vmem>>, vector<16xf32>,
          %add3A_308 = arith.addi %mul3A_144, %scan3A_303 : i32
          %get3A_309 = arith.index_cast %add3A_308 : i32 to index
          %get3A_310 = arith.constant 0 : index
          %get3A_311 = tpu.vector_load %arg11[%get3A_309, %get3A_310] {strides = array<i32>} : memref<64x256xf32, #tpu.memory_space<vmem>>, vector<16xf32>,
          %sub3A = arith.subf %get3A_307, %get3A_311 : vector<16xf32>
          %mul3A_312 = arith.mulf %sub3A, %sub3A : vector<16xf32>
          %add3A_313 = arith.addf %broadcast_in_dim3A_3, %mul3A_312 : vector<16xf32>
          %add3A_314 = arith.addi %mul3A_144, %scan3A_303 : i32
          %get3A_315 = arith.index_cast %add3A_314 : i32 to index
          %get3A_316 = arith.constant 16 : index
          %get3A_317 = tpu.vector_load %arg10[%get3A_315, %get3A_316] {strides = array<i32>} : memref<64x256xf32, #tpu.memory_space<vmem>>, vector<16xf32>,
          %add3A_318 = arith.addi %mul3A_144, %scan3A_303 : i32
          %get3A_319 = arith.index_cast %add3A_318 : i32 to index
          %get3A_320 = arith.constant 16 : index
          %get3A_321 = tpu.vector_load %arg11[%get3A_319, %get3A_320] {strides = array<i32>} : memref<64x256xf32, #tpu.memory_space<vmem>>, vector<16xf32>,
          %sub3A_322 = arith.subf %get3A_317, %get3A_321 : vector<16xf32>
          %mul3A_323 = arith.mulf %sub3A_322, %sub3A_322 : vector<16xf32>
          %add3A_324 = arith.addf %add3A_313, %mul3A_323 : vector<16xf32>
          %add3A_325 = arith.addi %mul3A_144, %scan3A_303 : i32
          %get3A_326 = arith.index_cast %add3A_325 : i32 to index
          %get3A_327 = arith.constant 32 : index
          %get3A_328 = tpu.vector_load %arg10[%get3A_326, %get3A_327] {strides = array<i32>} : memref<64x256xf32, #tpu.memory_space<vmem>>, vector<16xf32>,
          %add3A_329 = arith.addi %mul3A_144, %scan3A_303 : i32
          %get3A_330 = arith.index_cast %add3A_329 : i32 to index
          %get3A_331 = arith.constant 32 : index
          %get3A_332 = tpu.vector_load %arg11[%get3A_330, %get3A_331] {strides = array<i32>} : memref<64x256xf32, #tpu.memory_space<vmem>>, vector<16xf32>,
          %sub3A_333 = arith.subf %get3A_328, %get3A_332 : vector<16xf32>
          %mul3A_334 = arith.mulf %sub3A_333, %sub3A_333 : vector<16xf32>
          %add3A_335 = arith.addf %add3A_324, %mul3A_334 : vector<16xf32>
          %add3A_336 = arith.addi %mul3A_144, %scan3A_303 : i32
          %get3A_337 = arith.index_cast %add3A_336 : i32 to index
          %get3A_338 = arith.constant 48 : index
          %get3A_339 = tpu.vector_load %arg10[%get3A_337, %get3A_338] {strides = array<i32>} : memref<64x256xf32, #tpu.memory_space<vmem>>, vector<16xf32>,
          %add3A_340 = arith.addi %mul3A_144, %scan3A_303 : i32
          %get3A_341 = arith.index_cast %add3A_340 : i32 to index
          %get3A_342 = arith.constant 48 : index
          %get3A_343 = tpu.vector_load %arg11[%get3A_341, %get3A_342] {strides = array<i32>} : memref<64x256xf32, #tpu.memory_space<vmem>>, vector<16xf32>,
          %sub3A_344 = arith.subf %get3A_339, %get3A_343 : vector<16xf32>
          %mul3A_345 = arith.mulf %sub3A_344, %sub3A_344 : vector<16xf32>
          %add3A_346 = arith.addf %add3A_335, %mul3A_345 : vector<16xf32>
          %add3A_347 = arith.addi %mul3A_144, %scan3A_303 : i32
          %get3A_348 = arith.index_cast %add3A_347 : i32 to index
          %get3A_349 = arith.constant 64 : index
          %get3A_350 = tpu.vector_load %arg10[%get3A_348, %get3A_349] {strides = array<i32>} : memref<64x256xf32, #tpu.memory_space<vmem>>, vector<16xf32>,
          %add3A_351 = arith.addi %mul3A_144, %scan3A_303 : i32
          %get3A_352 = arith.index_cast %add3A_351 : i32 to index
          %get3A_353 = arith.constant 64 : index
          %get3A_354 = tpu.vector_load %arg11[%get3A_352, %get3A_353] {strides = array<i32>} : memref<64x256xf32, #tpu.memory_space<vmem>>, vector<16xf32>,
          %sub3A_355 = arith.subf %get3A_350, %get3A_354 : vector<16xf32>
          %mul3A_356 = arith.mulf %sub3A_355, %sub3A_355 : vector<16xf32>
          %add3A_357 = arith.addf %add3A_346, %mul3A_356 : vector<16xf32>
          %add3A_358 = arith.addi %mul3A_144, %scan3A_303 : i32
          %get3A_359 = arith.index_cast %add3A_358 : i32 to index
          %get3A_360 = arith.constant 80 : index
          %get3A_361 = tpu.vector_load %arg10[%get3A_359, %get3A_360] {strides = array<i32>} : memref<64x256xf32, #tpu.memory_space<vmem>>, vector<16xf32>,
          %add3A_362 = arith.addi %mul3A_144, %scan3A_303 : i32
          %get3A_363 = arith.index_cast %add3A_362 : i32 to index
          %get3A_364 = arith.constant 80 : index
          %get3A_365 = tpu.vector_load %arg11[%get3A_363, %get3A_364] {strides = array<i32>} : memref<64x256xf32, #tpu.memory_space<vmem>>, vector<16xf32>,
          %sub3A_366 = arith.subf %get3A_361, %get3A_365 : vector<16xf32>
          %mul3A_367 = arith.mulf %sub3A_366, %sub3A_366 : vector<16xf32>
          %add3A_368 = arith.addf %add3A_357, %mul3A_367 : vector<16xf32>
          %add3A_369 = arith.addi %mul3A_144, %scan3A_303 : i32
          %get3A_370 = arith.index_cast %add3A_369 : i32 to index
          %get3A_371 = arith.constant 96 : index
          %get3A_372 = tpu.vector_load %arg10[%get3A_370, %get3A_371] {strides = array<i32>} : memref<64x256xf32, #tpu.memory_space<vmem>>, vector<16xf32>,
          %add3A_373 = arith.addi %mul3A_144, %scan3A_303 : i32
          %get3A_374 = arith.index_cast %add3A_373 : i32 to index
          %get3A_375 = arith.constant 96 : index
          %get3A_376 = tpu.vector_load %arg11[%get3A_374, %get3A_375] {strides = array<i32>} : memref<64x256xf32, #tpu.memory_space<vmem>>, vector<16xf32>,
          %sub3A_377 = arith.subf %get3A_372, %get3A_376 : vector<16xf32>
          %mul3A_378 = arith.mulf %sub3A_377, %sub3A_377 : vector<16xf32>
          %add3A_379 = arith.addf %add3A_368, %mul3A_378 : vector<16xf32>
          %add3A_380 = arith.addi %mul3A_144, %scan3A_303 : i32
          %get3A_381 = arith.index_cast %add3A_380 : i32 to index
          %get3A_382 = arith.constant 112 : index
          %get3A_383 = tpu.vector_load %arg10[%get3A_381, %get3A_382] {strides = array<i32>} : memref<64x256xf32, #tpu.memory_space<vmem>>, vector<16xf32>,
          %add3A_384 = arith.addi %mul3A_144, %scan3A_303 : i32
          %get3A_385 = arith.index_cast %add3A_384 : i32 to index
          %get3A_386 = arith.constant 112 : index
          %get3A_387 = tpu.vector_load %arg11[%get3A_385, %get3A_386] {strides = array<i32>} : memref<64x256xf32, #tpu.memory_space<vmem>>, vector<16xf32>,
          %sub3A_388 = arith.subf %get3A_383, %get3A_387 : vector<16xf32>
          %mul3A_389 = arith.mulf %sub3A_388, %sub3A_388 : vector<16xf32>
          %add3A_390 = arith.addf %add3A_379, %mul3A_389 : vector<16xf32>
          %add3A_391 = arith.addi %mul3A_144, %scan3A_303 : i32
          %get3A_392 = arith.index_cast %add3A_391 : i32 to index
          %get3A_393 = arith.constant 128 : index
          %get3A_394 = tpu.vector_load %arg10[%get3A_392, %get3A_393] {strides = array<i32>} : memref<64x256xf32, #tpu.memory_space<vmem>>, vector<16xf32>,
          %add3A_395 = arith.addi %mul3A_144, %scan3A_303 : i32
          %get3A_396 = arith.index_cast %add3A_395 : i32 to index
          %get3A_397 = arith.constant 128 : index
          %get3A_398 = tpu.vector_load %arg11[%get3A_396, %get3A_397] {strides = array<i32>} : memref<64x256xf32, #tpu.memory_space<vmem>>, vector<16xf32>,
          %sub3A_399 = arith.subf %get3A_394, %get3A_398 : vector<16xf32>
          %mul3A_400 = arith.mulf %sub3A_399, %sub3A_399 : vector<16xf32>
          %add3A_401 = arith.addf %add3A_390, %mul3A_400 : vector<16xf32>
          %add3A_402 = arith.addi %mul3A_144, %scan3A_303 : i32
          %get3A_403 = arith.index_cast %add3A_402 : i32 to index
          %get3A_404 = arith.constant 144 : index
          %get3A_405 = tpu.vector_load %arg10[%get3A_403, %get3A_404] {strides = array<i32>} : memref<64x256xf32, #tpu.memory_space<vmem>>, vector<16xf32>,
          %add3A_406 = arith.addi %mul3A_144, %scan3A_303 : i32
          %get3A_407 = arith.index_cast %add3A_406 : i32 to index
          %get3A_408 = arith.constant 144 : index
          %get3A_409 = tpu.vector_load %arg11[%get3A_407, %get3A_408] {strides = array<i32>} : memref<64x256xf32, #tpu.memory_space<vmem>>, vector<16xf32>,
          %sub3A_410 = arith.subf %get3A_405, %get3A_409 : vector<16xf32>
          %mul3A_411 = arith.mulf %sub3A_410, %sub3A_410 : vector<16xf32>
          %add3A_412 = arith.addf %add3A_401, %mul3A_411 : vector<16xf32>
          %add3A_413 = arith.addi %mul3A_144, %scan3A_303 : i32
          %get3A_414 = arith.index_cast %add3A_413 : i32 to index
          %get3A_415 = arith.constant 160 : index
          %get3A_416 = tpu.vector_load %arg10[%get3A_414, %get3A_415] {strides = array<i32>} : memref<64x256xf32, #tpu.memory_space<vmem>>, vector<16xf32>,
          %add3A_417 = arith.addi %mul3A_144, %scan3A_303 : i32
          %get3A_418 = arith.index_cast %add3A_417 : i32 to index
          %get3A_419 = arith.constant 160 : index
          %get3A_420 = tpu.vector_load %arg11[%get3A_418, %get3A_419] {strides = array<i32>} : memref<64x256xf32, #tpu.memory_space<vmem>>, vector<16xf32>,
          %sub3A_421 = arith.subf %get3A_416, %get3A_420 : vector<16xf32>
          %mul3A_422 = arith.mulf %sub3A_421, %sub3A_421 : vector<16xf32>
          %add3A_423 = arith.addf %add3A_412, %mul3A_422 : vector<16xf32>
          %add3A_424 = arith.addi %mul3A_144, %scan3A_303 : i32
          %get3A_425 = arith.index_cast %add3A_424 : i32 to index
          %get3A_426 = arith.constant 176 : index
          %get3A_427 = tpu.vector_load %arg10[%get3A_425, %get3A_426] {strides = array<i32>} : memref<64x256xf32, #tpu.memory_space<vmem>>, vector<16xf32>,
          %add3A_428 = arith.addi %mul3A_144, %scan3A_303 : i32
          %get3A_429 = arith.index_cast %add3A_428 : i32 to index
          %get3A_430 = arith.constant 176 : index
          %get3A_431 = tpu.vector_load %arg11[%get3A_429, %get3A_430] {strides = array<i32>} : memref<64x256xf32, #tpu.memory_space<vmem>>, vector<16xf32>,
          %sub3A_432 = arith.subf %get3A_427, %get3A_431 : vector<16xf32>
          %mul3A_433 = arith.mulf %sub3A_432, %sub3A_432 : vector<16xf32>
          %add3A_434 = arith.addf %add3A_423, %mul3A_433 : vector<16xf32>
          %add3A_435 = arith.addi %mul3A_144, %scan3A_303 : i32
          %get3A_436 = arith.index_cast %add3A_435 : i32 to index
          %get3A_437 = arith.constant 192 : index
          %get3A_438 = tpu.vector_load %arg10[%get3A_436, %get3A_437] {strides = array<i32>} : memref<64x256xf32, #tpu.memory_space<vmem>>, vector<16xf32>,
          %add3A_439 = arith.addi %mul3A_144, %scan3A_303 : i32
          %get3A_440 = arith.index_cast %add3A_439 : i32 to index
          %get3A_441 = arith.constant 192 : index
          %get3A_442 = tpu.vector_load %arg11[%get3A_440, %get3A_441] {strides = array<i32>} : memref<64x256xf32, #tpu.memory_space<vmem>>, vector<16xf32>,
          %sub3A_443 = arith.subf %get3A_438, %get3A_442 : vector<16xf32>
          %mul3A_444 = arith.mulf %sub3A_443, %sub3A_443 : vector<16xf32>
          %add3A_445 = arith.addf %add3A_434, %mul3A_444 : vector<16xf32>
          %add3A_446 = arith.addi %mul3A_144, %scan3A_303 : i32
          %get3A_447 = arith.index_cast %add3A_446 : i32 to index
          %get3A_448 = arith.constant 208 : index
          %get3A_449 = tpu.vector_load %arg10[%get3A_447, %get3A_448] {strides = array<i32>} : memref<64x256xf32, #tpu.memory_space<vmem>>, vector<16xf32>,
          %add3A_450 = arith.addi %mul3A_144, %scan3A_303 : i32
          %get3A_451 = arith.index_cast %add3A_450 : i32 to index
          %get3A_452 = arith.constant 208 : index
          %get3A_453 = tpu.vector_load %arg11[%get3A_451, %get3A_452] {strides = array<i32>} : memref<64x256xf32, #tpu.memory_space<vmem>>, vector<16xf32>,
          %sub3A_454 = arith.subf %get3A_449, %get3A_453 : vector<16xf32>
          %mul3A_455 = arith.mulf %sub3A_454, %sub3A_454 : vector<16xf32>
          %add3A_456 = arith.addf %add3A_445, %mul3A_455 : vector<16xf32>
          %add3A_457 = arith.addi %mul3A_144, %scan3A_303 : i32
          %get3A_458 = arith.index_cast %add3A_457 : i32 to index
          %get3A_459 = arith.constant 224 : index
          %get3A_460 = tpu.vector_load %arg10[%get3A_458, %get3A_459] {strides = array<i32>} : memref<64x256xf32, #tpu.memory_space<vmem>>, vector<16xf32>,
          %add3A_461 = arith.addi %mul3A_144, %scan3A_303 : i32
          %get3A_462 = arith.index_cast %add3A_461 : i32 to index
          %get3A_463 = arith.constant 224 : index
          %get3A_464 = tpu.vector_load %arg11[%get3A_462, %get3A_463] {strides = array<i32>} : memref<64x256xf32, #tpu.memory_space<vmem>>, vector<16xf32>,
          %sub3A_465 = arith.subf %get3A_460, %get3A_464 : vector<16xf32>
          %mul3A_466 = arith.mulf %sub3A_465, %sub3A_465 : vector<16xf32>
          %add3A_467 = arith.addf %add3A_456, %mul3A_466 : vector<16xf32>
          %add3A_468 = arith.addi %mul3A_144, %scan3A_303 : i32
          %get3A_469 = arith.index_cast %add3A_468 : i32 to index
          %get3A_470 = arith.constant 240 : index
          %get3A_471 = tpu.vector_load %arg10[%get3A_469, %get3A_470] {strides = array<i32>} : memref<64x256xf32, #tpu.memory_space<vmem>>, vector<16xf32>,
          %add3A_472 = arith.addi %mul3A_144, %scan3A_303 : i32
          %get3A_473 = arith.index_cast %add3A_472 : i32 to index
          %get3A_474 = arith.constant 240 : index
          %get3A_475 = tpu.vector_load %arg11[%get3A_473, %get3A_474] {strides = array<i32>} : memref<64x256xf32, #tpu.memory_space<vmem>>, vector<16xf32>,
          %sub3A_476 = arith.subf %get3A_471, %get3A_475 : vector<16xf32>
          %mul3A_477 = arith.mulf %sub3A_476, %sub3A_476 : vector<16xf32>
          %add3A_478 = arith.addf %add3A_467, %mul3A_477 : vector<16xf32>
          %mul3A_479 = arith.constant 16 : i32
          %mul3A_480 = arith.muli %scan3A_303, %mul3A_479 : i32
          %swap3A_481 = arith.index_cast %mul3A_480 : i32 to index
          %swap3A_482 = tpu.vector_load %arg15[%swap3A_481] {strides = array<i32>} : memref<256xf32, #tpu.memory_space<vmem>>, vector<16xf32>,
          tpu.vector_store %arg15[%swap3A_481], %add3A_478 {strides = array<i32>} : memref<256xf32, #tpu.memory_space<vmem>>, vector<16xf32>,
        }
        %scan3A_153 = arith.constant 16 : i32
        %mul3A_154 = arith.constant 16 : i32
        %mul3A_155 = vector.broadcast %mul3A_154 : i32 to vector<16xi32>
        %mul3A_156 = arith.muli %iota3A, %mul3A_155 : vector<16xi32>
        %add3A_157 = arith.constant 0 : i32
        %add3A_158 = vector.broadcast %add3A_157 : i32 to vector<16xi32>
        %add3A_159 = arith.addi %mul3A_156, %add3A_158 : vector<16xi32>
        %gather3A = tpu.vector_load_idx %arg15[%add3A_159] : memref<256xf32, #tpu.memory_space<vmem>>[vector<16xi32>], vector<16xf32>,
        %add3A_160 = arith.addf %broadcast_in_dim3A_3, %gather3A : vector<16xf32>
        %mul3A_161 = arith.constant 16 : i32
        %mul3A_162 = vector.broadcast %mul3A_161 : i32 to vector<16xi32>
        %mul3A_163 = arith.muli %iota3A, %mul3A_162 : vector<16xi32>
        %add3A_164 = arith.constant 1 : i32
        %add3A_165 = vector.broadcast %add3A_164 : i32 to vector<16xi32>
        %add3A_166 = arith.addi %mul3A_163, %add3A_165 : vector<16xi32>
        %gather3A_167 = tpu.vector_load_idx %arg15[%add3A_166] : memref<256xf32, #tpu.memory_space<vmem>>[vector<16xi32>], vector<16xf32>,
        %add3A_168 = arith.addf %add3A_160, %gather3A_167 : vector<16xf32>
        %mul3A_169 = arith.constant 16 : i32
        %mul3A_170 = vector.broadcast %mul3A_169 : i32 to vector<16xi32>
        %mul3A_171 = arith.muli %iota3A, %mul3A_170 : vector<16xi32>
        %add3A_172 = arith.constant 2 : i32
        %add3A_173 = vector.broadcast %add3A_172 : i32 to vector<16xi32>
        %add3A_174 = arith.addi %mul3A_171, %add3A_173 : vector<16xi32>
        %gather3A_175 = tpu.vector_load_idx %arg15[%add3A_174] : memref<256xf32, #tpu.memory_space<vmem>>[vector<16xi32>], vector<16xf32>,
        %add3A_176 = arith.addf %add3A_168, %gather3A_175 : vector<16xf32>
        %mul3A_177 = arith.constant 16 : i32
        %mul3A_178 = vector.broadcast %mul3A_177 : i32 to vector<16xi32>
        %mul3A_179 = arith.muli %iota3A, %mul3A_178 : vector<16xi32>
        %add3A_180 = arith.constant 3 : i32
        %add3A_181 = vector.broadcast %add3A_180 : i32 to vector<16xi32>
        %add3A_182 = arith.addi %mul3A_179, %add3A_181 : vector<16xi32>
        %gather3A_183 = tpu.vector_load_idx %arg15[%add3A_182] : memref<256xf32, #tpu.memory_space<vmem>>[vector<16xi32>], vector<16xf32>,
        %add3A_184 = arith.addf %add3A_176, %gather3A_183 : vector<16xf32>
        %mul3A_185 = arith.constant 16 : i32
        %mul3A_186 = vector.broadcast %mul3A_185 : i32 to vector<16xi32>
        %mul3A_187 = arith.muli %iota3A, %mul3A_186 : vector<16xi32>
        %add3A_188 = arith.constant 4 : i32
        %add3A_189 = vector.broadcast %add3A_188 : i32 to vector<16xi32>
        %add3A_190 = arith.addi %mul3A_187, %add3A_189 : vector<16xi32>
        %gather3A_191 = tpu.vector_load_idx %arg15[%add3A_190] : memref<256xf32, #tpu.memory_space<vmem>>[vector<16xi32>], vector<16xf32>,
        %add3A_192 = arith.addf %add3A_184, %gather3A_191 : vector<16xf32>
        %mul3A_193 = arith.constant 16 : i32
        %mul3A_194 = vector.broadcast %mul3A_193 : i32 to vector<16xi32>
        %mul3A_195 = arith.muli %iota3A, %mul3A_194 : vector<16xi32>
        %add3A_196 = arith.constant 5 : i32
        %add3A_197 = vector.broadcast %add3A_196 : i32 to vector<16xi32>
        %add3A_198 = arith.addi %mul3A_195, %add3A_197 : vector<16xi32>
        %gather3A_199 = tpu.vector_load_idx %arg15[%add3A_198] : memref<256xf32, #tpu.memory_space<vmem>>[vector<16xi32>], vector<16xf32>,
        %add3A_200 = arith.addf %add3A_192, %gather3A_199 : vector<16xf32>
        %mul3A_201 = arith.constant 16 : i32
        %mul3A_202 = vector.broadcast %mul3A_201 : i32 to vector<16xi32>
        %mul3A_203 = arith.muli %iota3A, %mul3A_202 : vector<16xi32>
        %add3A_204 = arith.constant 6 : i32
        %add3A_205 = vector.broadcast %add3A_204 : i32 to vector<16xi32>
        %add3A_206 = arith.addi %mul3A_203, %add3A_205 : vector<16xi32>
        %gather3A_207 = tpu.vector_load_idx %arg15[%add3A_206] : memref<256xf32, #tpu.memory_space<vmem>>[vector<16xi32>], vector<16xf32>,
        %add3A_208 = arith.addf %add3A_200, %gather3A_207 : vector<16xf32>
        %mul3A_209 = arith.constant 16 : i32
        %mul3A_210 = vector.broadcast %mul3A_209 : i32 to vector<16xi32>
        %mul3A_211 = arith.muli %iota3A, %mul3A_210 : vector<16xi32>
        %add3A_212 = arith.constant 7 : i32
        %add3A_213 = vector.broadcast %add3A_212 : i32 to vector<16xi32>
        %add3A_214 = arith.addi %mul3A_211, %add3A_213 : vector<16xi32>
        %gather3A_215 = tpu.vector_load_idx %arg15[%add3A_214] : memref<256xf32, #tpu.memory_space<vmem>>[vector<16xi32>], vector<16xf32>,
        %add3A_216 = arith.addf %add3A_208, %gather3A_215 : vector<16xf32>
        %mul3A_217 = arith.constant 16 : i32
        %mul3A_218 = vector.broadcast %mul3A_217 : i32 to vector<16xi32>
        %mul3A_219 = arith.muli %iota3A, %mul3A_218 : vector<16xi32>
        %add3A_220 = arith.constant 8 : i32
        %add3A_221 = vector.broadcast %add3A_220 : i32 to vector<16xi32>
        %add3A_222 = arith.addi %mul3A_219, %add3A_221 : vector<16xi32>
        %gather3A_223 = tpu.vector_load_idx %arg15[%add3A_222] : memref<256xf32, #tpu.memory_space<vmem>>[vector<16xi32>], vector<16xf32>,
        %add3A_224 = arith.addf %add3A_216, %gather3A_223 : vector<16xf32>
        %mul3A_225 = arith.constant 16 : i32
        %mul3A_226 = vector.broadcast %mul3A_225 : i32 to vector<16xi32>
        %mul3A_227 = arith.muli %iota3A, %mul3A_226 : vector<16xi32>
        %add3A_228 = arith.constant 9 : i32
        %add3A_229 = vector.broadcast %add3A_228 : i32 to vector<16xi32>
        %add3A_230 = arith.addi %mul3A_227, %add3A_229 : vector<16xi32>
        %gather3A_231 = tpu.vector_load_idx %arg15[%add3A_230] : memref<256xf32, #tpu.memory_space<vmem>>[vector<16xi32>], vector<16xf32>,
        %add3A_232 = arith.addf %add3A_224, %gather3A_231 : vector<16xf32>
        %mul3A_233 = arith.constant 16 : i32
        %mul3A_234 = vector.broadcast %mul3A_233 : i32 to vector<16xi32>
        %mul3A_235 = arith.muli %iota3A, %mul3A_234 : vector<16xi32>
        %add3A_236 = arith.constant 10 : i32
        %add3A_237 = vector.broadcast %add3A_236 : i32 to vector<16xi32>
        %add3A_238 = arith.addi %mul3A_235, %add3A_237 : vector<16xi32>
        %gather3A_239 = tpu.vector_load_idx %arg15[%add3A_238] : memref<256xf32, #tpu.memory_space<vmem>>[vector<16xi32>], vector<16xf32>,
        %add3A_240 = arith.addf %add3A_232, %gather3A_239 : vector<16xf32>
        %mul3A_241 = arith.constant 16 : i32
        %mul3A_242 = vector.broadcast %mul3A_241 : i32 to vector<16xi32>
        %mul3A_243 = arith.muli %iota3A, %mul3A_242 : vector<16xi32>
        %add3A_244 = arith.constant 11 : i32
        %add3A_245 = vector.broadcast %add3A_244 : i32 to vector<16xi32>
        %add3A_246 = arith.addi %mul3A_243, %add3A_245 : vector<16xi32>
        %gather3A_247 = tpu.vector_load_idx %arg15[%add3A_246] : memref<256xf32, #tpu.memory_space<vmem>>[vector<16xi32>], vector<16xf32>,
        %add3A_248 = arith.addf %add3A_240, %gather3A_247 : vector<16xf32>
        %mul3A_249 = arith.constant 16 : i32
        %mul3A_250 = vector.broadcast %mul3A_249 : i32 to vector<16xi32>
        %mul3A_251 = arith.muli %iota3A, %mul3A_250 : vector<16xi32>
        %add3A_252 = arith.constant 12 : i32
        %add3A_253 = vector.broadcast %add3A_252 : i32 to vector<16xi32>
        %add3A_254 = arith.addi %mul3A_251, %add3A_253 : vector<16xi32>
        %gather3A_255 = tpu.vector_load_idx %arg15[%add3A_254] : memref<256xf32, #tpu.memory_space<vmem>>[vector<16xi32>], vector<16xf32>,
        %add3A_256 = arith.addf %add3A_248, %gather3A_255 : vector<16xf32>
        %mul3A_257 = arith.constant 16 : i32
        %mul3A_258 = vector.broadcast %mul3A_257 : i32 to vector<16xi32>
        %mul3A_259 = arith.muli %iota3A, %mul3A_258 : vector<16xi32>
        %add3A_260 = arith.constant 13 : i32
        %add3A_261 = vector.broadcast %add3A_260 : i32 to vector<16xi32>
        %add3A_262 = arith.addi %mul3A_259, %add3A_261 : vector<16xi32>
        %gather3A_263 = tpu.vector_load_idx %arg15[%add3A_262] : memref<256xf32, #tpu.memory_space<vmem>>[vector<16xi32>], vector<16xf32>,
        %add3A_264 = arith.addf %add3A_256, %gather3A_263 : vector<16xf32>
        %mul3A_265 = arith.constant 16 : i32
        %mul3A_266 = vector.broadcast %mul3A_265 : i32 to vector<16xi32>
        %mul3A_267 = arith.muli %iota3A, %mul3A_266 : vector<16xi32>
        %add3A_268 = arith.constant 14 : i32
        %add3A_269 = vector.broadcast %add3A_268 : i32 to vector<16xi32>
        %add3A_270 = arith.addi %mul3A_267, %add3A_269 : vector<16xi32>
        %gather3A_271 = tpu.vector_load_idx %arg15[%add3A_270] : memref<256xf32, #tpu.memory_space<vmem>>[vector<16xi32>], vector<16xf32>,
        %add3A_272 = arith.addf %add3A_264, %gather3A_271 : vector<16xf32>
        %mul3A_273 = arith.constant 16 : i32
        %mul3A_274 = vector.broadcast %mul3A_273 : i32 to vector<16xi32>
        %mul3A_275 = arith.muli %iota3A, %mul3A_274 : vector<16xi32>
        %add3A_276 = arith.constant 15 : i32
        %add3A_277 = vector.broadcast %add3A_276 : i32 to vector<16xi32>
        %add3A_278 = arith.addi %mul3A_275, %add3A_277 : vector<16xi32>
        %gather3A_279 = tpu.vector_load_idx %arg15[%add3A_278] : memref<256xf32, #tpu.memory_space<vmem>>[vector<16xi32>], vector<16xf32>,
        %add3A_280 = arith.addf %add3A_272, %gather3A_279 : vector<16xf32>
        %get3A = arith.index_cast %add3A_147 : i32 to index
        %get3A_281 = tpu.vector_load %arg8[%get3A] {strides = array<i32>} : memref<5120xi32, #tpu.memory_space<vmem>>, vector<16xi32>,
        %add3A_282 = arith.addi %mul3A_2, %add3A_147 : i32
        %add3A_283 = vector.broadcast %add3A_282 : i32 to vector<16xi32>
        %add3A_284 = arith.addi %add3A_283, %iota3A : vector<16xi32>
        %lt3A = arith.constant 5.290000e+02 : f32
        %lt3A_285 = vector.broadcast %lt3A : f32 to vector<16xf32>
        %lt3A_286 = arith.cmpf olt, %add3A_280, %lt3A_285 : vector<16xf32>
        %lt3A_287 = arith.constant 160000 : i32
        %lt3A_288 = vector.broadcast %lt3A_287 : i32 to vector<16xi32>
        %lt3A_289 = arith.cmpi slt, %add3A_284, %lt3A_288 : vector<16xi32>
        %and3A = arith.andi %lt3A_286, %lt3A_289 : vector<16xi1>
        %and3A_290 = arith.constant 127 : i32
        %and3A_291 = vector.broadcast %and3A_290 : i32 to vector<16xi32>
        %and3A_292 = arith.andi %add3A_284, %and3A_291 : vector<16xi32>
        %add3A_293 = arith.constant 10240 : i32
        %add3A_294 = vector.broadcast %add3A_293 : i32 to vector<16xi32>
        %add3A_295 = arith.addi %add3A_294, %and3A_292 : vector<16xi32>
        %select_n3A = arith.select %and3A, %get3A_281, %add3A_295 : vector<16xi1>, vector<16xi32>
        tpu.vector_store_idx %arg14[%select_n3A], %broadcast_in_dim3A_5 {add = true} : memref<10368xf32, #tpu.memory_space<vmem>>[vector<16xi32>], vector<16xf32>,
        %shift_right_arithmetic3A = arith.constant 7 : i32
        %shift_right_arithmetic3A_296 = arith.shrsi %add3A_147, %shift_right_arithmetic3A : i32
        %and3A_297 = arith.constant 127 : i32
        %and3A_298 = arith.andi %add3A_147, %and3A_297 : i32
        %swap3A = arith.constant 0 : i32
        %swap3A_299 = arith.index_cast %shift_right_arithmetic3A_296 : i32 to index
        %swap3A_300 = arith.index_cast %swap3A : i32 to index
        %swap3A_301 = arith.index_cast %and3A_298 : i32 to index
        %swap3A_302 = tpu.vector_load %arg9[%swap3A_299, %swap3A_300, %swap3A_301] {strides = array<i32>} : memref<40x1x128xi32, #tpu.memory_space<vmem>>, vector<16xi32>,
        tpu.vector_store %arg9[%swap3A_299, %swap3A_300, %swap3A_301], %select_n3A {strides = array<i32>} : memref<40x1x128xi32, #tpu.memory_space<vmem>>, vector<16xi32>,
      }
      %scan3A_107 = arith.constant 4 : i32
      %dma_wait3A_108 = arith.constant 0 : i32
      %dma_wait3A_109 = arith.constant 0 : i32
      %dma_wait3A_110 = tpu.memref_slice %arg2[%dma_wait3A_108, %dma_wait3A_109] : memref<10240x256xf32, #tpu.memory_space<hbm>> -> memref<64x256xf32, #tpu.memory_space<hbm>>
      %dma_wait3A_111 = arith.constant 0 : i32
      %dma_wait3A_112 = arith.constant 0 : i32
      %dma_wait3A_113 = tpu.memref_slice %arg2[%dma_wait3A_111, %dma_wait3A_112] : memref<10240x256xf32, #tpu.memory_space<hbm>> -> memref<64x256xf32, #tpu.memory_space<hbm>>
      tpu.wait_dma2 semaphore(%arg18 : memref<!tpu.dma_semaphore, #tpu.memory_space<semaphore_mem>>) src(%dma_wait3A_113 : memref<64x256xf32, #tpu.memory_space<hbm>>) dst(%arg12 : memref<64x256xf32, #tpu.memory_space<vmem>>)
      %dma_wait3A_114 = arith.constant 0 : i32
      %dma_wait3A_115 = arith.constant 0 : i32
      %dma_wait3A_116 = tpu.memref_slice %arg2[%dma_wait3A_114, %dma_wait3A_115] : memref<10240x256xf32, #tpu.memory_space<hbm>> -> memref<64x256xf32, #tpu.memory_space<hbm>>
      %dma_wait3A_117 = arith.constant 0 : i32
      %dma_wait3A_118 = arith.constant 0 : i32
      %dma_wait3A_119 = tpu.memref_slice %arg2[%dma_wait3A_117, %dma_wait3A_118] : memref<10240x256xf32, #tpu.memory_space<hbm>> -> memref<64x256xf32, #tpu.memory_space<hbm>>
      tpu.wait_dma2 semaphore(%arg19 : memref<!tpu.dma_semaphore, #tpu.memory_space<semaphore_mem>>) src(%dma_wait3A_119 : memref<64x256xf32, #tpu.memory_space<hbm>>) dst(%arg13 : memref<64x256xf32, #tpu.memory_space<vmem>>)
      %add3A_120 = arith.constant 2 : i32
      %add3A_121 = arith.addi %mul3A_75, %add3A_120 : i32
      %mul3A_122 = arith.constant 64 : i32
      %mul3A_123 = arith.muli %add3A_121, %mul3A_122 : i32
      %dma_start3A_124 = tpu.memref_slice %arg7[%mul3A_123] : memref<5120xi32, #tpu.memory_space<vmem>> -> memref<64xi32, #tpu.memory_space<vmem>>
      %dma_start3A_125 = arith.constant 0 : i32
      %dma_start3A_126 = arith.constant 0 : i32
      %dma_start3A_127 = tpu.memref_slice %arg2[%dma_start3A_125, %dma_start3A_126] : memref<10240x256xf32, #tpu.memory_space<hbm>> -> memref<10240x256xf32, #tpu.memory_space<hbm>>
      tpu.enqueue_indirect_dma source(%dma_start3A_127 : memref<10240x256xf32, #tpu.memory_space<hbm>>) target(%arg10 : memref<64x256xf32, #tpu.memory_space<vmem>>) offsets(%dma_start3A_124 : memref<64xi32, #tpu.memory_space<vmem>>) semaphore(%arg16 : memref<!tpu.dma_semaphore, #tpu.memory_space<semaphore_mem>>)
      %mul3A_128 = arith.constant 64 : i32
      %mul3A_129 = arith.muli %add3A_121, %mul3A_128 : i32
      %dma_start3A_130 = tpu.memref_slice %arg8[%mul3A_129] : memref<5120xi32, #tpu.memory_space<vmem>> -> memref<64xi32, #tpu.memory_space<vmem>>
      %dma_start3A_131 = arith.constant 0 : i32
      %dma_start3A_132 = arith.constant 0 : i32
      %dma_start3A_133 = tpu.memref_slice %arg2[%dma_start3A_131, %dma_start3A_132] : memref<10240x256xf32, #tpu.memory_space<hbm>> -> memref<10240x256xf32, #tpu.memory_space<hbm>>
      tpu.enqueue_indirect_dma source(%dma_start3A_133 : memref<10240x256xf32, #tpu.memory_space<hbm>>) target(%arg11 : memref<64x256xf32, #tpu.memory_space<vmem>>) offsets(%dma_start3A_130 : memref<64xi32, #tpu.memory_space<vmem>>) semaphore(%arg17 : memref<!tpu.dma_semaphore, #tpu.memory_space<semaphore_mem>>)
      %add3A_134 = arith.constant 1 : i32
      %add3A_135 = arith.addi %mul3A_75, %add3A_134 : i32
      %scan3A_136 = arith.constant 0 : i32
      %scan3A_137 = arith.constant 0 : i32
      %scan3A_138 = arith.constant 4 : i32
      %scan3A_139 = arith.addi %scan3A_137, %scan3A_138 : i32
      %scan3A_140 = arith.constant 1 : i32
      scf.for %scan3A_142 = %scan3A_137 to %scan3A_139 step %scan3A_140  : i32 {
        %mul3A_143 = arith.constant 16 : i32
        %mul3A_144 = arith.muli %scan3A_142, %mul3A_143 : i32
        %mul3A_145 = arith.constant 64 : i32
        %mul3A_146 = arith.muli %add3A_135, %mul3A_145 : i32
        %add3A_147 = arith.addi %mul3A_146, %mul3A_144 : i32
        %scan3A_148 = arith.constant 0 : i32
        %scan3A_149 = arith.constant 0 : i32
        %scan3A_150 = arith.constant 16 : i32
        %scan3A_151 = arith.addi %scan3A_149, %scan3A_150 : i32
        %scan3A_152 = arith.constant 1 : i32
        scf.for %scan3A_303 = %scan3A_149 to %scan3A_151 step %scan3A_152  : i32 {
          %add3A_304 = arith.addi %mul3A_144, %scan3A_303 : i32
          %get3A_305 = arith.index_cast %add3A_304 : i32 to index
          %get3A_306 = arith.constant 0 : index
          %get3A_307 = tpu.vector_load %arg12[%get3A_305, %get3A_306] {strides = array<i32>} : memref<64x256xf32, #tpu.memory_space<vmem>>, vector<16xf32>,
          %add3A_308 = arith.addi %mul3A_144, %scan3A_303 : i32
          %get3A_309 = arith.index_cast %add3A_308 : i32 to index
          %get3A_310 = arith.constant 0 : index
          %get3A_311 = tpu.vector_load %arg13[%get3A_309, %get3A_310] {strides = array<i32>} : memref<64x256xf32, #tpu.memory_space<vmem>>, vector<16xf32>,
          %sub3A = arith.subf %get3A_307, %get3A_311 : vector<16xf32>
          %mul3A_312 = arith.mulf %sub3A, %sub3A : vector<16xf32>
          %add3A_313 = arith.addf %broadcast_in_dim3A_3, %mul3A_312 : vector<16xf32>
          %add3A_314 = arith.addi %mul3A_144, %scan3A_303 : i32
          %get3A_315 = arith.index_cast %add3A_314 : i32 to index
          %get3A_316 = arith.constant 16 : index
          %get3A_317 = tpu.vector_load %arg12[%get3A_315, %get3A_316] {strides = array<i32>} : memref<64x256xf32, #tpu.memory_space<vmem>>, vector<16xf32>,
          %add3A_318 = arith.addi %mul3A_144, %scan3A_303 : i32
          %get3A_319 = arith.index_cast %add3A_318 : i32 to index
          %get3A_320 = arith.constant 16 : index
          %get3A_321 = tpu.vector_load %arg13[%get3A_319, %get3A_320] {strides = array<i32>} : memref<64x256xf32, #tpu.memory_space<vmem>>, vector<16xf32>,
          %sub3A_322 = arith.subf %get3A_317, %get3A_321 : vector<16xf32>
          %mul3A_323 = arith.mulf %sub3A_322, %sub3A_322 : vector<16xf32>
          %add3A_324 = arith.addf %add3A_313, %mul3A_323 : vector<16xf32>
          %add3A_325 = arith.addi %mul3A_144, %scan3A_303 : i32
          %get3A_326 = arith.index_cast %add3A_325 : i32 to index
          %get3A_327 = arith.constant 32 : index
          %get3A_328 = tpu.vector_load %arg12[%get3A_326, %get3A_327] {strides = array<i32>} : memref<64x256xf32, #tpu.memory_space<vmem>>, vector<16xf32>,
          %add3A_329 = arith.addi %mul3A_144, %scan3A_303 : i32
          %get3A_330 = arith.index_cast %add3A_329 : i32 to index
          %get3A_331 = arith.constant 32 : index
          %get3A_332 = tpu.vector_load %arg13[%get3A_330, %get3A_331] {strides = array<i32>} : memref<64x256xf32, #tpu.memory_space<vmem>>, vector<16xf32>,
          %sub3A_333 = arith.subf %get3A_328, %get3A_332 : vector<16xf32>
          %mul3A_334 = arith.mulf %sub3A_333, %sub3A_333 : vector<16xf32>
          %add3A_335 = arith.addf %add3A_324, %mul3A_334 : vector<16xf32>
          %add3A_336 = arith.addi %mul3A_144, %scan3A_303 : i32
          %get3A_337 = arith.index_cast %add3A_336 : i32 to index
          %get3A_338 = arith.constant 48 : index
          %get3A_339 = tpu.vector_load %arg12[%get3A_337, %get3A_338] {strides = array<i32>} : memref<64x256xf32, #tpu.memory_space<vmem>>, vector<16xf32>,
          %add3A_340 = arith.addi %mul3A_144, %scan3A_303 : i32
          %get3A_341 = arith.index_cast %add3A_340 : i32 to index
          %get3A_342 = arith.constant 48 : index
          %get3A_343 = tpu.vector_load %arg13[%get3A_341, %get3A_342] {strides = array<i32>} : memref<64x256xf32, #tpu.memory_space<vmem>>, vector<16xf32>,
          %sub3A_344 = arith.subf %get3A_339, %get3A_343 : vector<16xf32>
          %mul3A_345 = arith.mulf %sub3A_344, %sub3A_344 : vector<16xf32>
          %add3A_346 = arith.addf %add3A_335, %mul3A_345 : vector<16xf32>
          %add3A_347 = arith.addi %mul3A_144, %scan3A_303 : i32
          %get3A_348 = arith.index_cast %add3A_347 : i32 to index
          %get3A_349 = arith.constant 64 : index
          %get3A_350 = tpu.vector_load %arg12[%get3A_348, %get3A_349] {strides = array<i32>} : memref<64x256xf32, #tpu.memory_space<vmem>>, vector<16xf32>,
          %add3A_351 = arith.addi %mul3A_144, %scan3A_303 : i32
          %get3A_352 = arith.index_cast %add3A_351 : i32 to index
          %get3A_353 = arith.constant 64 : index
          %get3A_354 = tpu.vector_load %arg13[%get3A_352, %get3A_353] {strides = array<i32>} : memref<64x256xf32, #tpu.memory_space<vmem>>, vector<16xf32>,
          %sub3A_355 = arith.subf %get3A_350, %get3A_354 : vector<16xf32>
          %mul3A_356 = arith.mulf %sub3A_355, %sub3A_355 : vector<16xf32>
          %add3A_357 = arith.addf %add3A_346, %mul3A_356 : vector<16xf32>
          %add3A_358 = arith.addi %mul3A_144, %scan3A_303 : i32
          %get3A_359 = arith.index_cast %add3A_358 : i32 to index
          %get3A_360 = arith.constant 80 : index
          %get3A_361 = tpu.vector_load %arg12[%get3A_359, %get3A_360] {strides = array<i32>} : memref<64x256xf32, #tpu.memory_space<vmem>>, vector<16xf32>,
          %add3A_362 = arith.addi %mul3A_144, %scan3A_303 : i32
          %get3A_363 = arith.index_cast %add3A_362 : i32 to index
          %get3A_364 = arith.constant 80 : index
          %get3A_365 = tpu.vector_load %arg13[%get3A_363, %get3A_364] {strides = array<i32>} : memref<64x256xf32, #tpu.memory_space<vmem>>, vector<16xf32>,
          %sub3A_366 = arith.subf %get3A_361, %get3A_365 : vector<16xf32>
          %mul3A_367 = arith.mulf %sub3A_366, %sub3A_366 : vector<16xf32>
          %add3A_368 = arith.addf %add3A_357, %mul3A_367 : vector<16xf32>
          %add3A_369 = arith.addi %mul3A_144, %scan3A_303 : i32
          %get3A_370 = arith.index_cast %add3A_369 : i32 to index
          %get3A_371 = arith.constant 96 : index
          %get3A_372 = tpu.vector_load %arg12[%get3A_370, %get3A_371] {strides = array<i32>} : memref<64x256xf32, #tpu.memory_space<vmem>>, vector<16xf32>,
          %add3A_373 = arith.addi %mul3A_144, %scan3A_303 : i32
          %get3A_374 = arith.index_cast %add3A_373 : i32 to index
          %get3A_375 = arith.constant 96 : index
          %get3A_376 = tpu.vector_load %arg13[%get3A_374, %get3A_375] {strides = array<i32>} : memref<64x256xf32, #tpu.memory_space<vmem>>, vector<16xf32>,
          %sub3A_377 = arith.subf %get3A_372, %get3A_376 : vector<16xf32>
          %mul3A_378 = arith.mulf %sub3A_377, %sub3A_377 : vector<16xf32>
          %add3A_379 = arith.addf %add3A_368, %mul3A_378 : vector<16xf32>
          %add3A_380 = arith.addi %mul3A_144, %scan3A_303 : i32
          %get3A_381 = arith.index_cast %add3A_380 : i32 to index
          %get3A_382 = arith.constant 112 : index
          %get3A_383 = tpu.vector_load %arg12[%get3A_381, %get3A_382] {strides = array<i32>} : memref<64x256xf32, #tpu.memory_space<vmem>>, vector<16xf32>,
          %add3A_384 = arith.addi %mul3A_144, %scan3A_303 : i32
          %get3A_385 = arith.index_cast %add3A_384 : i32 to index
          %get3A_386 = arith.constant 112 : index
          %get3A_387 = tpu.vector_load %arg13[%get3A_385, %get3A_386] {strides = array<i32>} : memref<64x256xf32, #tpu.memory_space<vmem>>, vector<16xf32>,
          %sub3A_388 = arith.subf %get3A_383, %get3A_387 : vector<16xf32>
          %mul3A_389 = arith.mulf %sub3A_388, %sub3A_388 : vector<16xf32>
          %add3A_390 = arith.addf %add3A_379, %mul3A_389 : vector<16xf32>
          %add3A_391 = arith.addi %mul3A_144, %scan3A_303 : i32
          %get3A_392 = arith.index_cast %add3A_391 : i32 to index
          %get3A_393 = arith.constant 128 : index
          %get3A_394 = tpu.vector_load %arg12[%get3A_392, %get3A_393] {strides = array<i32>} : memref<64x256xf32, #tpu.memory_space<vmem>>, vector<16xf32>,
          %add3A_395 = arith.addi %mul3A_144, %scan3A_303 : i32
          %get3A_396 = arith.index_cast %add3A_395 : i32 to index
          %get3A_397 = arith.constant 128 : index
          %get3A_398 = tpu.vector_load %arg13[%get3A_396, %get3A_397] {strides = array<i32>} : memref<64x256xf32, #tpu.memory_space<vmem>>, vector<16xf32>,
          %sub3A_399 = arith.subf %get3A_394, %get3A_398 : vector<16xf32>
          %mul3A_400 = arith.mulf %sub3A_399, %sub3A_399 : vector<16xf32>
          %add3A_401 = arith.addf %add3A_390, %mul3A_400 : vector<16xf32>
          %add3A_402 = arith.addi %mul3A_144, %scan3A_303 : i32
          %get3A_403 = arith.index_cast %add3A_402 : i32 to index
          %get3A_404 = arith.constant 144 : index
          %get3A_405 = tpu.vector_load %arg12[%get3A_403, %get3A_404] {strides = array<i32>} : memref<64x256xf32, #tpu.memory_space<vmem>>, vector<16xf32>,
          %add3A_406 = arith.addi %mul3A_144, %scan3A_303 : i32
          %get3A_407 = arith.index_cast %add3A_406 : i32 to index
          %get3A_408 = arith.constant 144 : index
          %get3A_409 = tpu.vector_load %arg13[%get3A_407, %get3A_408] {strides = array<i32>} : memref<64x256xf32, #tpu.memory_space<vmem>>, vector<16xf32>,
          %sub3A_410 = arith.subf %get3A_405, %get3A_409 : vector<16xf32>
          %mul3A_411 = arith.mulf %sub3A_410, %sub3A_410 : vector<16xf32>
          %add3A_412 = arith.addf %add3A_401, %mul3A_411 : vector<16xf32>
          %add3A_413 = arith.addi %mul3A_144, %scan3A_303 : i32
          %get3A_414 = arith.index_cast %add3A_413 : i32 to index
          %get3A_415 = arith.constant 160 : index
          %get3A_416 = tpu.vector_load %arg12[%get3A_414, %get3A_415] {strides = array<i32>} : memref<64x256xf32, #tpu.memory_space<vmem>>, vector<16xf32>,
          %add3A_417 = arith.addi %mul3A_144, %scan3A_303 : i32
          %get3A_418 = arith.index_cast %add3A_417 : i32 to index
          %get3A_419 = arith.constant 160 : index
          %get3A_420 = tpu.vector_load %arg13[%get3A_418, %get3A_419] {strides = array<i32>} : memref<64x256xf32, #tpu.memory_space<vmem>>, vector<16xf32>,
          %sub3A_421 = arith.subf %get3A_416, %get3A_420 : vector<16xf32>
          %mul3A_422 = arith.mulf %sub3A_421, %sub3A_421 : vector<16xf32>
          %add3A_423 = arith.addf %add3A_412, %mul3A_422 : vector<16xf32>
          %add3A_424 = arith.addi %mul3A_144, %scan3A_303 : i32
          %get3A_425 = arith.index_cast %add3A_424 : i32 to index
          %get3A_426 = arith.constant 176 : index
          %get3A_427 = tpu.vector_load %arg12[%get3A_425, %get3A_426] {strides = array<i32>} : memref<64x256xf32, #tpu.memory_space<vmem>>, vector<16xf32>,
          %add3A_428 = arith.addi %mul3A_144, %scan3A_303 : i32
          %get3A_429 = arith.index_cast %add3A_428 : i32 to index
          %get3A_430 = arith.constant 176 : index
          %get3A_431 = tpu.vector_load %arg13[%get3A_429, %get3A_430] {strides = array<i32>} : memref<64x256xf32, #tpu.memory_space<vmem>>, vector<16xf32>,
          %sub3A_432 = arith.subf %get3A_427, %get3A_431 : vector<16xf32>
          %mul3A_433 = arith.mulf %sub3A_432, %sub3A_432 : vector<16xf32>
          %add3A_434 = arith.addf %add3A_423, %mul3A_433 : vector<16xf32>
          %add3A_435 = arith.addi %mul3A_144, %scan3A_303 : i32
          %get3A_436 = arith.index_cast %add3A_435 : i32 to index
          %get3A_437 = arith.constant 192 : index
          %get3A_438 = tpu.vector_load %arg12[%get3A_436, %get3A_437] {strides = array<i32>} : memref<64x256xf32, #tpu.memory_space<vmem>>, vector<16xf32>,
          %add3A_439 = arith.addi %mul3A_144, %scan3A_303 : i32
          %get3A_440 = arith.index_cast %add3A_439 : i32 to index
          %get3A_441 = arith.constant 192 : index
          %get3A_442 = tpu.vector_load %arg13[%get3A_440, %get3A_441] {strides = array<i32>} : memref<64x256xf32, #tpu.memory_space<vmem>>, vector<16xf32>,
          %sub3A_443 = arith.subf %get3A_438, %get3A_442 : vector<16xf32>
          %mul3A_444 = arith.mulf %sub3A_443, %sub3A_443 : vector<16xf32>
          %add3A_445 = arith.addf %add3A_434, %mul3A_444 : vector<16xf32>
          %add3A_446 = arith.addi %mul3A_144, %scan3A_303 : i32
          %get3A_447 = arith.index_cast %add3A_446 : i32 to index
          %get3A_448 = arith.constant 208 : index
          %get3A_449 = tpu.vector_load %arg12[%get3A_447, %get3A_448] {strides = array<i32>} : memref<64x256xf32, #tpu.memory_space<vmem>>, vector<16xf32>,
          %add3A_450 = arith.addi %mul3A_144, %scan3A_303 : i32
          %get3A_451 = arith.index_cast %add3A_450 : i32 to index
          %get3A_452 = arith.constant 208 : index
          %get3A_453 = tpu.vector_load %arg13[%get3A_451, %get3A_452] {strides = array<i32>} : memref<64x256xf32, #tpu.memory_space<vmem>>, vector<16xf32>,
          %sub3A_454 = arith.subf %get3A_449, %get3A_453 : vector<16xf32>
          %mul3A_455 = arith.mulf %sub3A_454, %sub3A_454 : vector<16xf32>
          %add3A_456 = arith.addf %add3A_445, %mul3A_455 : vector<16xf32>
          %add3A_457 = arith.addi %mul3A_144, %scan3A_303 : i32
          %get3A_458 = arith.index_cast %add3A_457 : i32 to index
          %get3A_459 = arith.constant 224 : index
          %get3A_460 = tpu.vector_load %arg12[%get3A_458, %get3A_459] {strides = array<i32>} : memref<64x256xf32, #tpu.memory_space<vmem>>, vector<16xf32>,
          %add3A_461 = arith.addi %mul3A_144, %scan3A_303 : i32
          %get3A_462 = arith.index_cast %add3A_461 : i32 to index
          %get3A_463 = arith.constant 224 : index
          %get3A_464 = tpu.vector_load %arg13[%get3A_462, %get3A_463] {strides = array<i32>} : memref<64x256xf32, #tpu.memory_space<vmem>>, vector<16xf32>,
          %sub3A_465 = arith.subf %get3A_460, %get3A_464 : vector<16xf32>
          %mul3A_466 = arith.mulf %sub3A_465, %sub3A_465 : vector<16xf32>
          %add3A_467 = arith.addf %add3A_456, %mul3A_466 : vector<16xf32>
          %add3A_468 = arith.addi %mul3A_144, %scan3A_303 : i32
          %get3A_469 = arith.index_cast %add3A_468 : i32 to index
          %get3A_470 = arith.constant 240 : index
          %get3A_471 = tpu.vector_load %arg12[%get3A_469, %get3A_470] {strides = array<i32>} : memref<64x256xf32, #tpu.memory_space<vmem>>, vector<16xf32>,
          %add3A_472 = arith.addi %mul3A_144, %scan3A_303 : i32
          %get3A_473 = arith.index_cast %add3A_472 : i32 to index
          %get3A_474 = arith.constant 240 : index
          %get3A_475 = tpu.vector_load %arg13[%get3A_473, %get3A_474] {strides = array<i32>} : memref<64x256xf32, #tpu.memory_space<vmem>>, vector<16xf32>,
          %sub3A_476 = arith.subf %get3A_471, %get3A_475 : vector<16xf32>
          %mul3A_477 = arith.mulf %sub3A_476, %sub3A_476 : vector<16xf32>
          %add3A_478 = arith.addf %add3A_467, %mul3A_477 : vector<16xf32>
          %mul3A_479 = arith.constant 16 : i32
          %mul3A_480 = arith.muli %scan3A_303, %mul3A_479 : i32
          %swap3A_481 = arith.index_cast %mul3A_480 : i32 to index
          %swap3A_482 = tpu.vector_load %arg15[%swap3A_481] {strides = array<i32>} : memref<256xf32, #tpu.memory_space<vmem>>, vector<16xf32>,
          tpu.vector_store %arg15[%swap3A_481], %add3A_478 {strides = array<i32>} : memref<256xf32, #tpu.memory_space<vmem>>, vector<16xf32>,
        }
        %scan3A_153 = arith.constant 16 : i32
        %mul3A_154 = arith.constant 16 : i32
        %mul3A_155 = vector.broadcast %mul3A_154 : i32 to vector<16xi32>
        %mul3A_156 = arith.muli %iota3A, %mul3A_155 : vector<16xi32>
        %add3A_157 = arith.constant 0 : i32
        %add3A_158 = vector.broadcast %add3A_157 : i32 to vector<16xi32>
        %add3A_159 = arith.addi %mul3A_156, %add3A_158 : vector<16xi32>
        %gather3A = tpu.vector_load_idx %arg15[%add3A_159] : memref<256xf32, #tpu.memory_space<vmem>>[vector<16xi32>], vector<16xf32>,
        %add3A_160 = arith.addf %broadcast_in_dim3A_3, %gather3A : vector<16xf32>
        %mul3A_161 = arith.constant 16 : i32
        %mul3A_162 = vector.broadcast %mul3A_161 : i32 to vector<16xi32>
        %mul3A_163 = arith.muli %iota3A, %mul3A_162 : vector<16xi32>
        %add3A_164 = arith.constant 1 : i32
        %add3A_165 = vector.broadcast %add3A_164 : i32 to vector<16xi32>
        %add3A_166 = arith.addi %mul3A_163, %add3A_165 : vector<16xi32>
        %gather3A_167 = tpu.vector_load_idx %arg15[%add3A_166] : memref<256xf32, #tpu.memory_space<vmem>>[vector<16xi32>], vector<16xf32>,
        %add3A_168 = arith.addf %add3A_160, %gather3A_167 : vector<16xf32>
        %mul3A_169 = arith.constant 16 : i32
        %mul3A_170 = vector.broadcast %mul3A_169 : i32 to vector<16xi32>
        %mul3A_171 = arith.muli %iota3A, %mul3A_170 : vector<16xi32>
        %add3A_172 = arith.constant 2 : i32
        %add3A_173 = vector.broadcast %add3A_172 : i32 to vector<16xi32>
        %add3A_174 = arith.addi %mul3A_171, %add3A_173 : vector<16xi32>
        %gather3A_175 = tpu.vector_load_idx %arg15[%add3A_174] : memref<256xf32, #tpu.memory_space<vmem>>[vector<16xi32>], vector<16xf32>,
        %add3A_176 = arith.addf %add3A_168, %gather3A_175 : vector<16xf32>
        %mul3A_177 = arith.constant 16 : i32
        %mul3A_178 = vector.broadcast %mul3A_177 : i32 to vector<16xi32>
        %mul3A_179 = arith.muli %iota3A, %mul3A_178 : vector<16xi32>
        %add3A_180 = arith.constant 3 : i32
        %add3A_181 = vector.broadcast %add3A_180 : i32 to vector<16xi32>
        %add3A_182 = arith.addi %mul3A_179, %add3A_181 : vector<16xi32>
        %gather3A_183 = tpu.vector_load_idx %arg15[%add3A_182] : memref<256xf32, #tpu.memory_space<vmem>>[vector<16xi32>], vector<16xf32>,
        %add3A_184 = arith.addf %add3A_176, %gather3A_183 : vector<16xf32>
        %mul3A_185 = arith.constant 16 : i32
        %mul3A_186 = vector.broadcast %mul3A_185 : i32 to vector<16xi32>
        %mul3A_187 = arith.muli %iota3A, %mul3A_186 : vector<16xi32>
        %add3A_188 = arith.constant 4 : i32
        %add3A_189 = vector.broadcast %add3A_188 : i32 to vector<16xi32>
        %add3A_190 = arith.addi %mul3A_187, %add3A_189 : vector<16xi32>
        %gather3A_191 = tpu.vector_load_idx %arg15[%add3A_190] : memref<256xf32, #tpu.memory_space<vmem>>[vector<16xi32>], vector<16xf32>,
        %add3A_192 = arith.addf %add3A_184, %gather3A_191 : vector<16xf32>
        %mul3A_193 = arith.constant 16 : i32
        %mul3A_194 = vector.broadcast %mul3A_193 : i32 to vector<16xi32>
        %mul3A_195 = arith.muli %iota3A, %mul3A_194 : vector<16xi32>
        %add3A_196 = arith.constant 5 : i32
        %add3A_197 = vector.broadcast %add3A_196 : i32 to vector<16xi32>
        %add3A_198 = arith.addi %mul3A_195, %add3A_197 : vector<16xi32>
        %gather3A_199 = tpu.vector_load_idx %arg15[%add3A_198] : memref<256xf32, #tpu.memory_space<vmem>>[vector<16xi32>], vector<16xf32>,
        %add3A_200 = arith.addf %add3A_192, %gather3A_199 : vector<16xf32>
        %mul3A_201 = arith.constant 16 : i32
        %mul3A_202 = vector.broadcast %mul3A_201 : i32 to vector<16xi32>
        %mul3A_203 = arith.muli %iota3A, %mul3A_202 : vector<16xi32>
        %add3A_204 = arith.constant 6 : i32
        %add3A_205 = vector.broadcast %add3A_204 : i32 to vector<16xi32>
        %add3A_206 = arith.addi %mul3A_203, %add3A_205 : vector<16xi32>
        %gather3A_207 = tpu.vector_load_idx %arg15[%add3A_206] : memref<256xf32, #tpu.memory_space<vmem>>[vector<16xi32>], vector<16xf32>,
        %add3A_208 = arith.addf %add3A_200, %gather3A_207 : vector<16xf32>
        %mul3A_209 = arith.constant 16 : i32
        %mul3A_210 = vector.broadcast %mul3A_209 : i32 to vector<16xi32>
        %mul3A_211 = arith.muli %iota3A, %mul3A_210 : vector<16xi32>
        %add3A_212 = arith.constant 7 : i32
        %add3A_213 = vector.broadcast %add3A_212 : i32 to vector<16xi32>
        %add3A_214 = arith.addi %mul3A_211, %add3A_213 : vector<16xi32>
        %gather3A_215 = tpu.vector_load_idx %arg15[%add3A_214] : memref<256xf32, #tpu.memory_space<vmem>>[vector<16xi32>], vector<16xf32>,
        %add3A_216 = arith.addf %add3A_208, %gather3A_215 : vector<16xf32>
        %mul3A_217 = arith.constant 16 : i32
        %mul3A_218 = vector.broadcast %mul3A_217 : i32 to vector<16xi32>
        %mul3A_219 = arith.muli %iota3A, %mul3A_218 : vector<16xi32>
        %add3A_220 = arith.constant 8 : i32
        %add3A_221 = vector.broadcast %add3A_220 : i32 to vector<16xi32>
        %add3A_222 = arith.addi %mul3A_219, %add3A_221 : vector<16xi32>
        %gather3A_223 = tpu.vector_load_idx %arg15[%add3A_222] : memref<256xf32, #tpu.memory_space<vmem>>[vector<16xi32>], vector<16xf32>,
        %add3A_224 = arith.addf %add3A_216, %gather3A_223 : vector<16xf32>
        %mul3A_225 = arith.constant 16 : i32
        %mul3A_226 = vector.broadcast %mul3A_225 : i32 to vector<16xi32>
        %mul3A_227 = arith.muli %iota3A, %mul3A_226 : vector<16xi32>
        %add3A_228 = arith.constant 9 : i32
        %add3A_229 = vector.broadcast %add3A_228 : i32 to vector<16xi32>
        %add3A_230 = arith.addi %mul3A_227, %add3A_229 : vector<16xi32>
        %gather3A_231 = tpu.vector_load_idx %arg15[%add3A_230] : memref<256xf32, #tpu.memory_space<vmem>>[vector<16xi32>], vector<16xf32>,
        %add3A_232 = arith.addf %add3A_224, %gather3A_231 : vector<16xf32>
        %mul3A_233 = arith.constant 16 : i32
        %mul3A_234 = vector.broadcast %mul3A_233 : i32 to vector<16xi32>
        %mul3A_235 = arith.muli %iota3A, %mul3A_234 : vector<16xi32>
        %add3A_236 = arith.constant 10 : i32
        %add3A_237 = vector.broadcast %add3A_236 : i32 to vector<16xi32>
        %add3A_238 = arith.addi %mul3A_235, %add3A_237 : vector<16xi32>
        %gather3A_239 = tpu.vector_load_idx %arg15[%add3A_238] : memref<256xf32, #tpu.memory_space<vmem>>[vector<16xi32>], vector<16xf32>,
        %add3A_240 = arith.addf %add3A_232, %gather3A_239 : vector<16xf32>
        %mul3A_241 = arith.constant 16 : i32
        %mul3A_242 = vector.broadcast %mul3A_241 : i32 to vector<16xi32>
        %mul3A_243 = arith.muli %iota3A, %mul3A_242 : vector<16xi32>
        %add3A_244 = arith.constant 11 : i32
        %add3A_245 = vector.broadcast %add3A_244 : i32 to vector<16xi32>
        %add3A_246 = arith.addi %mul3A_243, %add3A_245 : vector<16xi32>
        %gather3A_247 = tpu.vector_load_idx %arg15[%add3A_246] : memref<256xf32, #tpu.memory_space<vmem>>[vector<16xi32>], vector<16xf32>,
        %add3A_248 = arith.addf %add3A_240, %gather3A_247 : vector<16xf32>
        %mul3A_249 = arith.constant 16 : i32
        %mul3A_250 = vector.broadcast %mul3A_249 : i32 to vector<16xi32>
        %mul3A_251 = arith.muli %iota3A, %mul3A_250 : vector<16xi32>
        %add3A_252 = arith.constant 12 : i32
        %add3A_253 = vector.broadcast %add3A_252 : i32 to vector<16xi32>
        %add3A_254 = arith.addi %mul3A_251, %add3A_253 : vector<16xi32>
        %gather3A_255 = tpu.vector_load_idx %arg15[%add3A_254] : memref<256xf32, #tpu.memory_space<vmem>>[vector<16xi32>], vector<16xf32>,
        %add3A_256 = arith.addf %add3A_248, %gather3A_255 : vector<16xf32>
        %mul3A_257 = arith.constant 16 : i32
        %mul3A_258 = vector.broadcast %mul3A_257 : i32 to vector<16xi32>
        %mul3A_259 = arith.muli %iota3A, %mul3A_258 : vector<16xi32>
        %add3A_260 = arith.constant 13 : i32
        %add3A_261 = vector.broadcast %add3A_260 : i32 to vector<16xi32>
        %add3A_262 = arith.addi %mul3A_259, %add3A_261 : vector<16xi32>
        %gather3A_263 = tpu.vector_load_idx %arg15[%add3A_262] : memref<256xf32, #tpu.memory_space<vmem>>[vector<16xi32>], vector<16xf32>,
        %add3A_264 = arith.addf %add3A_256, %gather3A_263 : vector<16xf32>
        %mul3A_265 = arith.constant 16 : i32
        %mul3A_266 = vector.broadcast %mul3A_265 : i32 to vector<16xi32>
        %mul3A_267 = arith.muli %iota3A, %mul3A_266 : vector<16xi32>
        %add3A_268 = arith.constant 14 : i32
        %add3A_269 = vector.broadcast %add3A_268 : i32 to vector<16xi32>
        %add3A_270 = arith.addi %mul3A_267, %add3A_269 : vector<16xi32>
        %gather3A_271 = tpu.vector_load_idx %arg15[%add3A_270] : memref<256xf32, #tpu.memory_space<vmem>>[vector<16xi32>], vector<16xf32>,
        %add3A_272 = arith.addf %add3A_264, %gather3A_271 : vector<16xf32>
        %mul3A_273 = arith.constant 16 : i32
        %mul3A_274 = vector.broadcast %mul3A_273 : i32 to vector<16xi32>
        %mul3A_275 = arith.muli %iota3A, %mul3A_274 : vector<16xi32>
        %add3A_276 = arith.constant 15 : i32
        %add3A_277 = vector.broadcast %add3A_276 : i32 to vector<16xi32>
        %add3A_278 = arith.addi %mul3A_275, %add3A_277 : vector<16xi32>
        %gather3A_279 = tpu.vector_load_idx %arg15[%add3A_278] : memref<256xf32, #tpu.memory_space<vmem>>[vector<16xi32>], vector<16xf32>,
        %add3A_280 = arith.addf %add3A_272, %gather3A_279 : vector<16xf32>
        %get3A = arith.index_cast %add3A_147 : i32 to index
        %get3A_281 = tpu.vector_load %arg8[%get3A] {strides = array<i32>} : memref<5120xi32, #tpu.memory_space<vmem>>, vector<16xi32>,
        %add3A_282 = arith.addi %mul3A_2, %add3A_147 : i32
        %add3A_283 = vector.broadcast %add3A_282 : i32 to vector<16xi32>
        %add3A_284 = arith.addi %add3A_283, %iota3A : vector<16xi32>
        %lt3A = arith.constant 5.290000e+02 : f32
        %lt3A_285 = vector.broadcast %lt3A : f32 to vector<16xf32>
        %lt3A_286 = arith.cmpf olt, %add3A_280, %lt3A_285 : vector<16xf32>
        %lt3A_287 = arith.constant 160000 : i32
        %lt3A_288 = vector.broadcast %lt3A_287 : i32 to vector<16xi32>
        %lt3A_289 = arith.cmpi slt, %add3A_284, %lt3A_288 : vector<16xi32>
        %and3A = arith.andi %lt3A_286, %lt3A_289 : vector<16xi1>
        %and3A_290 = arith.constant 127 : i32
        %and3A_291 = vector.broadcast %and3A_290 : i32 to vector<16xi32>
        %and3A_292 = arith.andi %add3A_284, %and3A_291 : vector<16xi32>
        %add3A_293 = arith.constant 10240 : i32
        %add3A_294 = vector.broadcast %add3A_293 : i32 to vector<16xi32>
        %add3A_295 = arith.addi %add3A_294, %and3A_292 : vector<16xi32>
        %select_n3A = arith.select %and3A, %get3A_281, %add3A_295 : vector<16xi1>, vector<16xi32>
        tpu.vector_store_idx %arg14[%select_n3A], %broadcast_in_dim3A_5 {add = true} : memref<10368xf32, #tpu.memory_space<vmem>>[vector<16xi32>], vector<16xf32>,
        %shift_right_arithmetic3A = arith.constant 7 : i32
        %shift_right_arithmetic3A_296 = arith.shrsi %add3A_147, %shift_right_arithmetic3A : i32
        %and3A_297 = arith.constant 127 : i32
        %and3A_298 = arith.andi %add3A_147, %and3A_297 : i32
        %swap3A = arith.constant 0 : i32
        %swap3A_299 = arith.index_cast %shift_right_arithmetic3A_296 : i32 to index
        %swap3A_300 = arith.index_cast %swap3A : i32 to index
        %swap3A_301 = arith.index_cast %and3A_298 : i32 to index
        %swap3A_302 = tpu.vector_load %arg9[%swap3A_299, %swap3A_300, %swap3A_301] {strides = array<i32>} : memref<40x1x128xi32, #tpu.memory_space<vmem>>, vector<16xi32>,
        tpu.vector_store %arg9[%swap3A_299, %swap3A_300, %swap3A_301], %select_n3A {strides = array<i32>} : memref<40x1x128xi32, #tpu.memory_space<vmem>>, vector<16xi32>,
      }
      %scan3A_141 = arith.constant 4 : i32
    }
    %scan3A_25 = arith.constant 39 : i32
    %dma_wait3A = arith.constant 0 : i32
    %dma_wait3A_26 = arith.constant 0 : i32
    %dma_wait3A_27 = tpu.memref_slice %arg2[%dma_wait3A, %dma_wait3A_26] : memref<10240x256xf32, #tpu.memory_space<hbm>> -> memref<64x256xf32, #tpu.memory_space<hbm>>
    %dma_wait3A_28 = arith.constant 0 : i32
    %dma_wait3A_29 = arith.constant 0 : i32
    %dma_wait3A_30 = tpu.memref_slice %arg2[%dma_wait3A_28, %dma_wait3A_29] : memref<10240x256xf32, #tpu.memory_space<hbm>> -> memref<64x256xf32, #tpu.memory_space<hbm>>
    tpu.wait_dma2 semaphore(%arg16 : memref<!tpu.dma_semaphore, #tpu.memory_space<semaphore_mem>>) src(%dma_wait3A_30 : memref<64x256xf32, #tpu.memory_space<hbm>>) dst(%arg10 : memref<64x256xf32, #tpu.memory_space<vmem>>)
    %dma_wait3A_31 = arith.constant 0 : i32
    %dma_wait3A_32 = arith.constant 0 : i32
    %dma_wait3A_33 = tpu.memref_slice %arg2[%dma_wait3A_31, %dma_wait3A_32] : memref<10240x256xf32, #tpu.memory_space<hbm>> -> memref<64x256xf32, #tpu.memory_space<hbm>>
    %dma_wait3A_34 = arith.constant 0 : i32
    %dma_wait3A_35 = arith.constant 0 : i32
    %dma_wait3A_36 = tpu.memref_slice %arg2[%dma_wait3A_34, %dma_wait3A_35] : memref<10240x256xf32, #tpu.memory_space<hbm>> -> memref<64x256xf32, #tpu.memory_space<hbm>>
    tpu.wait_dma2 semaphore(%arg17 : memref<!tpu.dma_semaphore, #tpu.memory_space<semaphore_mem>>) src(%dma_wait3A_36 : memref<64x256xf32, #tpu.memory_space<hbm>>) dst(%arg11 : memref<64x256xf32, #tpu.memory_space<vmem>>)
    %dma_start3A_37 = arith.constant 5056 : i32
    %dma_start3A_38 = tpu.memref_slice %arg7[%dma_start3A_37] : memref<5120xi32, #tpu.memory_space<vmem>> -> memref<64xi32, #tpu.memory_space<vmem>>
    %dma_start3A_39 = arith.constant 0 : i32
    %dma_start3A_40 = arith.constant 0 : i32
    %dma_start3A_41 = tpu.memref_slice %arg2[%dma_start3A_39, %dma_start3A_40] : memref<10240x256xf32, #tpu.memory_space<hbm>> -> memref<10240x256xf32, #tpu.memory_space<hbm>>
    tpu.enqueue_indirect_dma source(%dma_start3A_41 : memref<10240x256xf32, #tpu.memory_space<hbm>>) target(%arg12 : memref<64x256xf32, #tpu.memory_space<vmem>>) offsets(%dma_start3A_38 : memref<64xi32, #tpu.memory_space<vmem>>) semaphore(%arg18 : memref<!tpu.dma_semaphore, #tpu.memory_space<semaphore_mem>>)
    %dma_start3A_42 = arith.constant 5056 : i32
    %dma_start3A_43 = tpu.memref_slice %arg8[%dma_start3A_42] : memref<5120xi32, #tpu.memory_space<vmem>> -> memref<64xi32, #tpu.memory_space<vmem>>
    %dma_start3A_44 = arith.constant 0 : i32
    %dma_start3A_45 = arith.constant 0 : i32
    %dma_start3A_46 = tpu.memref_slice %arg2[%dma_start3A_44, %dma_start3A_45] : memref<10240x256xf32, #tpu.memory_space<hbm>> -> memref<10240x256xf32, #tpu.memory_space<hbm>>
    tpu.enqueue_indirect_dma source(%dma_start3A_46 : memref<10240x256xf32, #tpu.memory_space<hbm>>) target(%arg13 : memref<64x256xf32, #tpu.memory_space<vmem>>) offsets(%dma_start3A_43 : memref<64xi32, #tpu.memory_space<vmem>>) semaphore(%arg19 : memref<!tpu.dma_semaphore, #tpu.memory_space<semaphore_mem>>)
    %scan3A_47 = arith.constant 0 : i32
    %scan3A_48 = arith.constant 0 : i32
    %scan3A_49 = arith.constant 4 : i32
    %scan3A_50 = arith.addi %scan3A_48, %scan3A_49 : i32
    %scan3A_51 = arith.constant 1 : i32
    scf.for %scan3A_73 = %scan3A_48 to %scan3A_50 step %scan3A_51  : i32 {
      %mul3A_74 = arith.constant 16 : i32
      %mul3A_75 = arith.muli %scan3A_73, %mul3A_74 : i32
      %add3A_76 = arith.constant 4992 : i32
      %add3A_77 = arith.addi %add3A_76, %mul3A_75 : i32
      %scan3A_78 = arith.constant 0 : i32
      %scan3A_79 = arith.constant 0 : i32
      %scan3A_80 = arith.constant 16 : i32
      %scan3A_81 = arith.addi %scan3A_79, %scan3A_80 : i32
      %scan3A_82 = arith.constant 1 : i32
      scf.for %scan3A_233 = %scan3A_79 to %scan3A_81 step %scan3A_82  : i32 {
        %add3A_234 = arith.addi %mul3A_75, %scan3A_233 : i32
        %get3A_235 = arith.index_cast %add3A_234 : i32 to index
        %get3A_236 = arith.constant 0 : index
        %get3A_237 = tpu.vector_load %arg10[%get3A_235, %get3A_236] {strides = array<i32>} : memref<64x256xf32, #tpu.memory_space<vmem>>, vector<16xf32>,
        %add3A_238 = arith.addi %mul3A_75, %scan3A_233 : i32
        %get3A_239 = arith.index_cast %add3A_238 : i32 to index
        %get3A_240 = arith.constant 0 : index
        %get3A_241 = tpu.vector_load %arg11[%get3A_239, %get3A_240] {strides = array<i32>} : memref<64x256xf32, #tpu.memory_space<vmem>>, vector<16xf32>,
        %sub3A = arith.subf %get3A_237, %get3A_241 : vector<16xf32>
        %mul3A_242 = arith.mulf %sub3A, %sub3A : vector<16xf32>
        %add3A_243 = arith.addf %broadcast_in_dim3A_3, %mul3A_242 : vector<16xf32>
        %add3A_244 = arith.addi %mul3A_75, %scan3A_233 : i32
        %get3A_245 = arith.index_cast %add3A_244 : i32 to index
        %get3A_246 = arith.constant 16 : index
        %get3A_247 = tpu.vector_load %arg10[%get3A_245, %get3A_246] {strides = array<i32>} : memref<64x256xf32, #tpu.memory_space<vmem>>, vector<16xf32>,
        %add3A_248 = arith.addi %mul3A_75, %scan3A_233 : i32
        %get3A_249 = arith.index_cast %add3A_248 : i32 to index
        %get3A_250 = arith.constant 16 : index
        %get3A_251 = tpu.vector_load %arg11[%get3A_249, %get3A_250] {strides = array<i32>} : memref<64x256xf32, #tpu.memory_space<vmem>>, vector<16xf32>,
        %sub3A_252 = arith.subf %get3A_247, %get3A_251 : vector<16xf32>
        %mul3A_253 = arith.mulf %sub3A_252, %sub3A_252 : vector<16xf32>
        %add3A_254 = arith.addf %add3A_243, %mul3A_253 : vector<16xf32>
        %add3A_255 = arith.addi %mul3A_75, %scan3A_233 : i32
        %get3A_256 = arith.index_cast %add3A_255 : i32 to index
        %get3A_257 = arith.constant 32 : index
        %get3A_258 = tpu.vector_load %arg10[%get3A_256, %get3A_257] {strides = array<i32>} : memref<64x256xf32, #tpu.memory_space<vmem>>, vector<16xf32>,
        %add3A_259 = arith.addi %mul3A_75, %scan3A_233 : i32
        %get3A_260 = arith.index_cast %add3A_259 : i32 to index
        %get3A_261 = arith.constant 32 : index
        %get3A_262 = tpu.vector_load %arg11[%get3A_260, %get3A_261] {strides = array<i32>} : memref<64x256xf32, #tpu.memory_space<vmem>>, vector<16xf32>,
        %sub3A_263 = arith.subf %get3A_258, %get3A_262 : vector<16xf32>
        %mul3A_264 = arith.mulf %sub3A_263, %sub3A_263 : vector<16xf32>
        %add3A_265 = arith.addf %add3A_254, %mul3A_264 : vector<16xf32>
        %add3A_266 = arith.addi %mul3A_75, %scan3A_233 : i32
        %get3A_267 = arith.index_cast %add3A_266 : i32 to index
        %get3A_268 = arith.constant 48 : index
        %get3A_269 = tpu.vector_load %arg10[%get3A_267, %get3A_268] {strides = array<i32>} : memref<64x256xf32, #tpu.memory_space<vmem>>, vector<16xf32>,
        %add3A_270 = arith.addi %mul3A_75, %scan3A_233 : i32
        %get3A_271 = arith.index_cast %add3A_270 : i32 to index
        %get3A_272 = arith.constant 48 : index
        %get3A_273 = tpu.vector_load %arg11[%get3A_271, %get3A_272] {strides = array<i32>} : memref<64x256xf32, #tpu.memory_space<vmem>>, vector<16xf32>,
        %sub3A_274 = arith.subf %get3A_269, %get3A_273 : vector<16xf32>
        %mul3A_275 = arith.mulf %sub3A_274, %sub3A_274 : vector<16xf32>
        %add3A_276 = arith.addf %add3A_265, %mul3A_275 : vector<16xf32>
        %add3A_277 = arith.addi %mul3A_75, %scan3A_233 : i32
        %get3A_278 = arith.index_cast %add3A_277 : i32 to index
        %get3A_279 = arith.constant 64 : index
        %get3A_280 = tpu.vector_load %arg10[%get3A_278, %get3A_279] {strides = array<i32>} : memref<64x256xf32, #tpu.memory_space<vmem>>, vector<16xf32>,
        %add3A_281 = arith.addi %mul3A_75, %scan3A_233 : i32
        %get3A_282 = arith.index_cast %add3A_281 : i32 to index
        %get3A_283 = arith.constant 64 : index
        %get3A_284 = tpu.vector_load %arg11[%get3A_282, %get3A_283] {strides = array<i32>} : memref<64x256xf32, #tpu.memory_space<vmem>>, vector<16xf32>,
        %sub3A_285 = arith.subf %get3A_280, %get3A_284 : vector<16xf32>
        %mul3A_286 = arith.mulf %sub3A_285, %sub3A_285 : vector<16xf32>
        %add3A_287 = arith.addf %add3A_276, %mul3A_286 : vector<16xf32>
        %add3A_288 = arith.addi %mul3A_75, %scan3A_233 : i32
        %get3A_289 = arith.index_cast %add3A_288 : i32 to index
        %get3A_290 = arith.constant 80 : index
        %get3A_291 = tpu.vector_load %arg10[%get3A_289, %get3A_290] {strides = array<i32>} : memref<64x256xf32, #tpu.memory_space<vmem>>, vector<16xf32>,
        %add3A_292 = arith.addi %mul3A_75, %scan3A_233 : i32
        %get3A_293 = arith.index_cast %add3A_292 : i32 to index
        %get3A_294 = arith.constant 80 : index
        %get3A_295 = tpu.vector_load %arg11[%get3A_293, %get3A_294] {strides = array<i32>} : memref<64x256xf32, #tpu.memory_space<vmem>>, vector<16xf32>,
        %sub3A_296 = arith.subf %get3A_291, %get3A_295 : vector<16xf32>
        %mul3A_297 = arith.mulf %sub3A_296, %sub3A_296 : vector<16xf32>
        %add3A_298 = arith.addf %add3A_287, %mul3A_297 : vector<16xf32>
        %add3A_299 = arith.addi %mul3A_75, %scan3A_233 : i32
        %get3A_300 = arith.index_cast %add3A_299 : i32 to index
        %get3A_301 = arith.constant 96 : index
        %get3A_302 = tpu.vector_load %arg10[%get3A_300, %get3A_301] {strides = array<i32>} : memref<64x256xf32, #tpu.memory_space<vmem>>, vector<16xf32>,
        %add3A_303 = arith.addi %mul3A_75, %scan3A_233 : i32
        %get3A_304 = arith.index_cast %add3A_303 : i32 to index
        %get3A_305 = arith.constant 96 : index
        %get3A_306 = tpu.vector_load %arg11[%get3A_304, %get3A_305] {strides = array<i32>} : memref<64x256xf32, #tpu.memory_space<vmem>>, vector<16xf32>,
        %sub3A_307 = arith.subf %get3A_302, %get3A_306 : vector<16xf32>
        %mul3A_308 = arith.mulf %sub3A_307, %sub3A_307 : vector<16xf32>
        %add3A_309 = arith.addf %add3A_298, %mul3A_308 : vector<16xf32>
        %add3A_310 = arith.addi %mul3A_75, %scan3A_233 : i32
        %get3A_311 = arith.index_cast %add3A_310 : i32 to index
        %get3A_312 = arith.constant 112 : index
        %get3A_313 = tpu.vector_load %arg10[%get3A_311, %get3A_312] {strides = array<i32>} : memref<64x256xf32, #tpu.memory_space<vmem>>, vector<16xf32>,
        %add3A_314 = arith.addi %mul3A_75, %scan3A_233 : i32
        %get3A_315 = arith.index_cast %add3A_314 : i32 to index
        %get3A_316 = arith.constant 112 : index
        %get3A_317 = tpu.vector_load %arg11[%get3A_315, %get3A_316] {strides = array<i32>} : memref<64x256xf32, #tpu.memory_space<vmem>>, vector<16xf32>,
        %sub3A_318 = arith.subf %get3A_313, %get3A_317 : vector<16xf32>
        %mul3A_319 = arith.mulf %sub3A_318, %sub3A_318 : vector<16xf32>
        %add3A_320 = arith.addf %add3A_309, %mul3A_319 : vector<16xf32>
        %add3A_321 = arith.addi %mul3A_75, %scan3A_233 : i32
        %get3A_322 = arith.index_cast %add3A_321 : i32 to index
        %get3A_323 = arith.constant 128 : index
        %get3A_324 = tpu.vector_load %arg10[%get3A_322, %get3A_323] {strides = array<i32>} : memref<64x256xf32, #tpu.memory_space<vmem>>, vector<16xf32>,
        %add3A_325 = arith.addi %mul3A_75, %scan3A_233 : i32
        %get3A_326 = arith.index_cast %add3A_325 : i32 to index
        %get3A_327 = arith.constant 128 : index
        %get3A_328 = tpu.vector_load %arg11[%get3A_326, %get3A_327] {strides = array<i32>} : memref<64x256xf32, #tpu.memory_space<vmem>>, vector<16xf32>,
        %sub3A_329 = arith.subf %get3A_324, %get3A_328 : vector<16xf32>
        %mul3A_330 = arith.mulf %sub3A_329, %sub3A_329 : vector<16xf32>
        %add3A_331 = arith.addf %add3A_320, %mul3A_330 : vector<16xf32>
        %add3A_332 = arith.addi %mul3A_75, %scan3A_233 : i32
        %get3A_333 = arith.index_cast %add3A_332 : i32 to index
        %get3A_334 = arith.constant 144 : index
        %get3A_335 = tpu.vector_load %arg10[%get3A_333, %get3A_334] {strides = array<i32>} : memref<64x256xf32, #tpu.memory_space<vmem>>, vector<16xf32>,
        %add3A_336 = arith.addi %mul3A_75, %scan3A_233 : i32
        %get3A_337 = arith.index_cast %add3A_336 : i32 to index
        %get3A_338 = arith.constant 144 : index
        %get3A_339 = tpu.vector_load %arg11[%get3A_337, %get3A_338] {strides = array<i32>} : memref<64x256xf32, #tpu.memory_space<vmem>>, vector<16xf32>,
        %sub3A_340 = arith.subf %get3A_335, %get3A_339 : vector<16xf32>
        %mul3A_341 = arith.mulf %sub3A_340, %sub3A_340 : vector<16xf32>
        %add3A_342 = arith.addf %add3A_331, %mul3A_341 : vector<16xf32>
        %add3A_343 = arith.addi %mul3A_75, %scan3A_233 : i32
        %get3A_344 = arith.index_cast %add3A_343 : i32 to index
        %get3A_345 = arith.constant 160 : index
        %get3A_346 = tpu.vector_load %arg10[%get3A_344, %get3A_345] {strides = array<i32>} : memref<64x256xf32, #tpu.memory_space<vmem>>, vector<16xf32>,
        %add3A_347 = arith.addi %mul3A_75, %scan3A_233 : i32
        %get3A_348 = arith.index_cast %add3A_347 : i32 to index
        %get3A_349 = arith.constant 160 : index
        %get3A_350 = tpu.vector_load %arg11[%get3A_348, %get3A_349] {strides = array<i32>} : memref<64x256xf32, #tpu.memory_space<vmem>>, vector<16xf32>,
        %sub3A_351 = arith.subf %get3A_346, %get3A_350 : vector<16xf32>
        %mul3A_352 = arith.mulf %sub3A_351, %sub3A_351 : vector<16xf32>
        %add3A_353 = arith.addf %add3A_342, %mul3A_352 : vector<16xf32>
        %add3A_354 = arith.addi %mul3A_75, %scan3A_233 : i32
        %get3A_355 = arith.index_cast %add3A_354 : i32 to index
        %get3A_356 = arith.constant 176 : index
        %get3A_357 = tpu.vector_load %arg10[%get3A_355, %get3A_356] {strides = array<i32>} : memref<64x256xf32, #tpu.memory_space<vmem>>, vector<16xf32>,
        %add3A_358 = arith.addi %mul3A_75, %scan3A_233 : i32
        %get3A_359 = arith.index_cast %add3A_358 : i32 to index
        %get3A_360 = arith.constant 176 : index
        %get3A_361 = tpu.vector_load %arg11[%get3A_359, %get3A_360] {strides = array<i32>} : memref<64x256xf32, #tpu.memory_space<vmem>>, vector<16xf32>,
        %sub3A_362 = arith.subf %get3A_357, %get3A_361 : vector<16xf32>
        %mul3A_363 = arith.mulf %sub3A_362, %sub3A_362 : vector<16xf32>
        %add3A_364 = arith.addf %add3A_353, %mul3A_363 : vector<16xf32>
        %add3A_365 = arith.addi %mul3A_75, %scan3A_233 : i32
        %get3A_366 = arith.index_cast %add3A_365 : i32 to index
        %get3A_367 = arith.constant 192 : index
        %get3A_368 = tpu.vector_load %arg10[%get3A_366, %get3A_367] {strides = array<i32>} : memref<64x256xf32, #tpu.memory_space<vmem>>, vector<16xf32>,
        %add3A_369 = arith.addi %mul3A_75, %scan3A_233 : i32
        %get3A_370 = arith.index_cast %add3A_369 : i32 to index
        %get3A_371 = arith.constant 192 : index
        %get3A_372 = tpu.vector_load %arg11[%get3A_370, %get3A_371] {strides = array<i32>} : memref<64x256xf32, #tpu.memory_space<vmem>>, vector<16xf32>,
        %sub3A_373 = arith.subf %get3A_368, %get3A_372 : vector<16xf32>
        %mul3A_374 = arith.mulf %sub3A_373, %sub3A_373 : vector<16xf32>
        %add3A_375 = arith.addf %add3A_364, %mul3A_374 : vector<16xf32>
        %add3A_376 = arith.addi %mul3A_75, %scan3A_233 : i32
        %get3A_377 = arith.index_cast %add3A_376 : i32 to index
        %get3A_378 = arith.constant 208 : index
        %get3A_379 = tpu.vector_load %arg10[%get3A_377, %get3A_378] {strides = array<i32>} : memref<64x256xf32, #tpu.memory_space<vmem>>, vector<16xf32>,
        %add3A_380 = arith.addi %mul3A_75, %scan3A_233 : i32
        %get3A_381 = arith.index_cast %add3A_380 : i32 to index
        %get3A_382 = arith.constant 208 : index
        %get3A_383 = tpu.vector_load %arg11[%get3A_381, %get3A_382] {strides = array<i32>} : memref<64x256xf32, #tpu.memory_space<vmem>>, vector<16xf32>,
        %sub3A_384 = arith.subf %get3A_379, %get3A_383 : vector<16xf32>
        %mul3A_385 = arith.mulf %sub3A_384, %sub3A_384 : vector<16xf32>
        %add3A_386 = arith.addf %add3A_375, %mul3A_385 : vector<16xf32>
        %add3A_387 = arith.addi %mul3A_75, %scan3A_233 : i32
        %get3A_388 = arith.index_cast %add3A_387 : i32 to index
        %get3A_389 = arith.constant 224 : index
        %get3A_390 = tpu.vector_load %arg10[%get3A_388, %get3A_389] {strides = array<i32>} : memref<64x256xf32, #tpu.memory_space<vmem>>, vector<16xf32>,
        %add3A_391 = arith.addi %mul3A_75, %scan3A_233 : i32
        %get3A_392 = arith.index_cast %add3A_391 : i32 to index
        %get3A_393 = arith.constant 224 : index
        %get3A_394 = tpu.vector_load %arg11[%get3A_392, %get3A_393] {strides = array<i32>} : memref<64x256xf32, #tpu.memory_space<vmem>>, vector<16xf32>,
        %sub3A_395 = arith.subf %get3A_390, %get3A_394 : vector<16xf32>
        %mul3A_396 = arith.mulf %sub3A_395, %sub3A_395 : vector<16xf32>
        %add3A_397 = arith.addf %add3A_386, %mul3A_396 : vector<16xf32>
        %add3A_398 = arith.addi %mul3A_75, %scan3A_233 : i32
        %get3A_399 = arith.index_cast %add3A_398 : i32 to index
        %get3A_400 = arith.constant 240 : index
        %get3A_401 = tpu.vector_load %arg10[%get3A_399, %get3A_400] {strides = array<i32>} : memref<64x256xf32, #tpu.memory_space<vmem>>, vector<16xf32>,
        %add3A_402 = arith.addi %mul3A_75, %scan3A_233 : i32
        %get3A_403 = arith.index_cast %add3A_402 : i32 to index
        %get3A_404 = arith.constant 240 : index
        %get3A_405 = tpu.vector_load %arg11[%get3A_403, %get3A_404] {strides = array<i32>} : memref<64x256xf32, #tpu.memory_space<vmem>>, vector<16xf32>,
        %sub3A_406 = arith.subf %get3A_401, %get3A_405 : vector<16xf32>
        %mul3A_407 = arith.mulf %sub3A_406, %sub3A_406 : vector<16xf32>
        %add3A_408 = arith.addf %add3A_397, %mul3A_407 : vector<16xf32>
        %mul3A_409 = arith.constant 16 : i32
        %mul3A_410 = arith.muli %scan3A_233, %mul3A_409 : i32
        %swap3A_411 = arith.index_cast %mul3A_410 : i32 to index
        %swap3A_412 = tpu.vector_load %arg15[%swap3A_411] {strides = array<i32>} : memref<256xf32, #tpu.memory_space<vmem>>, vector<16xf32>,
        tpu.vector_store %arg15[%swap3A_411], %add3A_408 {strides = array<i32>} : memref<256xf32, #tpu.memory_space<vmem>>, vector<16xf32>,
      }
      %scan3A_83 = arith.constant 16 : i32
      %mul3A_84 = arith.constant 16 : i32
      %mul3A_85 = vector.broadcast %mul3A_84 : i32 to vector<16xi32>
      %mul3A_86 = arith.muli %iota3A, %mul3A_85 : vector<16xi32>
      %add3A_87 = arith.constant 0 : i32
      %add3A_88 = vector.broadcast %add3A_87 : i32 to vector<16xi32>
      %add3A_89 = arith.addi %mul3A_86, %add3A_88 : vector<16xi32>
      %gather3A = tpu.vector_load_idx %arg15[%add3A_89] : memref<256xf32, #tpu.memory_space<vmem>>[vector<16xi32>], vector<16xf32>,
      %add3A_90 = arith.addf %broadcast_in_dim3A_3, %gather3A : vector<16xf32>
      %mul3A_91 = arith.constant 16 : i32
      %mul3A_92 = vector.broadcast %mul3A_91 : i32 to vector<16xi32>
      %mul3A_93 = arith.muli %iota3A, %mul3A_92 : vector<16xi32>
      %add3A_94 = arith.constant 1 : i32
      %add3A_95 = vector.broadcast %add3A_94 : i32 to vector<16xi32>
      %add3A_96 = arith.addi %mul3A_93, %add3A_95 : vector<16xi32>
      %gather3A_97 = tpu.vector_load_idx %arg15[%add3A_96] : memref<256xf32, #tpu.memory_space<vmem>>[vector<16xi32>], vector<16xf32>,
      %add3A_98 = arith.addf %add3A_90, %gather3A_97 : vector<16xf32>
      %mul3A_99 = arith.constant 16 : i32
      %mul3A_100 = vector.broadcast %mul3A_99 : i32 to vector<16xi32>
      %mul3A_101 = arith.muli %iota3A, %mul3A_100 : vector<16xi32>
      %add3A_102 = arith.constant 2 : i32
      %add3A_103 = vector.broadcast %add3A_102 : i32 to vector<16xi32>
      %add3A_104 = arith.addi %mul3A_101, %add3A_103 : vector<16xi32>
      %gather3A_105 = tpu.vector_load_idx %arg15[%add3A_104] : memref<256xf32, #tpu.memory_space<vmem>>[vector<16xi32>], vector<16xf32>,
      %add3A_106 = arith.addf %add3A_98, %gather3A_105 : vector<16xf32>
      %mul3A_107 = arith.constant 16 : i32
      %mul3A_108 = vector.broadcast %mul3A_107 : i32 to vector<16xi32>
      %mul3A_109 = arith.muli %iota3A, %mul3A_108 : vector<16xi32>
      %add3A_110 = arith.constant 3 : i32
      %add3A_111 = vector.broadcast %add3A_110 : i32 to vector<16xi32>
      %add3A_112 = arith.addi %mul3A_109, %add3A_111 : vector<16xi32>
      %gather3A_113 = tpu.vector_load_idx %arg15[%add3A_112] : memref<256xf32, #tpu.memory_space<vmem>>[vector<16xi32>], vector<16xf32>,
      %add3A_114 = arith.addf %add3A_106, %gather3A_113 : vector<16xf32>
      %mul3A_115 = arith.constant 16 : i32
      %mul3A_116 = vector.broadcast %mul3A_115 : i32 to vector<16xi32>
      %mul3A_117 = arith.muli %iota3A, %mul3A_116 : vector<16xi32>
      %add3A_118 = arith.constant 4 : i32
      %add3A_119 = vector.broadcast %add3A_118 : i32 to vector<16xi32>
      %add3A_120 = arith.addi %mul3A_117, %add3A_119 : vector<16xi32>
      %gather3A_121 = tpu.vector_load_idx %arg15[%add3A_120] : memref<256xf32, #tpu.memory_space<vmem>>[vector<16xi32>], vector<16xf32>,
      %add3A_122 = arith.addf %add3A_114, %gather3A_121 : vector<16xf32>
      %mul3A_123 = arith.constant 16 : i32
      %mul3A_124 = vector.broadcast %mul3A_123 : i32 to vector<16xi32>
      %mul3A_125 = arith.muli %iota3A, %mul3A_124 : vector<16xi32>
      %add3A_126 = arith.constant 5 : i32
      %add3A_127 = vector.broadcast %add3A_126 : i32 to vector<16xi32>
      %add3A_128 = arith.addi %mul3A_125, %add3A_127 : vector<16xi32>
      %gather3A_129 = tpu.vector_load_idx %arg15[%add3A_128] : memref<256xf32, #tpu.memory_space<vmem>>[vector<16xi32>], vector<16xf32>,
      %add3A_130 = arith.addf %add3A_122, %gather3A_129 : vector<16xf32>
      %mul3A_131 = arith.constant 16 : i32
      %mul3A_132 = vector.broadcast %mul3A_131 : i32 to vector<16xi32>
      %mul3A_133 = arith.muli %iota3A, %mul3A_132 : vector<16xi32>
      %add3A_134 = arith.constant 6 : i32
      %add3A_135 = vector.broadcast %add3A_134 : i32 to vector<16xi32>
      %add3A_136 = arith.addi %mul3A_133, %add3A_135 : vector<16xi32>
      %gather3A_137 = tpu.vector_load_idx %arg15[%add3A_136] : memref<256xf32, #tpu.memory_space<vmem>>[vector<16xi32>], vector<16xf32>,
      %add3A_138 = arith.addf %add3A_130, %gather3A_137 : vector<16xf32>
      %mul3A_139 = arith.constant 16 : i32
      %mul3A_140 = vector.broadcast %mul3A_139 : i32 to vector<16xi32>
      %mul3A_141 = arith.muli %iota3A, %mul3A_140 : vector<16xi32>
      %add3A_142 = arith.constant 7 : i32
      %add3A_143 = vector.broadcast %add3A_142 : i32 to vector<16xi32>
      %add3A_144 = arith.addi %mul3A_141, %add3A_143 : vector<16xi32>
      %gather3A_145 = tpu.vector_load_idx %arg15[%add3A_144] : memref<256xf32, #tpu.memory_space<vmem>>[vector<16xi32>], vector<16xf32>,
      %add3A_146 = arith.addf %add3A_138, %gather3A_145 : vector<16xf32>
      %mul3A_147 = arith.constant 16 : i32
      %mul3A_148 = vector.broadcast %mul3A_147 : i32 to vector<16xi32>
      %mul3A_149 = arith.muli %iota3A, %mul3A_148 : vector<16xi32>
      %add3A_150 = arith.constant 8 : i32
      %add3A_151 = vector.broadcast %add3A_150 : i32 to vector<16xi32>
      %add3A_152 = arith.addi %mul3A_149, %add3A_151 : vector<16xi32>
      %gather3A_153 = tpu.vector_load_idx %arg15[%add3A_152] : memref<256xf32, #tpu.memory_space<vmem>>[vector<16xi32>], vector<16xf32>,
      %add3A_154 = arith.addf %add3A_146, %gather3A_153 : vector<16xf32>
      %mul3A_155 = arith.constant 16 : i32
      %mul3A_156 = vector.broadcast %mul3A_155 : i32 to vector<16xi32>
      %mul3A_157 = arith.muli %iota3A, %mul3A_156 : vector<16xi32>
      %add3A_158 = arith.constant 9 : i32
      %add3A_159 = vector.broadcast %add3A_158 : i32 to vector<16xi32>
      %add3A_160 = arith.addi %mul3A_157, %add3A_159 : vector<16xi32>
      %gather3A_161 = tpu.vector_load_idx %arg15[%add3A_160] : memref<256xf32, #tpu.memory_space<vmem>>[vector<16xi32>], vector<16xf32>,
      %add3A_162 = arith.addf %add3A_154, %gather3A_161 : vector<16xf32>
      %mul3A_163 = arith.constant 16 : i32
      %mul3A_164 = vector.broadcast %mul3A_163 : i32 to vector<16xi32>
      %mul3A_165 = arith.muli %iota3A, %mul3A_164 : vector<16xi32>
      %add3A_166 = arith.constant 10 : i32
      %add3A_167 = vector.broadcast %add3A_166 : i32 to vector<16xi32>
      %add3A_168 = arith.addi %mul3A_165, %add3A_167 : vector<16xi32>
      %gather3A_169 = tpu.vector_load_idx %arg15[%add3A_168] : memref<256xf32, #tpu.memory_space<vmem>>[vector<16xi32>], vector<16xf32>,
      %add3A_170 = arith.addf %add3A_162, %gather3A_169 : vector<16xf32>
      %mul3A_171 = arith.constant 16 : i32
      %mul3A_172 = vector.broadcast %mul3A_171 : i32 to vector<16xi32>
      %mul3A_173 = arith.muli %iota3A, %mul3A_172 : vector<16xi32>
      %add3A_174 = arith.constant 11 : i32
      %add3A_175 = vector.broadcast %add3A_174 : i32 to vector<16xi32>
      %add3A_176 = arith.addi %mul3A_173, %add3A_175 : vector<16xi32>
      %gather3A_177 = tpu.vector_load_idx %arg15[%add3A_176] : memref<256xf32, #tpu.memory_space<vmem>>[vector<16xi32>], vector<16xf32>,
      %add3A_178 = arith.addf %add3A_170, %gather3A_177 : vector<16xf32>
      %mul3A_179 = arith.constant 16 : i32
      %mul3A_180 = vector.broadcast %mul3A_179 : i32 to vector<16xi32>
      %mul3A_181 = arith.muli %iota3A, %mul3A_180 : vector<16xi32>
      %add3A_182 = arith.constant 12 : i32
      %add3A_183 = vector.broadcast %add3A_182 : i32 to vector<16xi32>
      %add3A_184 = arith.addi %mul3A_181, %add3A_183 : vector<16xi32>
      %gather3A_185 = tpu.vector_load_idx %arg15[%add3A_184] : memref<256xf32, #tpu.memory_space<vmem>>[vector<16xi32>], vector<16xf32>,
      %add3A_186 = arith.addf %add3A_178, %gather3A_185 : vector<16xf32>
      %mul3A_187 = arith.constant 16 : i32
      %mul3A_188 = vector.broadcast %mul3A_187 : i32 to vector<16xi32>
      %mul3A_189 = arith.muli %iota3A, %mul3A_188 : vector<16xi32>
      %add3A_190 = arith.constant 13 : i32
      %add3A_191 = vector.broadcast %add3A_190 : i32 to vector<16xi32>
      %add3A_192 = arith.addi %mul3A_189, %add3A_191 : vector<16xi32>
      %gather3A_193 = tpu.vector_load_idx %arg15[%add3A_192] : memref<256xf32, #tpu.memory_space<vmem>>[vector<16xi32>], vector<16xf32>,
      %add3A_194 = arith.addf %add3A_186, %gather3A_193 : vector<16xf32>
      %mul3A_195 = arith.constant 16 : i32
      %mul3A_196 = vector.broadcast %mul3A_195 : i32 to vector<16xi32>
      %mul3A_197 = arith.muli %iota3A, %mul3A_196 : vector<16xi32>
      %add3A_198 = arith.constant 14 : i32
      %add3A_199 = vector.broadcast %add3A_198 : i32 to vector<16xi32>
      %add3A_200 = arith.addi %mul3A_197, %add3A_199 : vector<16xi32>
      %gather3A_201 = tpu.vector_load_idx %arg15[%add3A_200] : memref<256xf32, #tpu.memory_space<vmem>>[vector<16xi32>], vector<16xf32>,
      %add3A_202 = arith.addf %add3A_194, %gather3A_201 : vector<16xf32>
      %mul3A_203 = arith.constant 16 : i32
      %mul3A_204 = vector.broadcast %mul3A_203 : i32 to vector<16xi32>
      %mul3A_205 = arith.muli %iota3A, %mul3A_204 : vector<16xi32>
      %add3A_206 = arith.constant 15 : i32
      %add3A_207 = vector.broadcast %add3A_206 : i32 to vector<16xi32>
      %add3A_208 = arith.addi %mul3A_205, %add3A_207 : vector<16xi32>
      %gather3A_209 = tpu.vector_load_idx %arg15[%add3A_208] : memref<256xf32, #tpu.memory_space<vmem>>[vector<16xi32>], vector<16xf32>,
      %add3A_210 = arith.addf %add3A_202, %gather3A_209 : vector<16xf32>
      %get3A = arith.index_cast %add3A_77 : i32 to index
      %get3A_211 = tpu.vector_load %arg8[%get3A] {strides = array<i32>} : memref<5120xi32, #tpu.memory_space<vmem>>, vector<16xi32>,
      %add3A_212 = arith.addi %mul3A_2, %add3A_77 : i32
      %add3A_213 = vector.broadcast %add3A_212 : i32 to vector<16xi32>
      %add3A_214 = arith.addi %add3A_213, %iota3A : vector<16xi32>
      %lt3A = arith.constant 5.290000e+02 : f32
      %lt3A_215 = vector.broadcast %lt3A : f32 to vector<16xf32>
      %lt3A_216 = arith.cmpf olt, %add3A_210, %lt3A_215 : vector<16xf32>
      %lt3A_217 = arith.constant 160000 : i32
      %lt3A_218 = vector.broadcast %lt3A_217 : i32 to vector<16xi32>
      %lt3A_219 = arith.cmpi slt, %add3A_214, %lt3A_218 : vector<16xi32>
      %and3A = arith.andi %lt3A_216, %lt3A_219 : vector<16xi1>
      %and3A_220 = arith.constant 127 : i32
      %and3A_221 = vector.broadcast %and3A_220 : i32 to vector<16xi32>
      %and3A_222 = arith.andi %add3A_214, %and3A_221 : vector<16xi32>
      %add3A_223 = arith.constant 10240 : i32
      %add3A_224 = vector.broadcast %add3A_223 : i32 to vector<16xi32>
      %add3A_225 = arith.addi %add3A_224, %and3A_222 : vector<16xi32>
      %select_n3A = arith.select %and3A, %get3A_211, %add3A_225 : vector<16xi1>, vector<16xi32>
      tpu.vector_store_idx %arg14[%select_n3A], %broadcast_in_dim3A_5 {add = true} : memref<10368xf32, #tpu.memory_space<vmem>>[vector<16xi32>], vector<16xf32>,
      %shift_right_arithmetic3A = arith.constant 7 : i32
      %shift_right_arithmetic3A_226 = arith.shrsi %add3A_77, %shift_right_arithmetic3A : i32
      %and3A_227 = arith.constant 127 : i32
      %and3A_228 = arith.andi %add3A_77, %and3A_227 : i32
      %swap3A = arith.constant 0 : i32
      %swap3A_229 = arith.index_cast %shift_right_arithmetic3A_226 : i32 to index
      %swap3A_230 = arith.index_cast %swap3A : i32 to index
      %swap3A_231 = arith.index_cast %and3A_228 : i32 to index
      %swap3A_232 = tpu.vector_load %arg9[%swap3A_229, %swap3A_230, %swap3A_231] {strides = array<i32>} : memref<40x1x128xi32, #tpu.memory_space<vmem>>, vector<16xi32>,
      tpu.vector_store %arg9[%swap3A_229, %swap3A_230, %swap3A_231], %select_n3A {strides = array<i32>} : memref<40x1x128xi32, #tpu.memory_space<vmem>>, vector<16xi32>,
    }
    %scan3A_52 = arith.constant 4 : i32
    %dma_wait3A_53 = arith.constant 0 : i32
    %dma_wait3A_54 = arith.constant 0 : i32
    %dma_wait3A_55 = tpu.memref_slice %arg2[%dma_wait3A_53, %dma_wait3A_54] : memref<10240x256xf32, #tpu.memory_space<hbm>> -> memref<64x256xf32, #tpu.memory_space<hbm>>
    %dma_wait3A_56 = arith.constant 0 : i32
    %dma_wait3A_57 = arith.constant 0 : i32
    %dma_wait3A_58 = tpu.memref_slice %arg2[%dma_wait3A_56, %dma_wait3A_57] : memref<10240x256xf32, #tpu.memory_space<hbm>> -> memref<64x256xf32, #tpu.memory_space<hbm>>
    tpu.wait_dma2 semaphore(%arg18 : memref<!tpu.dma_semaphore, #tpu.memory_space<semaphore_mem>>) src(%dma_wait3A_58 : memref<64x256xf32, #tpu.memory_space<hbm>>) dst(%arg12 : memref<64x256xf32, #tpu.memory_space<vmem>>)
    %dma_wait3A_59 = arith.constant 0 : i32
    %dma_wait3A_60 = arith.constant 0 : i32
    %dma_wait3A_61 = tpu.memref_slice %arg2[%dma_wait3A_59, %dma_wait3A_60] : memref<10240x256xf32, #tpu.memory_space<hbm>> -> memref<64x256xf32, #tpu.memory_space<hbm>>
    %dma_wait3A_62 = arith.constant 0 : i32
    %dma_wait3A_63 = arith.constant 0 : i32
    %dma_wait3A_64 = tpu.memref_slice %arg2[%dma_wait3A_62, %dma_wait3A_63] : memref<10240x256xf32, #tpu.memory_space<hbm>> -> memref<64x256xf32, #tpu.memory_space<hbm>>
    tpu.wait_dma2 semaphore(%arg19 : memref<!tpu.dma_semaphore, #tpu.memory_space<semaphore_mem>>) src(%dma_wait3A_64 : memref<64x256xf32, #tpu.memory_space<hbm>>) dst(%arg13 : memref<64x256xf32, #tpu.memory_space<vmem>>)
    %scan3A_65 = arith.constant 0 : i32
    %scan3A_66 = arith.constant 0 : i32
    %scan3A_67 = arith.constant 4 : i32
    %scan3A_68 = arith.addi %scan3A_66, %scan3A_67 : i32
    %scan3A_69 = arith.constant 1 : i32
    scf.for %scan3A_73 = %scan3A_66 to %scan3A_68 step %scan3A_69  : i32 {
      %mul3A_74 = arith.constant 16 : i32
      %mul3A_75 = arith.muli %scan3A_73, %mul3A_74 : i32
      %add3A_76 = arith.constant 5056 : i32
      %add3A_77 = arith.addi %add3A_76, %mul3A_75 : i32
      %scan3A_78 = arith.constant 0 : i32
      %scan3A_79 = arith.constant 0 : i32
      %scan3A_80 = arith.constant 16 : i32
      %scan3A_81 = arith.addi %scan3A_79, %scan3A_80 : i32
      %scan3A_82 = arith.constant 1 : i32
      scf.for %scan3A_233 = %scan3A_79 to %scan3A_81 step %scan3A_82  : i32 {
        %add3A_234 = arith.addi %mul3A_75, %scan3A_233 : i32
        %get3A_235 = arith.index_cast %add3A_234 : i32 to index
        %get3A_236 = arith.constant 0 : index
        %get3A_237 = tpu.vector_load %arg12[%get3A_235, %get3A_236] {strides = array<i32>} : memref<64x256xf32, #tpu.memory_space<vmem>>, vector<16xf32>,
        %add3A_238 = arith.addi %mul3A_75, %scan3A_233 : i32
        %get3A_239 = arith.index_cast %add3A_238 : i32 to index
        %get3A_240 = arith.constant 0 : index
        %get3A_241 = tpu.vector_load %arg13[%get3A_239, %get3A_240] {strides = array<i32>} : memref<64x256xf32, #tpu.memory_space<vmem>>, vector<16xf32>,
        %sub3A = arith.subf %get3A_237, %get3A_241 : vector<16xf32>
        %mul3A_242 = arith.mulf %sub3A, %sub3A : vector<16xf32>
        %add3A_243 = arith.addf %broadcast_in_dim3A_3, %mul3A_242 : vector<16xf32>
        %add3A_244 = arith.addi %mul3A_75, %scan3A_233 : i32
        %get3A_245 = arith.index_cast %add3A_244 : i32 to index
        %get3A_246 = arith.constant 16 : index
        %get3A_247 = tpu.vector_load %arg12[%get3A_245, %get3A_246] {strides = array<i32>} : memref<64x256xf32, #tpu.memory_space<vmem>>, vector<16xf32>,
        %add3A_248 = arith.addi %mul3A_75, %scan3A_233 : i32
        %get3A_249 = arith.index_cast %add3A_248 : i32 to index
        %get3A_250 = arith.constant 16 : index
        %get3A_251 = tpu.vector_load %arg13[%get3A_249, %get3A_250] {strides = array<i32>} : memref<64x256xf32, #tpu.memory_space<vmem>>, vector<16xf32>,
        %sub3A_252 = arith.subf %get3A_247, %get3A_251 : vector<16xf32>
        %mul3A_253 = arith.mulf %sub3A_252, %sub3A_252 : vector<16xf32>
        %add3A_254 = arith.addf %add3A_243, %mul3A_253 : vector<16xf32>
        %add3A_255 = arith.addi %mul3A_75, %scan3A_233 : i32
        %get3A_256 = arith.index_cast %add3A_255 : i32 to index
        %get3A_257 = arith.constant 32 : index
        %get3A_258 = tpu.vector_load %arg12[%get3A_256, %get3A_257] {strides = array<i32>} : memref<64x256xf32, #tpu.memory_space<vmem>>, vector<16xf32>,
        %add3A_259 = arith.addi %mul3A_75, %scan3A_233 : i32
        %get3A_260 = arith.index_cast %add3A_259 : i32 to index
        %get3A_261 = arith.constant 32 : index
        %get3A_262 = tpu.vector_load %arg13[%get3A_260, %get3A_261] {strides = array<i32>} : memref<64x256xf32, #tpu.memory_space<vmem>>, vector<16xf32>,
        %sub3A_263 = arith.subf %get3A_258, %get3A_262 : vector<16xf32>
        %mul3A_264 = arith.mulf %sub3A_263, %sub3A_263 : vector<16xf32>
        %add3A_265 = arith.addf %add3A_254, %mul3A_264 : vector<16xf32>
        %add3A_266 = arith.addi %mul3A_75, %scan3A_233 : i32
        %get3A_267 = arith.index_cast %add3A_266 : i32 to index
        %get3A_268 = arith.constant 48 : index
        %get3A_269 = tpu.vector_load %arg12[%get3A_267, %get3A_268] {strides = array<i32>} : memref<64x256xf32, #tpu.memory_space<vmem>>, vector<16xf32>,
        %add3A_270 = arith.addi %mul3A_75, %scan3A_233 : i32
        %get3A_271 = arith.index_cast %add3A_270 : i32 to index
        %get3A_272 = arith.constant 48 : index
        %get3A_273 = tpu.vector_load %arg13[%get3A_271, %get3A_272] {strides = array<i32>} : memref<64x256xf32, #tpu.memory_space<vmem>>, vector<16xf32>,
        %sub3A_274 = arith.subf %get3A_269, %get3A_273 : vector<16xf32>
        %mul3A_275 = arith.mulf %sub3A_274, %sub3A_274 : vector<16xf32>
        %add3A_276 = arith.addf %add3A_265, %mul3A_275 : vector<16xf32>
        %add3A_277 = arith.addi %mul3A_75, %scan3A_233 : i32
        %get3A_278 = arith.index_cast %add3A_277 : i32 to index
        %get3A_279 = arith.constant 64 : index
        %get3A_280 = tpu.vector_load %arg12[%get3A_278, %get3A_279] {strides = array<i32>} : memref<64x256xf32, #tpu.memory_space<vmem>>, vector<16xf32>,
        %add3A_281 = arith.addi %mul3A_75, %scan3A_233 : i32
        %get3A_282 = arith.index_cast %add3A_281 : i32 to index
        %get3A_283 = arith.constant 64 : index
        %get3A_284 = tpu.vector_load %arg13[%get3A_282, %get3A_283] {strides = array<i32>} : memref<64x256xf32, #tpu.memory_space<vmem>>, vector<16xf32>,
        %sub3A_285 = arith.subf %get3A_280, %get3A_284 : vector<16xf32>
        %mul3A_286 = arith.mulf %sub3A_285, %sub3A_285 : vector<16xf32>
        %add3A_287 = arith.addf %add3A_276, %mul3A_286 : vector<16xf32>
        %add3A_288 = arith.addi %mul3A_75, %scan3A_233 : i32
        %get3A_289 = arith.index_cast %add3A_288 : i32 to index
        %get3A_290 = arith.constant 80 : index
        %get3A_291 = tpu.vector_load %arg12[%get3A_289, %get3A_290] {strides = array<i32>} : memref<64x256xf32, #tpu.memory_space<vmem>>, vector<16xf32>,
        %add3A_292 = arith.addi %mul3A_75, %scan3A_233 : i32
        %get3A_293 = arith.index_cast %add3A_292 : i32 to index
        %get3A_294 = arith.constant 80 : index
        %get3A_295 = tpu.vector_load %arg13[%get3A_293, %get3A_294] {strides = array<i32>} : memref<64x256xf32, #tpu.memory_space<vmem>>, vector<16xf32>,
        %sub3A_296 = arith.subf %get3A_291, %get3A_295 : vector<16xf32>
        %mul3A_297 = arith.mulf %sub3A_296, %sub3A_296 : vector<16xf32>
        %add3A_298 = arith.addf %add3A_287, %mul3A_297 : vector<16xf32>
        %add3A_299 = arith.addi %mul3A_75, %scan3A_233 : i32
        %get3A_300 = arith.index_cast %add3A_299 : i32 to index
        %get3A_301 = arith.constant 96 : index
        %get3A_302 = tpu.vector_load %arg12[%get3A_300, %get3A_301] {strides = array<i32>} : memref<64x256xf32, #tpu.memory_space<vmem>>, vector<16xf32>,
        %add3A_303 = arith.addi %mul3A_75, %scan3A_233 : i32
        %get3A_304 = arith.index_cast %add3A_303 : i32 to index
        %get3A_305 = arith.constant 96 : index
        %get3A_306 = tpu.vector_load %arg13[%get3A_304, %get3A_305] {strides = array<i32>} : memref<64x256xf32, #tpu.memory_space<vmem>>, vector<16xf32>,
        %sub3A_307 = arith.subf %get3A_302, %get3A_306 : vector<16xf32>
        %mul3A_308 = arith.mulf %sub3A_307, %sub3A_307 : vector<16xf32>
        %add3A_309 = arith.addf %add3A_298, %mul3A_308 : vector<16xf32>
        %add3A_310 = arith.addi %mul3A_75, %scan3A_233 : i32
        %get3A_311 = arith.index_cast %add3A_310 : i32 to index
        %get3A_312 = arith.constant 112 : index
        %get3A_313 = tpu.vector_load %arg12[%get3A_311, %get3A_312] {strides = array<i32>} : memref<64x256xf32, #tpu.memory_space<vmem>>, vector<16xf32>,
        %add3A_314 = arith.addi %mul3A_75, %scan3A_233 : i32
        %get3A_315 = arith.index_cast %add3A_314 : i32 to index
        %get3A_316 = arith.constant 112 : index
        %get3A_317 = tpu.vector_load %arg13[%get3A_315, %get3A_316] {strides = array<i32>} : memref<64x256xf32, #tpu.memory_space<vmem>>, vector<16xf32>,
        %sub3A_318 = arith.subf %get3A_313, %get3A_317 : vector<16xf32>
        %mul3A_319 = arith.mulf %sub3A_318, %sub3A_318 : vector<16xf32>
        %add3A_320 = arith.addf %add3A_309, %mul3A_319 : vector<16xf32>
        %add3A_321 = arith.addi %mul3A_75, %scan3A_233 : i32
        %get3A_322 = arith.index_cast %add3A_321 : i32 to index
        %get3A_323 = arith.constant 128 : index
        %get3A_324 = tpu.vector_load %arg12[%get3A_322, %get3A_323] {strides = array<i32>} : memref<64x256xf32, #tpu.memory_space<vmem>>, vector<16xf32>,
        %add3A_325 = arith.addi %mul3A_75, %scan3A_233 : i32
        %get3A_326 = arith.index_cast %add3A_325 : i32 to index
        %get3A_327 = arith.constant 128 : index
        %get3A_328 = tpu.vector_load %arg13[%get3A_326, %get3A_327] {strides = array<i32>} : memref<64x256xf32, #tpu.memory_space<vmem>>, vector<16xf32>,
        %sub3A_329 = arith.subf %get3A_324, %get3A_328 : vector<16xf32>
        %mul3A_330 = arith.mulf %sub3A_329, %sub3A_329 : vector<16xf32>
        %add3A_331 = arith.addf %add3A_320, %mul3A_330 : vector<16xf32>
        %add3A_332 = arith.addi %mul3A_75, %scan3A_233 : i32
        %get3A_333 = arith.index_cast %add3A_332 : i32 to index
        %get3A_334 = arith.constant 144 : index
        %get3A_335 = tpu.vector_load %arg12[%get3A_333, %get3A_334] {strides = array<i32>} : memref<64x256xf32, #tpu.memory_space<vmem>>, vector<16xf32>,
        %add3A_336 = arith.addi %mul3A_75, %scan3A_233 : i32
        %get3A_337 = arith.index_cast %add3A_336 : i32 to index
        %get3A_338 = arith.constant 144 : index
        %get3A_339 = tpu.vector_load %arg13[%get3A_337, %get3A_338] {strides = array<i32>} : memref<64x256xf32, #tpu.memory_space<vmem>>, vector<16xf32>,
        %sub3A_340 = arith.subf %get3A_335, %get3A_339 : vector<16xf32>
        %mul3A_341 = arith.mulf %sub3A_340, %sub3A_340 : vector<16xf32>
        %add3A_342 = arith.addf %add3A_331, %mul3A_341 : vector<16xf32>
        %add3A_343 = arith.addi %mul3A_75, %scan3A_233 : i32
        %get3A_344 = arith.index_cast %add3A_343 : i32 to index
        %get3A_345 = arith.constant 160 : index
        %get3A_346 = tpu.vector_load %arg12[%get3A_344, %get3A_345] {strides = array<i32>} : memref<64x256xf32, #tpu.memory_space<vmem>>, vector<16xf32>,
        %add3A_347 = arith.addi %mul3A_75, %scan3A_233 : i32
        %get3A_348 = arith.index_cast %add3A_347 : i32 to index
        %get3A_349 = arith.constant 160 : index
        %get3A_350 = tpu.vector_load %arg13[%get3A_348, %get3A_349] {strides = array<i32>} : memref<64x256xf32, #tpu.memory_space<vmem>>, vector<16xf32>,
        %sub3A_351 = arith.subf %get3A_346, %get3A_350 : vector<16xf32>
        %mul3A_352 = arith.mulf %sub3A_351, %sub3A_351 : vector<16xf32>
        %add3A_353 = arith.addf %add3A_342, %mul3A_352 : vector<16xf32>
        %add3A_354 = arith.addi %mul3A_75, %scan3A_233 : i32
        %get3A_355 = arith.index_cast %add3A_354 : i32 to index
        %get3A_356 = arith.constant 176 : index
        %get3A_357 = tpu.vector_load %arg12[%get3A_355, %get3A_356] {strides = array<i32>} : memref<64x256xf32, #tpu.memory_space<vmem>>, vector<16xf32>,
        %add3A_358 = arith.addi %mul3A_75, %scan3A_233 : i32
        %get3A_359 = arith.index_cast %add3A_358 : i32 to index
        %get3A_360 = arith.constant 176 : index
        %get3A_361 = tpu.vector_load %arg13[%get3A_359, %get3A_360] {strides = array<i32>} : memref<64x256xf32, #tpu.memory_space<vmem>>, vector<16xf32>,
        %sub3A_362 = arith.subf %get3A_357, %get3A_361 : vector<16xf32>
        %mul3A_363 = arith.mulf %sub3A_362, %sub3A_362 : vector<16xf32>
        %add3A_364 = arith.addf %add3A_353, %mul3A_363 : vector<16xf32>
        %add3A_365 = arith.addi %mul3A_75, %scan3A_233 : i32
        %get3A_366 = arith.index_cast %add3A_365 : i32 to index
        %get3A_367 = arith.constant 192 : index
        %get3A_368 = tpu.vector_load %arg12[%get3A_366, %get3A_367] {strides = array<i32>} : memref<64x256xf32, #tpu.memory_space<vmem>>, vector<16xf32>,
        %add3A_369 = arith.addi %mul3A_75, %scan3A_233 : i32
        %get3A_370 = arith.index_cast %add3A_369 : i32 to index
        %get3A_371 = arith.constant 192 : index
        %get3A_372 = tpu.vector_load %arg13[%get3A_370, %get3A_371] {strides = array<i32>} : memref<64x256xf32, #tpu.memory_space<vmem>>, vector<16xf32>,
        %sub3A_373 = arith.subf %get3A_368, %get3A_372 : vector<16xf32>
        %mul3A_374 = arith.mulf %sub3A_373, %sub3A_373 : vector<16xf32>
        %add3A_375 = arith.addf %add3A_364, %mul3A_374 : vector<16xf32>
        %add3A_376 = arith.addi %mul3A_75, %scan3A_233 : i32
        %get3A_377 = arith.index_cast %add3A_376 : i32 to index
        %get3A_378 = arith.constant 208 : index
        %get3A_379 = tpu.vector_load %arg12[%get3A_377, %get3A_378] {strides = array<i32>} : memref<64x256xf32, #tpu.memory_space<vmem>>, vector<16xf32>,
        %add3A_380 = arith.addi %mul3A_75, %scan3A_233 : i32
        %get3A_381 = arith.index_cast %add3A_380 : i32 to index
        %get3A_382 = arith.constant 208 : index
        %get3A_383 = tpu.vector_load %arg13[%get3A_381, %get3A_382] {strides = array<i32>} : memref<64x256xf32, #tpu.memory_space<vmem>>, vector<16xf32>,
        %sub3A_384 = arith.subf %get3A_379, %get3A_383 : vector<16xf32>
        %mul3A_385 = arith.mulf %sub3A_384, %sub3A_384 : vector<16xf32>
        %add3A_386 = arith.addf %add3A_375, %mul3A_385 : vector<16xf32>
        %add3A_387 = arith.addi %mul3A_75, %scan3A_233 : i32
        %get3A_388 = arith.index_cast %add3A_387 : i32 to index
        %get3A_389 = arith.constant 224 : index
        %get3A_390 = tpu.vector_load %arg12[%get3A_388, %get3A_389] {strides = array<i32>} : memref<64x256xf32, #tpu.memory_space<vmem>>, vector<16xf32>,
        %add3A_391 = arith.addi %mul3A_75, %scan3A_233 : i32
        %get3A_392 = arith.index_cast %add3A_391 : i32 to index
        %get3A_393 = arith.constant 224 : index
        %get3A_394 = tpu.vector_load %arg13[%get3A_392, %get3A_393] {strides = array<i32>} : memref<64x256xf32, #tpu.memory_space<vmem>>, vector<16xf32>,
        %sub3A_395 = arith.subf %get3A_390, %get3A_394 : vector<16xf32>
        %mul3A_396 = arith.mulf %sub3A_395, %sub3A_395 : vector<16xf32>
        %add3A_397 = arith.addf %add3A_386, %mul3A_396 : vector<16xf32>
        %add3A_398 = arith.addi %mul3A_75, %scan3A_233 : i32
        %get3A_399 = arith.index_cast %add3A_398 : i32 to index
        %get3A_400 = arith.constant 240 : index
        %get3A_401 = tpu.vector_load %arg12[%get3A_399, %get3A_400] {strides = array<i32>} : memref<64x256xf32, #tpu.memory_space<vmem>>, vector<16xf32>,
        %add3A_402 = arith.addi %mul3A_75, %scan3A_233 : i32
        %get3A_403 = arith.index_cast %add3A_402 : i32 to index
        %get3A_404 = arith.constant 240 : index
        %get3A_405 = tpu.vector_load %arg13[%get3A_403, %get3A_404] {strides = array<i32>} : memref<64x256xf32, #tpu.memory_space<vmem>>, vector<16xf32>,
        %sub3A_406 = arith.subf %get3A_401, %get3A_405 : vector<16xf32>
        %mul3A_407 = arith.mulf %sub3A_406, %sub3A_406 : vector<16xf32>
        %add3A_408 = arith.addf %add3A_397, %mul3A_407 : vector<16xf32>
        %mul3A_409 = arith.constant 16 : i32
        %mul3A_410 = arith.muli %scan3A_233, %mul3A_409 : i32
        %swap3A_411 = arith.index_cast %mul3A_410 : i32 to index
        %swap3A_412 = tpu.vector_load %arg15[%swap3A_411] {strides = array<i32>} : memref<256xf32, #tpu.memory_space<vmem>>, vector<16xf32>,
        tpu.vector_store %arg15[%swap3A_411], %add3A_408 {strides = array<i32>} : memref<256xf32, #tpu.memory_space<vmem>>, vector<16xf32>,
      }
      %scan3A_83 = arith.constant 16 : i32
      %mul3A_84 = arith.constant 16 : i32
      %mul3A_85 = vector.broadcast %mul3A_84 : i32 to vector<16xi32>
      %mul3A_86 = arith.muli %iota3A, %mul3A_85 : vector<16xi32>
      %add3A_87 = arith.constant 0 : i32
      %add3A_88 = vector.broadcast %add3A_87 : i32 to vector<16xi32>
      %add3A_89 = arith.addi %mul3A_86, %add3A_88 : vector<16xi32>
      %gather3A = tpu.vector_load_idx %arg15[%add3A_89] : memref<256xf32, #tpu.memory_space<vmem>>[vector<16xi32>], vector<16xf32>,
      %add3A_90 = arith.addf %broadcast_in_dim3A_3, %gather3A : vector<16xf32>
      %mul3A_91 = arith.constant 16 : i32
      %mul3A_92 = vector.broadcast %mul3A_91 : i32 to vector<16xi32>
      %mul3A_93 = arith.muli %iota3A, %mul3A_92 : vector<16xi32>
      %add3A_94 = arith.constant 1 : i32
      %add3A_95 = vector.broadcast %add3A_94 : i32 to vector<16xi32>
      %add3A_96 = arith.addi %mul3A_93, %add3A_95 : vector<16xi32>
      %gather3A_97 = tpu.vector_load_idx %arg15[%add3A_96] : memref<256xf32, #tpu.memory_space<vmem>>[vector<16xi32>], vector<16xf32>,
      %add3A_98 = arith.addf %add3A_90, %gather3A_97 : vector<16xf32>
      %mul3A_99 = arith.constant 16 : i32
      %mul3A_100 = vector.broadcast %mul3A_99 : i32 to vector<16xi32>
      %mul3A_101 = arith.muli %iota3A, %mul3A_100 : vector<16xi32>
      %add3A_102 = arith.constant 2 : i32
      %add3A_103 = vector.broadcast %add3A_102 : i32 to vector<16xi32>
      %add3A_104 = arith.addi %mul3A_101, %add3A_103 : vector<16xi32>
      %gather3A_105 = tpu.vector_load_idx %arg15[%add3A_104] : memref<256xf32, #tpu.memory_space<vmem>>[vector<16xi32>], vector<16xf32>,
      %add3A_106 = arith.addf %add3A_98, %gather3A_105 : vector<16xf32>
      %mul3A_107 = arith.constant 16 : i32
      %mul3A_108 = vector.broadcast %mul3A_107 : i32 to vector<16xi32>
      %mul3A_109 = arith.muli %iota3A, %mul3A_108 : vector<16xi32>
      %add3A_110 = arith.constant 3 : i32
      %add3A_111 = vector.broadcast %add3A_110 : i32 to vector<16xi32>
      %add3A_112 = arith.addi %mul3A_109, %add3A_111 : vector<16xi32>
      %gather3A_113 = tpu.vector_load_idx %arg15[%add3A_112] : memref<256xf32, #tpu.memory_space<vmem>>[vector<16xi32>], vector<16xf32>,
      %add3A_114 = arith.addf %add3A_106, %gather3A_113 : vector<16xf32>
      %mul3A_115 = arith.constant 16 : i32
      %mul3A_116 = vector.broadcast %mul3A_115 : i32 to vector<16xi32>
      %mul3A_117 = arith.muli %iota3A, %mul3A_116 : vector<16xi32>
      %add3A_118 = arith.constant 4 : i32
      %add3A_119 = vector.broadcast %add3A_118 : i32 to vector<16xi32>
      %add3A_120 = arith.addi %mul3A_117, %add3A_119 : vector<16xi32>
      %gather3A_121 = tpu.vector_load_idx %arg15[%add3A_120] : memref<256xf32, #tpu.memory_space<vmem>>[vector<16xi32>], vector<16xf32>,
      %add3A_122 = arith.addf %add3A_114, %gather3A_121 : vector<16xf32>
      %mul3A_123 = arith.constant 16 : i32
      %mul3A_124 = vector.broadcast %mul3A_123 : i32 to vector<16xi32>
      %mul3A_125 = arith.muli %iota3A, %mul3A_124 : vector<16xi32>
      %add3A_126 = arith.constant 5 : i32
      %add3A_127 = vector.broadcast %add3A_126 : i32 to vector<16xi32>
      %add3A_128 = arith.addi %mul3A_125, %add3A_127 : vector<16xi32>
      %gather3A_129 = tpu.vector_load_idx %arg15[%add3A_128] : memref<256xf32, #tpu.memory_space<vmem>>[vector<16xi32>], vector<16xf32>,
      %add3A_130 = arith.addf %add3A_122, %gather3A_129 : vector<16xf32>
      %mul3A_131 = arith.constant 16 : i32
      %mul3A_132 = vector.broadcast %mul3A_131 : i32 to vector<16xi32>
      %mul3A_133 = arith.muli %iota3A, %mul3A_132 : vector<16xi32>
      %add3A_134 = arith.constant 6 : i32
      %add3A_135 = vector.broadcast %add3A_134 : i32 to vector<16xi32>
      %add3A_136 = arith.addi %mul3A_133, %add3A_135 : vector<16xi32>
      %gather3A_137 = tpu.vector_load_idx %arg15[%add3A_136] : memref<256xf32, #tpu.memory_space<vmem>>[vector<16xi32>], vector<16xf32>,
      %add3A_138 = arith.addf %add3A_130, %gather3A_137 : vector<16xf32>
      %mul3A_139 = arith.constant 16 : i32
      %mul3A_140 = vector.broadcast %mul3A_139 : i32 to vector<16xi32>
      %mul3A_141 = arith.muli %iota3A, %mul3A_140 : vector<16xi32>
      %add3A_142 = arith.constant 7 : i32
      %add3A_143 = vector.broadcast %add3A_142 : i32 to vector<16xi32>
      %add3A_144 = arith.addi %mul3A_141, %add3A_143 : vector<16xi32>
      %gather3A_145 = tpu.vector_load_idx %arg15[%add3A_144] : memref<256xf32, #tpu.memory_space<vmem>>[vector<16xi32>], vector<16xf32>,
      %add3A_146 = arith.addf %add3A_138, %gather3A_145 : vector<16xf32>
      %mul3A_147 = arith.constant 16 : i32
      %mul3A_148 = vector.broadcast %mul3A_147 : i32 to vector<16xi32>
      %mul3A_149 = arith.muli %iota3A, %mul3A_148 : vector<16xi32>
      %add3A_150 = arith.constant 8 : i32
      %add3A_151 = vector.broadcast %add3A_150 : i32 to vector<16xi32>
      %add3A_152 = arith.addi %mul3A_149, %add3A_151 : vector<16xi32>
      %gather3A_153 = tpu.vector_load_idx %arg15[%add3A_152] : memref<256xf32, #tpu.memory_space<vmem>>[vector<16xi32>], vector<16xf32>,
      %add3A_154 = arith.addf %add3A_146, %gather3A_153 : vector<16xf32>
      %mul3A_155 = arith.constant 16 : i32
      %mul3A_156 = vector.broadcast %mul3A_155 : i32 to vector<16xi32>
      %mul3A_157 = arith.muli %iota3A, %mul3A_156 : vector<16xi32>
      %add3A_158 = arith.constant 9 : i32
      %add3A_159 = vector.broadcast %add3A_158 : i32 to vector<16xi32>
      %add3A_160 = arith.addi %mul3A_157, %add3A_159 : vector<16xi32>
      %gather3A_161 = tpu.vector_load_idx %arg15[%add3A_160] : memref<256xf32, #tpu.memory_space<vmem>>[vector<16xi32>], vector<16xf32>,
      %add3A_162 = arith.addf %add3A_154, %gather3A_161 : vector<16xf32>
      %mul3A_163 = arith.constant 16 : i32
      %mul3A_164 = vector.broadcast %mul3A_163 : i32 to vector<16xi32>
      %mul3A_165 = arith.muli %iota3A, %mul3A_164 : vector<16xi32>
      %add3A_166 = arith.constant 10 : i32
      %add3A_167 = vector.broadcast %add3A_166 : i32 to vector<16xi32>
      %add3A_168 = arith.addi %mul3A_165, %add3A_167 : vector<16xi32>
      %gather3A_169 = tpu.vector_load_idx %arg15[%add3A_168] : memref<256xf32, #tpu.memory_space<vmem>>[vector<16xi32>], vector<16xf32>,
      %add3A_170 = arith.addf %add3A_162, %gather3A_169 : vector<16xf32>
      %mul3A_171 = arith.constant 16 : i32
      %mul3A_172 = vector.broadcast %mul3A_171 : i32 to vector<16xi32>
      %mul3A_173 = arith.muli %iota3A, %mul3A_172 : vector<16xi32>
      %add3A_174 = arith.constant 11 : i32
      %add3A_175 = vector.broadcast %add3A_174 : i32 to vector<16xi32>
      %add3A_176 = arith.addi %mul3A_173, %add3A_175 : vector<16xi32>
      %gather3A_177 = tpu.vector_load_idx %arg15[%add3A_176] : memref<256xf32, #tpu.memory_space<vmem>>[vector<16xi32>], vector<16xf32>,
      %add3A_178 = arith.addf %add3A_170, %gather3A_177 : vector<16xf32>
      %mul3A_179 = arith.constant 16 : i32
      %mul3A_180 = vector.broadcast %mul3A_179 : i32 to vector<16xi32>
      %mul3A_181 = arith.muli %iota3A, %mul3A_180 : vector<16xi32>
      %add3A_182 = arith.constant 12 : i32
      %add3A_183 = vector.broadcast %add3A_182 : i32 to vector<16xi32>
      %add3A_184 = arith.addi %mul3A_181, %add3A_183 : vector<16xi32>
      %gather3A_185 = tpu.vector_load_idx %arg15[%add3A_184] : memref<256xf32, #tpu.memory_space<vmem>>[vector<16xi32>], vector<16xf32>,
      %add3A_186 = arith.addf %add3A_178, %gather3A_185 : vector<16xf32>
      %mul3A_187 = arith.constant 16 : i32
      %mul3A_188 = vector.broadcast %mul3A_187 : i32 to vector<16xi32>
      %mul3A_189 = arith.muli %iota3A, %mul3A_188 : vector<16xi32>
      %add3A_190 = arith.constant 13 : i32
      %add3A_191 = vector.broadcast %add3A_190 : i32 to vector<16xi32>
      %add3A_192 = arith.addi %mul3A_189, %add3A_191 : vector<16xi32>
      %gather3A_193 = tpu.vector_load_idx %arg15[%add3A_192] : memref<256xf32, #tpu.memory_space<vmem>>[vector<16xi32>], vector<16xf32>,
      %add3A_194 = arith.addf %add3A_186, %gather3A_193 : vector<16xf32>
      %mul3A_195 = arith.constant 16 : i32
      %mul3A_196 = vector.broadcast %mul3A_195 : i32 to vector<16xi32>
      %mul3A_197 = arith.muli %iota3A, %mul3A_196 : vector<16xi32>
      %add3A_198 = arith.constant 14 : i32
      %add3A_199 = vector.broadcast %add3A_198 : i32 to vector<16xi32>
      %add3A_200 = arith.addi %mul3A_197, %add3A_199 : vector<16xi32>
      %gather3A_201 = tpu.vector_load_idx %arg15[%add3A_200] : memref<256xf32, #tpu.memory_space<vmem>>[vector<16xi32>], vector<16xf32>,
      %add3A_202 = arith.addf %add3A_194, %gather3A_201 : vector<16xf32>
      %mul3A_203 = arith.constant 16 : i32
      %mul3A_204 = vector.broadcast %mul3A_203 : i32 to vector<16xi32>
      %mul3A_205 = arith.muli %iota3A, %mul3A_204 : vector<16xi32>
      %add3A_206 = arith.constant 15 : i32
      %add3A_207 = vector.broadcast %add3A_206 : i32 to vector<16xi32>
      %add3A_208 = arith.addi %mul3A_205, %add3A_207 : vector<16xi32>
      %gather3A_209 = tpu.vector_load_idx %arg15[%add3A_208] : memref<256xf32, #tpu.memory_space<vmem>>[vector<16xi32>], vector<16xf32>,
      %add3A_210 = arith.addf %add3A_202, %gather3A_209 : vector<16xf32>
      %get3A = arith.index_cast %add3A_77 : i32 to index
      %get3A_211 = tpu.vector_load %arg8[%get3A] {strides = array<i32>} : memref<5120xi32, #tpu.memory_space<vmem>>, vector<16xi32>,
      %add3A_212 = arith.addi %mul3A_2, %add3A_77 : i32
      %add3A_213 = vector.broadcast %add3A_212 : i32 to vector<16xi32>
      %add3A_214 = arith.addi %add3A_213, %iota3A : vector<16xi32>
      %lt3A = arith.constant 5.290000e+02 : f32
      %lt3A_215 = vector.broadcast %lt3A : f32 to vector<16xf32>
      %lt3A_216 = arith.cmpf olt, %add3A_210, %lt3A_215 : vector<16xf32>
      %lt3A_217 = arith.constant 160000 : i32
      %lt3A_218 = vector.broadcast %lt3A_217 : i32 to vector<16xi32>
      %lt3A_219 = arith.cmpi slt, %add3A_214, %lt3A_218 : vector<16xi32>
      %and3A = arith.andi %lt3A_216, %lt3A_219 : vector<16xi1>
      %and3A_220 = arith.constant 127 : i32
      %and3A_221 = vector.broadcast %and3A_220 : i32 to vector<16xi32>
      %and3A_222 = arith.andi %add3A_214, %and3A_221 : vector<16xi32>
      %add3A_223 = arith.constant 10240 : i32
      %add3A_224 = vector.broadcast %add3A_223 : i32 to vector<16xi32>
      %add3A_225 = arith.addi %add3A_224, %and3A_222 : vector<16xi32>
      %select_n3A = arith.select %and3A, %get3A_211, %add3A_225 : vector<16xi1>, vector<16xi32>
      tpu.vector_store_idx %arg14[%select_n3A], %broadcast_in_dim3A_5 {add = true} : memref<10368xf32, #tpu.memory_space<vmem>>[vector<16xi32>], vector<16xf32>,
      %shift_right_arithmetic3A = arith.constant 7 : i32
      %shift_right_arithmetic3A_226 = arith.shrsi %add3A_77, %shift_right_arithmetic3A : i32
      %and3A_227 = arith.constant 127 : i32
      %and3A_228 = arith.andi %add3A_77, %and3A_227 : i32
      %swap3A = arith.constant 0 : i32
      %swap3A_229 = arith.index_cast %shift_right_arithmetic3A_226 : i32 to index
      %swap3A_230 = arith.index_cast %swap3A : i32 to index
      %swap3A_231 = arith.index_cast %and3A_228 : i32 to index
      %swap3A_232 = tpu.vector_load %arg9[%swap3A_229, %swap3A_230, %swap3A_231] {strides = array<i32>} : memref<40x1x128xi32, #tpu.memory_space<vmem>>, vector<16xi32>,
      tpu.vector_store %arg9[%swap3A_229, %swap3A_230, %swap3A_231], %select_n3A {strides = array<i32>} : memref<40x1x128xi32, #tpu.memory_space<vmem>>, vector<16xi32>,
    }
    %scan3A_70 = arith.constant 4 : i32
    %mul3A_71 = arith.constant 40 : i32
    %mul3A_72 = arith.muli %add3A, %mul3A_71 : i32
    "tpu.region"() ({
      %run_scoped3A = tpu.sem_alloc : memref<!tpu.dma_semaphore, #tpu.memory_space<semaphore_mem>>
      %dma_start3A_73 = arith.constant 0 : i32
      %dma_start3A_74 = arith.constant 0 : i32
      %dma_start3A_75 = tpu.memref_slice %arg5[%mul3A_72, %dma_start3A_73, %dma_start3A_74] : memref<1280x1x128xi32, #tpu.memory_space<hbm>> -> memref<40x1x128xi32, #tpu.memory_space<hbm>>
      %dma_start3A_76 = arith.constant 0 : i32
      %dma_start3A_77 = arith.constant 0 : i32
      %dma_start3A_78 = tpu.memref_slice %arg5[%mul3A_72, %dma_start3A_76, %dma_start3A_77] : memref<1280x1x128xi32, #tpu.memory_space<hbm>> -> memref<40x1x128xi32, #tpu.memory_space<hbm>>
      tpu.enqueue_dma source(%arg9 : memref<40x1x128xi32, #tpu.memory_space<vmem>>) target(%dma_start3A_78 : memref<40x1x128xi32, #tpu.memory_space<hbm>>) target_semaphore(%run_scoped3A : memref<!tpu.dma_semaphore, #tpu.memory_space<semaphore_mem>>)
      %dma_wait3A_79 = arith.constant 0 : i32
      %dma_wait3A_80 = arith.constant 0 : i32
      %dma_wait3A_81 = tpu.memref_slice %arg5[%mul3A_72, %dma_wait3A_79, %dma_wait3A_80] : memref<1280x1x128xi32, #tpu.memory_space<hbm>> -> memref<40x1x128xi32, #tpu.memory_space<hbm>>
      %dma_wait3A_82 = arith.constant 0 : i32
      %dma_wait3A_83 = arith.constant 0 : i32
      %dma_wait3A_84 = tpu.memref_slice %arg5[%mul3A_72, %dma_wait3A_82, %dma_wait3A_83] : memref<1280x1x128xi32, #tpu.memory_space<hbm>> -> memref<40x1x128xi32, #tpu.memory_space<hbm>>
      tpu.wait_dma2 semaphore(%run_scoped3A : memref<!tpu.dma_semaphore, #tpu.memory_space<semaphore_mem>>) src(%arg9 : memref<40x1x128xi32, #tpu.memory_space<vmem>>) dst(%dma_wait3A_84 : memref<40x1x128xi32, #tpu.memory_space<hbm>>)
      tpu.yield
    }) : () -> ()
    "tpu.region"() ({
      %run_scoped3A = tpu.sem_alloc : memref<!tpu.dma_semaphore, #tpu.memory_space<semaphore_mem>>
      %dma_start3A_73 = arith.constant 0 : i32
      %dma_start3A_74 = tpu.memref_slice %arg6[%add3A, %dma_start3A_73] : memref<32x10368xf32, #tpu.memory_space<hbm>> -> memref<1x10368xf32, #tpu.memory_space<hbm>>
      %dma_start3A_75 = tpu.memref_squeeze %dma_start3A_74 : memref<1x10368xf32, #tpu.memory_space<hbm>> -> memref<10368xf32, #tpu.memory_space<hbm>>
      %dma_start3A_76 = arith.constant 0 : i32
      %dma_start3A_77 = tpu.memref_slice %arg6[%add3A, %dma_start3A_76] : memref<32x10368xf32, #tpu.memory_space<hbm>> -> memref<1x10368xf32, #tpu.memory_space<hbm>>
      %dma_start3A_78 = tpu.memref_squeeze %dma_start3A_77 : memref<1x10368xf32, #tpu.memory_space<hbm>> -> memref<10368xf32, #tpu.memory_space<hbm>>
      tpu.enqueue_dma source(%arg14 : memref<10368xf32, #tpu.memory_space<vmem>>) target(%dma_start3A_78 : memref<10368xf32, #tpu.memory_space<hbm>>) target_semaphore(%run_scoped3A : memref<!tpu.dma_semaphore, #tpu.memory_space<semaphore_mem>>)
      %dma_wait3A_79 = arith.constant 0 : i32
      %dma_wait3A_80 = tpu.memref_slice %arg6[%add3A, %dma_wait3A_79] : memref<32x10368xf32, #tpu.memory_space<hbm>> -> memref<1x10368xf32, #tpu.memory_space<hbm>>
      %dma_wait3A_81 = tpu.memref_squeeze %dma_wait3A_80 : memref<1x10368xf32, #tpu.memory_space<hbm>> -> memref<10368xf32, #tpu.memory_space<hbm>>
      %dma_wait3A_82 = arith.constant 0 : i32
      %dma_wait3A_83 = tpu.memref_slice %arg6[%add3A, %dma_wait3A_82] : memref<32x10368xf32, #tpu.memory_space<hbm>> -> memref<1x10368xf32, #tpu.memory_space<hbm>>
      %dma_wait3A_84 = tpu.memref_squeeze %dma_wait3A_83 : memref<1x10368xf32, #tpu.memory_space<hbm>> -> memref<10368xf32, #tpu.memory_space<hbm>>
      tpu.wait_dma2 semaphore(%run_scoped3A : memref<!tpu.dma_semaphore, #tpu.memory_space<semaphore_mem>>) src(%arg14 : memref<10368xf32, #tpu.memory_space<vmem>>) dst(%dma_wait3A_84 : memref<10368xf32, #tpu.memory_space<hbm>>)
      tpu.yield
    }) : () -> ()
    return
  }
}

module attributes {stable_mosaic.version = 14 : i64} {
  func.func @_scale_body(%arg0: i32, %arg1: memref<1024x256xf32, #tpu.memory_space<vmem>>, %arg2: memref<256x256xf32, #tpu.memory_space<vmem>>, %arg3: memref<32x1024xf32, #tpu.memory_space<vmem>>, %arg4: memref<2x1024x128xf32, #tpu.memory_space<vmem>>) attributes {dimension_semantics = [#tpu.dimension_semantics<arbitrary>], iteration_bounds = array<i64: 10>, scalar_prefetch = 0 : i64, scratch_operands = 0 : i64, tpu.core_type = #tpu.core_type<tc>, window_params = [{transform_indices = @transform_0, window_bounds = array<i64: 1024, 256>}, {pipeline_mode = #tpu.pipeline_mode<synchronous>, transform_indices = @transform_1, window_bounds = array<i64: 256, 256>}, {transform_indices = @transform_2, window_bounds = array<i64: 32, 1024>}, {transform_indices = @transform_3, window_bounds = array<i64: 2, 1024, 128>}]} {
    %get3A = arith.constant 0 : index
    %get3A_0 = arith.constant 0 : index
    %get3A_1 = vector.load %arg1[%get3A, %get3A_0] : memref<1024x256xf32, #tpu.memory_space<vmem>>, vector<1024x256xf32>
    %get3A_2 = arith.constant 0 : index
    %get3A_3 = arith.constant 0 : index
    %get3A_4 = vector.load %arg2[%get3A_2, %get3A_3] : memref<256x256xf32, #tpu.memory_space<vmem>>, vector<256x256xf32>
    %dot_general3A = arith.constant dense<0.000000e+00> : vector<1024x256xf32>
    %dot_general3A_5 = tpu.matmul %get3A_1, %get3A_4, %dot_general3A {dimension_numbers = #tpu.dot_dimension_numbers<[1], [0], [0], [1], [0, 0, 1, 1], [], []>, transpose_lhs_hint = false} : vector<1024x256xf32>, vector<256x256xf32>, vector<1024x256xf32> -> vector<1024x256xf32>
    %get3A_6 = arith.constant 0 : index
    %get3A_7 = arith.constant 0 : index
    %get3A_8 = vector.load %arg3[%get3A_6, %get3A_7] : memref<32x1024xf32, #tpu.memory_space<vmem>>, vector<32x1024xf32>
    %reduce_sum3A = arith.constant dense<0.000000e+00> : vector<1024xf32>
    %reduce_sum3A_9 = vector.multi_reduction <add>, %get3A_8, %reduce_sum3A [0] : vector<32x1024xf32> to vector<1024xf32>
    %add3A = arith.constant 1.000000e+00 : f32
    %add3A_10 = vector.broadcast %add3A : f32 to vector<1024xf32>
    %add3A_11 = arith.addf %add3A_10, %reduce_sum3A_9 : vector<1024xf32>
    %rsqrt3A = math.rsqrt %add3A_11 : vector<1024xf32>
    %broadcast_in_dim3A = vector.shape_cast %rsqrt3A : vector<1024xf32> to vector<1024x1xf32>
    %mul3A = vector.broadcast %broadcast_in_dim3A : vector<1024x1xf32> to vector<1024x256xf32>
    %mul3A_12 = arith.mulf %dot_general3A_5, %mul3A : vector<1024x256xf32>
    %slice3A = vector.extract_strided_slice %mul3A_12 {offsets = [0, 0], sizes = [1024, 128], strides = [1, 1]} : vector<1024x256xf32> to vector<1024x128xf32>
    %swap3A = arith.constant 0 : index
    %swap3A_13 = arith.constant 0 : index
    %swap3A_14 = arith.constant 0 : index
    %swap3A_15 = vector.load %arg4[%swap3A, %swap3A_13, %swap3A_14] : memref<2x1024x128xf32, #tpu.memory_space<vmem>>, vector<1x1024x128xf32>
    %swap3A_16 = vector.shape_cast %swap3A_15 : vector<1x1024x128xf32> to vector<1024x128xf32>
    %swap3A_17 = vector.shape_cast %slice3A : vector<1024x128xf32> to vector<1x1024x128xf32>
    tpu.vector_store %arg4[%swap3A, %swap3A_13, %swap3A_14], %swap3A_17 {strides = array<i32>} : memref<2x1024x128xf32, #tpu.memory_space<vmem>>, vector<1x1024x128xf32>,
    %slice3A_18 = vector.extract_strided_slice %mul3A_12 {offsets = [0, 128], sizes = [1024, 128], strides = [1, 1]} : vector<1024x256xf32> to vector<1024x128xf32>
    %swap3A_19 = arith.constant 1 : index
    %swap3A_20 = arith.constant 0 : index
    %swap3A_21 = arith.constant 0 : index
    %swap3A_22 = vector.load %arg4[%swap3A_19, %swap3A_20, %swap3A_21] : memref<2x1024x128xf32, #tpu.memory_space<vmem>>, vector<1x1024x128xf32>
    %swap3A_23 = vector.shape_cast %swap3A_22 : vector<1x1024x128xf32> to vector<1024x128xf32>
    %swap3A_24 = vector.shape_cast %slice3A_18 : vector<1024x128xf32> to vector<1x1024x128xf32>
    tpu.vector_store %arg4[%swap3A_19, %swap3A_20, %swap3A_21], %swap3A_24 {strides = array<i32>} : memref<2x1024x128xf32, #tpu.memory_space<vmem>>, vector<1x1024x128xf32>,
    return
  }
  func.func @transform_0(%arg0: i32) -> (i32, i32) {
    %c0_i32 = arith.constant 0 : i32
    %c0_i32_0 = arith.constant 0 : i32
    return %arg0, %c0_i32 : i32, i32
  }
  func.func @transform_1(%arg0: i32) -> (i32, i32) {
    %c0_i32 = arith.constant 0 : i32
    %c0_i32_0 = arith.constant 0 : i32
    %c0_i32_1 = arith.constant 0 : i32
    return %c0_i32, %c0_i32_0 : i32, i32
  }
  func.func @transform_2(%arg0: i32) -> (i32, i32) {
    %c0_i32 = arith.constant 0 : i32
    %c0_i32_0 = arith.constant 0 : i32
    return %c0_i32, %arg0 : i32, i32
  }
  func.func @transform_3(%arg0: i32) -> (i32, i32, i32) {
    %c0_i32 = arith.constant 0 : i32
    %c0_i32_0 = arith.constant 0 : i32
    %c0_i32_1 = arith.constant 0 : i32
    return %c0_i32, %arg0, %c0_i32_0 : i32, i32, i32
  }
}

module attributes {stable_mosaic.version = 14 : i64} {
  func.func @_final_body(%arg0: i32, %arg1: memref<2x1024x128xf32, #tpu.memory_space<vmem>>, %arg2: memref<2x1024x128xf32, #tpu.memory_space<vmem>>, %arg3: memref<32x1024xf32, #tpu.memory_space<vmem>>, %arg4: memref<1x256xf32, #tpu.memory_space<vmem>>, %arg5: memref<1024x256xf32, #tpu.memory_space<vmem>>) attributes {dimension_semantics = [#tpu.dimension_semantics<arbitrary>], iteration_bounds = array<i64: 10>, scalar_prefetch = 0 : i64, scratch_operands = 0 : i64, tpu.core_type = #tpu.core_type<tc>, window_params = [{transform_indices = @transform_0, window_bounds = array<i64: 2, 1024, 128>}, {transform_indices = @transform_1, window_bounds = array<i64: 2, 1024, 128>}, {transform_indices = @transform_2, window_bounds = array<i64: 32, 1024>}, {pipeline_mode = #tpu.pipeline_mode<synchronous>, transform_indices = @transform_3, window_bounds = array<i64: 1, 256>}, {transform_indices = @transform_4, window_bounds = array<i64: 1024, 256>}]} {
    %get3A = arith.constant 0 : index
    %get3A_0 = arith.constant 0 : index
    %get3A_1 = vector.load %arg3[%get3A, %get3A_0] : memref<32x1024xf32, #tpu.memory_space<vmem>>, vector<32x1024xf32>
    %reduce_sum3A = arith.constant dense<0.000000e+00> : vector<1024xf32>
    %reduce_sum3A_2 = vector.multi_reduction <add>, %get3A_1, %reduce_sum3A [0] : vector<32x1024xf32> to vector<1024xf32>
    %add3A = arith.constant 1.000000e+00 : f32
    %add3A_3 = vector.broadcast %add3A : f32 to vector<1024xf32>
    %add3A_4 = arith.addf %add3A_3, %reduce_sum3A_2 : vector<1024xf32>
    %rsqrt3A = math.rsqrt %add3A_4 : vector<1024xf32>
    %get3A_5 = arith.constant 0 : index
    %get3A_6 = arith.constant 0 : index
    %get3A_7 = arith.constant 0 : index
    %get3A_8 = vector.load %arg1[%get3A_5, %get3A_6, %get3A_7] : memref<2x1024x128xf32, #tpu.memory_space<vmem>>, vector<1x1024x128xf32>
    %get3A_9 = vector.shape_cast %get3A_8 : vector<1x1024x128xf32> to vector<1024x128xf32>
    %get3A_10 = arith.constant 0 : index
    %get3A_11 = arith.constant 0 : index
    %get3A_12 = arith.constant 0 : index
    %get3A_13 = vector.load %arg2[%get3A_10, %get3A_11, %get3A_12] : memref<2x1024x128xf32, #tpu.memory_space<vmem>>, vector<1x1024x128xf32>
    %get3A_14 = vector.shape_cast %get3A_13 : vector<1x1024x128xf32> to vector<1024x128xf32>
    %add3A_15 = arith.addf %get3A_9, %get3A_14 : vector<1024x128xf32>
    %get3A_16 = arith.constant 1 : index
    %get3A_17 = arith.constant 0 : index
    %get3A_18 = arith.constant 0 : index
    %get3A_19 = vector.load %arg1[%get3A_16, %get3A_17, %get3A_18] : memref<2x1024x128xf32, #tpu.memory_space<vmem>>, vector<1x1024x128xf32>
    %get3A_20 = vector.shape_cast %get3A_19 : vector<1x1024x128xf32> to vector<1024x128xf32>
    %get3A_21 = arith.constant 1 : index
    %get3A_22 = arith.constant 0 : index
    %get3A_23 = arith.constant 0 : index
    %get3A_24 = vector.load %arg2[%get3A_21, %get3A_22, %get3A_23] : memref<2x1024x128xf32, #tpu.memory_space<vmem>>, vector<1x1024x128xf32>
    %get3A_25 = vector.shape_cast %get3A_24 : vector<1x1024x128xf32> to vector<1024x128xf32>
    %add3A_26 = arith.addf %get3A_20, %get3A_25 : vector<1024x128xf32>
    %concatenate3A = tpu.concatenate %add3A_15, %add3A_26 in 1 : vector<1024x128xf32>, vector<1024x128xf32> -> vector<1024x256xf32>
    %broadcast_in_dim3A = vector.shape_cast %rsqrt3A : vector<1024xf32> to vector<1024x1xf32>
    %mul3A = vector.broadcast %broadcast_in_dim3A : vector<1024x1xf32> to vector<1024x256xf32>
    %mul3A_27 = arith.mulf %concatenate3A, %mul3A : vector<1024x256xf32>
    %get3A_28 = arith.constant 0 : index
    %get3A_29 = arith.constant 0 : index
    %get3A_30 = vector.load %arg4[%get3A_28, %get3A_29] : memref<1x256xf32, #tpu.memory_space<vmem>>, vector<1x256xf32>
    %add3A_31 = vector.broadcast %get3A_30 : vector<1x256xf32> to vector<1024x256xf32>
    %add3A_32 = arith.addf %mul3A_27, %add3A_31 : vector<1024x256xf32>
    %reduce_max3A = arith.constant dense<0xFF800000> : vector<1024xf32>
    %reduce_max3A_33 = vector.multi_reduction <maximumf>, %add3A_32, %reduce_max3A [1] : vector<1024x256xf32> to vector<1024xf32>
    %broadcast_in_dim3A_34 = vector.shape_cast %reduce_max3A_33 : vector<1024xf32> to vector<1024x1xf32>
    %sub3A = vector.broadcast %broadcast_in_dim3A_34 : vector<1024x1xf32> to vector<1024x256xf32>
    %sub3A_35 = arith.subf %add3A_32, %sub3A : vector<1024x256xf32>
    %exp3A = math.exp %sub3A_35 : vector<1024x256xf32>
    %reduce_sum3A_36 = arith.constant dense<0.000000e+00> : vector<1024xf32>
    %reduce_sum3A_37 = vector.multi_reduction <add>, %exp3A, %reduce_sum3A_36 [1] : vector<1024x256xf32> to vector<1024xf32>
    %broadcast_in_dim3A_38 = vector.shape_cast %reduce_sum3A_37 : vector<1024xf32> to vector<1024x1xf32>
    %log3A = math.log %broadcast_in_dim3A_38 : vector<1024x1xf32>
    %add3A_39 = arith.addf %log3A, %broadcast_in_dim3A_34 : vector<1024x1xf32>
    %sub3A_40 = vector.broadcast %add3A_39 : vector<1024x1xf32> to vector<1024x256xf32>
    %sub3A_41 = arith.subf %add3A_32, %sub3A_40 : vector<1024x256xf32>
    %swap3A = arith.constant 0 : index
    %swap3A_42 = arith.constant 0 : index
    %swap3A_43 = vector.load %arg5[%swap3A, %swap3A_42] : memref<1024x256xf32, #tpu.memory_space<vmem>>, vector<1024x256xf32>
    tpu.vector_store %arg5[%swap3A, %swap3A_42], %sub3A_41 {strides = array<i32>} : memref<1024x256xf32, #tpu.memory_space<vmem>>, vector<1024x256xf32>,
    return
  }
  func.func @transform_0(%arg0: i32) -> (i32, i32, i32) {
    %c0_i32 = arith.constant 0 : i32
    %c0_i32_0 = arith.constant 0 : i32
    %c0_i32_1 = arith.constant 0 : i32
    return %c0_i32, %arg0, %c0_i32_0 : i32, i32, i32
  }
  func.func @transform_1(%arg0: i32) -> (i32, i32, i32) {
    %c0_i32 = arith.constant 0 : i32
    %c0_i32_0 = arith.constant 0 : i32
    %c0_i32_1 = arith.constant 0 : i32
    return %c0_i32, %arg0, %c0_i32_0 : i32, i32, i32
  }
  func.func @transform_2(%arg0: i32) -> (i32, i32) {
    %c0_i32 = arith.constant 0 : i32
    %c0_i32_0 = arith.constant 0 : i32
    return %c0_i32, %arg0 : i32, i32
  }
  func.func @transform_3(%arg0: i32) -> (i32, i32) {
    %c0_i32 = arith.constant 0 : i32
    %c0_i32_0 = arith.constant 0 : i32
    %c0_i32_1 = arith.constant 0 : i32
    return %c0_i32, %c0_i32_0 : i32, i32
  }
  func.func @transform_4(%arg0: i32) -> (i32, i32) {
    %c0_i32 = arith.constant 0 : i32
    %c0_i32_0 = arith.constant 0 : i32
    return %arg0, %c0_i32 : i32, i32
  }
}

</mosaic_0001>

<sc_bundles>
// kernel: kernel.6.cloned.1.call-start
scs
__scs_entry_jumppad:
0x0: {  	(pc) =	sbr.rel $0x88, $3  }
0x1: {  	(tag) =	ssettag $0x0;
	lr =	simm.s32 $0x1  }
0x2: {  	[smem:$0x3F9D] =	sst lr;
	_ =	strace $0xD0000000  }
0x3: {  	_ = 	snop  }
0x4: {  	_ = 	snop  }
0x5: {  	_ = 	snop  }
0x6: {  	_ = 	snop  }
0x7: {  	_ = 	snop  }
__scs_overlays_trampoline_lowered:
0x8: {  	[smem:$0x3FAC] =	sst s0  }
0x9: {  	[smem:$0x3FAD] =	sst s1  }
0xa: {  	[smem:$0x3FAE] =	sst s2  }
0xb: {  	[smem:$0x3FAF] =	sst s3  }
0xc: {  	[smem:$0x3FB0] =	sst s4  }
0xd: {  	[smem:$0x3FB1] =	sst s5  }
0xe: {  	[smem:$0x3FB2] =	sst s6  }
0xf: {  	[smem:$0x3FB3] =	sst s7  }
0x10: {  	[smem:$0x3FB4] =	sst s8  }
0x11: {  	[smem:$0x3FB5] =	sst s9;
	s0 =	simm.s32 @!p0 $0x0  }
0x12: {  	s1 =	sld [smem:$0x3F9B];
	s0 =	simm.s32 @p0 $0x1  }
0x13: {  	[smem:$0x3FB6] =	sst s0;
	s0 =	simm.s32 @!p1 $0x0  }
0x14: {  	s2 =	sld [smem:$0x3F9A];
	s0 =	simm.s32 @p1 $0x1  }
0x15: {  	[smem:$0x3FB7] =	sst s0;
	s0 =	simm.s32 @!p2 $0x0  }
0x16: {  	s3 =	sld [smem:$0x3FDB];
	s0 =	simm.s32 @p2 $0x1  }
0x17: {  	s4 =	simm.s32 $0x1BF5;
	[smem:$0x3FB9] =	sst s0  }
0x18: {  	s0 =	sld [smem:$0x3F9C];
	_ =	swait.ge [sflag:s4], $0x0  }
0x19: {  	s7 =	sld [smem:$0x3F9D]  }
0x1a: {  	s8 =	sadd.s32 $0xFFFFE003, lr  }
0x1b: {  	s9 =	sadd.s32 $0xFFFFFEF7, lr;
	s5 =	simm.s32 $0xFFFFFFFF;
	p2 =	slt.u32 s8, $0xFFFFF086  }
0x1c: {  	p1 =	slt.u32 s9, $0xF7A;
	s5 =	simm.s32 @!p2 $0x0  }
0x1d: {  	s5 =	simm.s32 @p1 $0x1;
	p0 =	seq.s32 s7, s2  }
0x1e: {  	s7 =	smul.u32 @!p0 $0xF7A, s2;
	p2 =	seq.s32 @!p0 s5, $0x0  }
0x1f: {  	s9 =	smul.u32 $0xF7A, s1;
	s8 =	simm.s32 @!p0 $0x1BF5;
	p2 =	por !p2, p0  }
0x20: {  	[sflag:s8] =	ssyncset.s32 @!p0 $0xFFFFF086;
	s6 =	sadd.s32 @!p0 s3, s7;
	s7 =	simm.s32 @!p0 $0x108  }
0x21: {  	s3 =	sadd.s32 s3, s9;
	s6 =	sadd.s32 @!p0 $0x88, s6;
	s7 =	simm.s32 @p2 $0x1082  }
0x22: {  	[simem:s7], [sflag:s8] =	dma.local @!p0 [hbm:s6], $0xF7A  }
0x23: {  	s9 =	sor.u32 $0xD0000000, s2;
	s6 =	simm.s32 $0x108;
	_ =	swait.ge @!p0 [sflag:s8], $0x0  }
0x24: {  	s3 =	sadd.s32 $0x88, s3;
	s6 =	simm.s32 @!p1 $0x1082;
	[sflag:s4] =	ssyncset.s32 $0xFFFFF086  }
0x25: {  	[simem:s6], [sflag:s4] =	dma.local [hbm:s3], $0xF7A  }
0x26: {  	[smem:$0x3F9D] =	sst s1;
	(tag) =	ssettag s2;
	_ =	strace s9  }
0x27: {  	s1 =	sld [smem:$0x3FAD]  }
0x28: {  	s2 =	sld [smem:$0x3FAE]  }
0x29: {  	s4 =	sld [smem:$0x3FB0]  }
0x2a: {  	p0 =	seq.s32 s5, $0x0;
	s5 =	sld [smem:$0x3FB1]  }
0x2b: {  	s6 =	sld [smem:$0x3FB2]  }
0x2c: {  	s7 =	sld [smem:$0x3FB3]  }
0x2d: {  	s3 =	simm.s32 $0x108;
	s8 =	sld [smem:$0x3FB4]  }
0x2e: {  	s3 =	simm.s32 @!p0 $0x1082;
	s9 =	sld [smem:$0x3FB5]  }
0x2f: {  	lr =	sadd.s32 s0, s3;
	s0 =	sld [smem:$0x3FAC]  }
0x30: {  	s3 =	sld [smem:$0x3FAF]  }
0x31: {  	[smem:$0x3FB8] =	sst s10  }
0x32: {  	s10 =	sld [smem:$0x3FB6];
	_ =	sdelay $0x3  }
0x33: {  	p0 =	seq.s32 s10, $0x1;
	s10 =	sld [smem:$0x3FB8];
	_ =	sdelay $0x3  }
0x34: {  	[smem:$0x3FB8] =	sst s10  }
0x35: {  	s10 =	sld [smem:$0x3FB7];
	_ =	sdelay $0x3  }
0x36: {  	p1 =	seq.s32 s10, $0x1;
	s10 =	sld [smem:$0x3FB8];
	_ =	sdelay $0x3  }
0x37: {  	[smem:$0x3FB8] =	sst s10  }
0x38: {  	s10 =	sld [smem:$0x3FB9]  }
0x39: {  	_ = 	snop;
	(pc) =	sbr.ind lr, $3  }
0x3a: {  	_ = 	snop  }
0x3b: {  	_ = 	snop  }
0x3c: {  	p2 =	seq.s32 s10, $0x1;
	s10 =	sld [smem:$0x3FB8]  }
0x3d: {  	_ =	shalt  }
0x3e: {  	_ =	shalt  }
0x3f: {  	_ =	shalt  }
0x40: {  	_ =	shalt  }
0x41: {  	_ =	shalt  }
0x42: {  	_ =	shalt  }
0x43: {  	_ =	shalt  }
0x44: {  	_ =	shalt  }
0x45: {  	_ =	shalt  }
0x46: {  	_ =	shalt  }
0x47: {  	_ =	shalt  }
0x48: {  	_ =	shalt  }
0x49: {  	_ =	shalt  }
0x4a: {  	_ =	shalt  }
0x4b: {  	_ =	shalt  }
0x4c: {  	_ =	shalt  }
0x4d: {  	_ =	shalt  }
0x4e: {  	_ =	shalt  }
0x4f: {  	_ =	shalt  }
0x50: {  	_ =	shalt  }
0x51: {  	_ =	shalt  }
0x52: {  	_ =	shalt  }
0x53: {  	_ =	shalt  }
0x54: {  	_ =	shalt  }
0x55: {  	_ =	shalt  }
0x56: {  	_ =	shalt  }
0x57: {  	_ =	shalt  }
0x58: {  	_ =	shalt  }
0x59: {  	_ =	shalt  }
0x5a: {  	_ =	shalt  }
0x5b: {  	_ =	shalt  }
0x5c: {  	_ =	shalt  }
0x5d: {  	_ =	shalt  }
0x5e: {  	_ =	shalt  }
0x5f: {  	_ =	shalt  }
0x60: {  	_ =	shalt  }
0x61: {  	_ =	shalt  }
0x62: {  	_ =	shalt  }
0x63: {  	_ =	shalt  }
0x64: {  	_ =	shalt  }
0x65: {  	_ =	shalt  }
0x66: {  	_ =	shalt  }
0x67: {  	_ =	shalt  }
0x68: {  	_ =	shalt  }
0x69: {  	_ =	shalt  }
0x6a: {  	_ =	shalt  }
0x6b: {  	_ =	shalt  }
0x6c: {  	_ =	shalt  }
0x6d: {  	_ =	shalt  }
0x6e: {  	_ =	shalt  }
0x6f: {  	_ =	shalt  }
0x70: {  	_ =	shalt  }
0x71: {  	_ =	shalt  }
0x72: {  	_ =	shalt  }
0x73: {  	_ =	shalt  }
0x74: {  	_ =	shalt  }
0x75: {  	_ =	shalt  }
0x76: {  	_ =	shalt  }
0x77: {  	_ =	shalt  }
0x78: {  	_ =	shalt  }
0x79: {  	_ =	shalt  }
0x7a: {  	_ =	shalt  }
0x7b: {  	_ =	shalt  }
0x7c: {  	_ =	shalt  }
0x7d: {  	_ =	shalt  }
0x7e: {  	_ =	shalt  }
0x7f: {  	_ =	shalt  }
0x80: {  	_ =	shalt  }
0x81: {  	_ =	shalt  }
0x82: {  	_ =	shalt  }
0x83: {  	_ =	shalt  }
0x84: {  	_ =	shalt  }
0x85: {  	_ =	shalt  }
0x86: {  	_ =	shalt  }
0x87: {  	_ =	shalt  }
.Lfunc_end0:
.L_simem_size_0:
called_computation_lowered:
.L_overlay_start_0:
0x88: {  	s2 =	sld [smem:$0x3FD9]  }
0x89: {  	s3 =	sld [smem:$0x3FFE];
	_ =	sdelay $0x1  }
0x8a: {  	s1 =	srdreg.scid  }
0x8b: {  	s0 =	sand.u32 $0x1, s1  }
0x8c: {  	s17 =	sshll.u32 s0, $0xA;
	s2 =	sadd.s32 s3, s2  }
0x8d: {  	s2 =	sadd.s32 s2, s17  }
0x8e: {  	[smem:$0x3FC4] =	sst s2  }
0x8f: {  	_ = 	snop  }
0x90: {  	s2 =	sld [smem:$0x3FD0];
	(tm) =	ssettm $0x1  }
0x91: {  	s18 =	sld [smem:$0x3FFB];
	_ =	sdelay $0x3  }
0x92: {  	_ =	strace s18  }
0x93: {  	s3 =	sld [smem:$0x3FFC];
	_ =	sdelay $0x3  }
0x94: {  	_ =	strace s3  }
0x95: {  	s3 =	sld [smem:$0x3FFD];
	_ =	sdelay $0x3  }
0x96: {  	_ =	strace s3  }
0x97: {  	_ =	strace $0x8FFFFFFF  }
0x98: {  	s19 =	sld [smem:$0x3FDB];
	_ =	sdelay $0x1  }
0x99: {  	s4 =	simm.s32 $_scs_section_size  }
0x9a: {  	s5 =	simm.s32 $_size__tile_overlayer_lowered;
	s6 =	simm.s32 $_tile_overlayer_lowered  }
0x9b: {  	s22 =	simm.s32 $0x1BFF;
	s21 =	sshll.u32 s6, $0x1;
	s3 =	sadd.s32 s4, s19  }
0x9c: {  	s7 =	simm.s32 $0x0;
	s20 =	sshll.u32 s5, $0x1;
	s5 =	sadd.s32 s21, s3  }
0x9d: {  	[timem:s7], [sflag:s22] =	dma.local [hbm:s5], s20  }
0x9e: {  	_ =	swait.ge [sflag:s22], s20  }
0x9f: {  	s4 =	ssub.s32 $0x0, s20;
	[sflag:s22] =	ssyncset.done $0x0  }
0xa0: {  	[sflag:s22] =	ssyncadd.s32 s4;
	_ =	sdelay $0x1  }
0xa1: {  	s23 =	simm.s32 $0x1B8B  }
0xa2: {  	_ =	swait.ge [sflag:s23], $0x1  }
0xa3: {  	[sflag:s23] =	ssyncset.done $0x0  }
0xa4: {  	s25 =	simm.s32 $0x1B8E;
	s24 =	sld [smem:$0x3FFE];
	[sflag:s23] =	ssyncadd.s32 $0xFFFFFFFF  }
0xa5: {  	s26 =	simm.s32 $execute0_lowered;
	[smem:$0x3FD2] =	sst s25  }
0xa6: {  	s5 =	sshll.u32 s26, $0x1;
	_ =	strace $0x80000046;
	[dreg:$0x1] =	wrdreg $0xFFFFFFFF  }
0xa7: {  	s28 =	simm.s32 $_size_execute0_lowered;
	s3 =	sadd.s32 s3, s5;
	[dreg:$0x0] =	wrdreg $0x0  }
0xa8: {  	s5 =	sshll.u32 s28, $0x1;
	[dreg:$0x2] =	wrdreg s3  }
0xa9: {  	[dreg:$0x3] =	wrdreg s5  }
0xaa: {  	[dreg:$0x4] =	wrdreg $0xC0  }
0xab: {  	_ =	task [dreg:s7], $0x5FFFF  }
0xac: {  	[dreg:$0x1] =	wrdreg $0xFFFFFFFF  }
0xad: {  	[dreg:$0x0] =	wrdreg $0x60  }
0xae: {  	[dreg:$0x2] =	wrdreg s24  }
0xaf: {  	[dreg:$0x3] =	wrdreg s2  }
0xb0: {  	[dreg:$0x4] =	wrdreg $0x9  }
0xb1: {  	_ =	task.clear_ibuf [dreg:s7], $0x5FFFF;
	_ =	strace $0x90000046  }
0xb2: {  	s29 =	simm.s32 $0x9;
	_ =	strace $0x80000048  }
0xb3: {  	_ =	swait.ge [sflag:s29], $0x1  }
0xb4: {  	[sflag:s29] =	ssyncadd.s32 $0xFFFFFFFF  }
0xb5: {  	_ =	strace $0x90000048  }
0xb6: {  	_ =	sfence  }
0xb7: {  	s30 =	sld [smem:$0x0];
	_ =	sdelay $0x2  }
0xb8: {  	s31 =	sshll.u32 s1, $0xD;
	s1 =	sshrl.u32 s1, $0x2  }
0xb9: {  	s3 =	sand.u32 $0x4000, s31;
	s1 =	sadd.s32 s1, s30  }
0xba: {  	s0 =	sor.u32 s3, s0;
	s1 =	sshll.u32 s1, $0x11  }
0xbb: {  	s0 =	sor.u32 s1, s0  }
0xbc: {  	s0 =	sadd.s32 $0x8F2B, s0  }
0xbd: {  	[sflag:s0] =	ssyncadd.remote.s32 $0x1  }
0xbe: {  	_ =	sfence.sel $0xFFFF  }
0xbf: {  	[dreg:$0x0] =	wrdreg $0xFFFFFFFF;
	(pc) =	sbr.abs _section_cstart, $3  }
0xc0: {  	[dreg:$0x1] =	wrdreg $0xFFFFFFFF  }
0xc1: {  	_ =	task.clear_ibuf [dreg:s7], $0x2FFFF;
	_ =	strace $0x9FFFFFFF  }
0xc2: {  	(tm) =	ssettm $0x7FFFFFFF  }
0xc3: {  	_ =	shalt  }
tec
execute0_lowered:
.L_overlay_start_1:
0x0: {  	(tag) =	ssettag $0x1  }
0x1: {  	s0 =	rddreg [dreg:$0x0];
	s1 =	srdreg.scid  }
0x2: {  	s8 =	stileid.u32;
	s2 =	rddreg [dreg:$0x1];
	s4 =	simm.s32 $0x0  }
0x3: {  	s30 =	simm.s32 $0x1;
	s31 =	simm.s32 $0x2;
	s10 =	simm.s32 $0xFC00  }
0x4: {  	s11 =	simm.s32 $0x10400;
	s13 =	simm.s32 $0x10C00;
	s14 =	simm.s32 $0x11400  }
0x5: {  	s15 =	simm.s32 $0x11C00;
	s16 =	simm.s32 $0x12400;
	s17 =	simm.s32 $0x12C00  }
0x6: {  	s18 =	simm.s32 $0x13400;
	s19 =	simm.s32 $0x16480;
	s20 =	simm.s32 $0x13C00  }
0x7: {  	s21 =	simm.s32 $0x3;
	s22 =	simm.s32 $0x4;
	s1 =	sand.u32 $0x1, s1  }
0x8: {  	s3 =	sshll.u32 s8, $0x1;
	[smem:$0x7FF] =	sst s4;
	s8 =	sshrl.u32 s8, $0x2  }
0x9: {  	s4 =	sadd.s32 $0x2A00, s0;
	s5 =	sor.u32 s1, s3;
	s8 =	smul.u32 $0x14400, s8  }
0xa: {  	_ =	strace $0x80000047;
	s1 =	ssub.s32 $0x2, s1;
	s3 =	smul.u32 $0x1400, s5  }
0xb: {  	s7 =	smul.u32 $0x280, s5;
	s5 =	sshll.u32 s5, $0x7;
	s9 =	sshrl.u32 s1, $0x1  }
0xc: {  	v0 =	vimm.f32 $0.0e+00;
	v1 =	vlaneseq.u32;
	s5 =	sand.u32 $0x380, s5;
	s1 =	ssub.s32 s1, s9;
	s6 =	sshrl.u32 s3, $0x3  }
0xd: {  	vm0 =	vmmov $0xffff;
	v17 =	vimm.f32 $1.000000000e+00;
	v3 =	vmul.u32 $0x10, v1;
	s9 =	simm.s32 $0xF400;
	s29 =	smax.u32 s1, $0x1;
	s6 =	sadd.s32 s6, s0  }
0xe: {  	v2 =	vand.u32 $0x7, v1;
	v4 =	vshrl.u32 v1, $0x3;
	v5 =	vor.u32 $0x8, v1;
	s5 =	sor.u32 s8, s5;
	[dreg:$0x7] =	wrdreg s29;
	s26 =	sadd.s32 $0x52A00, s6  }
0xf: {  	v4 =	vmul.u32 $0x8, v4;
	v6 =	vor.u32 $0x1, v3;
	v7 =	vor.u32 $0x2, v3;
	s0 =	sadd.s32 s7, s0;
	s6 =	sadd.s32 $0x57A00, s6;
	[dreg:$0x3] =	wrdreg s26  }
0x10: {  	v8 =	vor.u32 $0x3, v3;
	v9 =	vor.u32 $0x4, v3;
	v10 =	vor.u32 $0x5, v3;
	s5 =	sshrl.u32 s5, $0x3;
	s0 =	sadd.s32 $0x5CA00, s0;
	[dreg:$0x4] =	wrdreg s6  }
0x11: {  	v11 =	vor.u32 $0x6, v3;
	v12 =	vor.u32 $0x7, v3;
	v13 =	vor.u32 $0x8, v3;
	s1 =	simm.s32 $0x0;
	s28 =	sadd.s32 s2, s5;
	[dreg:$0x5] =	wrdreg s0  }
0x12: {  	v14 =	vor.u32 $0x9, v3;
	v15 =	vor.u32 $0xA, v3;
	v16 =	vor.u32 $0xB, v3;
	s7 =	sadd.s32 $0x1380, s3;
	s2 =	simm.s32 $0x5;
	[dreg:$0x6] =	wrdreg s28  }
.LBB2_1:
0x13: {  	[dreg:$0x8] =	wrdreg s1;
	s0 =	simm.s32 $0x40;
	s1 =	simm.s32 $0x0  }
.LBB2_2:
0x14: {  	p0 =	sne.s32 s0, $0xA1C0;
	[tilespmem:s1+$0x13C00] =	vst v0;
	s1 =	smov.u32 s0;
	s0 =	sadd.s32 $0x40, s0  }
.Ltmp0:
0x15: {  	(pc) =	sbr.rel @p0 .LBB2_2-.Ltmp0, $2  }
0x16: {  	_ =	sdelay $0x2  }
0x17: {  	s1 =	sshra.s32 s1, $0x2  }
0x18: {  	[tilespmem:s1+$0x13C00] =	vst v0;
	s23 =	simm.s32 $0x0;
	s0 =	rddreg [dreg:$0x3]  }
0x19: {  	[tilespmem:s23], [sflag:$0x5] =	stream.linear.gather [hbm4b:s0+s23], $0x1400, $0x38;
	[tilespmem:$0x16580] =	vst v63  }
0x1a: {  	_ =	swait.ge [sflag:s2], $0x1400  }
0x1b: {  	[sflag:s2] =	ssyncset.done $0x0  }
0x1c: {  	s12 =	simm.s32 $0x1400;
	s8 =	rddreg [dreg:$0x4];
	[sflag:s2] =	ssyncadd.s32 $0xFFFFEC00  }
0x1d: {  	[tilespmem:s12], [sflag:$0x5] =	stream.linear.gather [hbm4b:s8+s23], $0x1400, $0x38;
	[tilespmem:$0x16580] =	vst v63  }
0x1e: {  	_ =	swait.ge [sflag:s2], $0x1400  }
0x1f: {  	[sflag:s2] =	ssyncset.done $0x0  }
0x20: {  	[sflag:s2] =	ssyncadd.s32 $0xFFFFEC00  }
0x21: {  	v18 =	vld [tilespmem:$0x0];
	_ =	sdelay $0x4  }
0x22: {  	v19 =	vshll.u32 v18, $0x1  }
0x23: {  	v18 =	vand.u32 $0x7, v18;
	v19 =	vand.u32 $0xFFFFFFF0, v19  }
0x24: {  	v18 =	vor.u32 v18, v19  }
0x25: {  	v19 =	vperm.xlane v18, v2;
	_ =	sdelay $0x1  }
0x26: {  	v18 =	vperm.xlane v18, v5;
	v19 =	vadd.s32 v4, v19;
	_ =	sdelay $0x1  }
0x27: {  	v18 =	vadd.s32 v4, v18;
	_ =	sdelay $0x1  }
0x28: {  	s24 =	simm.s32 $0x3C00  }
0x29: {  	[tilespmem:s24], [sflag:$0x1] =	stream.indirect_vreg.gather [hbm4b:s4+s23], $0x80, v19, vm0, $0xb8;
	[tilespmem:$0x16580] =	vst v63  }
0x2a: {  	s25 =	simm.s32 $0x4400  }
0x2b: {  	[tilespmem:s25], [sflag:$0x1] =	stream.indirect_vreg.gather [hbm4b:s4+s23], $0x80, v18, vm0, $0xb8;
	[tilespmem:$0x16580] =	vst v63  }
0x2c: {  	v18 =	vld [tilespmem:$0x10];
	_ =	sdelay $0x4  }
0x2d: {  	v19 =	vshll.u32 v18, $0x1  }
0x2e: {  	v18 =	vand.u32 $0x7, v18;
	v19 =	vand.u32 $0xFFFFFFF0, v19  }
0x2f: {  	v18 =	vor.u32 v18, v19  }
0x30: {  	v19 =	vperm.xlane v18, v2;
	_ =	sdelay $0x1  }
0x31: {  	v18 =	vperm.xlane v18, v5;
	v19 =	vadd.s32 v4, v19;
	_ =	sdelay $0x1  }
0x32: {  	v18 =	vadd.s32 v4, v18;
	_ =	sdelay $0x1  }
0x33: {  	s26 =	simm.s32 $0x4C00  }
0x34: {  	[tilespmem:s26], [sflag:$0x1] =	stream.indirect_vreg.gather [hbm4b:s4+s23], $0x80, v19, vm0, $0xb8;
	[tilespmem:$0x16580] =	vst v63  }
0x35: {  	s28 =	simm.s32 $0x5400  }
0x36: {  	[tilespmem:s28], [sflag:$0x1] =	stream.indirect_vreg.gather [hbm4b:s4+s23], $0x80, v18, vm0, $0xb8;
	[tilespmem:$0x16580] =	vst v63  }
0x37: {  	v18 =	vld [tilespmem:$0x20];
	_ =	sdelay $0x4  }
0x38: {  	v19 =	vshll.u32 v18, $0x1  }
0x39: {  	v18 =	vand.u32 $0x7, v18;
	v19 =	vand.u32 $0xFFFFFFF0, v19  }
0x3a: {  	v18 =	vor.u32 v18, v19  }
0x3b: {  	v19 =	vperm.xlane v18, v2;
	_ =	sdelay $0x1  }
0x3c: {  	v18 =	vperm.xlane v18, v5;
	v19 =	vadd.s32 v4, v19;
	_ =	sdelay $0x1  }
0x3d: {  	v18 =	vadd.s32 v4, v18;
	_ =	sdelay $0x1  }
0x3e: {  	s29 =	simm.s32 $0x5C00  }
0x3f: {  	[tilespmem:s29], [sflag:$0x1] =	stream.indirect_vreg.gather [hbm4b:s4+s23], $0x80, v19, vm0, $0xb8;
	[tilespmem:$0x16580] =	vst v63  }
0x40: {  	s1 =	simm.s32 $0x6400  }
0x41: {  	[tilespmem:s1], [sflag:$0x1] =	stream.indirect_vreg.gather [hbm4b:s4+s23], $0x80, v18, vm0, $0xb8;
	[tilespmem:$0x16580] =	vst v63  }
0x42: {  	v18 =	vld [tilespmem:$0x30];
	_ =	sdelay $0x4  }
0x43: {  	v19 =	vshll.u32 v18, $0x1  }
0x44: {  	v18 =	vand.u32 $0x7, v18;
	v19 =	vand.u32 $0xFFFFFFF0, v19  }
0x45: {  	v18 =	vor.u32 v18, v19  }
0x46: {  	v19 =	vperm.xlane v18, v2;
	_ =	sdelay $0x1  }
0x47: {  	v18 =	vperm.xlane v18, v5;
	v19 =	vadd.s32 v4, v19;
	_ =	sdelay $0x1  }
0x48: {  	v18 =	vadd.s32 v4, v18;
	_ =	sdelay $0x1  }
0x49: {  	s2 =	simm.s32 $0x6C00  }
0x4a: {  	[tilespmem:s2], [sflag:$0x1] =	stream.indirect_vreg.gather [hbm4b:s4+s23], $0x80, v19, vm0, $0xb8;
	[tilespmem:$0x16580] =	vst v63  }
0x4b: {  	s5 =	simm.s32 $0x7400  }
0x4c: {  	[tilespmem:s5], [sflag:$0x1] =	stream.indirect_vreg.gather [hbm4b:s4+s23], $0x80, v18, vm0, $0xb8;
	[tilespmem:$0x16580] =	vst v63  }
0x4d: {  	v18 =	vld [tilespmem:$0x1400];
	_ =	sdelay $0x4  }
0x4e: {  	v19 =	vshll.u32 v18, $0x1  }
0x4f: {  	v18 =	vand.u32 $0x7, v18;
	v19 =	vand.u32 $0xFFFFFFF0, v19  }
0x50: {  	v18 =	vor.u32 v18, v19  }
0x51: {  	v19 =	vperm.xlane v18, v2;
	_ =	sdelay $0x1  }
0x52: {  	v18 =	vperm.xlane v18, v5;
	v19 =	vadd.s32 v4, v19;
	_ =	sdelay $0x1  }
0x53: {  	v18 =	vadd.s32 v4, v18;
	_ =	sdelay $0x1  }
0x54: {  	s6 =	simm.s32 $0x7C00  }
0x55: {  	[tilespmem:s6], [sflag:$0x2] =	stream.indirect_vreg.gather [hbm4b:s4+s23], $0x80, v19, vm0, $0xb8;
	[tilespmem:$0x16580] =	vst v63  }
0x56: {  	s8 =	simm.s32 $0x8400  }
0x57: {  	[tilespmem:s8], [sflag:$0x2] =	stream.indirect_vreg.gather [hbm4b:s4+s23], $0x80, v18, vm0, $0xb8;
	[tilespmem:$0x16580] =	vst v63  }
0x58: {  	v18 =	vld [tilespmem:$0x1410];
	_ =	sdelay $0x4  }
0x59: {  	v19 =	vshll.u32 v18, $0x1  }
0x5a: {  	v18 =	vand.u32 $0x7, v18;
	v19 =	vand.u32 $0xFFFFFFF0, v19  }
0x5b: {  	v18 =	vor.u32 v18, v19  }
0x5c: {  	v19 =	vperm.xlane v18, v2;
	_ =	sdelay $0x1  }
0x5d: {  	v18 =	vperm.xlane v18, v5;
	v19 =	vadd.s32 v4, v19;
	_ =	sdelay $0x1  }
0x5e: {  	v18 =	vadd.s32 v4, v18;
	_ =	sdelay $0x1  }
0x5f: {  	s12 =	simm.s32 $0x8C00  }
0x60: {  	[tilespmem:s12], [sflag:$0x2] =	stream.indirect_vreg.gather [hbm4b:s4+s23], $0x80, v19, vm0, $0xb8;
	[tilespmem:$0x16580] =	vst v63  }
0x61: {  	s24 =	simm.s32 $0x9400  }
0x62: {  	[tilespmem:s24], [sflag:$0x2] =	stream.indirect_vreg.gather [hbm4b:s4+s23], $0x80, v18, vm0, $0xb8;
	[tilespmem:$0x16580] =	vst v63  }
0x63: {  	v18 =	vld [tilespmem:$0x1420];
	_ =	sdelay $0x4  }
0x64: {  	v19 =	vshll.u32 v18, $0x1  }
0x65: {  	v18 =	vand.u32 $0x7, v18;
	v19 =	vand.u32 $0xFFFFFFF0, v19  }
0x66: {  	v18 =	vor.u32 v18, v19  }
0x67: {  	v19 =	vperm.xlane v18, v2;
	_ =	sdelay $0x1  }
0x68: {  	v18 =	vperm.xlane v18, v5;
	v19 =	vadd.s32 v4, v19;
	_ =	sdelay $0x1  }
0x69: {  	v18 =	vadd.s32 v4, v18;
	_ =	sdelay $0x1  }
0x6a: {  	s25 =	simm.s32 $0x9C00  }
0x6b: {  	[tilespmem:s25], [sflag:$0x2] =	stream.indirect_vreg.gather [hbm4b:s4+s23], $0x80, v19, vm0, $0xb8;
	[tilespmem:$0x16580] =	vst v63  }
0x6c: {  	s26 =	simm.s32 $0xA400  }
0x6d: {  	[tilespmem:s26], [sflag:$0x2] =	stream.indirect_vreg.gather [hbm4b:s4+s23], $0x80, v18, vm0, $0xb8;
	[tilespmem:$0x16580] =	vst v63  }
0x6e: {  	v18 =	vld [tilespmem:$0x1430];
	_ =	sdelay $0x4  }
0x6f: {  	v19 =	vshll.u32 v18, $0x1  }
0x70: {  	v18 =	vand.u32 $0x7, v18;
	v19 =	vand.u32 $0xFFFFFFF0, v19  }
0x71: {  	v18 =	vor.u32 v18, v19  }
0x72: {  	v19 =	vperm.xlane v18, v2;
	_ =	sdelay $0x1  }
0x73: {  	v18 =	vperm.xlane v18, v5;
	v19 =	vadd.s32 v4, v19;
	_ =	sdelay $0x1  }
0x74: {  	v18 =	vadd.s32 v4, v18;
	_ =	sdelay $0x1  }
0x75: {  	s28 =	simm.s32 $0xAC00  }
0x76: {  	[tilespmem:s28], [sflag:$0x2] =	stream.indirect_vreg.gather [hbm4b:s4+s23], $0x80, v19, vm0, $0xb8;
	[tilespmem:$0x16580] =	vst v63  }
0x77: {  	s29 =	simm.s32 $0xB400;
	s24 =	simm.s32 $0x0  }
0x78: {  	[tilespmem:s29], [sflag:$0x2] =	stream.indirect_vreg.gather [hbm4b:s4+s23], $0x80, v18, vm0, $0xb8;
	[tilespmem:$0x16580] =	vst v63  }
.LBB2_4:
0x79: {  	_ =	swait.ge [sflag:s30], $0x4000  }
0x7a: {  	[sflag:s30] =	ssyncset.done $0x0  }
0x7b: {  	[sflag:s30] =	ssyncadd.s32 $0xFFFFC000  }
0x7c: {  	_ =	swait.ge [sflag:s31], $0x4000  }
0x7d: {  	[sflag:s31] =	ssyncset.done $0x0  }
0x7e: {  	s26 =	sshll.u32 s24, $0x7;
	[sflag:s31] =	ssyncadd.s32 $0xFFFFC000  }
0x7f: {  	v18 =	vld [tilespmem:s26+$0x40];
	_ =	sdelay $0x4  }
0x80: {  	v19 =	vshll.u32 v18, $0x1  }
0x81: {  	v18 =	vand.u32 $0x7, v18;
	v19 =	vand.u32 $0xFFFFFFF0, v19  }
0x82: {  	v18 =	vor.u32 v18, v19  }
0x83: {  	v19 =	vperm.xlane v18, v2;
	_ =	sdelay $0x1  }
0x84: {  	v18 =	vperm.xlane v18, v5;
	v19 =	vadd.s32 v4, v19;
	_ =	sdelay $0x1  }
0x85: {  	v18 =	vadd.s32 v4, v18;
	_ =	sdelay $0x1  }
0x86: {  	s0 =	simm.s32 $0xBC00  }
0x87: {  	[tilespmem:s0], [sflag:$0x3] =	stream.indirect_vreg.gather [hbm4b:s4+s23], $0x80, v19, vm0, $0xb8;
	[tilespmem:$0x16580] =	vst v63  }
0x88: {  	s25 =	simm.s32 $0xC400  }
0x89: {  	[tilespmem:s25], [sflag:$0x3] =	stream.indirect_vreg.gather [hbm4b:s4+s23], $0x80, v18, vm0, $0xb8;
	[tilespmem:$0x16580] =	vst v63  }
0x8a: {  	v18 =	vld [tilespmem:s26+$0x50];
	_ =	sdelay $0x4  }
0x8b: {  	v19 =	vshll.u32 v18, $0x1  }
0x8c: {  	v18 =	vand.u32 $0x7, v18;
	v19 =	vand.u32 $0xFFFFFFF0, v19  }
0x8d: {  	v18 =	vor.u32 v18, v19  }
0x8e: {  	v19 =	vperm.xlane v18, v2;
	_ =	sdelay $0x1  }
0x8f: {  	v18 =	vperm.xlane v18, v5;
	v19 =	vadd.s32 v4, v19;
	_ =	sdelay $0x1  }
0x90: {  	v18 =	vadd.s32 v4, v18;
	_ =	sdelay $0x1  }
0x91: {  	s1 =	simm.s32 $0xCC00  }
0x92: {  	[tilespmem:s1], [sflag:$0x3] =	stream.indirect_vreg.gather [hbm4b:s4+s23], $0x80, v19, vm0, $0xb8;
	[tilespmem:$0x16580] =	vst v63  }
0x93: {  	s2 =	simm.s32 $0xD400  }
0x94: {  	[tilespmem:s2], [sflag:$0x3] =	stream.indirect_vreg.gather [hbm4b:s4+s23], $0x80, v18, vm0, $0xb8;
	[tilespmem:$0x16580] =	vst v63  }
0x95: {  	v18 =	vld [tilespmem:s26+$0x60];
	_ =	sdelay $0x4  }
0x96: {  	v19 =	vshll.u32 v18, $0x1  }
0x97: {  	v18 =	vand.u32 $0x7, v18;
	v19 =	vand.u32 $0xFFFFFFF0, v19  }
0x98: {  	v18 =	vor.u32 v18, v19  }
0x99: {  	v19 =	vperm.xlane v18, v2;
	_ =	sdelay $0x1  }
0x9a: {  	v18 =	vperm.xlane v18, v5;
	v19 =	vadd.s32 v4, v19;
	_ =	sdelay $0x1  }
0x9b: {  	v18 =	vadd.s32 v4, v18;
	_ =	sdelay $0x1  }
0x9c: {  	s5 =	simm.s32 $0xDC00  }
0x9d: {  	[tilespmem:s5], [sflag:$0x3] =	stream.indirect_vreg.gather [hbm4b:s4+s23], $0x80, v19, vm0, $0xb8;
	[tilespmem:$0x16580] =	vst v63  }
0x9e: {  	s6 =	simm.s32 $0xE400  }
0x9f: {  	[tilespmem:s6], [sflag:$0x3] =	stream.indirect_vreg.gather [hbm4b:s4+s23], $0x80, v18, vm0, $0xb8;
	[tilespmem:$0x16580] =	vst v63  }
0xa0: {  	v18 =	vld [tilespmem:s26+$0x70];
	_ =	sdelay $0x4  }
0xa1: {  	v19 =	vshll.u32 v18, $0x1  }
0xa2: {  	v18 =	vand.u32 $0x7, v18;
	v19 =	vand.u32 $0xFFFFFFF0, v19  }
0xa3: {  	v18 =	vor.u32 v18, v19  }
0xa4: {  	v19 =	vperm.xlane v18, v2;
	_ =	sdelay $0x1  }
0xa5: {  	v18 =	vperm.xlane v18, v5;
	v19 =	vadd.s32 v4, v19;
	_ =	sdelay $0x1  }
0xa6: {  	v18 =	vadd.s32 v4, v18;
	_ =	sdelay $0x1  }
0xa7: {  	s8 =	simm.s32 $0xEC00  }
0xa8: {  	[tilespmem:s8], [sflag:$0x3] =	stream.indirect_vreg.gather [hbm4b:s4+s23], $0x80, v19, vm0, $0xb8;
	[tilespmem:$0x16580] =	vst v63  }
0xa9: {  	_ = 	snop  }
0xaa: {  	[tilespmem:s9], [sflag:$0x3] =	stream.indirect_vreg.gather [hbm4b:s4+s23], $0x80, v18, vm0, $0xb8;
	[tilespmem:$0x16580] =	vst v63  }
0xab: {  	v18 =	vld [tilespmem:s26+$0x1440];
	_ =	sdelay $0x4  }
0xac: {  	v19 =	vshll.u32 v18, $0x1  }
0xad: {  	v18 =	vand.u32 $0x7, v18;
	v19 =	vand.u32 $0xFFFFFFF0, v19  }
0xae: {  	v18 =	vor.u32 v18, v19  }
0xaf: {  	v19 =	vperm.xlane v18, v2;
	_ =	sdelay $0x1  }
0xb0: {  	v18 =	vperm.xlane v18, v5;
	v19 =	vadd.s32 v4, v19;
	_ =	sdelay $0x1  }
0xb1: {  	v18 =	vadd.s32 v4, v18;
	_ =	sdelay $0x2  }
0xb2: {  	[tilespmem:s10], [sflag:$0x4] =	stream.indirect_vreg.gather [hbm4b:s4+s23], $0x80, v19, vm0, $0xb8;
	[tilespmem:$0x16580] =	vst v63  }
0xb3: {  	_ = 	snop  }
0xb4: {  	[tilespmem:s11], [sflag:$0x4] =	stream.indirect_vreg.gather [hbm4b:s4+s23], $0x80, v18, vm0, $0xb8;
	[tilespmem:$0x16580] =	vst v63  }
0xb5: {  	v18 =	vld [tilespmem:s26+$0x1450];
	_ =	sdelay $0x4  }
0xb6: {  	v19 =	vshll.u32 v18, $0x1  }
0xb7: {  	v18 =	vand.u32 $0x7, v18;
	v19 =	vand.u32 $0xFFFFFFF0, v19  }
0xb8: {  	v18 =	vor.u32 v18, v19  }
0xb9: {  	v19 =	vperm.xlane v18, v2;
	_ =	sdelay $0x1  }
0xba: {  	v18 =	vperm.xlane v18, v5;
	v19 =	vadd.s32 v4, v19;
	_ =	sdelay $0x1  }
0xbb: {  	v18 =	vadd.s32 v4, v18;
	_ =	sdelay $0x2  }
0xbc: {  	[tilespmem:s13], [sflag:$0x4] =	stream.indirect_vreg.gather [hbm4b:s4+s23], $0x80, v19, vm0, $0xb8;
	[tilespmem:$0x16580] =	vst v63  }
0xbd: {  	_ = 	snop  }
0xbe: {  	[tilespmem:s14], [sflag:$0x4] =	stream.indirect_vreg.gather [hbm4b:s4+s23], $0x80, v18, vm0, $0xb8;
	[tilespmem:$0x16580] =	vst v63  }
0xbf: {  	v18 =	vld [tilespmem:s26+$0x1460];
	_ =	sdelay $0x4  }
0xc0: {  	v19 =	vshll.u32 v18, $0x1  }
0xc1: {  	v18 =	vand.u32 $0x7, v18;
	v19 =	vand.u32 $0xFFFFFFF0, v19  }
0xc2: {  	v18 =	vor.u32 v18, v19  }
0xc3: {  	v19 =	vperm.xlane v18, v2;
	_ =	sdelay $0x1  }
0xc4: {  	v18 =	vperm.xlane v18, v5;
	v19 =	vadd.s32 v4, v19;
	_ =	sdelay $0x1  }
0xc5: {  	v18 =	vadd.s32 v4, v18;
	_ =	sdelay $0x2  }
0xc6: {  	[tilespmem:s15], [sflag:$0x4] =	stream.indirect_vreg.gather [hbm4b:s4+s23], $0x80, v19, vm0, $0xb8;
	[tilespmem:$0x16580] =	vst v63  }
0xc7: {  	_ = 	snop  }
0xc8: {  	[tilespmem:s16], [sflag:$0x4] =	stream.indirect_vreg.gather [hbm4b:s4+s23], $0x80, v18, vm0, $0xb8;
	[tilespmem:$0x16580] =	vst v63  }
0xc9: {  	v18 =	vld [tilespmem:s26+$0x1470];
	_ =	sdelay $0x4  }
0xca: {  	v19 =	vshll.u32 v18, $0x1  }
0xcb: {  	v18 =	vand.u32 $0x7, v18;
	v19 =	vand.u32 $0xFFFFFFF0, v19  }
0xcc: {  	v18 =	vor.u32 v18, v19  }
0xcd: {  	v19 =	vperm.xlane v18, v2;
	_ =	sdelay $0x1  }
0xce: {  	v18 =	vperm.xlane v18, v5;
	v19 =	vadd.s32 v4, v19;
	_ =	sdelay $0x1  }
0xcf: {  	v18 =	vadd.s32 v4, v18;
	_ =	sdelay $0x1  }
0xd0: {  	s29 =	simm.s32 $0x0;
	s12 =	sadd.s32 $0x1400, s26;
	s1 =	sadd.s32 $0x2800, s26  }
0xd1: {  	[tilespmem:s17], [sflag:$0x4] =	stream.indirect_vreg.gather [hbm4b:s4+s23], $0x80, v19, vm0, $0xb8;
	[tilespmem:$0x16580] =	vst v63  }
0xd2: {  	s28 =	sadd.s32 s3, s26;
	s25 =	sor.u32 $0x40, s26;
	v23 =	vmov s1;
	s1 =	simm.s32 $0x0  }
0xd3: {  	v22 =	vmov s12;
	[tilespmem:s18], [sflag:$0x4] =	stream.indirect_vreg.gather [hbm4b:s4+s23], $0x80, v18, vm0, $0xb8;
	[tilespmem:$0x16580] =	vst v63  }
.LBB2_5:
0xd4: {  	s0 =	simm.s32 $0x0  }
0xd5: {  	s2 =	sand.u32 $0x3800, s29;
	s0 =	sand.u32 $0x380, s0  }
0xd6: {  	s0 =	sor.u32 s0, s2  }
0xd7: {  	v18 =	vld [tilespmem:s0+$0x7C00]  }
0xd8: {  	v19 =	vld [tilespmem:s0+$0x3C00]  }
0xd9: {  	v20 =	vld [tilespmem:s0+$0x3C10]  }
0xda: {  	v21 =	vld [tilespmem:s0+$0x7C10]  }
0xdb: {  	v24 =	vld [tilespmem:s0+$0x3C20]  }
0xdc: {  	v25 =	vld [tilespmem:s0+$0x7C20]  }
0xdd: {  	v26 =	vld [tilespmem:s0+$0x3C30]  }
0xde: {  	v27 =	vld [tilespmem:s0+$0x7C30]  }
0xdf: {  	v18 =	vsub.f32 v19, v18;
	v19 =	vsub.f32 v20, v21;
	v20 =	vld [tilespmem:s0+$0x3C40]  }
0xe0: {  	v21 =	vld [tilespmem:s0+$0x7C40]  }
0xe1: {  	v45 =	vld [tilespmem:s0+$0x3C50];
	v24 =	vsub.f32 v24, v25;
	v18 =	vmul.f32 v18, v18;
	v19 =	vmul.f32 v19, v19  }
0xe2: {  	v28 =	vld [tilespmem:s0+$0x7C50]  }
0xe3: {  	v47 =	vld [tilespmem:s0+$0x3C60];
	v46 =	vsub.f32 v26, v27;
	v18 =	vadd.f32 v19, v18;
	v19 =	vmul.f32 v24, v24  }
0xe4: {  	v48 =	vld [tilespmem:s0+$0x7C60]  }
0xe5: {  	v49 =	vld [tilespmem:s0+$0x7C70];
	v20 =	vsub.f32 v20, v21;
	v18 =	vadd.f32 v19, v18;
	v19 =	vmul.f32 v46, v46  }
0xe6: {  	v21 =	vld [tilespmem:s0+$0x3C70]  }
0xe7: {  	v50 =	vld [tilespmem:s0+$0x4000];
	v18 =	vadd.f32 v19, v18;
	v19 =	vmul.f32 v20, v20;
	v20 =	vsub.f32 v45, v28  }
0xe8: {  	v51 =	vld [tilespmem:s0+$0x8000]  }
0xe9: {  	v52 =	vld [tilespmem:s0+$0x4010];
	v18 =	vadd.f32 v19, v18;
	v19 =	vmul.f32 v20, v20;
	v20 =	vsub.f32 v47, v48  }
0xea: {  	v53 =	vld [tilespmem:s0+$0x8010]  }
0xeb: {  	v54 =	vld [tilespmem:s0+$0x8020];
	v18 =	vadd.f32 v19, v18;
	v19 =	vmul.f32 v20, v20;
	v20 =	vsub.f32 v21, v49  }
0xec: {  	v21 =	vld [tilespmem:s0+$0x4020]  }
0xed: {  	v55 =	vld [tilespmem:s0+$0x4030];
	v18 =	vadd.f32 v19, v18;
	v19 =	vmul.f32 v20, v20;
	v20 =	vsub.f32 v50, v51  }
0xee: {  	v56 =	vld [tilespmem:s0+$0x8030]  }
0xef: {  	v57 =	vld [tilespmem:s0+$0x4040];
	v18 =	vadd.f32 v19, v18;
	v19 =	vmul.f32 v20, v20;
	v20 =	vsub.f32 v52, v53  }
0xf0: {  	v58 =	vld [tilespmem:s0+$0x8040]  }
0xf1: {  	v59 =	vld [tilespmem:s0+$0x8050];
	v18 =	vadd.f32 v19, v18;
	v19 =	vmul.f32 v20, v20;
	v20 =	vsub.f32 v21, v54  }
0xf2: {  	v21 =	vld [tilespmem:s0+$0x4050]  }
0xf3: {  	v60 =	vld [tilespmem:s0+$0x4060];
	v18 =	vadd.f32 v19, v18;
	v19 =	vmul.f32 v20, v20;
	v20 =	vsub.f32 v55, v56  }
0xf4: {  	v61 =	vld [tilespmem:s0+$0x8060]  }
0xf5: {  	v62 =	vld [tilespmem:s0+$0x4070];
	v18 =	vadd.f32 v19, v18;
	v19 =	vmul.f32 v20, v20;
	v20 =	vsub.f32 v57, v58  }
0xf6: {  	v63 =	vld [tilespmem:s0+$0x8070]  }
0xf7: {  	v18 =	vadd.f32 v19, v18;
	v19 =	vmul.f32 v20, v20;
	v20 =	vsub.f32 v21, v59;
	_ =	sdelay $0x1  }
0xf8: {  	v18 =	vadd.f32 v19, v18;
	v19 =	vmul.f32 v20, v20;
	v20 =	vsub.f32 v60, v61;
	_ =	sdelay $0x1  }
0xf9: {  	v18 =	vadd.f32 v19, v18;
	v19 =	vmul.f32 v20, v20;
	v20 =	vsub.f32 v62, v63;
	_ =	sdelay $0x1  }
0xfa: {  	v18 =	vadd.f32 v19, v18;
	v19 =	vmul.f32 v20, v20;
	_ =	sdelay $0x1  }
0xfb: {  	s6 =	simm.s32 $0x80;
	s5 =	sadd.s32 $0x100, s29;
	v18 =	vadd.f32 v19, v18  }
0xfc: {  	s12 =	simm.s32 $0x16480;
	s8 =	sand.u32 $0x3800, s5;
	s0 =	sand.u32 $0x380, s6  }
0xfd: {  	s2 =	sor.u32 s0, s8;
	[tilespmem:s12+$0x0] =	vst v18  }
0xfe: {  	v18 =	vld [tilespmem:s2+$0x7C00]  }
0xff: {  	s6 =	simm.s32 $0x100;
	s0 =	sshll.u32 s1, $0x4;
	v19 =	vld [tilespmem:s2+$0x3C00]  }
.LBB2_6:
0x100: {  	p0 =	sne.s32 s6, $0x780;
	v20 =	vld [tilespmem:s2+$0x3C10]  }
0x101: {  	v21 =	vld [tilespmem:s2+$0x7C10]  }
0x102: {  	v24 =	vld [tilespmem:s2+$0x3C20]  }
0x103: {  	v25 =	vld [tilespmem:s2+$0x7C20]  }
0x104: {  	v26 =	vld [tilespmem:s2+$0x3C30]  }
0x105: {  	v27 =	vld [tilespmem:s2+$0x7C30]  }
0x106: {  	v18 =	vsub.f32 v19, v18;
	v19 =	vsub.f32 v20, v21;
	v20 =	vld [tilespmem:s2+$0x3C40]  }
0x107: {  	v21 =	vld [tilespmem:s2+$0x7C40]  }
0x108: {  	v18 =	vmul.f32 v18, v18;
	v19 =	vmul.f32 v19, v19;
	v24 =	vsub.f32 v24, v25;
	v25 =	vld [tilespmem:s2+$0x3C50]  }
0x109: {  	v28 =	vld [tilespmem:s2+$0x7C50]  }
0x10a: {  	v18 =	vadd.f32 v19, v18;
	v19 =	vmul.f32 v24, v24;
	v24 =	vsub.f32 v26, v27;
	v26 =	vld [tilespmem:s2+$0x3C60]  }
0x10b: {  	v27 =	vld [tilespmem:s2+$0x7C60]  }
0x10c: {  	v18 =	vadd.f32 v19, v18;
	v19 =	vmul.f32 v24, v24;
	v20 =	vsub.f32 v20, v21;
	v21 =	vld [tilespmem:s2+$0x3C70]  }
0x10d: {  	v24 =	vld [tilespmem:s2+$0x7C70]  }
0x10e: {  	v18 =	vadd.f32 v19, v18;
	v19 =	vmul.f32 v20, v20;
	v20 =	vsub.f32 v25, v28;
	v25 =	vld [tilespmem:s2+$0x4000]  }
0x10f: {  	v28 =	vld [tilespmem:s2+$0x8000]  }
0x110: {  	v18 =	vadd.f32 v19, v18;
	v19 =	vmul.f32 v20, v20;
	v20 =	vsub.f32 v26, v27;
	v26 =	vld [tilespmem:s2+$0x4010]  }
0x111: {  	v27 =	vld [tilespmem:s2+$0x8010]  }
0x112: {  	v18 =	vadd.f32 v19, v18;
	v19 =	vmul.f32 v20, v20;
	v20 =	vsub.f32 v21, v24;
	v21 =	vld [tilespmem:s2+$0x4020]  }
0x113: {  	v24 =	vld [tilespmem:s2+$0x8020]  }
0x114: {  	v18 =	vadd.f32 v19, v18;
	v19 =	vmul.f32 v20, v20;
	v20 =	vsub.f32 v25, v28;
	v25 =	vld [tilespmem:s2+$0x4030]  }
0x115: {  	v28 =	vld [tilespmem:s2+$0x8030]  }
0x116: {  	v18 =	vadd.f32 v19, v18;
	v19 =	vmul.f32 v20, v20;
	v20 =	vsub.f32 v26, v27;
	v26 =	vld [tilespmem:s2+$0x4040]  }
0x117: {  	v27 =	vld [tilespmem:s2+$0x8040]  }
0x118: {  	v18 =	vadd.f32 v19, v18;
	v19 =	vmul.f32 v20, v20;
	v20 =	vsub.f32 v21, v24;
	v21 =	vld [tilespmem:s2+$0x4050]  }
0x119: {  	v24 =	vld [tilespmem:s2+$0x8050]  }
0x11a: {  	v18 =	vadd.f32 v19, v18;
	v19 =	vmul.f32 v20, v20;
	v20 =	vsub.f32 v25, v28;
	v25 =	vld [tilespmem:s2+$0x4060]  }
0x11b: {  	v28 =	vld [tilespmem:s2+$0x8060]  }
0x11c: {  	v18 =	vadd.f32 v19, v18;
	v19 =	vmul.f32 v20, v20;
	v20 =	vsub.f32 v26, v27;
	v26 =	vld [tilespmem:s2+$0x4070]  }
0x11d: {  	v27 =	vld [tilespmem:s2+$0x8070]  }
0x11e: {  	v18 =	vadd.f32 v19, v18;
	v19 =	vmul.f32 v20, v20;
	v20 =	vsub.f32 v21, v24;
	_ =	sdelay $0x1  }
0x11f: {  	v18 =	vadd.f32 v19, v18;
	v19 =	vmul.f32 v20, v20;
	v20 =	vsub.f32 v25, v28;
	_ =	sdelay $0x1  }
0x120: {  	v18 =	vadd.f32 v19, v18;
	v19 =	vmul.f32 v20, v20;
	v20 =	vsub.f32 v26, v27;
	_ =	sdelay $0x1  }
0x121: {  	v18 =	vadd.f32 v19, v18;
	v19 =	vmul.f32 v20, v20;
	_ =	sdelay $0x1  }
.Ltmp1:
0x122: {  	s5 =	sadd.s32 $0x100, s5;
	v18 =	vadd.f32 v19, v18;
	(pc) =	sbr.rel @p0 .LBB2_6-.Ltmp1, $4  }
0x123: {  	s8 =	sand.u32 $0x380, s6;
	s12 =	sadd.s32 $0x10, s12;
	s2 =	sand.u32 $0x3800, s5  }
0x124: {  	s2 =	sor.u32 s8, s2;
	[tilespmem:s12+$0x0] =	vst v18  }
0x125: {  	v18 =	vld [tilespmem:s2+$0x7C00]  }
0x126: {  	s6 =	sadd.s32 $0x80, s6;
	v19 =	vld [tilespmem:s2+$0x3C00]  }
0x127: {  	v20 =	vld [tilespmem:s2+$0x3C10]  }
0x128: {  	v21 =	vld [tilespmem:s2+$0x7C10]  }
0x129: {  	v24 =	vld [tilespmem:s2+$0x3C20]  }
0x12a: {  	v25 =	vld [tilespmem:s2+$0x7C20]  }
0x12b: {  	v26 =	vld [tilespmem:s2+$0x3C30]  }
0x12c: {  	v27 =	vld [tilespmem:s2+$0x7C30]  }
0x12d: {  	v18 =	vsub.f32 v19, v18;
	v19 =	vsub.f32 v20, v21;
	v20 =	vld [tilespmem:s2+$0x3C40]  }
0x12e: {  	v21 =	vld [tilespmem:s2+$0x7C40]  }
0x12f: {  	v35 =	vld [tilespmem:s2+$0x3C50];
	v24 =	vsub.f32 v24, v25;
	v18 =	vmul.f32 v18, v18;
	v19 =	vmul.f32 v19, v19  }
0x130: {  	v28 =	vld [tilespmem:s2+$0x7C50]  }
0x131: {  	v37 =	vld [tilespmem:s2+$0x3C60];
	v36 =	vsub.f32 v26, v27;
	v18 =	vadd.f32 v19, v18;
	v19 =	vmul.f32 v24, v24  }
0x132: {  	v38 =	vld [tilespmem:s2+$0x7C60]  }
0x133: {  	v39 =	vld [tilespmem:s2+$0x7C70];
	v20 =	vsub.f32 v20, v21;
	v18 =	vadd.f32 v19, v18;
	v19 =	vmul.f32 v36, v36  }
0x134: {  	v21 =	vld [tilespmem:s2+$0x3C70]  }
0x135: {  	v40 =	vld [tilespmem:s2+$0x4000];
	v18 =	vadd.f32 v19, v18;
	v19 =	vmul.f32 v20, v20;
	v20 =	vsub.f32 v35, v28  }
0x136: {  	v41 =	vld [tilespmem:s2+$0x8000]  }
0x137: {  	v42 =	vld [tilespmem:s2+$0x4010];
	v18 =	vadd.f32 v19, v18;
	v19 =	vmul.f32 v20, v20;
	v20 =	vsub.f32 v37, v38  }
0x138: {  	v43 =	vld [tilespmem:s2+$0x8010]  }
0x139: {  	v44 =	vld [tilespmem:s2+$0x8020];
	v18 =	vadd.f32 v19, v18;
	v19 =	vmul.f32 v20, v20;
	v20 =	vsub.f32 v21, v39  }
0x13a: {  	v21 =	vld [tilespmem:s2+$0x4020]  }
0x13b: {  	v45 =	vld [tilespmem:s2+$0x4030];
	v18 =	vadd.f32 v19, v18;
	v19 =	vmul.f32 v20, v20;
	v20 =	vsub.f32 v40, v41  }
0x13c: {  	v46 =	vld [tilespmem:s2+$0x8030]  }
0x13d: {  	v47 =	vld [tilespmem:s2+$0x4040];
	v18 =	vadd.f32 v19, v18;
	v19 =	vmul.f32 v20, v20;
	v20 =	vsub.f32 v42, v43  }
0x13e: {  	v48 =	vld [tilespmem:s2+$0x8040]  }
0x13f: {  	v49 =	vld [tilespmem:s2+$0x8050];
	v18 =	vadd.f32 v19, v18;
	v19 =	vmul.f32 v20, v20;
	v20 =	vsub.f32 v21, v44  }
0x140: {  	v21 =	vld [tilespmem:s2+$0x4050]  }
0x141: {  	v50 =	vld [tilespmem:s2+$0x4060];
	v18 =	vadd.f32 v19, v18;
	v19 =	vmul.f32 v20, v20;
	v20 =	vsub.f32 v45, v46  }
0x142: {  	v51 =	vld [tilespmem:s2+$0x8060]  }
0x143: {  	v52 =	vld [tilespmem:s2+$0x4070];
	v18 =	vadd.f32 v19, v18;
	v19 =	vmul.f32 v20, v20;
	v20 =	vsub.f32 v47, v48  }
0x144: {  	v53 =	vld [tilespmem:s2+$0x8070]  }
0x145: {  	v18 =	vadd.f32 v19, v18;
	v19 =	vmul.f32 v20, v20;
	v20 =	vsub.f32 v21, v49;
	_ =	sdelay $0x1  }
0x146: {  	v18 =	vadd.f32 v19, v18;
	v19 =	vmul.f32 v20, v20;
	v20 =	vsub.f32 v50, v51;
	_ =	sdelay $0x1  }
0x147: {  	v18 =	vadd.f32 v19, v18;
	v19 =	vmul.f32 v20, v20;
	v20 =	vsub.f32 v52, v53;
	_ =	sdelay $0x1  }
0x148: {  	v18 =	vadd.f32 v19, v18;
	v19 =	vmul.f32 v20, v20;
	_ =	sdelay $0x1  }
0x149: {  	v18 =	vadd.f32 v19, v18  }
0x14a: {  	s8 =	sadd.s32 $0x10, s12  }
0x14b: {  	[tilespmem:s8+$0x0] =	vst v18  }
0x14c: {  	v18 =	vld.idx.msk [tilespmem:v3+s19+$0x0], $0xffff;
	_ =	sdelay $0x1  }
0x14d: {  	v19 =	vld.idx.msk [tilespmem:v6+s19+$0x0], $0xffff;
	_ =	sdelay $0x1  }
0x14e: {  	v20 =	vld.idx.msk [tilespmem:v7+s19+$0x0], $0xffff  }
0x14f: {  	v18 =	vadd.f32 $0.0e+00, v18  }
0x150: {  	v21 =	vld.idx.msk [tilespmem:v8+s19+$0x0], $0xffff  }
0x151: {  	v18 =	vadd.f32 v19, v18  }
0x152: {  	v19 =	vld.idx.msk [tilespmem:v9+s19+$0x0], $0xffff  }
0x153: {  	v18 =	vadd.f32 v20, v18  }
0x154: {  	v20 =	vld.idx.msk [tilespmem:v10+s19+$0x0], $0xffff  }
0x155: {  	v18 =	vadd.f32 v21, v18  }
0x156: {  	v21 =	vld.idx.msk [tilespmem:v11+s19+$0x0], $0xffff  }
0x157: {  	v18 =	vadd.f32 v19, v18  }
0x158: {  	v19 =	vld.idx.msk [tilespmem:v12+s19+$0x0], $0xffff  }
0x159: {  	v18 =	vadd.f32 v20, v18  }
0x15a: {  	v20 =	vld.idx.msk [tilespmem:v13+s19+$0x0], $0xffff  }
0x15b: {  	v18 =	vadd.f32 v21, v18  }
0x15c: {  	v21 =	vld.idx.msk [tilespmem:v14+s19+$0x0], $0xffff  }
0x15d: {  	v19 =	vadd.f32 v19, v18;
	v18 =	vor.u32 $0xC, v3  }
0x15e: {  	v54 =	vld.idx.msk [tilespmem:v15+s19+$0x0], $0xffff  }
0x15f: {  	v20 =	vadd.f32 v20, v19;
	v19 =	vor.u32 $0xD, v3  }
0x160: {  	v55 =	vld.idx.msk [tilespmem:v16+s19+$0x0], $0xffff  }
0x161: {  	v21 =	vadd.f32 v21, v20;
	v20 =	vor.u32 $0xE, v3  }
0x162: {  	v56 =	vld.idx.msk [tilespmem:v18+s19+$0x0], $0xffff  }
0x163: {  	v24 =	vadd.f32 v54, v21;
	v21 =	vor.u32 $0xF, v3  }
0x164: {  	v57 =	vld.idx.msk [tilespmem:v19+s19+$0x0], $0xffff  }
0x165: {  	v24 =	vadd.f32 v55, v24  }
0x166: {  	v58 =	vld.idx.msk [tilespmem:v20+s19+$0x0], $0xffff  }
0x167: {  	v24 =	vadd.f32 v56, v24  }
0x168: {  	v59 =	vld.idx.msk [tilespmem:v21+s19+$0x0], $0xffff  }
0x169: {  	v24 =	vadd.f32 v57, v24;
	_ =	sdelay $0x1  }
0x16a: {  	v24 =	vadd.f32 v58, v24  }
0x16b: {  	v60 =	vld.idx.msk [tilespmem:v22+s0+$0x0 ss:$0x1], $0xffff  }
0x16c: {  	s12 =	sadd.s32 s0, s28;
	v24 =	vadd.f32 v59, v24  }
0x16d: {  	v61 =	vmov s12;
	v62 =	vor.u32 s12, v1  }
0x16e: {  	vm2 =	vlt.u32 v61, $0x27100;
	v63 =	vand.u32 $0x7F, v62;
	vm1 =	vlt.f32 v24, $5.290000000e+02  }
0x16f: {  	v24 =	vor.u32 $0x2800, v63;
	vm1 =	vmand vm2, vm1  }
0x170: {  	s1 =	sadd.s32 $0x1, s1;
	v24 =	vsel vm1, v60, v24  }
0x171: {  	p0 =	sne.s32 s1, $0x4  }
.Ltmp2:
0x172: {  	_ = 	snop;
	(pc) =	sbr.rel @p0 .LBB2_5-.Ltmp2, $3  }
0x173: {  	_ =	sdelay $0x1  }
0x174: {  	[tilespmem:v24+s20+$0x0] =	vst.idx.add.f32.msk $0xffff, v17  }
0x175: {  	s29 =	sadd.s32 $0x1000, s29;
	[tilespmem:v23+s0+$0x0 ss:$0x1] =	vst.idx.msk $0xffff, v24  }
0x176: {  	_ =	swait.ge [sflag:s21], $0x4000  }
0x177: {  	[sflag:s21] =	ssyncset.done $0x0  }
0x178: {  	[sflag:s21] =	ssyncadd.s32 $0xFFFFC000  }
0x179: {  	_ =	swait.ge [sflag:s22], $0x4000  }
0x17a: {  	[sflag:s22] =	ssyncset.done $0x0  }
0x17b: {  	[sflag:s22] =	ssyncadd.s32 $0xFFFFC000  }
0x17c: {  	v22 =	vld [tilespmem:s26+$0x80];
	_ =	sdelay $0x4  }
0x17d: {  	v23 =	vshll.u32 v22, $0x1  }
0x17e: {  	v22 =	vand.u32 $0x7, v22;
	v23 =	vand.u32 $0xFFFFFFF0, v23  }
0x17f: {  	v22 =	vor.u32 v22, v23  }
0x180: {  	v23 =	vperm.xlane v22, v2;
	_ =	sdelay $0x1  }
0x181: {  	v22 =	vperm.xlane v22, v5;
	v23 =	vadd.s32 v4, v23;
	_ =	sdelay $0x1  }
0x182: {  	v22 =	vadd.s32 v4, v22;
	_ =	sdelay $0x1  }
0x183: {  	s28 =	simm.s32 $0x0;
	s0 =	simm.s32 $0x3C00  }
0x184: {  	[tilespmem:s0], [sflag:$0x1] =	stream.indirect_vreg.gather [hbm4b:s4+s28], $0x80, v23, vm0, $0xb8;
	[tilespmem:$0x16580] =	vst v63  }
0x185: {  	s1 =	simm.s32 $0x4400  }
0x186: {  	[tilespmem:s1], [sflag:$0x1] =	stream.indirect_vreg.gather [hbm4b:s4+s28], $0x80, v22, vm0, $0xb8;
	[tilespmem:$0x16580] =	vst v63  }
0x187: {  	v22 =	vld [tilespmem:s26+$0x90];
	_ =	sdelay $0x4  }
0x188: {  	v23 =	vshll.u32 v22, $0x1  }
0x189: {  	v22 =	vand.u32 $0x7, v22;
	v23 =	vand.u32 $0xFFFFFFF0, v23  }
0x18a: {  	v22 =	vor.u32 v22, v23  }
0x18b: {  	v23 =	vperm.xlane v22, v2;
	_ =	sdelay $0x1  }
0x18c: {  	v22 =	vperm.xlane v22, v5;
	v23 =	vadd.s32 v4, v23;
	_ =	sdelay $0x1  }
0x18d: {  	v22 =	vadd.s32 v4, v22;
	_ =	sdelay $0x1  }
0x18e: {  	s2 =	simm.s32 $0x4C00  }
0x18f: {  	[tilespmem:s2], [sflag:$0x1] =	stream.indirect_vreg.gather [hbm4b:s4+s28], $0x80, v23, vm0, $0xb8;
	[tilespmem:$0x16580] =	vst v63  }
0x190: {  	s5 =	simm.s32 $0x5400  }
0x191: {  	[tilespmem:s5], [sflag:$0x1] =	stream.indirect_vreg.gather [hbm4b:s4+s28], $0x80, v22, vm0, $0xb8;
	[tilespmem:$0x16580] =	vst v63  }
0x192: {  	v22 =	vld [tilespmem:s26+$0xA0];
	_ =	sdelay $0x4  }
0x193: {  	v23 =	vshll.u32 v22, $0x1  }
0x194: {  	v22 =	vand.u32 $0x7, v22;
	v23 =	vand.u32 $0xFFFFFFF0, v23  }
0x195: {  	v22 =	vor.u32 v22, v23  }
0x196: {  	v23 =	vperm.xlane v22, v2;
	_ =	sdelay $0x1  }
0x197: {  	v22 =	vperm.xlane v22, v5;
	v23 =	vadd.s32 v4, v23;
	_ =	sdelay $0x1  }
0x198: {  	v22 =	vadd.s32 v4, v22;
	_ =	sdelay $0x1  }
0x199: {  	s6 =	simm.s32 $0x5C00  }
0x19a: {  	[tilespmem:s6], [sflag:$0x1] =	stream.indirect_vreg.gather [hbm4b:s4+s28], $0x80, v23, vm0, $0xb8;
	[tilespmem:$0x16580] =	vst v63  }
0x19b: {  	s8 =	simm.s32 $0x6400  }
0x19c: {  	[tilespmem:s8], [sflag:$0x1] =	stream.indirect_vreg.gather [hbm4b:s4+s28], $0x80, v22, vm0, $0xb8;
	[tilespmem:$0x16580] =	vst v63  }
0x19d: {  	v22 =	vld [tilespmem:s26+$0xB0];
	_ =	sdelay $0x4  }
0x19e: {  	v23 =	vshll.u32 v22, $0x1  }
0x19f: {  	v22 =	vand.u32 $0x7, v22;
	v23 =	vand.u32 $0xFFFFFFF0, v23  }
0x1a0: {  	v22 =	vor.u32 v22, v23  }
0x1a1: {  	v23 =	vperm.xlane v22, v2;
	_ =	sdelay $0x1  }
0x1a2: {  	v22 =	vperm.xlane v22, v5;
	v23 =	vadd.s32 v4, v23;
	_ =	sdelay $0x1  }
0x1a3: {  	v22 =	vadd.s32 v4, v22;
	_ =	sdelay $0x1  }
0x1a4: {  	s12 =	simm.s32 $0x6C00  }
0x1a5: {  	[tilespmem:s12], [sflag:$0x1] =	stream.indirect_vreg.gather [hbm4b:s4+s28], $0x80, v23, vm0, $0xb8;
	[tilespmem:$0x16580] =	vst v63  }
0x1a6: {  	s29 =	simm.s32 $0x7400  }
0x1a7: {  	[tilespmem:s29], [sflag:$0x1] =	stream.indirect_vreg.gather [hbm4b:s4+s28], $0x80, v22, vm0, $0xb8;
	[tilespmem:$0x16580] =	vst v63  }
0x1a8: {  	v22 =	vld [tilespmem:s26+$0x1480];
	_ =	sdelay $0x4  }
0x1a9: {  	v23 =	vshll.u32 v22, $0x1  }
0x1aa: {  	v22 =	vand.u32 $0x7, v22;
	v23 =	vand.u32 $0xFFFFFFF0, v23  }
0x1ab: {  	v22 =	vor.u32 v22, v23  }
0x1ac: {  	v23 =	vperm.xlane v22, v2;
	_ =	sdelay $0x1  }
0x1ad: {  	v22 =	vperm.xlane v22, v5;
	v23 =	vadd.s32 v4, v23;
	_ =	sdelay $0x1  }
0x1ae: {  	v22 =	vadd.s32 v4, v22;
	_ =	sdelay $0x1  }
0x1af: {  	s1 =	simm.s32 $0x7C00  }
0x1b0: {  	[tilespmem:s1], [sflag:$0x2] =	stream.indirect_vreg.gather [hbm4b:s4+s28], $0x80, v23, vm0, $0xb8;
	[tilespmem:$0x16580] =	vst v63  }
0x1b1: {  	s2 =	simm.s32 $0x8400  }
0x1b2: {  	[tilespmem:s2], [sflag:$0x2] =	stream.indirect_vreg.gather [hbm4b:s4+s28], $0x80, v22, vm0, $0xb8;
	[tilespmem:$0x16580] =	vst v63  }
0x1b3: {  	v22 =	vld [tilespmem:s26+$0x1490];
	_ =	sdelay $0x4  }
0x1b4: {  	v23 =	vshll.u32 v22, $0x1  }
0x1b5: {  	v22 =	vand.u32 $0x7, v22;
	v23 =	vand.u32 $0xFFFFFFF0, v23  }
0x1b6: {  	v22 =	vor.u32 v22, v23  }
0x1b7: {  	v23 =	vperm.xlane v22, v2;
	_ =	sdelay $0x1  }
0x1b8: {  	v22 =	vperm.xlane v22, v5;
	v23 =	vadd.s32 v4, v23;
	_ =	sdelay $0x1  }
0x1b9: {  	v22 =	vadd.s32 v4, v22;
	_ =	sdelay $0x1  }
0x1ba: {  	s5 =	simm.s32 $0x8C00  }
0x1bb: {  	[tilespmem:s5], [sflag:$0x2] =	stream.indirect_vreg.gather [hbm4b:s4+s28], $0x80, v23, vm0, $0xb8;
	[tilespmem:$0x16580] =	vst v63  }
0x1bc: {  	s6 =	simm.s32 $0x9400  }
0x1bd: {  	[tilespmem:s6], [sflag:$0x2] =	stream.indirect_vreg.gather [hbm4b:s4+s28], $0x80, v22, vm0, $0xb8;
	[tilespmem:$0x16580] =	vst v63  }
0x1be: {  	v22 =	vld [tilespmem:s26+$0x14A0];
	_ =	sdelay $0x4  }
0x1bf: {  	v23 =	vshll.u32 v22, $0x1  }
0x1c0: {  	v22 =	vand.u32 $0x7, v22;
	v23 =	vand.u32 $0xFFFFFFF0, v23  }
0x1c1: {  	v22 =	vor.u32 v22, v23  }
0x1c2: {  	v23 =	vperm.xlane v22, v2;
	_ =	sdelay $0x1  }
0x1c3: {  	v22 =	vperm.xlane v22, v5;
	v23 =	vadd.s32 v4, v23;
	_ =	sdelay $0x1  }
0x1c4: {  	v22 =	vadd.s32 v4, v22;
	_ =	sdelay $0x1  }
0x1c5: {  	s8 =	simm.s32 $0x9C00  }
0x1c6: {  	[tilespmem:s8], [sflag:$0x2] =	stream.indirect_vreg.gather [hbm4b:s4+s28], $0x80, v23, vm0, $0xb8;
	[tilespmem:$0x16580] =	vst v63  }
0x1c7: {  	s12 =	simm.s32 $0xA400  }
0x1c8: {  	[tilespmem:s12], [sflag:$0x2] =	stream.indirect_vreg.gather [hbm4b:s4+s28], $0x80, v22, vm0, $0xb8;
	[tilespmem:$0x16580] =	vst v63  }
0x1c9: {  	v22 =	vld [tilespmem:s26+$0x14B0];
	_ =	sdelay $0x4  }
0x1ca: {  	v23 =	vshll.u32 v22, $0x1  }
0x1cb: {  	v22 =	vand.u32 $0x7, v22;
	v23 =	vand.u32 $0xFFFFFFF0, v23  }
0x1cc: {  	v22 =	vor.u32 v22, v23  }
0x1cd: {  	v23 =	vperm.xlane v22, v2;
	_ =	sdelay $0x1  }
0x1ce: {  	v22 =	vperm.xlane v22, v5;
	v23 =	vadd.s32 v4, v23;
	_ =	sdelay $0x1  }
0x1cf: {  	v22 =	vadd.s32 v4, v22;
	_ =	sdelay $0x1  }
0x1d0: {  	s26 =	simm.s32 $0xAC00  }
0x1d1: {  	[tilespmem:s26], [sflag:$0x2] =	stream.indirect_vreg.gather [hbm4b:s4+s28], $0x80, v23, vm0, $0xb8;
	[tilespmem:$0x16580] =	vst v63  }
0x1d2: {  	s29 =	simm.s32 $0xB400;
	s1 =	simm.s32 $0x0;
	s26 =	simm.s32 $0x0  }
0x1d3: {  	[tilespmem:s29], [sflag:$0x2] =	stream.indirect_vreg.gather [hbm4b:s4+s28], $0x80, v22, vm0, $0xb8;
	[tilespmem:$0x16580] =	vst v63  }
.LBB2_9:
0x1d4: {  	s0 =	sand.u32 $0x3800, s1;
	s2 =	sand.u32 $0x380, s28  }
0x1d5: {  	s0 =	sor.u32 s2, s0  }
0x1d6: {  	v22 =	vld [tilespmem:s0+$0xFC00]  }
0x1d7: {  	v23 =	vld [tilespmem:s0+$0xBC00]  }
0x1d8: {  	v24 =	vld [tilespmem:s0+$0xBC10]  }
0x1d9: {  	v25 =	vld [tilespmem:s0+$0xFC10]  }
0x1da: {  	v26 =	vld [tilespmem:s0+$0xBC20]  }
0x1db: {  	v27 =	vld [tilespmem:s0+$0xFC20]  }
0x1dc: {  	v28 =	vld [tilespmem:s0+$0xBC30]  }
0x1dd: {  	v29 =	vld [tilespmem:s0+$0xFC30]  }
0x1de: {  	v61 =	vld [tilespmem:s0+$0xBC40];
	v22 =	vsub.f32 v23, v22;
	v23 =	vsub.f32 v24, v25  }
0x1df: {  	v62 =	vld [tilespmem:s0+$0xFC40]  }
0x1e0: {  	v63 =	vld [tilespmem:s0+$0xBC50];
	v26 =	vsub.f32 v26, v27;
	v22 =	vmul.f32 v22, v22;
	v23 =	vmul.f32 v23, v23  }
0x1e1: {  	v30 =	vld [tilespmem:s0+$0xFC50]  }
0x1e2: {  	v33 =	vld [tilespmem:s0+$0xBC60];
	v32 =	vsub.f32 v28, v29;
	v22 =	vadd.f32 v23, v22;
	v23 =	vmul.f32 v26, v26  }
0x1e3: {  	v34 =	vld [tilespmem:s0+$0xFC60]  }
0x1e4: {  	v35 =	vld [tilespmem:s0+$0xBC70];
	v24 =	vsub.f32 v61, v62;
	v22 =	vadd.f32 v23, v22;
	v23 =	vmul.f32 v32, v32  }
0x1e5: {  	v36 =	vld [tilespmem:s0+$0xFC70]  }
0x1e6: {  	v38 =	vld [tilespmem:s0+$0xC000];
	v37 =	vsub.f32 v63, v30;
	v22 =	vadd.f32 v23, v22;
	v23 =	vmul.f32 v24, v24  }
0x1e7: {  	v39 =	vld [tilespmem:s0+$0x10000]  }
0x1e8: {  	v41 =	vld [tilespmem:s0+$0xC010];
	v40 =	vsub.f32 v33, v34;
	v22 =	vadd.f32 v23, v22;
	v23 =	vmul.f32 v37, v37  }
0x1e9: {  	v42 =	vld [tilespmem:s0+$0x10010]  }
0x1ea: {  	v44 =	vld [tilespmem:s0+$0xC020];
	v43 =	vsub.f32 v35, v36;
	v22 =	vadd.f32 v23, v22;
	v23 =	vmul.f32 v40, v40  }
0x1eb: {  	v45 =	vld [tilespmem:s0+$0x10020]  }
0x1ec: {  	v47 =	vld [tilespmem:s0+$0xC030];
	v46 =	vsub.f32 v38, v39;
	v22 =	vadd.f32 v23, v22;
	v23 =	vmul.f32 v43, v43  }
0x1ed: {  	v48 =	vld [tilespmem:s0+$0x10030]  }
0x1ee: {  	v50 =	vld [tilespmem:s0+$0xC040];
	v49 =	vsub.f32 v41, v42;
	v22 =	vadd.f32 v23, v22;
	v23 =	vmul.f32 v46, v46  }
0x1ef: {  	v51 =	vld [tilespmem:s0+$0x10040]  }
0x1f0: {  	v53 =	vld [tilespmem:s0+$0xC050];
	v52 =	vsub.f32 v44, v45;
	v22 =	vadd.f32 v23, v22;
	v23 =	vmul.f32 v49, v49  }
0x1f1: {  	v54 =	vld [tilespmem:s0+$0x10050]  }
0x1f2: {  	v56 =	vld [tilespmem:s0+$0xC060];
	v55 =	vsub.f32 v47, v48;
	v22 =	vadd.f32 v23, v22;
	v23 =	vmul.f32 v52, v52  }
0x1f3: {  	v57 =	vld [tilespmem:s0+$0x10060]  }
0x1f4: {  	v59 =	vld [tilespmem:s0+$0xC070];
	v58 =	vsub.f32 v50, v51;
	v22 =	vadd.f32 v23, v22;
	v23 =	vmul.f32 v55, v55  }
0x1f5: {  	v60 =	vld [tilespmem:s0+$0x10070]  }
0x1f6: {  	v61 =	vsub.f32 v53, v54;
	v22 =	vadd.f32 v23, v22;
	v23 =	vmul.f32 v58, v58;
	_ =	sdelay $0x1  }
0x1f7: {  	v62 =	vsub.f32 v56, v57;
	v22 =	vadd.f32 v23, v22;
	v23 =	vmul.f32 v61, v61;
	_ =	sdelay $0x1  }
0x1f8: {  	v63 =	vsub.f32 v59, v60;
	v22 =	vadd.f32 v23, v22;
	v23 =	vmul.f32 v62, v62;
	_ =	sdelay $0x1  }
0x1f9: {  	v22 =	vadd.f32 v23, v22;
	v23 =	vmul.f32 v63, v63;
	_ =	sdelay $0x1  }
0x1fa: {  	s8 =	simm.s32 $0x80;
	s5 =	sadd.s32 $0x100, s1;
	v22 =	vadd.f32 v23, v22  }
0x1fb: {  	s12 =	simm.s32 $0x16480;
	s29 =	sand.u32 $0x3800, s5;
	s0 =	sand.u32 $0x380, s8  }
0x1fc: {  	s2 =	sor.u32 s0, s29;
	[tilespmem:s12+$0x0] =	vst v22  }
0x1fd: {  	v22 =	vld [tilespmem:s2+$0xFC00]  }
0x1fe: {  	s6 =	simm.s32 $0x100;
	s0 =	sshll.u32 s26, $0x4;
	v23 =	vld [tilespmem:s2+$0xBC00]  }
.LBB2_10:
0x1ff: {  	p0 =	sne.s32 s6, $0x780;
	v24 =	vld [tilespmem:s2+$0xBC10]  }
0x200: {  	v25 =	vld [tilespmem:s2+$0xFC10]  }
0x201: {  	v26 =	vld [tilespmem:s2+$0xBC20]  }
0x202: {  	v27 =	vld [tilespmem:s2+$0xFC20]  }
0x203: {  	v28 =	vld [tilespmem:s2+$0xBC30]  }
0x204: {  	v29 =	vld [tilespmem:s2+$0xFC30]  }
0x205: {  	v22 =	vsub.f32 v23, v22;
	v23 =	vsub.f32 v24, v25;
	v24 =	vld [tilespmem:s2+$0xBC40]  }
0x206: {  	v25 =	vld [tilespmem:s2+$0xFC40]  }
0x207: {  	v22 =	vmul.f32 v22, v22;
	v23 =	vmul.f32 v23, v23;
	v26 =	vsub.f32 v26, v27;
	v27 =	vld [tilespmem:s2+$0xBC50]  }
0x208: {  	v30 =	vld [tilespmem:s2+$0xFC50]  }
0x209: {  	v22 =	vadd.f32 v23, v22;
	v23 =	vmul.f32 v26, v26;
	v26 =	vsub.f32 v28, v29;
	v28 =	vld [tilespmem:s2+$0xBC60]  }
0x20a: {  	v29 =	vld [tilespmem:s2+$0xFC60]  }
0x20b: {  	v22 =	vadd.f32 v23, v22;
	v23 =	vmul.f32 v26, v26;
	v24 =	vsub.f32 v24, v25;
	v25 =	vld [tilespmem:s2+$0xBC70]  }
0x20c: {  	v26 =	vld [tilespmem:s2+$0xFC70]  }
0x20d: {  	v22 =	vadd.f32 v23, v22;
	v23 =	vmul.f32 v24, v24;
	v24 =	vsub.f32 v27, v30;
	v27 =	vld [tilespmem:s2+$0xC000]  }
0x20e: {  	v30 =	vld [tilespmem:s2+$0x10000]  }
0x20f: {  	v22 =	vadd.f32 v23, v22;
	v23 =	vmul.f32 v24, v24;
	v24 =	vsub.f32 v28, v29;
	v28 =	vld [tilespmem:s2+$0xC010]  }
0x210: {  	v29 =	vld [tilespmem:s2+$0x10010]  }
0x211: {  	v22 =	vadd.f32 v23, v22;
	v23 =	vmul.f32 v24, v24;
	v24 =	vsub.f32 v25, v26;
	v25 =	vld [tilespmem:s2+$0xC020]  }
0x212: {  	v26 =	vld [tilespmem:s2+$0x10020]  }
0x213: {  	v22 =	vadd.f32 v23, v22;
	v23 =	vmul.f32 v24, v24;
	v24 =	vsub.f32 v27, v30;
	v27 =	vld [tilespmem:s2+$0xC030]  }
0x214: {  	v30 =	vld [tilespmem:s2+$0x10030]  }
0x215: {  	v22 =	vadd.f32 v23, v22;
	v23 =	vmul.f32 v24, v24;
	v24 =	vsub.f32 v28, v29;
	v28 =	vld [tilespmem:s2+$0xC040]  }
0x216: {  	v29 =	vld [tilespmem:s2+$0x10040]  }
0x217: {  	v22 =	vadd.f32 v23, v22;
	v23 =	vmul.f32 v24, v24;
	v24 =	vsub.f32 v25, v26;
	v25 =	vld [tilespmem:s2+$0xC050]  }
0x218: {  	v26 =	vld [tilespmem:s2+$0x10050]  }
0x219: {  	v22 =	vadd.f32 v23, v22;
	v23 =	vmul.f32 v24, v24;
	v24 =	vsub.f32 v27, v30;
	v27 =	vld [tilespmem:s2+$0xC060]  }
0x21a: {  	v30 =	vld [tilespmem:s2+$0x10060]  }
0x21b: {  	v22 =	vadd.f32 v23, v22;
	v23 =	vmul.f32 v24, v24;
	v24 =	vsub.f32 v28, v29;
	v28 =	vld [tilespmem:s2+$0xC070]  }
0x21c: {  	v29 =	vld [tilespmem:s2+$0x10070]  }
0x21d: {  	v22 =	vadd.f32 v23, v22;
	v23 =	vmul.f32 v24, v24;
	v24 =	vsub.f32 v25, v26;
	_ =	sdelay $0x1  }
0x21e: {  	v22 =	vadd.f32 v23, v22;
	v23 =	vmul.f32 v24, v24;
	v24 =	vsub.f32 v27, v30;
	_ =	sdelay $0x1  }
0x21f: {  	v22 =	vadd.f32 v23, v22;
	v23 =	vmul.f32 v24, v24;
	v24 =	vsub.f32 v28, v29;
	_ =	sdelay $0x1  }
0x220: {  	v22 =	vadd.f32 v23, v22;
	v23 =	vmul.f32 v24, v24;
	_ =	sdelay $0x1  }
.Ltmp3:
0x221: {  	s5 =	sadd.s32 $0x100, s5;
	v22 =	vadd.f32 v23, v22;
	(pc) =	sbr.rel @p0 .LBB2_10-.Ltmp3, $4  }
0x222: {  	s8 =	sand.u32 $0x380, s6;
	s12 =	sadd.s32 $0x10, s12;
	s2 =	sand.u32 $0x3800, s5  }
0x223: {  	s2 =	sor.u32 s8, s2;
	[tilespmem:s12+$0x0] =	vst v22  }
0x224: {  	v22 =	vld [tilespmem:s2+$0xFC00]  }
0x225: {  	s6 =	sadd.s32 $0x80, s6;
	v23 =	vld [tilespmem:s2+$0xBC00]  }
0x226: {  	v24 =	vld [tilespmem:s2+$0xBC10]  }
0x227: {  	v25 =	vld [tilespmem:s2+$0xFC10]  }
0x228: {  	v26 =	vld [tilespmem:s2+$0xBC20]  }
0x229: {  	v27 =	vld [tilespmem:s2+$0xFC20]  }
0x22a: {  	v28 =	vld [tilespmem:s2+$0xBC30]  }
0x22b: {  	v29 =	vld [tilespmem:s2+$0xFC30]  }
0x22c: {  	v48 =	vld [tilespmem:s2+$0xBC40];
	v22 =	vsub.f32 v23, v22;
	v23 =	vsub.f32 v24, v25  }
0x22d: {  	v49 =	vld [tilespmem:s2+$0xFC40]  }
0x22e: {  	v50 =	vld [tilespmem:s2+$0xBC50];
	v26 =	vsub.f32 v26, v27;
	v22 =	vmul.f32 v22, v22;
	v23 =	vmul.f32 v23, v23  }
0x22f: {  	v30 =	vld [tilespmem:s2+$0xFC50]  }
0x230: {  	v52 =	vld [tilespmem:s2+$0xBC60];
	v51 =	vsub.f32 v28, v29;
	v22 =	vadd.f32 v23, v22;
	v23 =	vmul.f32 v26, v26  }
0x231: {  	v53 =	vld [tilespmem:s2+$0xFC60]  }
0x232: {  	v54 =	vld [tilespmem:s2+$0xBC70];
	v24 =	vsub.f32 v48, v49;
	v22 =	vadd.f32 v23, v22;
	v23 =	vmul.f32 v51, v51  }
0x233: {  	v55 =	vld [tilespmem:s2+$0xFC70]  }
0x234: {  	v57 =	vld [tilespmem:s2+$0xC000];
	v56 =	vsub.f32 v50, v30;
	v22 =	vadd.f32 v23, v22;
	v23 =	vmul.f32 v24, v24  }
0x235: {  	v58 =	vld [tilespmem:s2+$0x10000]  }
0x236: {  	v60 =	vld [tilespmem:s2+$0xC010];
	v59 =	vsub.f32 v52, v53;
	v22 =	vadd.f32 v23, v22;
	v23 =	vmul.f32 v56, v56  }
0x237: {  	v61 =	vld [tilespmem:s2+$0x10010]  }
0x238: {  	v63 =	vld [tilespmem:s2+$0xC020];
	v62 =	vsub.f32 v54, v55;
	v22 =	vadd.f32 v23, v22;
	v23 =	vmul.f32 v59, v59  }
0x239: {  	v33 =	vld [tilespmem:s2+$0x10020]  }
0x23a: {  	v35 =	vld [tilespmem:s2+$0xC030];
	v34 =	vsub.f32 v57, v58;
	v22 =	vadd.f32 v23, v22;
	v23 =	vmul.f32 v62, v62  }
0x23b: {  	v36 =	vld [tilespmem:s2+$0x10030]  }
0x23c: {  	v38 =	vld [tilespmem:s2+$0xC040];
	v37 =	vsub.f32 v60, v61;
	v22 =	vadd.f32 v23, v22;
	v23 =	vmul.f32 v34, v34  }
0x23d: {  	v39 =	vld [tilespmem:s2+$0x10040]  }
0x23e: {  	v41 =	vld [tilespmem:s2+$0xC050];
	v40 =	vsub.f32 v63, v33;
	v22 =	vadd.f32 v23, v22;
	v23 =	vmul.f32 v37, v37  }
0x23f: {  	v42 =	vld [tilespmem:s2+$0x10050]  }
0x240: {  	v44 =	vld [tilespmem:s2+$0xC060];
	v43 =	vsub.f32 v35, v36;
	v22 =	vadd.f32 v23, v22;
	v23 =	vmul.f32 v40, v40  }
0x241: {  	v45 =	vld [tilespmem:s2+$0x10060]  }
0x242: {  	v47 =	vld [tilespmem:s2+$0xC070];
	v46 =	vsub.f32 v38, v39;
	v22 =	vadd.f32 v23, v22;
	v23 =	vmul.f32 v43, v43  }
0x243: {  	v48 =	vld [tilespmem:s2+$0x10070]  }
0x244: {  	v49 =	vsub.f32 v41, v42;
	v22 =	vadd.f32 v23, v22;
	v23 =	vmul.f32 v46, v46;
	_ =	sdelay $0x1  }
0x245: {  	v50 =	vsub.f32 v44, v45;
	v22 =	vadd.f32 v23, v22;
	v23 =	vmul.f32 v49, v49;
	_ =	sdelay $0x1  }
0x246: {  	v51 =	vsub.f32 v47, v48;
	v22 =	vadd.f32 v23, v22;
	v23 =	vmul.f32 v50, v50;
	_ =	sdelay $0x1  }
0x247: {  	v22 =	vadd.f32 v23, v22;
	v23 =	vmul.f32 v51, v51;
	_ =	sdelay $0x1  }
0x248: {  	v22 =	vadd.f32 v23, v22  }
0x249: {  	s12 =	sadd.s32 $0x10, s12  }
0x24a: {  	[tilespmem:s12+$0x0] =	vst v22  }
0x24b: {  	v22 =	vld.idx.msk [tilespmem:v3+s19+$0x0], $0xffff;
	_ =	sdelay $0x1  }
0x24c: {  	v23 =	vld.idx.msk [tilespmem:v6+s19+$0x0], $0xffff;
	_ =	sdelay $0x1  }
0x24d: {  	v52 =	vld.idx.msk [tilespmem:v7+s19+$0x0], $0xffff  }
0x24e: {  	v22 =	vadd.f32 $0.0e+00, v22  }
0x24f: {  	v53 =	vld.idx.msk [tilespmem:v8+s19+$0x0], $0xffff  }
0x250: {  	v22 =	vadd.f32 v23, v22  }
0x251: {  	v23 =	vld.idx.msk [tilespmem:v9+s19+$0x0], $0xffff  }
0x252: {  	v22 =	vadd.f32 v52, v22  }
0x253: {  	v54 =	vld.idx.msk [tilespmem:v10+s19+$0x0], $0xffff  }
0x254: {  	v22 =	vadd.f32 v53, v22  }
0x255: {  	v55 =	vld.idx.msk [tilespmem:v11+s19+$0x0], $0xffff  }
0x256: {  	v22 =	vadd.f32 v23, v22  }
0x257: {  	v23 =	vld.idx.msk [tilespmem:v12+s19+$0x0], $0xffff  }
0x258: {  	v22 =	vadd.f32 v54, v22  }
0x259: {  	v56 =	vld.idx.msk [tilespmem:v13+s19+$0x0], $0xffff  }
0x25a: {  	v22 =	vadd.f32 v55, v22  }
0x25b: {  	v57 =	vld.idx.msk [tilespmem:v14+s19+$0x0], $0xffff  }
0x25c: {  	v22 =	vadd.f32 v23, v22  }
0x25d: {  	v23 =	vld.idx.msk [tilespmem:v15+s19+$0x0], $0xffff  }
0x25e: {  	v22 =	vadd.f32 v56, v22  }
0x25f: {  	v58 =	vld.idx.msk [tilespmem:v16+s19+$0x0], $0xffff  }
0x260: {  	v22 =	vadd.f32 v57, v22  }
0x261: {  	v59 =	vld.idx.msk [tilespmem:v18+s19+$0x0], $0xffff  }
0x262: {  	v22 =	vadd.f32 v23, v22  }
0x263: {  	v23 =	vld.idx.msk [tilespmem:v19+s19+$0x0], $0xffff  }
0x264: {  	v22 =	vadd.f32 v58, v22  }
0x265: {  	v60 =	vld.idx.msk [tilespmem:v20+s19+$0x0], $0xffff  }
0x266: {  	v22 =	vadd.f32 v59, v22  }
0x267: {  	v61 =	vld.idx.msk [tilespmem:v21+s19+$0x0], $0xffff  }
0x268: {  	v22 =	vadd.f32 v23, v22;
	_ =	sdelay $0x1  }
0x269: {  	s0 =	sor.u32 s25, s0;
	v22 =	vadd.f32 v60, v22  }
0x26a: {  	v23 =	vld [tilespmem:s0+$0x1400]  }
0x26b: {  	s29 =	sadd.s32 s3, s0;
	v22 =	vadd.f32 v61, v22  }
0x26c: {  	v63 =	vor.u32 s29, v1;
	v62 =	vmov s29  }
0x26d: {  	vm2 =	vlt.u32 v62, $0x27100;
	vm1 =	vlt.f32 v22, $5.290000000e+02;
	v22 =	vand.u32 $0x7F, v63  }
0x26e: {  	vm1 =	vmand vm2, vm1;
	v22 =	vor.u32 $0x2800, v22  }
0x26f: {  	s26 =	sadd.s32 $0x1, s26;
	v22 =	vsel vm1, v23, v22  }
0x270: {  	p0 =	sne.s32 s26, $0x4  }
.Ltmp4:
0x271: {  	_ = 	snop;
	(pc) =	sbr.rel @p0 .LBB2_9-.Ltmp4, $3  }
0x272: {  	_ =	sdelay $0x1  }
0x273: {  	[tilespmem:v22+s20+$0x0] =	vst.idx.add.f32.msk $0xffff, v17  }
0x274: {  	s1 =	sadd.s32 $0x1000, s1;
	[tilespmem:s0+$0x2800] =	vst v22  }
0x275: {  	s24 =	sadd.s32 $0x1, s24  }
0x276: {  	p0 =	sne.s32 s24, $0x27  }
.Ltmp5:
0x277: {  	_ = 	snop;
	(pc) =	sbr.rel @p0 .LBB2_4-.Ltmp5, $1  }
0x278: {  	_ =	sdelay $0x3  }
0x279: {  	_ =	swait.ge [sflag:s30], $0x4000  }
0x27a: {  	[sflag:s30] =	ssyncset.done $0x0  }
0x27b: {  	[sflag:s30] =	ssyncadd.s32 $0xFFFFC000  }
0x27c: {  	_ =	swait.ge [sflag:s31], $0x4000  }
0x27d: {  	[sflag:s31] =	ssyncset.done $0x0  }
0x27e: {  	[sflag:s31] =	ssyncadd.s32 $0xFFFFC000  }
0x27f: {  	v22 =	vld [tilespmem:$0x13C0];
	_ =	sdelay $0x4  }
0x280: {  	v23 =	vshll.u32 v22, $0x1  }
0x281: {  	v22 =	vand.u32 $0x7, v22;
	v23 =	vand.u32 $0xFFFFFFF0, v23  }
0x282: {  	v22 =	vor.u32 v22, v23  }
0x283: {  	v23 =	vperm.xlane v22, v2;
	_ =	sdelay $0x1  }
0x284: {  	v22 =	vperm.xlane v22, v5;
	v23 =	vadd.s32 v4, v23;
	_ =	sdelay $0x1  }
0x285: {  	v22 =	vadd.s32 v4, v22;
	_ =	sdelay $0x1  }
0x286: {  	s23 =	simm.s32 $0x0;
	s0 =	simm.s32 $0xBC00  }
0x287: {  	[tilespmem:s0], [sflag:$0x3] =	stream.indirect_vreg.gather [hbm4b:s4+s23], $0x80, v23, vm0, $0xb8;
	[tilespmem:$0x16580] =	vst v63  }
0x288: {  	s12 =	simm.s32 $0xC400  }
0x289: {  	[tilespmem:s12], [sflag:$0x3] =	stream.indirect_vreg.gather [hbm4b:s4+s23], $0x80, v22, vm0, $0xb8;
	[tilespmem:$0x16580] =	vst v63  }
0x28a: {  	v22 =	vld [tilespmem:$0x13D0];
	_ =	sdelay $0x4  }
0x28b: {  	v23 =	vshll.u32 v22, $0x1  }
0x28c: {  	v22 =	vand.u32 $0x7, v22;
	v23 =	vand.u32 $0xFFFFFFF0, v23  }
0x28d: {  	v22 =	vor.u32 v22, v23  }
0x28e: {  	v23 =	vperm.xlane v22, v2;
	_ =	sdelay $0x1  }
0x28f: {  	v22 =	vperm.xlane v22, v5;
	v23 =	vadd.s32 v4, v23;
	_ =	sdelay $0x1  }
0x290: {  	v22 =	vadd.s32 v4, v22;
	_ =	sdelay $0x1  }
0x291: {  	s24 =	simm.s32 $0xCC00  }
0x292: {  	[tilespmem:s24], [sflag:$0x3] =	stream.indirect_vreg.gather [hbm4b:s4+s23], $0x80, v23, vm0, $0xb8;
	[tilespmem:$0x16580] =	vst v63  }
0x293: {  	s25 =	simm.s32 $0xD400  }
0x294: {  	[tilespmem:s25], [sflag:$0x3] =	stream.indirect_vreg.gather [hbm4b:s4+s23], $0x80, v22, vm0, $0xb8;
	[tilespmem:$0x16580] =	vst v63  }
0x295: {  	v22 =	vld [tilespmem:$0x13E0];
	_ =	sdelay $0x4  }
0x296: {  	v23 =	vshll.u32 v22, $0x1  }
0x297: {  	v22 =	vand.u32 $0x7, v22;
	v23 =	vand.u32 $0xFFFFFFF0, v23  }
0x298: {  	v22 =	vor.u32 v22, v23  }
0x299: {  	v23 =	vperm.xlane v22, v2;
	_ =	sdelay $0x1  }
0x29a: {  	v22 =	vperm.xlane v22, v5;
	v23 =	vadd.s32 v4, v23;
	_ =	sdelay $0x1  }
0x29b: {  	v22 =	vadd.s32 v4, v22;
	_ =	sdelay $0x1  }
0x29c: {  	s26 =	simm.s32 $0xDC00  }
0x29d: {  	[tilespmem:s26], [sflag:$0x3] =	stream.indirect_vreg.gather [hbm4b:s4+s23], $0x80, v23, vm0, $0xb8;
	[tilespmem:$0x16580] =	vst v63  }
0x29e: {  	s28 =	simm.s32 $0xE400  }
0x29f: {  	[tilespmem:s28], [sflag:$0x3] =	stream.indirect_vreg.gather [hbm4b:s4+s23], $0x80, v22, vm0, $0xb8;
	[tilespmem:$0x16580] =	vst v63  }
0x2a0: {  	v22 =	vld [tilespmem:$0x13F0];
	_ =	sdelay $0x4  }
0x2a1: {  	v23 =	vshll.u32 v22, $0x1  }
0x2a2: {  	v22 =	vand.u32 $0x7, v22;
	v23 =	vand.u32 $0xFFFFFFF0, v23  }
0x2a3: {  	v22 =	vor.u32 v22, v23  }
0x2a4: {  	v23 =	vperm.xlane v22, v2;
	_ =	sdelay $0x1  }
0x2a5: {  	v22 =	vperm.xlane v22, v5;
	v23 =	vadd.s32 v4, v23;
	_ =	sdelay $0x1  }
0x2a6: {  	v22 =	vadd.s32 v4, v22;
	_ =	sdelay $0x1  }
0x2a7: {  	s29 =	simm.s32 $0xEC00  }
0x2a8: {  	[tilespmem:s29], [sflag:$0x3] =	stream.indirect_vreg.gather [hbm4b:s4+s23], $0x80, v23, vm0, $0xb8;
	[tilespmem:$0x16580] =	vst v63  }
0x2a9: {  	_ = 	snop  }
0x2aa: {  	[tilespmem:s9], [sflag:$0x3] =	stream.indirect_vreg.gather [hbm4b:s4+s23], $0x80, v22, vm0, $0xb8;
	[tilespmem:$0x16580] =	vst v63  }
0x2ab: {  	v22 =	vld [tilespmem:$0x27C0];
	_ =	sdelay $0x4  }
0x2ac: {  	v23 =	vshll.u32 v22, $0x1  }
0x2ad: {  	v22 =	vand.u32 $0x7, v22;
	v23 =	vand.u32 $0xFFFFFFF0, v23  }
0x2ae: {  	v22 =	vor.u32 v22, v23  }
0x2af: {  	v23 =	vperm.xlane v22, v2;
	_ =	sdelay $0x1  }
0x2b0: {  	v22 =	vperm.xlane v22, v5;
	v23 =	vadd.s32 v4, v23;
	_ =	sdelay $0x1  }
0x2b1: {  	v22 =	vadd.s32 v4, v22;
	_ =	sdelay $0x2  }
0x2b2: {  	[tilespmem:s10], [sflag:$0x4] =	stream.indirect_vreg.gather [hbm4b:s4+s23], $0x80, v23, vm0, $0xb8;
	[tilespmem:$0x16580] =	vst v63  }
0x2b3: {  	_ = 	snop  }
0x2b4: {  	[tilespmem:s11], [sflag:$0x4] =	stream.indirect_vreg.gather [hbm4b:s4+s23], $0x80, v22, vm0, $0xb8;
	[tilespmem:$0x16580] =	vst v63  }
0x2b5: {  	v22 =	vld [tilespmem:$0x27D0];
	_ =	sdelay $0x4  }
0x2b6: {  	v23 =	vshll.u32 v22, $0x1  }
0x2b7: {  	v22 =	vand.u32 $0x7, v22;
	v23 =	vand.u32 $0xFFFFFFF0, v23  }
0x2b8: {  	v22 =	vor.u32 v22, v23  }
0x2b9: {  	v23 =	vperm.xlane v22, v2;
	_ =	sdelay $0x1  }
0x2ba: {  	v22 =	vperm.xlane v22, v5;
	v23 =	vadd.s32 v4, v23;
	_ =	sdelay $0x1  }
0x2bb: {  	v22 =	vadd.s32 v4, v22;
	_ =	sdelay $0x2  }
0x2bc: {  	[tilespmem:s13], [sflag:$0x4] =	stream.indirect_vreg.gather [hbm4b:s4+s23], $0x80, v23, vm0, $0xb8;
	[tilespmem:$0x16580] =	vst v63  }
0x2bd: {  	_ = 	snop  }
0x2be: {  	[tilespmem:s14], [sflag:$0x4] =	stream.indirect_vreg.gather [hbm4b:s4+s23], $0x80, v22, vm0, $0xb8;
	[tilespmem:$0x16580] =	vst v63  }
0x2bf: {  	v22 =	vld [tilespmem:$0x27E0];
	_ =	sdelay $0x4  }
0x2c0: {  	v23 =	vshll.u32 v22, $0x1  }
0x2c1: {  	v22 =	vand.u32 $0x7, v22;
	v23 =	vand.u32 $0xFFFFFFF0, v23  }
0x2c2: {  	v22 =	vor.u32 v22, v23  }
0x2c3: {  	v23 =	vperm.xlane v22, v2;
	_ =	sdelay $0x1  }
0x2c4: {  	v22 =	vperm.xlane v22, v5;
	v23 =	vadd.s32 v4, v23;
	_ =	sdelay $0x1  }
0x2c5: {  	v22 =	vadd.s32 v4, v22;
	_ =	sdelay $0x2  }
0x2c6: {  	[tilespmem:s15], [sflag:$0x4] =	stream.indirect_vreg.gather [hbm4b:s4+s23], $0x80, v23, vm0, $0xb8;
	[tilespmem:$0x16580] =	vst v63  }
0x2c7: {  	_ = 	snop  }
0x2c8: {  	[tilespmem:s16], [sflag:$0x4] =	stream.indirect_vreg.gather [hbm4b:s4+s23], $0x80, v22, vm0, $0xb8;
	[tilespmem:$0x16580] =	vst v63  }
0x2c9: {  	v22 =	vld [tilespmem:$0x27F0];
	_ =	sdelay $0x4  }
0x2ca: {  	v23 =	vshll.u32 v22, $0x1  }
0x2cb: {  	v22 =	vand.u32 $0x7, v22;
	v23 =	vand.u32 $0xFFFFFFF0, v23  }
0x2cc: {  	v22 =	vor.u32 v22, v23  }
0x2cd: {  	v23 =	vperm.xlane v22, v2;
	_ =	sdelay $0x1  }
0x2ce: {  	v22 =	vperm.xlane v22, v5;
	v23 =	vadd.s32 v4, v23;
	_ =	sdelay $0x1  }
0x2cf: {  	v22 =	vadd.s32 v4, v22;
	_ =	sdelay $0x2  }
0x2d0: {  	[tilespmem:s17], [sflag:$0x4] =	stream.indirect_vreg.gather [hbm4b:s4+s23], $0x80, v23, vm0, $0xb8;
	[tilespmem:$0x16580] =	vst v63  }
0x2d1: {  	s1 =	simm.s32 $0x0;
	s24 =	simm.s32 $0x0  }
0x2d2: {  	[tilespmem:s18], [sflag:$0x4] =	stream.indirect_vreg.gather [hbm4b:s4+s23], $0x80, v22, vm0, $0xb8;
	[tilespmem:$0x16580] =	vst v63  }
.LBB2_14:
0x2d3: {  	s0 =	sand.u32 $0x3800, s1;
	s2 =	sand.u32 $0x380, s23  }
0x2d4: {  	s0 =	sor.u32 s2, s0  }
0x2d5: {  	v22 =	vld [tilespmem:s0+$0x7C00]  }
0x2d6: {  	v23 =	vld [tilespmem:s0+$0x3C00]  }
0x2d7: {  	v24 =	vld [tilespmem:s0+$0x3C10]  }
0x2d8: {  	v25 =	vld [tilespmem:s0+$0x7C10]  }
0x2d9: {  	v26 =	vld [tilespmem:s0+$0x3C20]  }
0x2da: {  	v27 =	vld [tilespmem:s0+$0x7C20]  }
0x2db: {  	v28 =	vld [tilespmem:s0+$0x3C30]  }
0x2dc: {  	v29 =	vld [tilespmem:s0+$0x7C30]  }
0x2dd: {  	v61 =	vld [tilespmem:s0+$0x3C40];
	v22 =	vsub.f32 v23, v22;
	v23 =	vsub.f32 v24, v25  }
0x2de: {  	v62 =	vld [tilespmem:s0+$0x7C40]  }
0x2df: {  	v63 =	vld [tilespmem:s0+$0x3C50];
	v26 =	vsub.f32 v26, v27;
	v22 =	vmul.f32 v22, v22;
	v23 =	vmul.f32 v23, v23  }
0x2e0: {  	v30 =	vld [tilespmem:s0+$0x7C50]  }
0x2e1: {  	v33 =	vld [tilespmem:s0+$0x3C60];
	v32 =	vsub.f32 v28, v29;
	v22 =	vadd.f32 v23, v22;
	v23 =	vmul.f32 v26, v26  }
0x2e2: {  	v34 =	vld [tilespmem:s0+$0x7C60]  }
0x2e3: {  	v35 =	vld [tilespmem:s0+$0x3C70];
	v24 =	vsub.f32 v61, v62;
	v22 =	vadd.f32 v23, v22;
	v23 =	vmul.f32 v32, v32  }
0x2e4: {  	v36 =	vld [tilespmem:s0+$0x7C70]  }
0x2e5: {  	v38 =	vld [tilespmem:s0+$0x4000];
	v37 =	vsub.f32 v63, v30;
	v22 =	vadd.f32 v23, v22;
	v23 =	vmul.f32 v24, v24  }
0x2e6: {  	v39 =	vld [tilespmem:s0+$0x8000]  }
0x2e7: {  	v41 =	vld [tilespmem:s0+$0x4010];
	v40 =	vsub.f32 v33, v34;
	v22 =	vadd.f32 v23, v22;
	v23 =	vmul.f32 v37, v37  }
0x2e8: {  	v42 =	vld [tilespmem:s0+$0x8010]  }
0x2e9: {  	v44 =	vld [tilespmem:s0+$0x4020];
	v43 =	vsub.f32 v35, v36;
	v22 =	vadd.f32 v23, v22;
	v23 =	vmul.f32 v40, v40  }
0x2ea: {  	v45 =	vld [tilespmem:s0+$0x8020]  }
0x2eb: {  	v47 =	vld [tilespmem:s0+$0x4030];
	v46 =	vsub.f32 v38, v39;
	v22 =	vadd.f32 v23, v22;
	v23 =	vmul.f32 v43, v43  }
0x2ec: {  	v48 =	vld [tilespmem:s0+$0x8030]  }
0x2ed: {  	v50 =	vld [tilespmem:s0+$0x4040];
	v49 =	vsub.f32 v41, v42;
	v22 =	vadd.f32 v23, v22;
	v23 =	vmul.f32 v46, v46  }
0x2ee: {  	v51 =	vld [tilespmem:s0+$0x8040]  }
0x2ef: {  	v53 =	vld [tilespmem:s0+$0x4050];
	v52 =	vsub.f32 v44, v45;
	v22 =	vadd.f32 v23, v22;
	v23 =	vmul.f32 v49, v49  }
0x2f0: {  	v54 =	vld [tilespmem:s0+$0x8050]  }
0x2f1: {  	v56 =	vld [tilespmem:s0+$0x4060];
	v55 =	vsub.f32 v47, v48;
	v22 =	vadd.f32 v23, v22;
	v23 =	vmul.f32 v52, v52  }
0x2f2: {  	v57 =	vld [tilespmem:s0+$0x8060]  }
0x2f3: {  	v59 =	vld [tilespmem:s0+$0x4070];
	v58 =	vsub.f32 v50, v51;
	v22 =	vadd.f32 v23, v22;
	v23 =	vmul.f32 v55, v55  }
0x2f4: {  	v60 =	vld [tilespmem:s0+$0x8070]  }
0x2f5: {  	v61 =	vsub.f32 v53, v54;
	v22 =	vadd.f32 v23, v22;
	v23 =	vmul.f32 v58, v58;
	_ =	sdelay $0x1  }
0x2f6: {  	v62 =	vsub.f32 v56, v57;
	v22 =	vadd.f32 v23, v22;
	v23 =	vmul.f32 v61, v61;
	_ =	sdelay $0x1  }
0x2f7: {  	v63 =	vsub.f32 v59, v60;
	v22 =	vadd.f32 v23, v22;
	v23 =	vmul.f32 v62, v62;
	_ =	sdelay $0x1  }
0x2f8: {  	v22 =	vadd.f32 v23, v22;
	v23 =	vmul.f32 v63, v63;
	_ =	sdelay $0x1  }
0x2f9: {  	s28 =	simm.s32 $0x80;
	s5 =	sadd.s32 $0x100, s1;
	v22 =	vadd.f32 v23, v22  }
0x2fa: {  	s12 =	simm.s32 $0x16480;
	s29 =	sand.u32 $0x3800, s5;
	s0 =	sand.u32 $0x380, s28  }
0x2fb: {  	s2 =	sor.u32 s0, s29;
	[tilespmem:s12+$0x0] =	vst v22  }
0x2fc: {  	v22 =	vld [tilespmem:s2+$0x7C00]  }
0x2fd: {  	s6 =	simm.s32 $0x100;
	s0 =	sshll.u32 s24, $0x4;
	v23 =	vld [tilespmem:s2+$0x3C00]  }
.LBB2_15:
0x2fe: {  	p0 =	sne.s32 s6, $0x780;
	v24 =	vld [tilespmem:s2+$0x3C10]  }
0x2ff: {  	v25 =	vld [tilespmem:s2+$0x7C10]  }
0x300: {  	v26 =	vld [tilespmem:s2+$0x3C20]  }
0x301: {  	v27 =	vld [tilespmem:s2+$0x7C20]  }
0x302: {  	v28 =	vld [tilespmem:s2+$0x3C30]  }
0x303: {  	v29 =	vld [tilespmem:s2+$0x7C30]  }
0x304: {  	v22 =	vsub.f32 v23, v22;
	v23 =	vsub.f32 v24, v25;
	v24 =	vld [tilespmem:s2+$0x3C40]  }
0x305: {  	v25 =	vld [tilespmem:s2+$0x7C40]  }
0x306: {  	v22 =	vmul.f32 v22, v22;
	v23 =	vmul.f32 v23, v23;
	v26 =	vsub.f32 v26, v27;
	v27 =	vld [tilespmem:s2+$0x3C50]  }
0x307: {  	v30 =	vld [tilespmem:s2+$0x7C50]  }
0x308: {  	v22 =	vadd.f32 v23, v22;
	v23 =	vmul.f32 v26, v26;
	v26 =	vsub.f32 v28, v29;
	v28 =	vld [tilespmem:s2+$0x3C60]  }
0x309: {  	v29 =	vld [tilespmem:s2+$0x7C60]  }
0x30a: {  	v22 =	vadd.f32 v23, v22;
	v23 =	vmul.f32 v26, v26;
	v24 =	vsub.f32 v24, v25;
	v25 =	vld [tilespmem:s2+$0x3C70]  }
0x30b: {  	v26 =	vld [tilespmem:s2+$0x7C70]  }
0x30c: {  	v22 =	vadd.f32 v23, v22;
	v23 =	vmul.f32 v24, v24;
	v24 =	vsub.f32 v27, v30;
	v27 =	vld [tilespmem:s2+$0x4000]  }
0x30d: {  	v30 =	vld [tilespmem:s2+$0x8000]  }
0x30e: {  	v22 =	vadd.f32 v23, v22;
	v23 =	vmul.f32 v24, v24;
	v24 =	vsub.f32 v28, v29;
	v28 =	vld [tilespmem:s2+$0x4010]  }
0x30f: {  	v29 =	vld [tilespmem:s2+$0x8010]  }
0x310: {  	v22 =	vadd.f32 v23, v22;
	v23 =	vmul.f32 v24, v24;
	v24 =	vsub.f32 v25, v26;
	v25 =	vld [tilespmem:s2+$0x4020]  }
0x311: {  	v26 =	vld [tilespmem:s2+$0x8020]  }
0x312: {  	v22 =	vadd.f32 v23, v22;
	v23 =	vmul.f32 v24, v24;
	v24 =	vsub.f32 v27, v30;
	v27 =	vld [tilespmem:s2+$0x4030]  }
0x313: {  	v30 =	vld [tilespmem:s2+$0x8030]  }
0x314: {  	v22 =	vadd.f32 v23, v22;
	v23 =	vmul.f32 v24, v24;
	v24 =	vsub.f32 v28, v29;
	v28 =	vld [tilespmem:s2+$0x4040]  }
0x315: {  	v29 =	vld [tilespmem:s2+$0x8040]  }
0x316: {  	v22 =	vadd.f32 v23, v22;
	v23 =	vmul.f32 v24, v24;
	v24 =	vsub.f32 v25, v26;
	v25 =	vld [tilespmem:s2+$0x4050]  }
0x317: {  	v26 =	vld [tilespmem:s2+$0x8050]  }
0x318: {  	v22 =	vadd.f32 v23, v22;
	v23 =	vmul.f32 v24, v24;
	v24 =	vsub.f32 v27, v30;
	v27 =	vld [tilespmem:s2+$0x4060]  }
0x319: {  	v30 =	vld [tilespmem:s2+$0x8060]  }
0x31a: {  	v22 =	vadd.f32 v23, v22;
	v23 =	vmul.f32 v24, v24;
	v24 =	vsub.f32 v28, v29;
	v28 =	vld [tilespmem:s2+$0x4070]  }
0x31b: {  	v29 =	vld [tilespmem:s2+$0x8070]  }
0x31c: {  	v22 =	vadd.f32 v23, v22;
	v23 =	vmul.f32 v24, v24;
	v24 =	vsub.f32 v25, v26;
	_ =	sdelay $0x1  }
0x31d: {  	v22 =	vadd.f32 v23, v22;
	v23 =	vmul.f32 v24, v24;
	v24 =	vsub.f32 v27, v30;
	_ =	sdelay $0x1  }
0x31e: {  	v22 =	vadd.f32 v23, v22;
	v23 =	vmul.f32 v24, v24;
	v24 =	vsub.f32 v28, v29;
	_ =	sdelay $0x1  }
0x31f: {  	v22 =	vadd.f32 v23, v22;
	v23 =	vmul.f32 v24, v24;
	_ =	sdelay $0x1  }
.Ltmp6:
0x320: {  	s5 =	sadd.s32 $0x100, s5;
	v22 =	vadd.f32 v23, v22;
	(pc) =	sbr.rel @p0 .LBB2_15-.Ltmp6, $4  }
0x321: {  	s8 =	sand.u32 $0x380, s6;
	s12 =	sadd.s32 $0x10, s12;
	s2 =	sand.u32 $0x3800, s5  }
0x322: {  	s2 =	sor.u32 s8, s2;
	[tilespmem:s12+$0x0] =	vst v22  }
0x323: {  	v22 =	vld [tilespmem:s2+$0x7C00]  }
0x324: {  	s6 =	sadd.s32 $0x80, s6;
	v23 =	vld [tilespmem:s2+$0x3C00]  }
0x325: {  	v24 =	vld [tilespmem:s2+$0x3C10]  }
0x326: {  	v25 =	vld [tilespmem:s2+$0x7C10]  }
0x327: {  	v26 =	vld [tilespmem:s2+$0x3C20]  }
0x328: {  	v27 =	vld [tilespmem:s2+$0x7C20]  }
0x329: {  	v28 =	vld [tilespmem:s2+$0x3C30]  }
0x32a: {  	v29 =	vld [tilespmem:s2+$0x7C30]  }
0x32b: {  	v48 =	vld [tilespmem:s2+$0x3C40];
	v22 =	vsub.f32 v23, v22;
	v23 =	vsub.f32 v24, v25  }
0x32c: {  	v49 =	vld [tilespmem:s2+$0x7C40]  }
0x32d: {  	v50 =	vld [tilespmem:s2+$0x3C50];
	v26 =	vsub.f32 v26, v27;
	v22 =	vmul.f32 v22, v22;
	v23 =	vmul.f32 v23, v23  }
0x32e: {  	v30 =	vld [tilespmem:s2+$0x7C50]  }
0x32f: {  	v52 =	vld [tilespmem:s2+$0x3C60];
	v51 =	vsub.f32 v28, v29;
	v22 =	vadd.f32 v23, v22;
	v23 =	vmul.f32 v26, v26  }
0x330: {  	v53 =	vld [tilespmem:s2+$0x7C60]  }
0x331: {  	v54 =	vld [tilespmem:s2+$0x3C70];
	v24 =	vsub.f32 v48, v49;
	v22 =	vadd.f32 v23, v22;
	v23 =	vmul.f32 v51, v51  }
0x332: {  	v55 =	vld [tilespmem:s2+$0x7C70]  }
0x333: {  	v57 =	vld [tilespmem:s2+$0x4000];
	v56 =	vsub.f32 v50, v30;
	v22 =	vadd.f32 v23, v22;
	v23 =	vmul.f32 v24, v24  }
0x334: {  	v58 =	vld [tilespmem:s2+$0x8000]  }
0x335: {  	v60 =	vld [tilespmem:s2+$0x4010];
	v59 =	vsub.f32 v52, v53;
	v22 =	vadd.f32 v23, v22;
	v23 =	vmul.f32 v56, v56  }
0x336: {  	v61 =	vld [tilespmem:s2+$0x8010]  }
0x337: {  	v63 =	vld [tilespmem:s2+$0x4020];
	v62 =	vsub.f32 v54, v55;
	v22 =	vadd.f32 v23, v22;
	v23 =	vmul.f32 v59, v59  }
0x338: {  	v33 =	vld [tilespmem:s2+$0x8020]  }
0x339: {  	v35 =	vld [tilespmem:s2+$0x4030];
	v34 =	vsub.f32 v57, v58;
	v22 =	vadd.f32 v23, v22;
	v23 =	vmul.f32 v62, v62  }
0x33a: {  	v36 =	vld [tilespmem:s2+$0x8030]  }
0x33b: {  	v38 =	vld [tilespmem:s2+$0x4040];
	v37 =	vsub.f32 v60, v61;
	v22 =	vadd.f32 v23, v22;
	v23 =	vmul.f32 v34, v34  }
0x33c: {  	v39 =	vld [tilespmem:s2+$0x8040]  }
0x33d: {  	v41 =	vld [tilespmem:s2+$0x4050];
	v40 =	vsub.f32 v63, v33;
	v22 =	vadd.f32 v23, v22;
	v23 =	vmul.f32 v37, v37  }
0x33e: {  	v42 =	vld [tilespmem:s2+$0x8050]  }
0x33f: {  	v44 =	vld [tilespmem:s2+$0x4060];
	v43 =	vsub.f32 v35, v36;
	v22 =	vadd.f32 v23, v22;
	v23 =	vmul.f32 v40, v40  }
0x340: {  	v45 =	vld [tilespmem:s2+$0x8060]  }
0x341: {  	v47 =	vld [tilespmem:s2+$0x4070];
	v46 =	vsub.f32 v38, v39;
	v22 =	vadd.f32 v23, v22;
	v23 =	vmul.f32 v43, v43  }
0x342: {  	v48 =	vld [tilespmem:s2+$0x8070]  }
0x343: {  	v49 =	vsub.f32 v41, v42;
	v22 =	vadd.f32 v23, v22;
	v23 =	vmul.f32 v46, v46;
	_ =	sdelay $0x1  }
0x344: {  	v50 =	vsub.f32 v44, v45;
	v22 =	vadd.f32 v23, v22;
	v23 =	vmul.f32 v49, v49;
	_ =	sdelay $0x1  }
0x345: {  	v51 =	vsub.f32 v47, v48;
	v22 =	vadd.f32 v23, v22;
	v23 =	vmul.f32 v50, v50;
	_ =	sdelay $0x1  }
0x346: {  	v22 =	vadd.f32 v23, v22;
	v23 =	vmul.f32 v51, v51;
	_ =	sdelay $0x1  }
0x347: {  	v22 =	vadd.f32 v23, v22  }
0x348: {  	s28 =	sadd.s32 $0x10, s12  }
0x349: {  	[tilespmem:s28+$0x0] =	vst v22  }
0x34a: {  	v22 =	vld.idx.msk [tilespmem:v3+s19+$0x0], $0xffff;
	_ =	sdelay $0x1  }
0x34b: {  	v23 =	vld.idx.msk [tilespmem:v6+s19+$0x0], $0xffff;
	_ =	sdelay $0x1  }
0x34c: {  	v52 =	vld.idx.msk [tilespmem:v7+s19+$0x0], $0xffff  }
0x34d: {  	v22 =	vadd.f32 $0.0e+00, v22  }
0x34e: {  	v53 =	vld.idx.msk [tilespmem:v8+s19+$0x0], $0xffff  }
0x34f: {  	v22 =	vadd.f32 v23, v22  }
0x350: {  	v23 =	vld.idx.msk [tilespmem:v9+s19+$0x0], $0xffff  }
0x351: {  	v22 =	vadd.f32 v52, v22  }
0x352: {  	v54 =	vld.idx.msk [tilespmem:v10+s19+$0x0], $0xffff  }
0x353: {  	v22 =	vadd.f32 v53, v22  }
0x354: {  	v55 =	vld.idx.msk [tilespmem:v11+s19+$0x0], $0xffff  }
0x355: {  	v22 =	vadd.f32 v23, v22  }
0x356: {  	v23 =	vld.idx.msk [tilespmem:v12+s19+$0x0], $0xffff  }
0x357: {  	v22 =	vadd.f32 v54, v22  }
0x358: {  	v56 =	vld.idx.msk [tilespmem:v13+s19+$0x0], $0xffff  }
0x359: {  	v22 =	vadd.f32 v55, v22  }
0x35a: {  	v57 =	vld.idx.msk [tilespmem:v14+s19+$0x0], $0xffff  }
0x35b: {  	v22 =	vadd.f32 v23, v22  }
0x35c: {  	v23 =	vld.idx.msk [tilespmem:v15+s19+$0x0], $0xffff  }
0x35d: {  	v22 =	vadd.f32 v56, v22  }
0x35e: {  	v58 =	vld.idx.msk [tilespmem:v16+s19+$0x0], $0xffff  }
0x35f: {  	v22 =	vadd.f32 v57, v22  }
0x360: {  	v59 =	vld.idx.msk [tilespmem:v18+s19+$0x0], $0xffff  }
0x361: {  	v22 =	vadd.f32 v23, v22  }
0x362: {  	v23 =	vld.idx.msk [tilespmem:v19+s19+$0x0], $0xffff  }
0x363: {  	v22 =	vadd.f32 v58, v22  }
0x364: {  	v60 =	vld.idx.msk [tilespmem:v20+s19+$0x0], $0xffff  }
0x365: {  	v22 =	vadd.f32 v59, v22  }
0x366: {  	v61 =	vld.idx.msk [tilespmem:v21+s19+$0x0], $0xffff  }
0x367: {  	v22 =	vadd.f32 v23, v22;
	_ =	sdelay $0x1  }
0x368: {  	v22 =	vadd.f32 v60, v22  }
0x369: {  	v23 =	vld [tilespmem:s0+$0x2780]  }
0x36a: {  	s29 =	sadd.s32 s0, s7;
	v22 =	vadd.f32 v61, v22  }
0x36b: {  	v63 =	vor.u32 s29, v1;
	v62 =	vmov s29  }
0x36c: {  	vm2 =	vlt.u32 v62, $0x27100;
	vm1 =	vlt.f32 v22, $5.290000000e+02;
	v22 =	vand.u32 $0x7F, v63  }
0x36d: {  	vm1 =	vmand vm2, vm1;
	v22 =	vor.u32 $0x2800, v22  }
0x36e: {  	s24 =	sadd.s32 $0x1, s24;
	v22 =	vsel vm1, v23, v22  }
0x36f: {  	p0 =	sne.s32 s24, $0x4  }
.Ltmp7:
0x370: {  	_ = 	snop;
	(pc) =	sbr.rel @p0 .LBB2_14-.Ltmp7, $3  }
0x371: {  	_ =	sdelay $0x1  }
0x372: {  	[tilespmem:v22+s20+$0x0] =	vst.idx.add.f32.msk $0xffff, v17  }
0x373: {  	s1 =	sadd.s32 $0x1000, s1;
	[tilespmem:s0+$0x3B80] =	vst v22  }
0x374: {  	_ =	swait.ge [sflag:s21], $0x4000  }
0x375: {  	[sflag:s21] =	ssyncset.done $0x0  }
0x376: {  	[sflag:s21] =	ssyncadd.s32 $0xFFFFC000  }
0x377: {  	_ =	swait.ge [sflag:s22], $0x4000  }
0x378: {  	s1 =	simm.s32 $0x0;
	[sflag:s22] =	ssyncset.done $0x0  }
0x379: {  	s23 =	simm.s32 $0x0;
	s24 =	simm.s32 $0x0;
	[sflag:s22] =	ssyncadd.s32 $0xFFFFC000  }
.LBB2_18:
0x37a: {  	s0 =	sand.u32 $0x3800, s23;
	s2 =	sand.u32 $0x380, s1  }
0x37b: {  	s0 =	sor.u32 s2, s0  }
0x37c: {  	v22 =	vld [tilespmem:s0+$0xFC00]  }
0x37d: {  	v23 =	vld [tilespmem:s0+$0xBC00]  }
0x37e: {  	v24 =	vld [tilespmem:s0+$0xBC10]  }
0x37f: {  	v25 =	vld [tilespmem:s0+$0xFC10]  }
0x380: {  	v26 =	vld [tilespmem:s0+$0xBC20]  }
0x381: {  	v27 =	vld [tilespmem:s0+$0xFC20]  }
0x382: {  	v28 =	vld [tilespmem:s0+$0xBC30]  }
0x383: {  	v29 =	vld [tilespmem:s0+$0xFC30]  }
0x384: {  	v61 =	vld [tilespmem:s0+$0xBC40];
	v22 =	vsub.f32 v23, v22;
	v23 =	vsub.f32 v24, v25  }
0x385: {  	v62 =	vld [tilespmem:s0+$0xFC40]  }
0x386: {  	v63 =	vld [tilespmem:s0+$0xBC50];
	v26 =	vsub.f32 v26, v27;
	v22 =	vmul.f32 v22, v22;
	v23 =	vmul.f32 v23, v23  }
0x387: {  	v30 =	vld [tilespmem:s0+$0xFC50]  }
0x388: {  	v33 =	vld [tilespmem:s0+$0xBC60];
	v32 =	vsub.f32 v28, v29;
	v22 =	vadd.f32 v23, v22;
	v23 =	vmul.f32 v26, v26  }
0x389: {  	v34 =	vld [tilespmem:s0+$0xFC60]  }
0x38a: {  	v35 =	vld [tilespmem:s0+$0xBC70];
	v24 =	vsub.f32 v61, v62;
	v22 =	vadd.f32 v23, v22;
	v23 =	vmul.f32 v32, v32  }
0x38b: {  	v36 =	vld [tilespmem:s0+$0xFC70]  }
0x38c: {  	v38 =	vld [tilespmem:s0+$0xC000];
	v37 =	vsub.f32 v63, v30;
	v22 =	vadd.f32 v23, v22;
	v23 =	vmul.f32 v24, v24  }
0x38d: {  	v39 =	vld [tilespmem:s0+$0x10000]  }
0x38e: {  	v41 =	vld [tilespmem:s0+$0xC010];
	v40 =	vsub.f32 v33, v34;
	v22 =	vadd.f32 v23, v22;
	v23 =	vmul.f32 v37, v37  }
0x38f: {  	v42 =	vld [tilespmem:s0+$0x10010]  }
0x390: {  	v44 =	vld [tilespmem:s0+$0xC020];
	v43 =	vsub.f32 v35, v36;
	v22 =	vadd.f32 v23, v22;
	v23 =	vmul.f32 v40, v40  }
0x391: {  	v45 =	vld [tilespmem:s0+$0x10020]  }
0x392: {  	v47 =	vld [tilespmem:s0+$0xC030];
	v46 =	vsub.f32 v38, v39;
	v22 =	vadd.f32 v23, v22;
	v23 =	vmul.f32 v43, v43  }
0x393: {  	v48 =	vld [tilespmem:s0+$0x10030]  }
0x394: {  	v50 =	vld [tilespmem:s0+$0xC040];
	v49 =	vsub.f32 v41, v42;
	v22 =	vadd.f32 v23, v22;
	v23 =	vmul.f32 v46, v46  }
0x395: {  	v51 =	vld [tilespmem:s0+$0x10040]  }
0x396: {  	v53 =	vld [tilespmem:s0+$0xC050];
	v52 =	vsub.f32 v44, v45;
	v22 =	vadd.f32 v23, v22;
	v23 =	vmul.f32 v49, v49  }
0x397: {  	v54 =	vld [tilespmem:s0+$0x10050]  }
0x398: {  	v56 =	vld [tilespmem:s0+$0xC060];
	v55 =	vsub.f32 v47, v48;
	v22 =	vadd.f32 v23, v22;
	v23 =	vmul.f32 v52, v52  }
0x399: {  	v57 =	vld [tilespmem:s0+$0x10060]  }
0x39a: {  	v59 =	vld [tilespmem:s0+$0xC070];
	v58 =	vsub.f32 v50, v51;
	v22 =	vadd.f32 v23, v22;
	v23 =	vmul.f32 v55, v55  }
0x39b: {  	v60 =	vld [tilespmem:s0+$0x10070]  }
0x39c: {  	v61 =	vsub.f32 v53, v54;
	v22 =	vadd.f32 v23, v22;
	v23 =	vmul.f32 v58, v58;
	_ =	sdelay $0x1  }
0x39d: {  	v62 =	vsub.f32 v56, v57;
	v22 =	vadd.f32 v23, v22;
	v23 =	vmul.f32 v61, v61;
	_ =	sdelay $0x1  }
0x39e: {  	v63 =	vsub.f32 v59, v60;
	v22 =	vadd.f32 v23, v22;
	v23 =	vmul.f32 v62, v62;
	_ =	sdelay $0x1  }
0x39f: {  	v22 =	vadd.f32 v23, v22;
	v23 =	vmul.f32 v63, v63;
	_ =	sdelay $0x1  }
0x3a0: {  	s28 =	simm.s32 $0x80;
	s5 =	sadd.s32 $0x100, s23;
	v22 =	vadd.f32 v23, v22  }
0x3a1: {  	s12 =	simm.s32 $0x16480;
	s29 =	sand.u32 $0x3800, s5;
	s0 =	sand.u32 $0x380, s28  }
0x3a2: {  	s2 =	sor.u32 s0, s29;
	[tilespmem:s12+$0x0] =	vst v22  }
0x3a3: {  	v22 =	vld [tilespmem:s2+$0xFC00]  }
0x3a4: {  	s6 =	simm.s32 $0x100;
	s0 =	sshll.u32 s24, $0x4;
	v23 =	vld [tilespmem:s2+$0xBC00]  }
.LBB2_19:
0x3a5: {  	p0 =	sne.s32 s6, $0x780;
	v24 =	vld [tilespmem:s2+$0xBC10]  }
0x3a6: {  	v25 =	vld [tilespmem:s2+$0xFC10]  }
0x3a7: {  	v26 =	vld [tilespmem:s2+$0xBC20]  }
0x3a8: {  	v27 =	vld [tilespmem:s2+$0xFC20]  }
0x3a9: {  	v28 =	vld [tilespmem:s2+$0xBC30]  }
0x3aa: {  	v29 =	vld [tilespmem:s2+$0xFC30]  }
0x3ab: {  	v22 =	vsub.f32 v23, v22;
	v23 =	vsub.f32 v24, v25;
	v24 =	vld [tilespmem:s2+$0xBC40]  }
0x3ac: {  	v25 =	vld [tilespmem:s2+$0xFC40]  }
0x3ad: {  	v22 =	vmul.f32 v22, v22;
	v23 =	vmul.f32 v23, v23;
	v26 =	vsub.f32 v26, v27;
	v27 =	vld [tilespmem:s2+$0xBC50]  }
0x3ae: {  	v30 =	vld [tilespmem:s2+$0xFC50]  }
0x3af: {  	v22 =	vadd.f32 v23, v22;
	v23 =	vmul.f32 v26, v26;
	v26 =	vsub.f32 v28, v29;
	v28 =	vld [tilespmem:s2+$0xBC60]  }
0x3b0: {  	v29 =	vld [tilespmem:s2+$0xFC60]  }
0x3b1: {  	v22 =	vadd.f32 v23, v22;
	v23 =	vmul.f32 v26, v26;
	v24 =	vsub.f32 v24, v25;
	v25 =	vld [tilespmem:s2+$0xBC70]  }
0x3b2: {  	v26 =	vld [tilespmem:s2+$0xFC70]  }
0x3b3: {  	v22 =	vadd.f32 v23, v22;
	v23 =	vmul.f32 v24, v24;
	v24 =	vsub.f32 v27, v30;
	v27 =	vld [tilespmem:s2+$0xC000]  }
0x3b4: {  	v30 =	vld [tilespmem:s2+$0x10000]  }
0x3b5: {  	v22 =	vadd.f32 v23, v22;
	v23 =	vmul.f32 v24, v24;
	v24 =	vsub.f32 v28, v29;
	v28 =	vld [tilespmem:s2+$0xC010]  }
0x3b6: {  	v29 =	vld [tilespmem:s2+$0x10010]  }
0x3b7: {  	v22 =	vadd.f32 v23, v22;
	v23 =	vmul.f32 v24, v24;
	v24 =	vsub.f32 v25, v26;
	v25 =	vld [tilespmem:s2+$0xC020]  }
0x3b8: {  	v26 =	vld [tilespmem:s2+$0x10020]  }
0x3b9: {  	v22 =	vadd.f32 v23, v22;
	v23 =	vmul.f32 v24, v24;
	v24 =	vsub.f32 v27, v30;
	v27 =	vld [tilespmem:s2+$0xC030]  }
0x3ba: {  	v30 =	vld [tilespmem:s2+$0x10030]  }
0x3bb: {  	v22 =	vadd.f32 v23, v22;
	v23 =	vmul.f32 v24, v24;
	v24 =	vsub.f32 v28, v29;
	v28 =	vld [tilespmem:s2+$0xC040]  }
0x3bc: {  	v29 =	vld [tilespmem:s2+$0x10040]  }
0x3bd: {  	v22 =	vadd.f32 v23, v22;
	v23 =	vmul.f32 v24, v24;
	v24 =	vsub.f32 v25, v26;
	v25 =	vld [tilespmem:s2+$0xC050]  }
0x3be: {  	v26 =	vld [tilespmem:s2+$0x10050]  }
0x3bf: {  	v22 =	vadd.f32 v23, v22;
	v23 =	vmul.f32 v24, v24;
	v24 =	vsub.f32 v27, v30;
	v27 =	vld [tilespmem:s2+$0xC060]  }
0x3c0: {  	v30 =	vld [tilespmem:s2+$0x10060]  }
0x3c1: {  	v22 =	vadd.f32 v23, v22;
	v23 =	vmul.f32 v24, v24;
	v24 =	vsub.f32 v28, v29;
	v28 =	vld [tilespmem:s2+$0xC070]  }
0x3c2: {  	v29 =	vld [tilespmem:s2+$0x10070]  }
0x3c3: {  	v22 =	vadd.f32 v23, v22;
	v23 =	vmul.f32 v24, v24;
	v24 =	vsub.f32 v25, v26;
	_ =	sdelay $0x1  }
0x3c4: {  	v22 =	vadd.f32 v23, v22;
	v23 =	vmul.f32 v24, v24;
	v24 =	vsub.f32 v27, v30;
	_ =	sdelay $0x1  }
0x3c5: {  	v22 =	vadd.f32 v23, v22;
	v23 =	vmul.f32 v24, v24;
	v24 =	vsub.f32 v28, v29;
	_ =	sdelay $0x1  }
0x3c6: {  	v22 =	vadd.f32 v23, v22;
	v23 =	vmul.f32 v24, v24;
	_ =	sdelay $0x1  }
.Ltmp8:
0x3c7: {  	s5 =	sadd.s32 $0x100, s5;
	v22 =	vadd.f32 v23, v22;
	(pc) =	sbr.rel @p0 .LBB2_19-.Ltmp8, $4  }
0x3c8: {  	s8 =	sand.u32 $0x380, s6;
	s12 =	sadd.s32 $0x10, s12;
	s2 =	sand.u32 $0x3800, s5  }
0x3c9: {  	s2 =	sor.u32 s8, s2;
	[tilespmem:s12+$0x0] =	vst v22  }
0x3ca: {  	v22 =	vld [tilespmem:s2+$0xFC00]  }
0x3cb: {  	s6 =	sadd.s32 $0x80, s6;
	v23 =	vld [tilespmem:s2+$0xBC00]  }
0x3cc: {  	v24 =	vld [tilespmem:s2+$0xBC10]  }
0x3cd: {  	v25 =	vld [tilespmem:s2+$0xFC10]  }
0x3ce: {  	v26 =	vld [tilespmem:s2+$0xBC20]  }
0x3cf: {  	v27 =	vld [tilespmem:s2+$0xFC20]  }
0x3d0: {  	v28 =	vld [tilespmem:s2+$0xBC30]  }
0x3d1: {  	v29 =	vld [tilespmem:s2+$0xFC30]  }
0x3d2: {  	v48 =	vld [tilespmem:s2+$0xBC40];
	v22 =	vsub.f32 v23, v22;
	v23 =	vsub.f32 v24, v25  }
0x3d3: {  	v49 =	vld [tilespmem:s2+$0xFC40]  }
0x3d4: {  	v50 =	vld [tilespmem:s2+$0xBC50];
	v26 =	vsub.f32 v26, v27;
	v22 =	vmul.f32 v22, v22;
	v23 =	vmul.f32 v23, v23  }
0x3d5: {  	v30 =	vld [tilespmem:s2+$0xFC50]  }
0x3d6: {  	v52 =	vld [tilespmem:s2+$0xBC60];
	v51 =	vsub.f32 v28, v29;
	v22 =	vadd.f32 v23, v22;
	v23 =	vmul.f32 v26, v26  }
0x3d7: {  	v53 =	vld [tilespmem:s2+$0xFC60]  }
0x3d8: {  	v54 =	vld [tilespmem:s2+$0xBC70];
	v24 =	vsub.f32 v48, v49;
	v22 =	vadd.f32 v23, v22;
	v23 =	vmul.f32 v51, v51  }
0x3d9: {  	v55 =	vld [tilespmem:s2+$0xFC70]  }
0x3da: {  	v57 =	vld [tilespmem:s2+$0xC000];
	v56 =	vsub.f32 v50, v30;
	v22 =	vadd.f32 v23, v22;
	v23 =	vmul.f32 v24, v24  }
0x3db: {  	v58 =	vld [tilespmem:s2+$0x10000]  }
0x3dc: {  	v60 =	vld [tilespmem:s2+$0xC010];
	v59 =	vsub.f32 v52, v53;
	v22 =	vadd.f32 v23, v22;
	v23 =	vmul.f32 v56, v56  }
0x3dd: {  	v61 =	vld [tilespmem:s2+$0x10010]  }
0x3de: {  	v63 =	vld [tilespmem:s2+$0xC020];
	v62 =	vsub.f32 v54, v55;
	v22 =	vadd.f32 v23, v22;
	v23 =	vmul.f32 v59, v59  }
0x3df: {  	v33 =	vld [tilespmem:s2+$0x10020]  }
0x3e0: {  	v35 =	vld [tilespmem:s2+$0xC030];
	v34 =	vsub.f32 v57, v58;
	v22 =	vadd.f32 v23, v22;
	v23 =	vmul.f32 v62, v62  }
0x3e1: {  	v36 =	vld [tilespmem:s2+$0x10030]  }
0x3e2: {  	v38 =	vld [tilespmem:s2+$0xC040];
	v37 =	vsub.f32 v60, v61;
	v22 =	vadd.f32 v23, v22;
	v23 =	vmul.f32 v34, v34  }
0x3e3: {  	v39 =	vld [tilespmem:s2+$0x10040]  }
0x3e4: {  	v41 =	vld [tilespmem:s2+$0xC050];
	v40 =	vsub.f32 v63, v33;
	v22 =	vadd.f32 v23, v22;
	v23 =	vmul.f32 v37, v37  }
0x3e5: {  	v42 =	vld [tilespmem:s2+$0x10050]  }
0x3e6: {  	v44 =	vld [tilespmem:s2+$0xC060];
	v43 =	vsub.f32 v35, v36;
	v22 =	vadd.f32 v23, v22;
	v23 =	vmul.f32 v40, v40  }
0x3e7: {  	v45 =	vld [tilespmem:s2+$0x10060]  }
0x3e8: {  	v47 =	vld [tilespmem:s2+$0xC070];
	v46 =	vsub.f32 v38, v39;
	v22 =	vadd.f32 v23, v22;
	v23 =	vmul.f32 v43, v43  }
0x3e9: {  	v48 =	vld [tilespmem:s2+$0x10070]  }
0x3ea: {  	v49 =	vsub.f32 v41, v42;
	v22 =	vadd.f32 v23, v22;
	v23 =	vmul.f32 v46, v46;
	_ =	sdelay $0x1  }
0x3eb: {  	v50 =	vsub.f32 v44, v45;
	v22 =	vadd.f32 v23, v22;
	v23 =	vmul.f32 v49, v49;
	_ =	sdelay $0x1  }
0x3ec: {  	v51 =	vsub.f32 v47, v48;
	v22 =	vadd.f32 v23, v22;
	v23 =	vmul.f32 v50, v50;
	_ =	sdelay $0x1  }
0x3ed: {  	v22 =	vadd.f32 v23, v22;
	v23 =	vmul.f32 v51, v51;
	_ =	sdelay $0x1  }
0x3ee: {  	v22 =	vadd.f32 v23, v22  }
0x3ef: {  	s28 =	sadd.s32 $0x10, s12  }
0x3f0: {  	[tilespmem:s28+$0x0] =	vst v22  }
0x3f1: {  	v22 =	vld.idx.msk [tilespmem:v3+s19+$0x0], $0xffff;
	_ =	sdelay $0x1  }
0x3f2: {  	v23 =	vld.idx.msk [tilespmem:v6+s19+$0x0], $0xffff;
	_ =	sdelay $0x1  }
0x3f3: {  	v52 =	vld.idx.msk [tilespmem:v7+s19+$0x0], $0xffff  }
0x3f4: {  	v22 =	vadd.f32 $0.0e+00, v22  }
0x3f5: {  	v53 =	vld.idx.msk [tilespmem:v8+s19+$0x0], $0xffff  }
0x3f6: {  	v22 =	vadd.f32 v23, v22  }
0x3f7: {  	v23 =	vld.idx.msk [tilespmem:v9+s19+$0x0], $0xffff  }
0x3f8: {  	v22 =	vadd.f32 v52, v22  }
0x3f9: {  	v54 =	vld.idx.msk [tilespmem:v10+s19+$0x0], $0xffff  }
0x3fa: {  	v22 =	vadd.f32 v53, v22  }
0x3fb: {  	v55 =	vld.idx.msk [tilespmem:v11+s19+$0x0], $0xffff  }
0x3fc: {  	v22 =	vadd.f32 v23, v22  }
0x3fd: {  	v23 =	vld.idx.msk [tilespmem:v12+s19+$0x0], $0xffff  }
0x3fe: {  	v22 =	vadd.f32 v54, v22  }
0x3ff: {  	v56 =	vld.idx.msk [tilespmem:v13+s19+$0x0], $0xffff  }
0x400: {  	v22 =	vadd.f32 v55, v22  }
0x401: {  	v57 =	vld.idx.msk [tilespmem:v14+s19+$0x0], $0xffff  }
0x402: {  	v22 =	vadd.f32 v23, v22  }
0x403: {  	v23 =	vld.idx.msk [tilespmem:v15+s19+$0x0], $0xffff  }
0x404: {  	v22 =	vadd.f32 v56, v22  }
0x405: {  	v58 =	vld.idx.msk [tilespmem:v16+s19+$0x0], $0xffff  }
0x406: {  	v22 =	vadd.f32 v57, v22  }
0x407: {  	v59 =	vld.idx.msk [tilespmem:v18+s19+$0x0], $0xffff  }
0x408: {  	v22 =	vadd.f32 v23, v22  }
0x409: {  	v23 =	vld.idx.msk [tilespmem:v19+s19+$0x0], $0xffff  }
0x40a: {  	v22 =	vadd.f32 v58, v22  }
0x40b: {  	v60 =	vld.idx.msk [tilespmem:v20+s19+$0x0], $0xffff  }
0x40c: {  	v22 =	vadd.f32 v59, v22  }
0x40d: {  	v61 =	vld.idx.msk [tilespmem:v21+s19+$0x0], $0xffff  }
0x40e: {  	v22 =	vadd.f32 v23, v22;
	_ =	sdelay $0x1  }
0x40f: {  	v22 =	vadd.f32 v60, v22  }
0x410: {  	s29 =	sadd.s32 s0, s3;
	v23 =	vld [tilespmem:s0+$0x27C0]  }
0x411: {  	s2 =	sadd.s32 $0x13C0, s29;
	v22 =	vadd.f32 v61, v22  }
0x412: {  	v63 =	vor.u32 s2, v1;
	v62 =	vmov s2  }
0x413: {  	vm2 =	vlt.u32 v62, $0x27100;
	vm1 =	vlt.f32 v22, $5.290000000e+02;
	v22 =	vand.u32 $0x7F, v63  }
0x414: {  	vm1 =	vmand vm2, vm1;
	v22 =	vor.u32 $0x2800, v22  }
0x415: {  	s24 =	sadd.s32 $0x1, s24;
	v22 =	vsel vm1, v23, v22  }
0x416: {  	p0 =	sne.s32 s24, $0x4  }
.Ltmp9:
0x417: {  	_ = 	snop;
	(pc) =	sbr.rel @p0 .LBB2_18-.Ltmp9, $3  }
0x418: {  	_ =	sdelay $0x1  }
0x419: {  	[tilespmem:v22+s20+$0x0] =	vst.idx.add.f32.msk $0xffff, v17  }
0x41a: {  	s23 =	sadd.s32 $0x1000, s23;
	[tilespmem:s0+$0x3BC0] =	vst v22  }
0x41b: {  	s0 =	simm.s32 $0x0;
	s1 =	rddreg [dreg:$0x5];
	s2 =	simm.s32 $0x2800  }
0x41c: {  	[hbm4b:s1+s0] =	stream.linear.scatter [tilespmem:s2], [sflag:$0x5], $0x1400, $0x38;
	[tilespmem:$0x16580] =	vst v63  }
0x41d: {  	s2 =	simm.s32 $0x5  }
0x41e: {  	_ =	swait.ge [sflag:s2], $0x1400  }
0x41f: {  	s26 =	simm.s32 $0x80;
	[sflag:s2] =	ssyncset.done $0x0  }
0x420: {  	s5 =	simm.s32 $0x400;
	s25 =	rddreg [dreg:$0x6];
	[sflag:s2] =	ssyncadd.s32 $0xFFFFEC00  }
0x421: {  	[hbm4b:s25+s26] =	stream.strided.scatter [tilespmem:s20], [sflag:$0x5], $0x2880, s5, s26, $0x38;
	[tilespmem:$0x16580] =	vst v63  }
0x422: {  	_ =	swait.ge [sflag:s2], $0x2880  }
0x423: {  	s28 =	rddreg [dreg:$0x8]  }
0x424: {  	s29 =	rddreg [dreg:$0x7];
	s1 =	sadd.s32 $0x1, s28  }
0x425: {  	p0 =	sne.s32 s1, s29  }
.Ltmp10:
0x426: {  	_ = 	snop;
	(pc) =	sbr.rel @p0 .LBB2_1-.Ltmp10, $3  }
0x427: {  	_ =	sdelay $0x1  }
0x428: {  	[sflag:s2] =	ssyncset.done $0x0  }
0x429: {  	[sflag:s2] =	ssyncadd.s32 $0xFFFFD780  }
0x42a: {  	_ =	sfence.sel $0x180000  }
0x42b: {  	[bflag:$0x0] =	sbarrier.arrive $0xFFFF  }
0x42c: {  	_ =	strace $0x90000047  }
0x42d: {  	s0 =	stileid.u32;
	[bflag:$0x2] =	sbarrier.arrive $0xFFFF  }
0x42e: {  	p0 =	sne.s32 s0, $0x0;
	s0 =	rddreg [dreg:$0x2]  }
0x42f: {  	s0 =	sadd.s32 @!p0 $0x100000, s0  }
0x430: {  	[sflag:s0] =	ssyncadd.tile.s32 @!p0 $0x1;
	_ =	shalt  }
.Lfunc_end2:
_tile_overlayer_lowered:
.L_overlay_start_2:
0x431: {  	(tag) =	ssettag $0x2  }
0x432: {  	s0 =	rddreg [dreg:$0x0];
	s2 =	stileid.u32  }
0x433: {  	s1 =	rddreg [dreg:$0x1];
	p0 =	sne.s32 s2, $0x0  }
0x434: {  	s3 =	rddreg [dreg:$0x2];
	[bflag:$0x3] =	sbarrier.arrive $0xFFFF;
	s2 =	simm.s32 @!p0 $0x1C05  }
0x435: {  	[timem:s3], [sflag:s2] =	dma.local @!p0 [hbm:s0], s1  }
0x436: {  	s0 =	simm.s32 @!p0 $0x5  }
0x437: {  	_ =	swait.ge @!p0 [sflag:s0], s1  }
0x438: {  	s1 =	ssub.s32 @!p0 $0x0, s1;
	[sflag:s0] =	ssyncset.done @!p0 $0x0  }
0x439: {  	[sflag:s0] =	ssyncadd.s32 @!p0 s1  }
0x43a: {  	[bflag:$0x3] =	sbarrier.arrive $0xFFFF  }
0x43b: {  	_ =	shalt  }

// kernel: kernel.9.cloned.1.call-start
scs
__scs_entry_jumppad:
0x0: {  	(pc) =	sbr.rel $0x88, $3  }
0x1: {  	(tag) =	ssettag $0x0;
	lr =	simm.s32 $0x1  }
0x2: {  	[smem:$0x3F9D] =	sst lr;
	_ =	strace $0xD0000000  }
0x3: {  	_ = 	snop  }
0x4: {  	_ = 	snop  }
0x5: {  	_ = 	snop  }
0x6: {  	_ = 	snop  }
0x7: {  	_ = 	snop  }
__scs_overlays_trampoline_lowered:
0x8: {  	[smem:$0x3FAC] =	sst s0  }
0x9: {  	[smem:$0x3FAD] =	sst s1  }
0xa: {  	[smem:$0x3FAE] =	sst s2  }
0xb: {  	[smem:$0x3FAF] =	sst s3  }
0xc: {  	[smem:$0x3FB0] =	sst s4  }
0xd: {  	[smem:$0x3FB1] =	sst s5  }
0xe: {  	[smem:$0x3FB2] =	sst s6  }
0xf: {  	[smem:$0x3FB3] =	sst s7  }
0x10: {  	[smem:$0x3FB4] =	sst s8  }
0x11: {  	[smem:$0x3FB5] =	sst s9;
	s0 =	simm.s32 @!p0 $0x0  }
0x12: {  	s1 =	sld [smem:$0x3F9B];
	s0 =	simm.s32 @p0 $0x1  }
0x13: {  	[smem:$0x3FB6] =	sst s0;
	s0 =	simm.s32 @!p1 $0x0  }
0x14: {  	s2 =	sld [smem:$0x3F9A];
	s0 =	simm.s32 @p1 $0x1  }
0x15: {  	[smem:$0x3FB7] =	sst s0;
	s0 =	simm.s32 @!p2 $0x0  }
0x16: {  	s3 =	sld [smem:$0x3FDB];
	s0 =	simm.s32 @p2 $0x1  }
0x17: {  	s4 =	simm.s32 $0x1BF5;
	[smem:$0x3FB9] =	sst s0  }
0x18: {  	s0 =	sld [smem:$0x3F9C];
	_ =	swait.ge [sflag:s4], $0x0  }
0x19: {  	s7 =	sld [smem:$0x3F9D]  }
0x1a: {  	s8 =	sadd.s32 $0xFFFFE003, lr  }
0x1b: {  	s9 =	sadd.s32 $0xFFFFFEF7, lr;
	s5 =	simm.s32 $0xFFFFFFFF;
	p2 =	slt.u32 s8, $0xFFFFF086  }
0x1c: {  	p1 =	slt.u32 s9, $0xF7A;
	s5 =	simm.s32 @!p2 $0x0  }
0x1d: {  	s5 =	simm.s32 @p1 $0x1;
	p0 =	seq.s32 s7, s2  }
0x1e: {  	s7 =	smul.u32 @!p0 $0xF7A, s2;
	p2 =	seq.s32 @!p0 s5, $0x0  }
0x1f: {  	s9 =	smul.u32 $0xF7A, s1;
	s8 =	simm.s32 @!p0 $0x1BF5;
	p2 =	por !p2, p0  }
0x20: {  	[sflag:s8] =	ssyncset.s32 @!p0 $0xFFFFF086;
	s6 =	sadd.s32 @!p0 s3, s7;
	s7 =	simm.s32 @!p0 $0x108  }
0x21: {  	s3 =	sadd.s32 s3, s9;
	s6 =	sadd.s32 @!p0 $0x88, s6;
	s7 =	simm.s32 @p2 $0x1082  }
0x22: {  	[simem:s7], [sflag:s8] =	dma.local @!p0 [hbm:s6], $0xF7A  }
0x23: {  	s9 =	sor.u32 $0xD0000000, s2;
	s6 =	simm.s32 $0x108;
	_ =	swait.ge @!p0 [sflag:s8], $0x0  }
0x24: {  	s3 =	sadd.s32 $0x88, s3;
	s6 =	simm.s32 @!p1 $0x1082;
	[sflag:s4] =	ssyncset.s32 $0xFFFFF086  }
0x25: {  	[simem:s6], [sflag:s4] =	dma.local [hbm:s3], $0xF7A  }
0x26: {  	[smem:$0x3F9D] =	sst s1;
	(tag) =	ssettag s2;
	_ =	strace s9  }
0x27: {  	s1 =	sld [smem:$0x3FAD]  }
0x28: {  	s2 =	sld [smem:$0x3FAE]  }
0x29: {  	s4 =	sld [smem:$0x3FB0]  }
0x2a: {  	p0 =	seq.s32 s5, $0x0;
	s5 =	sld [smem:$0x3FB1]  }
0x2b: {  	s6 =	sld [smem:$0x3FB2]  }
0x2c: {  	s7 =	sld [smem:$0x3FB3]  }
0x2d: {  	s3 =	simm.s32 $0x108;
	s8 =	sld [smem:$0x3FB4]  }
0x2e: {  	s3 =	simm.s32 @!p0 $0x1082;
	s9 =	sld [smem:$0x3FB5]  }
0x2f: {  	lr =	sadd.s32 s0, s3;
	s0 =	sld [smem:$0x3FAC]  }
0x30: {  	s3 =	sld [smem:$0x3FAF]  }
0x31: {  	[smem:$0x3FB8] =	sst s10  }
0x32: {  	s10 =	sld [smem:$0x3FB6];
	_ =	sdelay $0x3  }
0x33: {  	p0 =	seq.s32 s10, $0x1;
	s10 =	sld [smem:$0x3FB8];
	_ =	sdelay $0x3  }
0x34: {  	[smem:$0x3FB8] =	sst s10  }
0x35: {  	s10 =	sld [smem:$0x3FB7];
	_ =	sdelay $0x3  }
0x36: {  	p1 =	seq.s32 s10, $0x1;
	s10 =	sld [smem:$0x3FB8];
	_ =	sdelay $0x3  }
0x37: {  	[smem:$0x3FB8] =	sst s10  }
0x38: {  	s10 =	sld [smem:$0x3FB9]  }
0x39: {  	_ = 	snop;
	(pc) =	sbr.ind lr, $3  }
0x3a: {  	_ = 	snop  }
0x3b: {  	_ = 	snop  }
0x3c: {  	p2 =	seq.s32 s10, $0x1;
	s10 =	sld [smem:$0x3FB8]  }
0x3d: {  	_ =	shalt  }
0x3e: {  	_ =	shalt  }
0x3f: {  	_ =	shalt  }
0x40: {  	_ =	shalt  }
0x41: {  	_ =	shalt  }
0x42: {  	_ =	shalt  }
0x43: {  	_ =	shalt  }
0x44: {  	_ =	shalt  }
0x45: {  	_ =	shalt  }
0x46: {  	_ =	shalt  }
0x47: {  	_ =	shalt  }
0x48: {  	_ =	shalt  }
0x49: {  	_ =	shalt  }
0x4a: {  	_ =	shalt  }
0x4b: {  	_ =	shalt  }
0x4c: {  	_ =	shalt  }
0x4d: {  	_ =	shalt  }
0x4e: {  	_ =	shalt  }
0x4f: {  	_ =	shalt  }
0x50: {  	_ =	shalt  }
0x51: {  	_ =	shalt  }
0x52: {  	_ =	shalt  }
0x53: {  	_ =	shalt  }
0x54: {  	_ =	shalt  }
0x55: {  	_ =	shalt  }
0x56: {  	_ =	shalt  }
0x57: {  	_ =	shalt  }
0x58: {  	_ =	shalt  }
0x59: {  	_ =	shalt  }
0x5a: {  	_ =	shalt  }
0x5b: {  	_ =	shalt  }
0x5c: {  	_ =	shalt  }
0x5d: {  	_ =	shalt  }
0x5e: {  	_ =	shalt  }
0x5f: {  	_ =	shalt  }
0x60: {  	_ =	shalt  }
0x61: {  	_ =	shalt  }
0x62: {  	_ =	shalt  }
0x63: {  	_ =	shalt  }
0x64: {  	_ =	shalt  }
0x65: {  	_ =	shalt  }
0x66: {  	_ =	shalt  }
0x67: {  	_ =	shalt  }
0x68: {  	_ =	shalt  }
0x69: {  	_ =	shalt  }
0x6a: {  	_ =	shalt  }
0x6b: {  	_ =	shalt  }
0x6c: {  	_ =	shalt  }
0x6d: {  	_ =	shalt  }
0x6e: {  	_ =	shalt  }
0x6f: {  	_ =	shalt  }
0x70: {  	_ =	shalt  }
0x71: {  	_ =	shalt  }
0x72: {  	_ =	shalt  }
0x73: {  	_ =	shalt  }
0x74: {  	_ =	shalt  }
0x75: {  	_ =	shalt  }
0x76: {  	_ =	shalt  }
0x77: {  	_ =	shalt  }
0x78: {  	_ =	shalt  }
0x79: {  	_ =	shalt  }
0x7a: {  	_ =	shalt  }
0x7b: {  	_ =	shalt  }
0x7c: {  	_ =	shalt  }
0x7d: {  	_ =	shalt  }
0x7e: {  	_ =	shalt  }
0x7f: {  	_ =	shalt  }
0x80: {  	_ =	shalt  }
0x81: {  	_ =	shalt  }
0x82: {  	_ =	shalt  }
0x83: {  	_ =	shalt  }
0x84: {  	_ =	shalt  }
0x85: {  	_ =	shalt  }
0x86: {  	_ =	shalt  }
0x87: {  	_ =	shalt  }
.Lfunc_end0:
.L_simem_size_0:
called_computation.1_lowered:
.L_overlay_start_0:
0x88: {  	s2 =	sld [smem:$0x3FD9]  }
0x89: {  	s3 =	sld [smem:$0x3FFE];
	_ =	sdelay $0x1  }
0x8a: {  	s1 =	srdreg.scid  }
0x8b: {  	s0 =	sand.u32 $0x1, s1  }
0x8c: {  	s16 =	sshll.u32 s0, $0xA;
	s2 =	sadd.s32 s3, s2  }
0x8d: {  	s2 =	sadd.s32 s2, s16  }
0x8e: {  	[smem:$0x3FC4] =	sst s2  }
0x8f: {  	_ = 	snop  }
0x90: {  	(tm) =	ssettm $0x1  }
0x91: {  	s17 =	sld [smem:$0x3FFB];
	_ =	sdelay $0x3  }
0x92: {  	_ =	strace s17  }
0x93: {  	s2 =	sld [smem:$0x3FFC];
	_ =	sdelay $0x3  }
0x94: {  	_ =	strace s2  }
0x95: {  	s2 =	sld [smem:$0x3FFD];
	_ =	sdelay $0x3  }
0x96: {  	_ =	strace s2  }
0x97: {  	_ =	strace $0x8FFFFFFF  }
0x98: {  	s18 =	sld [smem:$0x3FDB];
	_ =	sdelay $0x1  }
0x99: {  	s19 =	simm.s32 $_scs_section_size  }
0x9a: {  	s4 =	simm.s32 $_size__tile_overlayer_lowered;
	s5 =	simm.s32 $_tile_overlayer_lowered  }
0x9b: {  	s22 =	simm.s32 $0x1BFF;
	s21 =	sshll.u32 s5, $0x1;
	s2 =	sadd.s32 s19, s18  }
0x9c: {  	s6 =	simm.s32 $0x0;
	s20 =	sshll.u32 s4, $0x1;
	s4 =	sadd.s32 s21, s2  }
0x9d: {  	[timem:s6], [sflag:s22] =	dma.local [hbm:s4], s20  }
0x9e: {  	_ =	swait.ge [sflag:s22], s20  }
0x9f: {  	s3 =	ssub.s32 $0x0, s20;
	[sflag:s22] =	ssyncset.done $0x0  }
0xa0: {  	[sflag:s22] =	ssyncadd.s32 s3;
	_ =	sdelay $0x1  }
0xa1: {  	s23 =	simm.s32 $0x1B8B  }
0xa2: {  	_ =	swait.ge [sflag:s23], $0x1  }
0xa3: {  	[sflag:s23] =	ssyncset.done $0x0  }
0xa4: {  	s25 =	simm.s32 $0x1B8E;
	s24 =	sld [smem:$0x3FFE];
	[sflag:s23] =	ssyncadd.s32 $0xFFFFFFFF  }
0xa5: {  	s26 =	simm.s32 $execute0_lowered;
	[smem:$0x3FD2] =	sst s25  }
0xa6: {  	s4 =	sshll.u32 s26, $0x1;
	_ =	strace $0x80000049;
	[dreg:$0x1] =	wrdreg $0xFFFFFFFF  }
0xa7: {  	s28 =	simm.s32 $_size_execute0_lowered;
	s2 =	sadd.s32 s2, s4;
	[dreg:$0x0] =	wrdreg $0x0  }
0xa8: {  	s4 =	sshll.u32 s28, $0x1;
	[dreg:$0x2] =	wrdreg s2  }
0xa9: {  	[dreg:$0x3] =	wrdreg s4  }
0xaa: {  	[dreg:$0x4] =	wrdreg $0xC0  }
0xab: {  	_ =	task [dreg:s6], $0x5FFFF  }
0xac: {  	[dreg:$0x1] =	wrdreg $0xFFFFFFFF  }
0xad: {  	[dreg:$0x0] =	wrdreg $0x60  }
0xae: {  	[dreg:$0x2] =	wrdreg s24  }
0xaf: {  	[dreg:$0x3] =	wrdreg $0xB4000  }
0xb0: {  	[dreg:$0x4] =	wrdreg $0x9  }
0xb1: {  	_ =	task.clear_ibuf [dreg:s6], $0x5FFFF;
	_ =	strace $0x90000049  }
0xb2: {  	s29 =	simm.s32 $0x9;
	_ =	strace $0x8000004B  }
0xb3: {  	_ =	swait.ge [sflag:s29], $0x1  }
0xb4: {  	[sflag:s29] =	ssyncadd.s32 $0xFFFFFFFF  }
0xb5: {  	_ =	strace $0x9000004B  }
0xb6: {  	_ =	sfence  }
0xb7: {  	s30 =	sld [smem:$0x0];
	_ =	sdelay $0x2  }
0xb8: {  	s31 =	sshll.u32 s1, $0xD;
	s1 =	sshrl.u32 s1, $0x2  }
0xb9: {  	s3 =	sand.u32 $0x4000, s31;
	s1 =	sadd.s32 s1, s30  }
0xba: {  	s0 =	sor.u32 s3, s0;
	s1 =	sshll.u32 s1, $0x11  }
0xbb: {  	s0 =	sor.u32 s1, s0  }
0xbc: {  	s0 =	sadd.s32 $0x8F2B, s0  }
0xbd: {  	[sflag:s0] =	ssyncadd.remote.s32 $0x1  }
0xbe: {  	_ =	sfence.sel $0xFFFF  }
0xbf: {  	[dreg:$0x0] =	wrdreg $0xFFFFFFFF;
	(pc) =	sbr.abs _section_cstart, $3  }
0xc0: {  	[dreg:$0x1] =	wrdreg $0xFFFFFFFF  }
0xc1: {  	_ =	task.clear_ibuf [dreg:s6], $0x2FFFF;
	_ =	strace $0x9FFFFFFF  }
0xc2: {  	(tm) =	ssettm $0x7FFFFFFF  }
0xc3: {  	_ =	shalt  }
tec
execute0_lowered:
.L_overlay_start_1:
0x0: {  	(tag) =	ssettag $0x1  }
0x1: {  	s5 =	rddreg [dreg:$0x0]  }
0x2: {  	s0 =	srdreg.scid;
	s2 =	rddreg [dreg:$0x1];
	s3 =	simm.s32 $0x0  }
0x3: {  	s15 =	simm.s32 $0x2800;
	s16 =	simm.s32 $0x1;
	s17 =	simm.s32 $0x6800  }
0x4: {  	s18 =	simm.s32 $0x2;
	s19 =	simm.s32 $0x3;
	s20 =	simm.s32 $0x4  }
0x5: {  	s21 =	simm.s32 $0x1300;
	s22 =	simm.s32 $0x2680;
	s6 =	sand.u32 $0x1, s0  }
0x6: {  	s28 =	simm.s32 $0x2780;
	s0 =	stileid.u32;
	s7 =	smul.u32 $0x28000, s6  }
0x7: {  	s29 =	simm.s32 $0x0;
	[smem:$0x7FF] =	sst s3;
	s23 =	smul.u32 $0x2800, s0  }
0x8: {  	s4 =	sadd.s32 $0x2A00, s5;
	s9 =	sadd.s32 $0x5CA00, s5;
	s25 =	smul.u32 $0x500, s0  }
0x9: {  	_ =	strace $0x8000004A;
	s6 =	ssub.s32 $0x2, s6;
	s12 =	smul.u32 $0x50000, s0  }
0xa: {  	s14 =	smul.u32 $0x51000, s0;
	s24 =	sshrl.u32 s6, $0x1;
	s8 =	sadd.s32 s23, s7  }
0xb: {  	s10 =	sadd.s32 s7, s5;
	s11 =	ssub.s32 s6, s24;
	s26 =	sshrl.u32 s23, $0x3  }
0xc: {  	s6 =	sadd.s32 s9, s25;
	s30 =	sshrl.u32 s12, $0x2;
	s31 =	sshrl.u32 s14, $0x2  }
0xd: {  	s12 =	simm.s32 $0x5;
	s14 =	simm.s32 $0x80;
	s8 =	sshrl.u32 s8, $0x3  }
0xe: {  	s13 =	sadd.s32 s9, s26;
	s24 =	sadd.s32 $0x6BA00, s10;
	s25 =	sadd.s32 s30, s2  }
0xf: {  	s9 =	smax.u32 s11, $0x1;
	s10 =	sadd.s32 s31, s2;
	s11 =	simm.s32 $0xA800  }
0x10: {  	s26 =	simm.s32 $0x2700;
	s8 =	sadd.s32 s8, s5;
	s23 =	sadd.s32 s23, s24  }
0x11: {  	s24 =	simm.s32 $0x1380;
	s25 =	sshrl.u32 s25, $0x3;
	s5 =	sadd.s32 $0x61A00, s8  }
0x12: {  	v0 =	vimm.f32 $0.0e+00;
	s7 =	sadd.s32 $0x61C80, s8;
	s8 =	sadd.s32 $0x280, s13;
	s13 =	simm.s32 $0x1400  }
.LBB2_1:
0x13: {  	s30 =	simm.s32 $0x0;
	s31 =	simm.s32 $0x200  }
.LBB2_2:
0x14: {  	p0 =	sne.s32 s31, $0x2E00;
	[tilespmem:s30+$0xA870] =	vst v0  }
0x15: {  	[tilespmem:s30+$0xA800] =	vst v0  }
0x16: {  	[tilespmem:s30+$0xA810] =	vst v0  }
.Ltmp0:
0x17: {  	[tilespmem:s30+$0xA820] =	vst v0;
	(pc) =	sbr.rel @p0 .LBB2_2-.Ltmp0, $4  }
0x18: {  	[tilespmem:s30+$0xA830] =	vst v0  }
0x19: {  	[tilespmem:s30+$0xA840] =	vst v0  }
0x1a: {  	[tilespmem:s30+$0xA850] =	vst v0  }
0x1b: {  	[tilespmem:s30+$0xA860] =	vst v0;
	s30 =	sshra.s32 s31, $0x2;
	s31 =	sadd.s32 $0x200, s31  }
0x1c: {  	[tilespmem:s30+$0xA870] =	vst v0  }
0x1d: {  	[tilespmem:s30+$0xA800] =	vst v0  }
0x1e: {  	[tilespmem:s30+$0xA810] =	vst v0  }
0x1f: {  	[tilespmem:s30+$0xA820] =	vst v0  }
0x20: {  	[tilespmem:s30+$0xA830] =	vst v0  }
0x21: {  	[tilespmem:s30+$0xA840] =	vst v0  }
0x22: {  	[tilespmem:s30+$0xA850] =	vst v0  }
0x23: {  	[tilespmem:s30+$0xA860] =	vst v0;
	s30 =	sadd.s32 $0x0, s10  }
0x24: {  	[spmem:s30] =	stream.linear.scatter [tilespmem:s11], [sflag:$0x5], $0xC00, $0x38;
	[tilespmem:$0x1F800] =	vst v63  }
0x25: {  	s30 =	simm.s32 $0x3000;
	_ =	swait.ge [sflag:s12], $0xC00  }
.LBB2_4:
0x26: {  	s31 =	sshra.s32 s30, $0x2;
	[sflag:s12] =	ssyncset.done $0x0;
	p0 =	sne.s32 s30, $0x4E000  }
.Ltmp1:
0x27: {  	s31 =	sadd.s32 s31, s10;
	[sflag:s12] =	ssyncadd.s32 $0xFFFFF400;
	(pc) =	sbr.rel @p0 .LBB2_4-.Ltmp1, $3  }
0x28: {  	[spmem:s31] =	stream.linear.scatter [tilespmem:s11], [sflag:$0x5], $0xC00, $0x38;
	[tilespmem:$0x1F800] =	vst v63  }
0x29: {  	s30 =	sadd.s32 $0x3000, s30;
	_ =	sdelay $0x1  }
0x2a: {  	_ =	swait.ge [sflag:s12], $0xC00  }
0x2b: {  	[sflag:s12] =	ssyncset.done $0x0  }
0x2c: {  	[sflag:s12] =	ssyncadd.s32 $0xFFFFF400  }
0x2d: {  	[bflag:$0x0] =	sbarrier.arrive $0xFFFF  }
0x2e: {  	[tilespmem:s3], [sflag:$0x5] =	stream.linear.gather [hbm4b:s5+s3], $0x1400, $0x38;
	[tilespmem:$0x1F800] =	vst v63  }
0x2f: {  	_ =	swait.ge [sflag:s12], $0x1400  }
0x30: {  	[sflag:s12] =	ssyncset.done $0x0  }
0x31: {  	[sflag:s12] =	ssyncadd.s32 $0xFFFFEC00  }
0x32: {  	[tilespmem:s13], [sflag:$0x5] =	stream.linear.gather [hbm4b:s6+s3], $0x1400, $0x38;
	[tilespmem:$0x1F800] =	vst v63  }
0x33: {  	_ =	swait.ge [sflag:s12], $0x1400  }
0x34: {  	[sflag:s12] =	ssyncset.done $0x0  }
0x35: {  	[sflag:s12] =	ssyncadd.s32 $0xFFFFEC00  }
0x36: {  	[tilespmem:s15], [sflag:$0x1] =	stream.indirect.gather [hbm4b:s4+s14], $0x80, s3, s14, $0xb8;
	[tilespmem:$0x1F800] =	vst v63  }
0x37: {  	_ =	swait.ge [sflag:s16], $0x4000  }
0x38: {  	[sflag:s16] =	ssyncset.done $0x0  }
0x39: {  	[sflag:s16] =	ssyncadd.s32 $0xFFFFC000  }
0x3a: {  	[tilespmem:s17], [sflag:$0x2] =	stream.indirect.gather [hbm4b:s4+s14], $0x80, s14, s14, $0xb8;
	[tilespmem:$0x1F800] =	vst v63  }
0x3b: {  	_ = 	snop  }
0x3c: {  	[spmem:s2] =	stream.indirect.scatter.add.f32 [tilespmem:s15], [sflag:$0x3], $0x80, s13, s14, $0xb8;
	[tilespmem:$0x1F800] =	vst v63  }
0x3d: {  	_ =	swait.ge [sflag:s18], $0x4000  }
0x3e: {  	[sflag:s18] =	ssyncset.done $0x0  }
0x3f: {  	[sflag:s18] =	ssyncadd.s32 $0xFFFFC000  }
0x40: {  	_ =	swait.ge [sflag:s19], $0x4000  }
0x41: {  	[sflag:s19] =	ssyncset.done $0x0  }
0x42: {  	s30 =	simm.s32 $0x100;
	[sflag:s19] =	ssyncadd.s32 $0xFFFFC000  }
0x43: {  	[tilespmem:s15], [sflag:$0x1] =	stream.indirect.gather [hbm4b:s4+s14], $0x80, s30, s14, $0xb8;
	[tilespmem:$0x1F800] =	vst v63  }
0x44: {  	s30 =	simm.s32 $0x1480  }
0x45: {  	[spmem:s2] =	stream.indirect.scatter.add.f32 [tilespmem:s17], [sflag:$0x4], $0x80, s30, s14, $0xb8;
	[tilespmem:$0x1F800] =	vst v63  }
0x46: {  	_ =	swait.ge [sflag:s16], $0x4000  }
0x47: {  	[sflag:s16] =	ssyncset.done $0x0  }
0x48: {  	[sflag:s16] =	ssyncadd.s32 $0xFFFFC000  }
0x49: {  	_ =	swait.ge [sflag:s20], $0x4000  }
0x4a: {  	[sflag:s20] =	ssyncset.done $0x0  }
0x4b: {  	s30 =	simm.s32 $0x180;
	[sflag:s20] =	ssyncadd.s32 $0xFFFFC000  }
0x4c: {  	[tilespmem:s17], [sflag:$0x2] =	stream.indirect.gather [hbm4b:s4+s14], $0x80, s30, s14, $0xb8;
	[tilespmem:$0x1F800] =	vst v63  }
0x4d: {  	s31 =	simm.s32 $0x1500;
	s30 =	simm.s32 $0xFFFFBC00  }
.LBB2_6:
0x4e: {  	[spmem:s2] =	stream.indirect.scatter.add.f32 [tilespmem:s15], [sflag:$0x3], $0x80, s31, s14, $0xb8;
	[tilespmem:$0x1F800] =	vst v63  }
0x4f: {  	s31 =	smov.u32 s30  }
0x50: {  	p0 =	sne.s32 s30, $0xFFFFFC00;
	s30 =	sadd.s32 $0x400, s30;
	_ =	swait.ge [sflag:s18], $0x4000  }
0x51: {  	[sflag:s18] =	ssyncset.done $0x0  }
0x52: {  	[sflag:s18] =	ssyncadd.s32 $0xFFFFC000  }
0x53: {  	_ =	swait.ge [sflag:s19], $0x4000  }
0x54: {  	s31 =	sshra.s32 s31, $0x2;
	[sflag:s19] =	ssyncset.done $0x0  }
0x55: {  	s1 =	sadd.s32 $0x1300, s31;
	[sflag:s19] =	ssyncadd.s32 $0xFFFFC000  }
0x56: {  	[tilespmem:s15], [sflag:$0x1] =	stream.indirect.gather [hbm4b:s4+s14], $0x80, s1, s14, $0xb8;
	[tilespmem:$0x1F800] =	vst v63  }
0x57: {  	s1 =	sadd.s32 $0x2680, s31  }
0x58: {  	[spmem:s2] =	stream.indirect.scatter.add.f32 [tilespmem:s17], [sflag:$0x4], $0x80, s1, s14, $0xb8;
	[tilespmem:$0x1F800] =	vst v63  }
0x59: {  	_ =	swait.ge [sflag:s16], $0x4000  }
0x5a: {  	[sflag:s16] =	ssyncset.done $0x0  }
0x5b: {  	[sflag:s16] =	ssyncadd.s32 $0xFFFFC000  }
.Ltmp2:
0x5c: {  	_ =	swait.ge [sflag:s20], $0x4000;
	(pc) =	sbr.rel @p0 .LBB2_6-.Ltmp2, $4  }
0x5d: {  	[sflag:s20] =	ssyncset.done $0x0  }
0x5e: {  	s1 =	sadd.s32 $0x1380, s31;
	[sflag:s20] =	ssyncadd.s32 $0xFFFFC000  }
0x5f: {  	[tilespmem:s17], [sflag:$0x2] =	stream.indirect.gather [hbm4b:s4+s14], $0x80, s1, s14, $0xb8;
	[tilespmem:$0x1F800] =	vst v63  }
0x60: {  	s31 =	sadd.s32 $0x2700, s31  }
0x61: {  	[spmem:s2] =	stream.indirect.scatter.add.f32 [tilespmem:s15], [sflag:$0x3], $0x80, s31, s14, $0xb8;
	[tilespmem:$0x1F800] =	vst v63  }
0x62: {  	_ =	swait.ge [sflag:s18], $0x4000  }
0x63: {  	[sflag:s18] =	ssyncset.done $0x0  }
0x64: {  	[sflag:s18] =	ssyncadd.s32 $0xFFFFC000  }
0x65: {  	_ =	swait.ge [sflag:s19], $0x4000  }
0x66: {  	[sflag:s19] =	ssyncset.done $0x0  }
0x67: {  	[sflag:s19] =	ssyncadd.s32 $0xFFFFC000  }
0x68: {  	[tilespmem:s15], [sflag:$0x1] =	stream.indirect.gather [hbm4b:s4+s14], $0x80, s21, s14, $0xb8;
	[tilespmem:$0x1F800] =	vst v63  }
0x69: {  	_ = 	snop  }
0x6a: {  	[spmem:s2] =	stream.indirect.scatter.add.f32 [tilespmem:s17], [sflag:$0x4], $0x80, s22, s14, $0xb8;
	[tilespmem:$0x1F800] =	vst v63  }
0x6b: {  	_ =	swait.ge [sflag:s16], $0x4000  }
0x6c: {  	[sflag:s16] =	ssyncset.done $0x0  }
0x6d: {  	[sflag:s16] =	ssyncadd.s32 $0xFFFFC000  }
0x6e: {  	_ =	swait.ge [sflag:s20], $0x4000  }
0x6f: {  	[sflag:s20] =	ssyncset.done $0x0  }
0x70: {  	[sflag:s20] =	ssyncadd.s32 $0xFFFFC000  }
0x71: {  	[tilespmem:s17], [sflag:$0x2] =	stream.indirect.gather [hbm4b:s4+s14], $0x80, s24, s14, $0xb8;
	[tilespmem:$0x1F800] =	vst v63  }
0x72: {  	_ = 	snop  }
0x73: {  	[spmem:s2] =	stream.indirect.scatter.add.f32 [tilespmem:s15], [sflag:$0x3], $0x80, s26, s14, $0xb8;
	[tilespmem:$0x1F800] =	vst v63  }
0x74: {  	_ =	swait.ge [sflag:s18], $0x4000  }
0x75: {  	[sflag:s18] =	ssyncset.done $0x0  }
0x76: {  	[sflag:s18] =	ssyncadd.s32 $0xFFFFC000  }
0x77: {  	_ =	swait.ge [sflag:s19], $0x4000  }
0x78: {  	[sflag:s19] =	ssyncset.done $0x0  }
0x79: {  	[sflag:s19] =	ssyncadd.s32 $0xFFFFC000  }
0x7a: {  	[spmem:s2] =	stream.indirect.scatter.add.f32 [tilespmem:s17], [sflag:$0x4], $0x80, s28, s14, $0xb8;
	[tilespmem:$0x1F800] =	vst v63  }
0x7b: {  	_ =	swait.ge [sflag:s20], $0x4000  }
0x7c: {  	[sflag:s20] =	ssyncset.done $0x0  }
0x7d: {  	[sflag:s20] =	ssyncadd.s32 $0xFFFFC000  }
0x7e: {  	[tilespmem:s3], [sflag:$0x5] =	stream.linear.gather [hbm4b:s7+s3], $0x1400, $0x38;
	[tilespmem:$0x1F800] =	vst v63  }
0x7f: {  	_ =	swait.ge [sflag:s12], $0x1400  }
0x80: {  	[sflag:s12] =	ssyncset.done $0x0  }
0x81: {  	[sflag:s12] =	ssyncadd.s32 $0xFFFFEC00  }
0x82: {  	[tilespmem:s13], [sflag:$0x5] =	stream.linear.gather [hbm4b:s8+s3], $0x1400, $0x38;
	[tilespmem:$0x1F800] =	vst v63  }
0x83: {  	_ =	swait.ge [sflag:s12], $0x1400  }
0x84: {  	[sflag:s12] =	ssyncset.done $0x0  }
0x85: {  	[sflag:s12] =	ssyncadd.s32 $0xFFFFEC00  }
0x86: {  	[tilespmem:s15], [sflag:$0x1] =	stream.indirect.gather [hbm4b:s4+s14], $0x80, s3, s14, $0xb8;
	[tilespmem:$0x1F800] =	vst v63  }
0x87: {  	_ =	swait.ge [sflag:s16], $0x4000  }
0x88: {  	[sflag:s16] =	ssyncset.done $0x0  }
0x89: {  	[sflag:s16] =	ssyncadd.s32 $0xFFFFC000  }
0x8a: {  	[tilespmem:s17], [sflag:$0x2] =	stream.indirect.gather [hbm4b:s4+s14], $0x80, s14, s14, $0xb8;
	[tilespmem:$0x1F800] =	vst v63  }
0x8b: {  	_ = 	snop  }
0x8c: {  	[spmem:s2] =	stream.indirect.scatter.add.f32 [tilespmem:s15], [sflag:$0x3], $0x80, s13, s14, $0xb8;
	[tilespmem:$0x1F800] =	vst v63  }
0x8d: {  	_ =	swait.ge [sflag:s18], $0x4000  }
0x8e: {  	[sflag:s18] =	ssyncset.done $0x0  }
0x8f: {  	[sflag:s18] =	ssyncadd.s32 $0xFFFFC000  }
0x90: {  	_ =	swait.ge [sflag:s19], $0x4000  }
0x91: {  	[sflag:s19] =	ssyncset.done $0x0  }
0x92: {  	s1 =	simm.s32 $0x100;
	[sflag:s19] =	ssyncadd.s32 $0xFFFFC000  }
0x93: {  	[tilespmem:s15], [sflag:$0x1] =	stream.indirect.gather [hbm4b:s4+s14], $0x80, s1, s14, $0xb8;
	[tilespmem:$0x1F800] =	vst v63  }
0x94: {  	s1 =	simm.s32 $0x1480  }
0x95: {  	[spmem:s2] =	stream.indirect.scatter.add.f32 [tilespmem:s17], [sflag:$0x4], $0x80, s1, s14, $0xb8;
	[tilespmem:$0x1F800] =	vst v63  }
0x96: {  	_ =	swait.ge [sflag:s16], $0x4000  }
0x97: {  	[sflag:s16] =	ssyncset.done $0x0  }
0x98: {  	[sflag:s16] =	ssyncadd.s32 $0xFFFFC000  }
0x99: {  	_ =	swait.ge [sflag:s20], $0x4000  }
0x9a: {  	s30 =	simm.s32 $0xFFFFBC00;
	[sflag:s20] =	ssyncset.done $0x0  }
0x9b: {  	s31 =	simm.s32 $0x1500;
	s1 =	simm.s32 $0x180;
	[sflag:s20] =	ssyncadd.s32 $0xFFFFC000  }
0x9c: {  	[tilespmem:s17], [sflag:$0x2] =	stream.indirect.gather [hbm4b:s4+s14], $0x80, s1, s14, $0xb8;
	[tilespmem:$0x1F800] =	vst v63  }
.LBB2_8:
0x9d: {  	[spmem:s2] =	stream.indirect.scatter.add.f32 [tilespmem:s15], [sflag:$0x3], $0x80, s31, s14, $0xb8;
	[tilespmem:$0x1F800] =	vst v63  }
0x9e: {  	s1 =	smov.u32 s30  }
0x9f: {  	p0 =	sne.s32 s30, $0xFFFFFC00;
	s30 =	sadd.s32 $0x400, s30;
	_ =	swait.ge [sflag:s18], $0x4000  }
0xa0: {  	[sflag:s18] =	ssyncset.done $0x0  }
0xa1: {  	[sflag:s18] =	ssyncadd.s32 $0xFFFFC000  }
0xa2: {  	_ =	swait.ge [sflag:s19], $0x4000  }
0xa3: {  	s1 =	sshra.s32 s1, $0x2;
	[sflag:s19] =	ssyncset.done $0x0  }
0xa4: {  	s31 =	sadd.s32 $0x1300, s1;
	[sflag:s19] =	ssyncadd.s32 $0xFFFFC000  }
0xa5: {  	[tilespmem:s15], [sflag:$0x1] =	stream.indirect.gather [hbm4b:s4+s14], $0x80, s31, s14, $0xb8;
	[tilespmem:$0x1F800] =	vst v63  }
0xa6: {  	s31 =	sadd.s32 $0x2680, s1  }
0xa7: {  	[spmem:s2] =	stream.indirect.scatter.add.f32 [tilespmem:s17], [sflag:$0x4], $0x80, s31, s14, $0xb8;
	[tilespmem:$0x1F800] =	vst v63  }
0xa8: {  	_ =	swait.ge [sflag:s16], $0x4000  }
0xa9: {  	[sflag:s16] =	ssyncset.done $0x0  }
0xaa: {  	[sflag:s16] =	ssyncadd.s32 $0xFFFFC000  }
.Ltmp3:
0xab: {  	_ =	swait.ge [sflag:s20], $0x4000;
	(pc) =	sbr.rel @p0 .LBB2_8-.Ltmp3, $4  }
0xac: {  	[sflag:s20] =	ssyncset.done $0x0  }
0xad: {  	s31 =	sadd.s32 $0x1380, s1;
	[sflag:s20] =	ssyncadd.s32 $0xFFFFC000  }
0xae: {  	[tilespmem:s17], [sflag:$0x2] =	stream.indirect.gather [hbm4b:s4+s14], $0x80, s31, s14, $0xb8;
	[tilespmem:$0x1F800] =	vst v63  }
0xaf: {  	s31 =	sadd.s32 $0x2700, s1  }
0xb0: {  	[spmem:s2] =	stream.indirect.scatter.add.f32 [tilespmem:s15], [sflag:$0x3], $0x80, s31, s14, $0xb8;
	[tilespmem:$0x1F800] =	vst v63  }
0xb1: {  	_ =	swait.ge [sflag:s18], $0x4000  }
0xb2: {  	[sflag:s18] =	ssyncset.done $0x0  }
0xb3: {  	[sflag:s18] =	ssyncadd.s32 $0xFFFFC000  }
0xb4: {  	_ =	swait.ge [sflag:s19], $0x4000  }
0xb5: {  	[sflag:s19] =	ssyncset.done $0x0  }
0xb6: {  	[sflag:s19] =	ssyncadd.s32 $0xFFFFC000  }
0xb7: {  	[tilespmem:s15], [sflag:$0x1] =	stream.indirect.gather [hbm4b:s4+s14], $0x80, s21, s14, $0xb8;
	[tilespmem:$0x1F800] =	vst v63  }
0xb8: {  	_ = 	snop  }
0xb9: {  	[spmem:s2] =	stream.indirect.scatter.add.f32 [tilespmem:s17], [sflag:$0x4], $0x80, s22, s14, $0xb8;
	[tilespmem:$0x1F800] =	vst v63  }
0xba: {  	_ =	swait.ge [sflag:s16], $0x4000  }
0xbb: {  	[sflag:s16] =	ssyncset.done $0x0  }
0xbc: {  	[sflag:s16] =	ssyncadd.s32 $0xFFFFC000  }
0xbd: {  	_ =	swait.ge [sflag:s20], $0x4000  }
0xbe: {  	[sflag:s20] =	ssyncset.done $0x0  }
0xbf: {  	[sflag:s20] =	ssyncadd.s32 $0xFFFFC000  }
0xc0: {  	[tilespmem:s17], [sflag:$0x2] =	stream.indirect.gather [hbm4b:s4+s14], $0x80, s24, s14, $0xb8;
	[tilespmem:$0x1F800] =	vst v63  }
0xc1: {  	_ = 	snop  }
0xc2: {  	[spmem:s2] =	stream.indirect.scatter.add.f32 [tilespmem:s15], [sflag:$0x3], $0x80, s26, s14, $0xb8;
	[tilespmem:$0x1F800] =	vst v63  }
0xc3: {  	_ =	swait.ge [sflag:s18], $0x4000  }
0xc4: {  	[sflag:s18] =	ssyncset.done $0x0  }
0xc5: {  	[sflag:s18] =	ssyncadd.s32 $0xFFFFC000  }
0xc6: {  	_ =	swait.ge [sflag:s19], $0x4000  }
0xc7: {  	[sflag:s19] =	ssyncset.done $0x0  }
0xc8: {  	[sflag:s19] =	ssyncadd.s32 $0xFFFFC000  }
0xc9: {  	[spmem:s2] =	stream.indirect.scatter.add.f32 [tilespmem:s17], [sflag:$0x4], $0x80, s28, s14, $0xb8;
	[tilespmem:$0x1F800] =	vst v63  }
0xca: {  	_ =	swait.ge [sflag:s20], $0x4000  }
0xcb: {  	s29 =	sadd.s32 $0x1, s29;
	[sflag:s20] =	ssyncset.done $0x0  }
0xcc: {  	s1 =	sshll.u32 s0, $0x6;
	p0 =	sne.s32 s29, s9;
	[sflag:s20] =	ssyncadd.s32 $0xFFFFC000  }
.Ltmp4:
0xcd: {  	s1 =	sor.u32 $0x1C05, s1;
	[bflag:$0x0] =	sbarrier.arrive $0xFFFF;
	(pc) =	sbr.rel @p0 .LBB2_1-.Ltmp4, $4  }
0xce: {  	[hbm:s23], [sflag:s1] =	dma.local [spmem:s25], $0x2800  }
0xcf: {  	_ =	swait.ge [sflag:s12], $0x2800  }
0xd0: {  	[sflag:s12] =	ssyncset.done $0x0  }
0xd1: {  	[sflag:s12] =	ssyncadd.s32 $0xFFFFD800  }
0xd2: {  	_ =	sfence.sel $0x180000  }
0xd3: {  	[bflag:$0x0] =	sbarrier.arrive $0xFFFF  }
0xd4: {  	_ =	strace $0x9000004A  }
0xd5: {  	[bflag:$0x2] =	sbarrier.arrive $0xFFFF  }
0xd6: {  	p0 =	sne.s32 s0, $0x0;
	s0 =	rddreg [dreg:$0x2]  }
0xd7: {  	s0 =	sadd.s32 @!p0 $0x100000, s0  }
0xd8: {  	[sflag:s0] =	ssyncadd.tile.s32 @!p0 $0x1;
	_ =	shalt  }
.Lfunc_end2:
_tile_overlayer_lowered:
.L_overlay_start_2:
0xd9: {  	(tag) =	ssettag $0x2  }
0xda: {  	s0 =	rddreg [dreg:$0x0];
	s2 =	stileid.u32  }
0xdb: {  	s1 =	rddreg [dreg:$0x1];
	p0 =	sne.s32 s2, $0x0  }
0xdc: {  	s3 =	rddreg [dreg:$0x2];
	[bflag:$0x3] =	sbarrier.arrive $0xFFFF;
	s2 =	simm.s32 @!p0 $0x1C05  }
0xdd: {  	[timem:s3], [sflag:s2] =	dma.local @!p0 [hbm:s0], s1  }
0xde: {  	s0 =	simm.s32 @!p0 $0x5  }
0xdf: {  	_ =	swait.ge @!p0 [sflag:s0], s1  }
0xe0: {  	s1 =	ssub.s32 @!p0 $0x0, s1;
	[sflag:s0] =	ssyncset.done @!p0 $0x0  }
0xe1: {  	[sflag:s0] =	ssyncadd.s32 @!p0 s1  }
0xe2: {  	[bflag:$0x3] =	sbarrier.arrive $0xFFFF  }
0xe3: {  	_ =	shalt  }

</sc_bundles>
